<compile_context>
chip_gen: v7x
topology: tpu7x:2x2x1
jax: 0.10.2.dev20260603
libtpu: 0.0.44.dev20260713+nightly
codegen_flags: <defaults>
</compile_context>

<pallas_src>
import functools

import jax
import jax.numpy as jnp
from jax import lax
from jax.experimental import pallas as pl
from jax.experimental.pallas import tpu as pltpu
from jax.experimental.pallas import tpu_sc as plsc

N = 10000
E = 320000
IN_DIM = 128
POS_DIM = 16
CONTENT_DIM = IN_DIM - POS_DIM
H = 4
D = 32
PD = D // 4
TW = 16

NC = 2
NS = 16
NW = NC * NS
EPW = E // NW
BLK = 80
NBLK = EPW // BLK
RPT = 624

RB = 2000
GRID_A = N // RB



def _prep_body(feat_ref, wct_ref, wpt_ref, w16_ref, hc_ref, t_ref):
    f = feat_ref[...]
    hc = jnp.dot(f, wct_ref[...], preferred_element_type=jnp.float32)
    hp = jnp.dot(f, wpt_ref[...], preferred_element_type=jnp.float32)
    hc_ref[...] = hc
    hchp = jnp.concatenate([hc, hp], axis=1)
    t_ref[...] = jnp.dot(hchp, w16_ref[...], preferred_element_type=jnp.float32)


def _prep(feat, wct_pad, wpt_pad, w16):
    return pl.pallas_call(
        _prep_body,
        grid=(GRID_A,),
        in_specs=[
            pl.BlockSpec((RB, IN_DIM), lambda i: (i, 0)),
            pl.BlockSpec((IN_DIM, IN_DIM), lambda i: (0, 0)),
            pl.BlockSpec((IN_DIM, H * PD), lambda i: (0, 0)),
            pl.BlockSpec((IN_DIM + H * PD, TW), lambda i: (0, 0)),
        ],
        out_specs=[
            pl.BlockSpec((RB, IN_DIM), lambda i: (i, 0)),
            pl.BlockSpec((RB, TW), lambda i: (i, 0)),
        ],
        out_shape=[
            jax.ShapeDtypeStruct((N, IN_DIM), jnp.float32),
            jax.ShapeDtypeStruct((N, TW), jnp.float32),
        ],
    )(feat, wct_pad, wpt_pad, w16)



_GDN = lax.GatherDimensionNumbers(
    offset_dims=(), collapsed_slice_dims=(0,), start_index_map=(0,))


def _take16(x, idx):
    return lax.gather(x, idx[:, None], _GDN, (1,),
                      mode=lax.GatherScatterMode.PROMISE_IN_BOUNDS)

def _edge_kernel(hc_hbm, t_hbm, ei_hbm, acc_out, den_out,
                 src_v, dst_v, sv, dv, wv, hc_v,
                 src_v1, dst_v1, sv1, dv1, hc_v1, acc_sh, den_sh,
                 sem1, sem2, sem3, sem4, sem5, sem6):
    c = lax.axis_index("c")
    s = lax.axis_index("s")
    wid = c * NS + s

    zero16 = jnp.zeros((16,), jnp.float32)
    lanes0 = jnp.arange(16, dtype=jnp.int32)
    dperm = lanes0 % H + H
    headmask = lanes0 < H

    def _zero_bufs(r, carry):
        for j in range(IN_DIM // 16):
            hc_v[r, pl.ds(16 * j, 16)] = zero16
        wv[r, pl.ds(0, 16)] = zero16
        return carry
    lax.fori_loop(0, BLK, _zero_bufs, 0)

    r0 = s * RPT
    nfull = RPT // BLK
    tail = RPT - nfull * BLK
    for k in range(nfull):
        pltpu.sync_copy(hc_v, acc_sh.at[pl.ds(r0 + k * BLK, BLK)])
        pltpu.sync_copy(wv, den_sh.at[pl.ds(r0 + k * BLK, BLK)])
    pltpu.sync_copy(hc_v.at[pl.ds(0, tail)], acc_sh.at[pl.ds(r0 + nfull * BLK, tail)])
    pltpu.sync_copy(wv.at[pl.ds(0, tail)], den_sh.at[pl.ds(r0 + nfull * BLK, tail)])

    @pl.when(s == NS - 1)
    def _zero_last():
        pltpu.sync_copy(hc_v.at[pl.ds(0, 16)], acc_sh.at[pl.ds(NS * RPT, 16)])
        pltpu.sync_copy(wv.at[pl.ds(0, 16)], den_sh.at[pl.ds(NS * RPT, 16)])

    plsc.subcore_barrier()

    bufs = ((src_v, dst_v, sv, dv, hc_v, sem1, sem2, sem3),
            (src_v1, dst_v1, sv1, dv1, hc_v1, sem4, sem5, sem6))

    def _issue(blk, buf):
        sr, ds_, svb, dvb, hcb, s1, s2, s3 = buf
        e0 = wid * EPW + blk * BLK
        pltpu.sync_copy(ei_hbm.at[pl.ds(e0, BLK)], sr)
        pltpu.sync_copy(ei_hbm.at[pl.ds(E + e0, BLK)], ds_)
        pltpu.async_copy(t_hbm.at[sr], svb, s1)
        pltpu.async_copy(t_hbm.at[ds_], dvb, s2)
        pltpu.async_copy(hc_hbm.at[sr], hcb, s3)

    def _wait(buf):
        sr, ds_, svb, dvb, hcb, s1, s2, s3 = buf
        pltpu.make_async_copy(t_hbm.at[sr], svb, s1).wait()
        pltpu.make_async_copy(t_hbm.at[ds_], dvb, s2).wait()
        pltpu.make_async_copy(hc_hbm.at[sr], hcb, s3).wait()

    def _compute_scatter(buf):
        sr, ds_, svb, dvb, hcb, s1, s2, s3 = buf

        @plsc.parallel_loop(0, BLK, 1, unroll=4)
        def _edge(e):
            a = svb[e, pl.ds(0, 16)]
            b = dvb[e, pl.ds(0, 16)]
            x = a + _take16(b, dperm)
            x = jnp.where(x >= 0.0, x, 0.2 * x)
            w16 = jnp.exp(x)
            wv[e, pl.ds(0, 16)] = jnp.where(headmask, w16, 0.0)
            for h in range(H):
                wb = _take16(w16, jnp.full((16,), h, jnp.int32))
                for q in range(2):
                    c0 = h * D + q * 16
                    hcb[e, pl.ds(c0, 16)] = hcb[e, pl.ds(c0, 16)] * wb

        pltpu.sync_copy(hcb, acc_sh.at[ds_], add=True)
        pltpu.sync_copy(wv, den_sh.at[ds_], add=True)

    _issue(0, bufs[0])

    def _pair(i, carry):
        _issue(2 * i + 1, bufs[1])
        _wait(bufs[0])
        _compute_scatter(bufs[0])
        _issue(jnp.minimum(2 * i + 2, NBLK - 1), bufs[0])
        _wait(bufs[1])
        _compute_scatter(bufs[1])
        return carry

    lax.fori_loop(0, (NBLK - 1) // 2, _pair, 0)
    _wait(bufs[0])
    _compute_scatter(bufs[0])
    plsc.subcore_barrier()

    for k in range(nfull):
        pltpu.sync_copy(acc_sh.at[pl.ds(r0 + k * BLK, BLK)], hc_v)
        pltpu.sync_copy(hc_v, acc_out.at[c, pl.ds(r0 + k * BLK, BLK)])
        pltpu.sync_copy(den_sh.at[pl.ds(r0 + k * BLK, BLK)], wv)
        pltpu.sync_copy(wv, den_out.at[c, pl.ds(r0 + k * BLK, BLK)])
    pltpu.sync_copy(acc_sh.at[pl.ds(r0 + nfull * BLK, tail)], hc_v.at[pl.ds(0, tail)])
    pltpu.sync_copy(hc_v.at[pl.ds(0, tail)], acc_out.at[c, pl.ds(r0 + nfull * BLK, tail)])
    pltpu.sync_copy(den_sh.at[pl.ds(r0 + nfull * BLK, tail)], wv.at[pl.ds(0, tail)])
    pltpu.sync_copy(wv.at[pl.ds(0, tail)], den_out.at[c, pl.ds(r0 + nfull * BLK, tail)])

    @pl.when(s == NS - 1)
    def _drain_last():
        pltpu.sync_copy(acc_sh.at[pl.ds(NS * RPT, 16)], hc_v.at[pl.ds(0, 16)])
        pltpu.sync_copy(hc_v.at[pl.ds(0, 16)], acc_out.at[c, pl.ds(NS * RPT, 16)])
        pltpu.sync_copy(den_sh.at[pl.ds(NS * RPT, 16)], wv.at[pl.ds(0, 16)])
        pltpu.sync_copy(wv.at[pl.ds(0, 16)], den_out.at[c, pl.ds(NS * RPT, 16)])


def _edge_pass(hc, t_tab, edge_index):
    mesh = plsc.VectorSubcoreMesh(core_axis_name="c", subcore_axis_name="s")
    k = functools.partial(
        pl.kernel,
        mesh=mesh,
        compiler_params=pltpu.CompilerParams(use_tc_tiling_on_sc=False),
        out_type=[
            jax.ShapeDtypeStruct((NC, N, IN_DIM), jnp.float32),
            jax.ShapeDtypeStruct((NC, N, TW), jnp.float32),
        ],
        scratch_types=[
            pltpu.VMEM((BLK,), jnp.int32),
            pltpu.VMEM((BLK,), jnp.int32),
            pltpu.VMEM((BLK, TW), jnp.float32),
            pltpu.VMEM((BLK, TW), jnp.float32),
            pltpu.VMEM((BLK, TW), jnp.float32),
            pltpu.VMEM((BLK, IN_DIM), jnp.float32),
            pltpu.VMEM((BLK,), jnp.int32),
            pltpu.VMEM((BLK,), jnp.int32),
            pltpu.VMEM((BLK, TW), jnp.float32),
            pltpu.VMEM((BLK, TW), jnp.float32),
            pltpu.VMEM((BLK, IN_DIM), jnp.float32),
            pltpu.VMEM_SHARED((N, IN_DIM), jnp.float32),
            pltpu.VMEM_SHARED((N, TW), jnp.float32),
            pltpu.SemaphoreType.DMA,
            pltpu.SemaphoreType.DMA,
            pltpu.SemaphoreType.DMA,
            pltpu.SemaphoreType.DMA,
            pltpu.SemaphoreType.DMA,
            pltpu.SemaphoreType.DMA,
        ],
    )(_edge_kernel)
    return k(hc, t_tab, edge_index.reshape(-1))



def _combine_body(acc_ref, den_ref, feat_ref, out_ref):
    a = acc_ref[0] + acc_ref[1]
    dn = den_ref[0, :, :H] + den_ref[1, :, :H]
    dnb = jnp.broadcast_to(dn[:, :, None], (RB, H, D)).reshape(RB, H * D)
    out_ref[...] = a / (dnb + 1e-9) + feat_ref[...]


def _combine(acc, den, feat):
    return pl.pallas_call(
        _combine_body,
        grid=(GRID_A,),
        in_specs=[
            pl.BlockSpec((NC, RB, IN_DIM), lambda i: (0, i, 0)),
            pl.BlockSpec((NC, RB, TW), lambda i: (0, i, 0)),
            pl.BlockSpec((RB, IN_DIM), lambda i: (i, 0)),
        ],
        out_specs=pl.BlockSpec((RB, IN_DIM), lambda i: (i, 0)),
        out_shape=jax.ShapeDtypeStruct((N, IN_DIM), jnp.float32),
    )(acc, den, feat)


def kernel(feat, edge_index, Wc, Wp, attn_src, attn_dst, pos_attn_src, pos_attn_dst, att_combination):
    f32 = jnp.float32
    c0 = att_combination[:, 0]
    c1 = att_combination[:, 1]
    wct_pad = jnp.zeros((IN_DIM, IN_DIM), f32).at[:CONTENT_DIM, :].set(Wc.T)
    wpt_pad = jnp.zeros((IN_DIM, H * PD), f32).at[CONTENT_DIM:, :].set(Wp.T)
    eye = jnp.eye(H, dtype=f32)
    sc = ((attn_src[0] * c0[:, None])[:, :, None] * eye[:, None, :]).reshape(H * D, H)
    dc = ((attn_dst[0] * c0[:, None])[:, :, None] * eye[:, None, :]).reshape(H * D, H)
    sp = ((pos_attn_src[0] * c1[:, None])[:, :, None] * eye[:, None, :]).reshape(H * PD, H)
    dp = ((pos_attn_dst[0] * c1[:, None])[:, :, None] * eye[:, None, :]).reshape(H * PD, H)
    w16 = jnp.concatenate(
        [jnp.concatenate([sc, dc], axis=1), jnp.concatenate([sp, dp], axis=1)], axis=0)
    w16 = jnp.pad(w16, ((0, 0), (0, TW - 2 * H)))

    hc, t_tab = _prep(feat, wct_pad, wpt_pad, w16)
    acc, den = _edge_pass(hc, t_tab, edge_index)
    return _combine(acc, den, feat)

# --- scband reference (transcript-rebuilt; emitter-appended) ---
"""Pipeline reference for scband-memory-efficient-gnn-16123307229577 (READ-ONLY COPY).

The authoritative reference and input builder live on the scoring server;
editing this copy changes nothing except your own understanding.
"""

import jax, jax.numpy as jnp
import numpy as np

N = 10000
E = 320000
IN_DIM = 128
POS_DIM = 16
NUM_HEADS = 4
OUT_DIM = 32


def setup_inputs(seed: int = 0) -> dict:
    key = jax.random.key(seed)
    ks = jax.random.split(key, 10)
    feat = jax.random.normal(ks[0], (N, IN_DIM), dtype=jnp.float32)
    edge_index = jax.random.randint(ks[1], (2, E), 0, N, dtype=jnp.int32)
    content_dim = IN_DIM - POS_DIM
    # learned parameters (xavier-ish scale)
    Wc = jax.random.normal(ks[2], (OUT_DIM * NUM_HEADS, content_dim), dtype=jnp.float32) * (1.0 / np.sqrt(content_dim))
    Wp = jax.random.normal(ks[3], (OUT_DIM // 4 * NUM_HEADS, POS_DIM), dtype=jnp.float32) * (1.0 / np.sqrt(POS_DIM))
    attn_src = jax.random.normal(ks[4], (1, NUM_HEADS, OUT_DIM), dtype=jnp.float32) * 0.1
    attn_dst = jax.random.normal(ks[5], (1, NUM_HEADS, OUT_DIM), dtype=jnp.float32) * 0.1
    pos_attn_src = jax.random.normal(ks[6], (1, NUM_HEADS, OUT_DIM // 4), dtype=jnp.float32) * 0.1
    pos_attn_dst = jax.random.normal(ks[7], (1, NUM_HEADS, OUT_DIM // 4), dtype=jnp.float32) * 0.1
    att_combination = jnp.full((NUM_HEADS, 2), 0.5, dtype=jnp.float32)
    return {
        "feat": feat,
        "edge_index": edge_index,
        "Wc": Wc,
        "Wp": Wp,
        "attn_src": attn_src,
        "attn_dst": attn_dst,
        "pos_attn_src": pos_attn_src,
        "pos_attn_dst": pos_attn_dst,
        "att_combination": att_combination,
    }


def reference(feat, edge_index, Wc, Wp, attn_src, attn_dst, pos_attn_src, pos_attn_dst, att_combination):
    src = edge_index[0]
    dst = edge_index[1]
    content = feat[:, : IN_DIM - POS_DIM]
    pos = feat[:, IN_DIM - POS_DIM :]
    # linear projections (eval mode -> dropout is identity)
    h_content = (content @ Wc.T).reshape(-1, NUM_HEADS, OUT_DIM)
    h_pos = (pos @ Wp.T).reshape(-1, NUM_HEADS, OUT_DIM // 4)
    # per-edge attention logits (GAT-style additive attention)
    src_attn = (h_content[src] * attn_src).sum(axis=-1)  # [E, H]
    dst_attn = (h_content[dst] * attn_dst).sum(axis=-1)
    content_e = src_attn + dst_attn
    src_pos_attn = (h_pos[src] * pos_attn_src).sum(axis=-1)
    dst_pos_attn = (h_pos[dst] * pos_attn_dst).sum(axis=-1)
    pos_e = src_pos_attn + dst_pos_attn
    combined_e = content_e * att_combination[:, 0][None, :] + pos_e * att_combination[:, 1][None, :]
    combined_e = jax.nn.leaky_relu(combined_e, negative_slope=0.2)
    # edge_softmax: normalize over incoming edges per destination node
    seg_max = jax.ops.segment_max(combined_e, dst, num_segments=N)
    seg_max = jnp.where(jnp.isfinite(seg_max), seg_max, 0.0)
    e_exp = jnp.exp(combined_e - seg_max[dst])
    denom = jax.ops.segment_sum(e_exp, dst, num_segments=N)
    a = e_exp / (denom[dst] + 1e-9)  # [E, H]
    # message passing: u_mul_e('content','a') then sum by dst
    msg = h_content[src] * a[:, :, None]  # [E, H, D]
    ft = jax.ops.segment_sum(msg, dst, num_segments=N)  # [N, H, D]
    h = ft.reshape(-1, NUM_HEADS * OUT_DIM)
    # residual: in_dim == out_dim*num_heads -> identity residual
    h = h + feat
    return h

if __name__ == "__main__":
    import jax
    _d = setup_inputs()
    print(jax.jit(kernel)(*tuple(_d.values())))

</pallas_src>

<mosaic_0001>
#map = affine_map<(d0, d1) -> (0, 0)>
#map1 = affine_map<(d0, d1) -> (0)>
#map2 = affine_map<(d0, d1) -> (0, 0, 0)>
module attributes {stable_mosaic.version = 14 : i64} {
  func.func @_edge_kernel(%arg0: i32, %arg1: i32, %arg2: memref<10000x128xf32, #tpu.memory_space<hbm>>, %arg3: memref<10000x16xf32, #tpu.memory_space<hbm>>, %arg4: memref<640000xi32, #tpu.memory_space<hbm>>, %arg5: memref<2x10000x128xf32, #tpu.memory_space<hbm>>, %arg6: memref<2x10000x16xf32, #tpu.memory_space<hbm>>, %arg7: memref<80xi32, #tpu.memory_space<vmem>>, %arg8: memref<80xi32, #tpu.memory_space<vmem>>, %arg9: memref<80x16xf32, #tpu.memory_space<vmem>>, %arg10: memref<80x16xf32, #tpu.memory_space<vmem>>, %arg11: memref<80x16xf32, #tpu.memory_space<vmem>>, %arg12: memref<80x128xf32, #tpu.memory_space<vmem>>, %arg13: memref<80xi32, #tpu.memory_space<vmem>>, %arg14: memref<80xi32, #tpu.memory_space<vmem>>, %arg15: memref<80x16xf32, #tpu.memory_space<vmem>>, %arg16: memref<80x16xf32, #tpu.memory_space<vmem>>, %arg17: memref<80x128xf32, #tpu.memory_space<vmem>>, %arg18: memref<10000x128xf32, #tpu.memory_space<vmem_shared>>, %arg19: memref<10000x16xf32, #tpu.memory_space<vmem_shared>>, %arg20: memref<!tpu.dma_semaphore, #tpu.memory_space<semaphore_mem>>, %arg21: memref<!tpu.dma_semaphore, #tpu.memory_space<semaphore_mem>>, %arg22: memref<!tpu.dma_semaphore, #tpu.memory_space<semaphore_mem>>, %arg23: memref<!tpu.dma_semaphore, #tpu.memory_space<semaphore_mem>>, %arg24: memref<!tpu.dma_semaphore, #tpu.memory_space<semaphore_mem>>, %arg25: memref<!tpu.dma_semaphore, #tpu.memory_space<semaphore_mem>>) attributes {dimension_semantics = [#tpu.dimension_semantics<core_parallel>, #tpu.dimension_semantics<subcore_parallel>], iteration_bounds = array<i64: 2, 16>, scalar_prefetch = 0 : i64, scratch_operands = 19 : i64, tpu.core_type = #tpu.core_type<sc_vector_subcore>, window_params = [{transform_indices = #map}, {transform_indices = #map}, {transform_indices = #map1}, {transform_indices = #map2}, {transform_indices = #map2}]} {
    %mul3A = arith.constant 16 : i32
    %mul3A_0 = arith.muli %arg0, %mul3A : i32
    %add3A = arith.addi %mul3A_0, %arg1 : i32
    %broadcast_in_dim3A = arith.constant 0.000000e+00 : f32
    %broadcast_in_dim3A_1 = vector.broadcast %broadcast_in_dim3A : f32 to vector<16xf32>
    %iota3A = tpu.iota {dimensions = array<i32: 0>} : vector<16xi32>
    %jit3A = arith.constant 4 : i32
    %eq3A = arith.constant 0 : i32
    %eq3A_2 = arith.cmpi eq, %jit3A, %eq3A : i32
    %jit3A_3 = arith.constant 1 : i32
    %select_n3A = arith.select %eq3A_2, %jit3A_3, %jit3A : i32
    %rem3A = vector.broadcast %select_n3A : i32 to vector<16xi32>
    %rem3A_4 = arith.remsi %iota3A, %rem3A : vector<16xi32>
    %ne3A = arith.constant 0 : i32
    %ne3A_5 = vector.broadcast %ne3A : i32 to vector<16xi32>
    %ne3A_6 = arith.cmpi ne, %rem3A_4, %ne3A_5 : vector<16xi32>
    %lt3A = arith.constant 0 : i32
    %lt3A_7 = vector.broadcast %lt3A : i32 to vector<16xi32>
    %lt3A_8 = arith.cmpi slt, %rem3A_4, %lt3A_7 : vector<16xi32>
    %lt3A_9 = arith.constant 0 : i32
    %lt3A_10 = arith.cmpi slt, %select_n3A, %lt3A_9 : i32
    %ne3A_11 = vector.broadcast %lt3A_10 : i1 to vector<16xi1>
    %ne3A_12 = vector.broadcast %ne3A_11 : vector<16xi1> to vector<16xi1>
    %ne3A_13 = arith.xori %lt3A_8, %ne3A_12 : vector<16xi1>
    %and3A = arith.andi %ne3A_13, %ne3A_6 : vector<16xi1>
    %add3A_14 = vector.broadcast %select_n3A : i32 to vector<16xi32>
    %add3A_15 = arith.addi %rem3A_4, %add3A_14 : vector<16xi32>
    %select_n3A_16 = arith.select %and3A, %add3A_15, %rem3A_4 : vector<16xi1>, vector<16xi32>
    %add3A_17 = arith.constant 4 : i32
    %add3A_18 = vector.broadcast %add3A_17 : i32 to vector<16xi32>
    %add3A_19 = arith.addi %select_n3A_16, %add3A_18 : vector<16xi32>
    %lt3A_20 = arith.constant 4 : i32
    %lt3A_21 = vector.broadcast %lt3A_20 : i32 to vector<16xi32>
    %lt3A_22 = arith.cmpi slt, %iota3A, %lt3A_21 : vector<16xi32>
    %scan3A = arith.constant 0 : i32
    %scan3A_23 = arith.constant 0 : i32
    %scan3A_24 = arith.constant 80 : i32
    %scan3A_25 = arith.addi %scan3A_23, %scan3A_24 : i32
    %scan3A_26 = arith.constant 1 : i32
    scf.for %scan3A_165 = %scan3A_23 to %scan3A_25 step %scan3A_26  : i32 {
      %swap3A = arith.index_cast %scan3A_165 : i32 to index
      %swap3A_166 = arith.constant 0 : index
      %swap3A_167 = tpu.vector_load %arg12[%swap3A, %swap3A_166] {strides = array<i32>} : memref<80x128xf32, #tpu.memory_space<vmem>>, vector<1x16xf32>,
      %swap3A_168 = vector.shape_cast %swap3A_167 : vector<1x16xf32> to vector<16xf32>
      %swap3A_169 = vector.shape_cast %broadcast_in_dim3A_1 : vector<16xf32> to vector<1x16xf32>
      tpu.vector_store %arg12[%swap3A, %swap3A_166], %swap3A_169 {strides = array<i32>} : memref<80x128xf32, #tpu.memory_space<vmem>>, vector<1x16xf32>,
      %swap3A_170 = arith.index_cast %scan3A_165 : i32 to index
      %swap3A_171 = arith.constant 16 : index
      %swap3A_172 = tpu.vector_load %arg12[%swap3A_170, %swap3A_171] {strides = array<i32>} : memref<80x128xf32, #tpu.memory_space<vmem>>, vector<1x16xf32>,
      %swap3A_173 = vector.shape_cast %swap3A_172 : vector<1x16xf32> to vector<16xf32>
      %swap3A_174 = vector.shape_cast %broadcast_in_dim3A_1 : vector<16xf32> to vector<1x16xf32>
      tpu.vector_store %arg12[%swap3A_170, %swap3A_171], %swap3A_174 {strides = array<i32>} : memref<80x128xf32, #tpu.memory_space<vmem>>, vector<1x16xf32>,
      %swap3A_175 = arith.index_cast %scan3A_165 : i32 to index
      %swap3A_176 = arith.constant 32 : index
      %swap3A_177 = tpu.vector_load %arg12[%swap3A_175, %swap3A_176] {strides = array<i32>} : memref<80x128xf32, #tpu.memory_space<vmem>>, vector<1x16xf32>,
      %swap3A_178 = vector.shape_cast %swap3A_177 : vector<1x16xf32> to vector<16xf32>
      %swap3A_179 = vector.shape_cast %broadcast_in_dim3A_1 : vector<16xf32> to vector<1x16xf32>
      tpu.vector_store %arg12[%swap3A_175, %swap3A_176], %swap3A_179 {strides = array<i32>} : memref<80x128xf32, #tpu.memory_space<vmem>>, vector<1x16xf32>,
      %swap3A_180 = arith.index_cast %scan3A_165 : i32 to index
      %swap3A_181 = arith.constant 48 : index
      %swap3A_182 = tpu.vector_load %arg12[%swap3A_180, %swap3A_181] {strides = array<i32>} : memref<80x128xf32, #tpu.memory_space<vmem>>, vector<1x16xf32>,
      %swap3A_183 = vector.shape_cast %swap3A_182 : vector<1x16xf32> to vector<16xf32>
      %swap3A_184 = vector.shape_cast %broadcast_in_dim3A_1 : vector<16xf32> to vector<1x16xf32>
      tpu.vector_store %arg12[%swap3A_180, %swap3A_181], %swap3A_184 {strides = array<i32>} : memref<80x128xf32, #tpu.memory_space<vmem>>, vector<1x16xf32>,
      %swap3A_185 = arith.index_cast %scan3A_165 : i32 to index
      %swap3A_186 = arith.constant 64 : index
      %swap3A_187 = tpu.vector_load %arg12[%swap3A_185, %swap3A_186] {strides = array<i32>} : memref<80x128xf32, #tpu.memory_space<vmem>>, vector<1x16xf32>,
      %swap3A_188 = vector.shape_cast %swap3A_187 : vector<1x16xf32> to vector<16xf32>
      %swap3A_189 = vector.shape_cast %broadcast_in_dim3A_1 : vector<16xf32> to vector<1x16xf32>
      tpu.vector_store %arg12[%swap3A_185, %swap3A_186], %swap3A_189 {strides = array<i32>} : memref<80x128xf32, #tpu.memory_space<vmem>>, vector<1x16xf32>,
      %swap3A_190 = arith.index_cast %scan3A_165 : i32 to index
      %swap3A_191 = arith.constant 80 : index
      %swap3A_192 = tpu.vector_load %arg12[%swap3A_190, %swap3A_191] {strides = array<i32>} : memref<80x128xf32, #tpu.memory_space<vmem>>, vector<1x16xf32>,
      %swap3A_193 = vector.shape_cast %swap3A_192 : vector<1x16xf32> to vector<16xf32>
      %swap3A_194 = vector.shape_cast %broadcast_in_dim3A_1 : vector<16xf32> to vector<1x16xf32>
      tpu.vector_store %arg12[%swap3A_190, %swap3A_191], %swap3A_194 {strides = array<i32>} : memref<80x128xf32, #tpu.memory_space<vmem>>, vector<1x16xf32>,
      %swap3A_195 = arith.index_cast %scan3A_165 : i32 to index
      %swap3A_196 = arith.constant 96 : index
      %swap3A_197 = tpu.vector_load %arg12[%swap3A_195, %swap3A_196] {strides = array<i32>} : memref<80x128xf32, #tpu.memory_space<vmem>>, vector<1x16xf32>,
      %swap3A_198 = vector.shape_cast %swap3A_197 : vector<1x16xf32> to vector<16xf32>
      %swap3A_199 = vector.shape_cast %broadcast_in_dim3A_1 : vector<16xf32> to vector<1x16xf32>
      tpu.vector_store %arg12[%swap3A_195, %swap3A_196], %swap3A_199 {strides = array<i32>} : memref<80x128xf32, #tpu.memory_space<vmem>>, vector<1x16xf32>,
      %swap3A_200 = arith.index_cast %scan3A_165 : i32 to index
      %swap3A_201 = arith.constant 112 : index
      %swap3A_202 = tpu.vector_load %arg12[%swap3A_200, %swap3A_201] {strides = array<i32>} : memref<80x128xf32, #tpu.memory_space<vmem>>, vector<1x16xf32>,
      %swap3A_203 = vector.shape_cast %swap3A_202 : vector<1x16xf32> to vector<16xf32>
      %swap3A_204 = vector.shape_cast %broadcast_in_dim3A_1 : vector<16xf32> to vector<1x16xf32>
      tpu.vector_store %arg12[%swap3A_200, %swap3A_201], %swap3A_204 {strides = array<i32>} : memref<80x128xf32, #tpu.memory_space<vmem>>, vector<1x16xf32>,
      %swap3A_205 = arith.index_cast %scan3A_165 : i32 to index
      %swap3A_206 = arith.constant 0 : index
      %swap3A_207 = tpu.vector_load %arg11[%swap3A_205, %swap3A_206] {strides = array<i32>} : memref<80x16xf32, #tpu.memory_space<vmem>>, vector<1x16xf32>,
      %swap3A_208 = vector.shape_cast %swap3A_207 : vector<1x16xf32> to vector<16xf32>
      %swap3A_209 = vector.shape_cast %broadcast_in_dim3A_1 : vector<16xf32> to vector<1x16xf32>
      tpu.vector_store %arg11[%swap3A_205, %swap3A_206], %swap3A_209 {strides = array<i32>} : memref<80x16xf32, #tpu.memory_space<vmem>>, vector<1x16xf32>,
    }
    %scan3A_27 = arith.constant 80 : i32
    %mul3A_28 = arith.constant 624 : i32
    %mul3A_29 = arith.muli %arg1, %mul3A_28 : i32
    %add3A_30 = arith.constant 0 : i32
    %add3A_31 = arith.addi %mul3A_29, %add3A_30 : i32
    "tpu.region"() ({
      %run_scoped3A = tpu.sem_alloc : memref<!tpu.dma_semaphore, #tpu.memory_space<semaphore_mem>>
      %dma_start3A_165 = arith.constant 0 : i32
      %dma_start3A_166 = tpu.memref_slice %arg18[%add3A_31, %dma_start3A_165] : memref<10000x128xf32, #tpu.memory_space<vmem_shared>> -> memref<80x128xf32, #tpu.memory_space<vmem_shared>>
      %dma_start3A_167 = arith.constant 0 : i32
      %dma_start3A_168 = tpu.memref_slice %arg18[%add3A_31, %dma_start3A_167] : memref<10000x128xf32, #tpu.memory_space<vmem_shared>> -> memref<80x128xf32, #tpu.memory_space<vmem_shared>>
      tpu.enqueue_dma source(%arg12 : memref<80x128xf32, #tpu.memory_space<vmem>>) target(%dma_start3A_168 : memref<80x128xf32, #tpu.memory_space<vmem_shared>>) target_semaphore(%run_scoped3A : memref<!tpu.dma_semaphore, #tpu.memory_space<semaphore_mem>>)
      %dma_wait3A_169 = arith.constant 0 : i32
      %dma_wait3A_170 = tpu.memref_slice %arg18[%add3A_31, %dma_wait3A_169] : memref<10000x128xf32, #tpu.memory_space<vmem_shared>> -> memref<80x128xf32, #tpu.memory_space<vmem_shared>>
      %dma_wait3A_171 = arith.constant 0 : i32
      %dma_wait3A_172 = tpu.memref_slice %arg18[%add3A_31, %dma_wait3A_171] : memref<10000x128xf32, #tpu.memory_space<vmem_shared>> -> memref<80x128xf32, #tpu.memory_space<vmem_shared>>
      tpu.wait_dma2 semaphore(%run_scoped3A : memref<!tpu.dma_semaphore, #tpu.memory_space<semaphore_mem>>) src(%arg12 : memref<80x128xf32, #tpu.memory_space<vmem>>) dst(%dma_wait3A_172 : memref<80x128xf32, #tpu.memory_space<vmem_shared>>)
      tpu.yield
    }) : () -> ()
    %add3A_32 = arith.constant 0 : i32
    %add3A_33 = arith.addi %mul3A_29, %add3A_32 : i32
    "tpu.region"() ({
      %run_scoped3A = tpu.sem_alloc : memref<!tpu.dma_semaphore, #tpu.memory_space<semaphore_mem>>
      %dma_start3A_165 = arith.constant 0 : i32
      %dma_start3A_166 = tpu.memref_slice %arg19[%add3A_33, %dma_start3A_165] : memref<10000x16xf32, #tpu.memory_space<vmem_shared>> -> memref<80x16xf32, #tpu.memory_space<vmem_shared>>
      %dma_start3A_167 = arith.constant 0 : i32
      %dma_start3A_168 = tpu.memref_slice %arg19[%add3A_33, %dma_start3A_167] : memref<10000x16xf32, #tpu.memory_space<vmem_shared>> -> memref<80x16xf32, #tpu.memory_space<vmem_shared>>
      tpu.enqueue_dma source(%arg11 : memref<80x16xf32, #tpu.memory_space<vmem>>) target(%dma_start3A_168 : memref<80x16xf32, #tpu.memory_space<vmem_shared>>) target_semaphore(%run_scoped3A : memref<!tpu.dma_semaphore, #tpu.memory_space<semaphore_mem>>)
      %dma_wait3A_169 = arith.constant 0 : i32
      %dma_wait3A_170 = tpu.memref_slice %arg19[%add3A_33, %dma_wait3A_169] : memref<10000x16xf32, #tpu.memory_space<vmem_shared>> -> memref<80x16xf32, #tpu.memory_space<vmem_shared>>
      %dma_wait3A_171 = arith.constant 0 : i32
      %dma_wait3A_172 = tpu.memref_slice %arg19[%add3A_33, %dma_wait3A_171] : memref<10000x16xf32, #tpu.memory_space<vmem_shared>> -> memref<80x16xf32, #tpu.memory_space<vmem_shared>>
      tpu.wait_dma2 semaphore(%run_scoped3A : memref<!tpu.dma_semaphore, #tpu.memory_space<semaphore_mem>>) src(%arg11 : memref<80x16xf32, #tpu.memory_space<vmem>>) dst(%dma_wait3A_172 : memref<80x16xf32, #tpu.memory_space<vmem_shared>>)
      tpu.yield
    }) : () -> ()
    %add3A_34 = arith.constant 80 : i32
    %add3A_35 = arith.addi %mul3A_29, %add3A_34 : i32
    "tpu.region"() ({
      %run_scoped3A = tpu.sem_alloc : memref<!tpu.dma_semaphore, #tpu.memory_space<semaphore_mem>>
      %dma_start3A_165 = arith.constant 0 : i32
      %dma_start3A_166 = tpu.memref_slice %arg18[%add3A_35, %dma_start3A_165] : memref<10000x128xf32, #tpu.memory_space<vmem_shared>> -> memref<80x128xf32, #tpu.memory_space<vmem_shared>>
      %dma_start3A_167 = arith.constant 0 : i32
      %dma_start3A_168 = tpu.memref_slice %arg18[%add3A_35, %dma_start3A_167] : memref<10000x128xf32, #tpu.memory_space<vmem_shared>> -> memref<80x128xf32, #tpu.memory_space<vmem_shared>>
      tpu.enqueue_dma source(%arg12 : memref<80x128xf32, #tpu.memory_space<vmem>>) target(%dma_start3A_168 : memref<80x128xf32, #tpu.memory_space<vmem_shared>>) target_semaphore(%run_scoped3A : memref<!tpu.dma_semaphore, #tpu.memory_space<semaphore_mem>>)
      %dma_wait3A_169 = arith.constant 0 : i32
      %dma_wait3A_170 = tpu.memref_slice %arg18[%add3A_35, %dma_wait3A_169] : memref<10000x128xf32, #tpu.memory_space<vmem_shared>> -> memref<80x128xf32, #tpu.memory_space<vmem_shared>>
      %dma_wait3A_171 = arith.constant 0 : i32
      %dma_wait3A_172 = tpu.memref_slice %arg18[%add3A_35, %dma_wait3A_171] : memref<10000x128xf32, #tpu.memory_space<vmem_shared>> -> memref<80x128xf32, #tpu.memory_space<vmem_shared>>
      tpu.wait_dma2 semaphore(%run_scoped3A : memref<!tpu.dma_semaphore, #tpu.memory_space<semaphore_mem>>) src(%arg12 : memref<80x128xf32, #tpu.memory_space<vmem>>) dst(%dma_wait3A_172 : memref<80x128xf32, #tpu.memory_space<vmem_shared>>)
      tpu.yield
    }) : () -> ()
    %add3A_36 = arith.constant 80 : i32
    %add3A_37 = arith.addi %mul3A_29, %add3A_36 : i32
    "tpu.region"() ({
      %run_scoped3A = tpu.sem_alloc : memref<!tpu.dma_semaphore, #tpu.memory_space<semaphore_mem>>
      %dma_start3A_165 = arith.constant 0 : i32
      %dma_start3A_166 = tpu.memref_slice %arg19[%add3A_37, %dma_start3A_165] : memref<10000x16xf32, #tpu.memory_space<vmem_shared>> -> memref<80x16xf32, #tpu.memory_space<vmem_shared>>
      %dma_start3A_167 = arith.constant 0 : i32
      %dma_start3A_168 = tpu.memref_slice %arg19[%add3A_37, %dma_start3A_167] : memref<10000x16xf32, #tpu.memory_space<vmem_shared>> -> memref<80x16xf32, #tpu.memory_space<vmem_shared>>
      tpu.enqueue_dma source(%arg11 : memref<80x16xf32, #tpu.memory_space<vmem>>) target(%dma_start3A_168 : memref<80x16xf32, #tpu.memory_space<vmem_shared>>) target_semaphore(%run_scoped3A : memref<!tpu.dma_semaphore, #tpu.memory_space<semaphore_mem>>)
      %dma_wait3A_169 = arith.constant 0 : i32
      %dma_wait3A_170 = tpu.memref_slice %arg19[%add3A_37, %dma_wait3A_169] : memref<10000x16xf32, #tpu.memory_space<vmem_shared>> -> memref<80x16xf32, #tpu.memory_space<vmem_shared>>
      %dma_wait3A_171 = arith.constant 0 : i32
      %dma_wait3A_172 = tpu.memref_slice %arg19[%add3A_37, %dma_wait3A_171] : memref<10000x16xf32, #tpu.memory_space<vmem_shared>> -> memref<80x16xf32, #tpu.memory_space<vmem_shared>>
      tpu.wait_dma2 semaphore(%run_scoped3A : memref<!tpu.dma_semaphore, #tpu.memory_space<semaphore_mem>>) src(%arg11 : memref<80x16xf32, #tpu.memory_space<vmem>>) dst(%dma_wait3A_172 : memref<80x16xf32, #tpu.memory_space<vmem_shared>>)
      tpu.yield
    }) : () -> ()
    %add3A_38 = arith.constant 160 : i32
    %add3A_39 = arith.addi %mul3A_29, %add3A_38 : i32
    "tpu.region"() ({
      %run_scoped3A = tpu.sem_alloc : memref<!tpu.dma_semaphore, #tpu.memory_space<semaphore_mem>>
      %dma_start3A_165 = arith.constant 0 : i32
      %dma_start3A_166 = tpu.memref_slice %arg18[%add3A_39, %dma_start3A_165] : memref<10000x128xf32, #tpu.memory_space<vmem_shared>> -> memref<80x128xf32, #tpu.memory_space<vmem_shared>>
      %dma_start3A_167 = arith.constant 0 : i32
      %dma_start3A_168 = tpu.memref_slice %arg18[%add3A_39, %dma_start3A_167] : memref<10000x128xf32, #tpu.memory_space<vmem_shared>> -> memref<80x128xf32, #tpu.memory_space<vmem_shared>>
      tpu.enqueue_dma source(%arg12 : memref<80x128xf32, #tpu.memory_space<vmem>>) target(%dma_start3A_168 : memref<80x128xf32, #tpu.memory_space<vmem_shared>>) target_semaphore(%run_scoped3A : memref<!tpu.dma_semaphore, #tpu.memory_space<semaphore_mem>>)
      %dma_wait3A_169 = arith.constant 0 : i32
      %dma_wait3A_170 = tpu.memref_slice %arg18[%add3A_39, %dma_wait3A_169] : memref<10000x128xf32, #tpu.memory_space<vmem_shared>> -> memref<80x128xf32, #tpu.memory_space<vmem_shared>>
      %dma_wait3A_171 = arith.constant 0 : i32
      %dma_wait3A_172 = tpu.memref_slice %arg18[%add3A_39, %dma_wait3A_171] : memref<10000x128xf32, #tpu.memory_space<vmem_shared>> -> memref<80x128xf32, #tpu.memory_space<vmem_shared>>
      tpu.wait_dma2 semaphore(%run_scoped3A : memref<!tpu.dma_semaphore, #tpu.memory_space<semaphore_mem>>) src(%arg12 : memref<80x128xf32, #tpu.memory_space<vmem>>) dst(%dma_wait3A_172 : memref<80x128xf32, #tpu.memory_space<vmem_shared>>)
      tpu.yield
    }) : () -> ()
    %add3A_40 = arith.constant 160 : i32
    %add3A_41 = arith.addi %mul3A_29, %add3A_40 : i32
    "tpu.region"() ({
      %run_scoped3A = tpu.sem_alloc : memref<!tpu.dma_semaphore, #tpu.memory_space<semaphore_mem>>
      %dma_start3A_165 = arith.constant 0 : i32
      %dma_start3A_166 = tpu.memref_slice %arg19[%add3A_41, %dma_start3A_165] : memref<10000x16xf32, #tpu.memory_space<vmem_shared>> -> memref<80x16xf32, #tpu.memory_space<vmem_shared>>
      %dma_start3A_167 = arith.constant 0 : i32
      %dma_start3A_168 = tpu.memref_slice %arg19[%add3A_41, %dma_start3A_167] : memref<10000x16xf32, #tpu.memory_space<vmem_shared>> -> memref<80x16xf32, #tpu.memory_space<vmem_shared>>
      tpu.enqueue_dma source(%arg11 : memref<80x16xf32, #tpu.memory_space<vmem>>) target(%dma_start3A_168 : memref<80x16xf32, #tpu.memory_space<vmem_shared>>) target_semaphore(%run_scoped3A : memref<!tpu.dma_semaphore, #tpu.memory_space<semaphore_mem>>)
      %dma_wait3A_169 = arith.constant 0 : i32
      %dma_wait3A_170 = tpu.memref_slice %arg19[%add3A_41, %dma_wait3A_169] : memref<10000x16xf32, #tpu.memory_space<vmem_shared>> -> memref<80x16xf32, #tpu.memory_space<vmem_shared>>
      %dma_wait3A_171 = arith.constant 0 : i32
      %dma_wait3A_172 = tpu.memref_slice %arg19[%add3A_41, %dma_wait3A_171] : memref<10000x16xf32, #tpu.memory_space<vmem_shared>> -> memref<80x16xf32, #tpu.memory_space<vmem_shared>>
      tpu.wait_dma2 semaphore(%run_scoped3A : memref<!tpu.dma_semaphore, #tpu.memory_space<semaphore_mem>>) src(%arg11 : memref<80x16xf32, #tpu.memory_space<vmem>>) dst(%dma_wait3A_172 : memref<80x16xf32, #tpu.memory_space<vmem_shared>>)
      tpu.yield
    }) : () -> ()
    %add3A_42 = arith.constant 240 : i32
    %add3A_43 = arith.addi %mul3A_29, %add3A_42 : i32
    "tpu.region"() ({
      %run_scoped3A = tpu.sem_alloc : memref<!tpu.dma_semaphore, #tpu.memory_space<semaphore_mem>>
      %dma_start3A_165 = arith.constant 0 : i32
      %dma_start3A_166 = tpu.memref_slice %arg18[%add3A_43, %dma_start3A_165] : memref<10000x128xf32, #tpu.memory_space<vmem_shared>> -> memref<80x128xf32, #tpu.memory_space<vmem_shared>>
      %dma_start3A_167 = arith.constant 0 : i32
      %dma_start3A_168 = tpu.memref_slice %arg18[%add3A_43, %dma_start3A_167] : memref<10000x128xf32, #tpu.memory_space<vmem_shared>> -> memref<80x128xf32, #tpu.memory_space<vmem_shared>>
      tpu.enqueue_dma source(%arg12 : memref<80x128xf32, #tpu.memory_space<vmem>>) target(%dma_start3A_168 : memref<80x128xf32, #tpu.memory_space<vmem_shared>>) target_semaphore(%run_scoped3A : memref<!tpu.dma_semaphore, #tpu.memory_space<semaphore_mem>>)
      %dma_wait3A_169 = arith.constant 0 : i32
      %dma_wait3A_170 = tpu.memref_slice %arg18[%add3A_43, %dma_wait3A_169] : memref<10000x128xf32, #tpu.memory_space<vmem_shared>> -> memref<80x128xf32, #tpu.memory_space<vmem_shared>>
      %dma_wait3A_171 = arith.constant 0 : i32
      %dma_wait3A_172 = tpu.memref_slice %arg18[%add3A_43, %dma_wait3A_171] : memref<10000x128xf32, #tpu.memory_space<vmem_shared>> -> memref<80x128xf32, #tpu.memory_space<vmem_shared>>
      tpu.wait_dma2 semaphore(%run_scoped3A : memref<!tpu.dma_semaphore, #tpu.memory_space<semaphore_mem>>) src(%arg12 : memref<80x128xf32, #tpu.memory_space<vmem>>) dst(%dma_wait3A_172 : memref<80x128xf32, #tpu.memory_space<vmem_shared>>)
      tpu.yield
    }) : () -> ()
    %add3A_44 = arith.constant 240 : i32
    %add3A_45 = arith.addi %mul3A_29, %add3A_44 : i32
    "tpu.region"() ({
      %run_scoped3A = tpu.sem_alloc : memref<!tpu.dma_semaphore, #tpu.memory_space<semaphore_mem>>
      %dma_start3A_165 = arith.constant 0 : i32
      %dma_start3A_166 = tpu.memref_slice %arg19[%add3A_45, %dma_start3A_165] : memref<10000x16xf32, #tpu.memory_space<vmem_shared>> -> memref<80x16xf32, #tpu.memory_space<vmem_shared>>
      %dma_start3A_167 = arith.constant 0 : i32
      %dma_start3A_168 = tpu.memref_slice %arg19[%add3A_45, %dma_start3A_167] : memref<10000x16xf32, #tpu.memory_space<vmem_shared>> -> memref<80x16xf32, #tpu.memory_space<vmem_shared>>
      tpu.enqueue_dma source(%arg11 : memref<80x16xf32, #tpu.memory_space<vmem>>) target(%dma_start3A_168 : memref<80x16xf32, #tpu.memory_space<vmem_shared>>) target_semaphore(%run_scoped3A : memref<!tpu.dma_semaphore, #tpu.memory_space<semaphore_mem>>)
      %dma_wait3A_169 = arith.constant 0 : i32
      %dma_wait3A_170 = tpu.memref_slice %arg19[%add3A_45, %dma_wait3A_169] : memref<10000x16xf32, #tpu.memory_space<vmem_shared>> -> memref<80x16xf32, #tpu.memory_space<vmem_shared>>
      %dma_wait3A_171 = arith.constant 0 : i32
      %dma_wait3A_172 = tpu.memref_slice %arg19[%add3A_45, %dma_wait3A_171] : memref<10000x16xf32, #tpu.memory_space<vmem_shared>> -> memref<80x16xf32, #tpu.memory_space<vmem_shared>>
      tpu.wait_dma2 semaphore(%run_scoped3A : memref<!tpu.dma_semaphore, #tpu.memory_space<semaphore_mem>>) src(%arg11 : memref<80x16xf32, #tpu.memory_space<vmem>>) dst(%dma_wait3A_172 : memref<80x16xf32, #tpu.memory_space<vmem_shared>>)
      tpu.yield
    }) : () -> ()
    %add3A_46 = arith.constant 320 : i32
    %add3A_47 = arith.addi %mul3A_29, %add3A_46 : i32
    "tpu.region"() ({
      %run_scoped3A = tpu.sem_alloc : memref<!tpu.dma_semaphore, #tpu.memory_space<semaphore_mem>>
      %dma_start3A_165 = arith.constant 0 : i32
      %dma_start3A_166 = tpu.memref_slice %arg18[%add3A_47, %dma_start3A_165] : memref<10000x128xf32, #tpu.memory_space<vmem_shared>> -> memref<80x128xf32, #tpu.memory_space<vmem_shared>>
      %dma_start3A_167 = arith.constant 0 : i32
      %dma_start3A_168 = tpu.memref_slice %arg18[%add3A_47, %dma_start3A_167] : memref<10000x128xf32, #tpu.memory_space<vmem_shared>> -> memref<80x128xf32, #tpu.memory_space<vmem_shared>>
      tpu.enqueue_dma source(%arg12 : memref<80x128xf32, #tpu.memory_space<vmem>>) target(%dma_start3A_168 : memref<80x128xf32, #tpu.memory_space<vmem_shared>>) target_semaphore(%run_scoped3A : memref<!tpu.dma_semaphore, #tpu.memory_space<semaphore_mem>>)
      %dma_wait3A_169 = arith.constant 0 : i32
      %dma_wait3A_170 = tpu.memref_slice %arg18[%add3A_47, %dma_wait3A_169] : memref<10000x128xf32, #tpu.memory_space<vmem_shared>> -> memref<80x128xf32, #tpu.memory_space<vmem_shared>>
      %dma_wait3A_171 = arith.constant 0 : i32
      %dma_wait3A_172 = tpu.memref_slice %arg18[%add3A_47, %dma_wait3A_171] : memref<10000x128xf32, #tpu.memory_space<vmem_shared>> -> memref<80x128xf32, #tpu.memory_space<vmem_shared>>
      tpu.wait_dma2 semaphore(%run_scoped3A : memref<!tpu.dma_semaphore, #tpu.memory_space<semaphore_mem>>) src(%arg12 : memref<80x128xf32, #tpu.memory_space<vmem>>) dst(%dma_wait3A_172 : memref<80x128xf32, #tpu.memory_space<vmem_shared>>)
      tpu.yield
    }) : () -> ()
    %add3A_48 = arith.constant 320 : i32
    %add3A_49 = arith.addi %mul3A_29, %add3A_48 : i32
    "tpu.region"() ({
      %run_scoped3A = tpu.sem_alloc : memref<!tpu.dma_semaphore, #tpu.memory_space<semaphore_mem>>
      %dma_start3A_165 = arith.constant 0 : i32
      %dma_start3A_166 = tpu.memref_slice %arg19[%add3A_49, %dma_start3A_165] : memref<10000x16xf32, #tpu.memory_space<vmem_shared>> -> memref<80x16xf32, #tpu.memory_space<vmem_shared>>
      %dma_start3A_167 = arith.constant 0 : i32
      %dma_start3A_168 = tpu.memref_slice %arg19[%add3A_49, %dma_start3A_167] : memref<10000x16xf32, #tpu.memory_space<vmem_shared>> -> memref<80x16xf32, #tpu.memory_space<vmem_shared>>
      tpu.enqueue_dma source(%arg11 : memref<80x16xf32, #tpu.memory_space<vmem>>) target(%dma_start3A_168 : memref<80x16xf32, #tpu.memory_space<vmem_shared>>) target_semaphore(%run_scoped3A : memref<!tpu.dma_semaphore, #tpu.memory_space<semaphore_mem>>)
      %dma_wait3A_169 = arith.constant 0 : i32
      %dma_wait3A_170 = tpu.memref_slice %arg19[%add3A_49, %dma_wait3A_169] : memref<10000x16xf32, #tpu.memory_space<vmem_shared>> -> memref<80x16xf32, #tpu.memory_space<vmem_shared>>
      %dma_wait3A_171 = arith.constant 0 : i32
      %dma_wait3A_172 = tpu.memref_slice %arg19[%add3A_49, %dma_wait3A_171] : memref<10000x16xf32, #tpu.memory_space<vmem_shared>> -> memref<80x16xf32, #tpu.memory_space<vmem_shared>>
      tpu.wait_dma2 semaphore(%run_scoped3A : memref<!tpu.dma_semaphore, #tpu.memory_space<semaphore_mem>>) src(%arg11 : memref<80x16xf32, #tpu.memory_space<vmem>>) dst(%dma_wait3A_172 : memref<80x16xf32, #tpu.memory_space<vmem_shared>>)
      tpu.yield
    }) : () -> ()
    %add3A_50 = arith.constant 400 : i32
    %add3A_51 = arith.addi %mul3A_29, %add3A_50 : i32
    "tpu.region"() ({
      %run_scoped3A = tpu.sem_alloc : memref<!tpu.dma_semaphore, #tpu.memory_space<semaphore_mem>>
      %dma_start3A_165 = arith.constant 0 : i32
      %dma_start3A_166 = tpu.memref_slice %arg18[%add3A_51, %dma_start3A_165] : memref<10000x128xf32, #tpu.memory_space<vmem_shared>> -> memref<80x128xf32, #tpu.memory_space<vmem_shared>>
      %dma_start3A_167 = arith.constant 0 : i32
      %dma_start3A_168 = tpu.memref_slice %arg18[%add3A_51, %dma_start3A_167] : memref<10000x128xf32, #tpu.memory_space<vmem_shared>> -> memref<80x128xf32, #tpu.memory_space<vmem_shared>>
      tpu.enqueue_dma source(%arg12 : memref<80x128xf32, #tpu.memory_space<vmem>>) target(%dma_start3A_168 : memref<80x128xf32, #tpu.memory_space<vmem_shared>>) target_semaphore(%run_scoped3A : memref<!tpu.dma_semaphore, #tpu.memory_space<semaphore_mem>>)
      %dma_wait3A_169 = arith.constant 0 : i32
      %dma_wait3A_170 = tpu.memref_slice %arg18[%add3A_51, %dma_wait3A_169] : memref<10000x128xf32, #tpu.memory_space<vmem_shared>> -> memref<80x128xf32, #tpu.memory_space<vmem_shared>>
      %dma_wait3A_171 = arith.constant 0 : i32
      %dma_wait3A_172 = tpu.memref_slice %arg18[%add3A_51, %dma_wait3A_171] : memref<10000x128xf32, #tpu.memory_space<vmem_shared>> -> memref<80x128xf32, #tpu.memory_space<vmem_shared>>
      tpu.wait_dma2 semaphore(%run_scoped3A : memref<!tpu.dma_semaphore, #tpu.memory_space<semaphore_mem>>) src(%arg12 : memref<80x128xf32, #tpu.memory_space<vmem>>) dst(%dma_wait3A_172 : memref<80x128xf32, #tpu.memory_space<vmem_shared>>)
      tpu.yield
    }) : () -> ()
    %add3A_52 = arith.constant 400 : i32
    %add3A_53 = arith.addi %mul3A_29, %add3A_52 : i32
    "tpu.region"() ({
      %run_scoped3A = tpu.sem_alloc : memref<!tpu.dma_semaphore, #tpu.memory_space<semaphore_mem>>
      %dma_start3A_165 = arith.constant 0 : i32
      %dma_start3A_166 = tpu.memref_slice %arg19[%add3A_53, %dma_start3A_165] : memref<10000x16xf32, #tpu.memory_space<vmem_shared>> -> memref<80x16xf32, #tpu.memory_space<vmem_shared>>
      %dma_start3A_167 = arith.constant 0 : i32
      %dma_start3A_168 = tpu.memref_slice %arg19[%add3A_53, %dma_start3A_167] : memref<10000x16xf32, #tpu.memory_space<vmem_shared>> -> memref<80x16xf32, #tpu.memory_space<vmem_shared>>
      tpu.enqueue_dma source(%arg11 : memref<80x16xf32, #tpu.memory_space<vmem>>) target(%dma_start3A_168 : memref<80x16xf32, #tpu.memory_space<vmem_shared>>) target_semaphore(%run_scoped3A : memref<!tpu.dma_semaphore, #tpu.memory_space<semaphore_mem>>)
      %dma_wait3A_169 = arith.constant 0 : i32
      %dma_wait3A_170 = tpu.memref_slice %arg19[%add3A_53, %dma_wait3A_169] : memref<10000x16xf32, #tpu.memory_space<vmem_shared>> -> memref<80x16xf32, #tpu.memory_space<vmem_shared>>
      %dma_wait3A_171 = arith.constant 0 : i32
      %dma_wait3A_172 = tpu.memref_slice %arg19[%add3A_53, %dma_wait3A_171] : memref<10000x16xf32, #tpu.memory_space<vmem_shared>> -> memref<80x16xf32, #tpu.memory_space<vmem_shared>>
      tpu.wait_dma2 semaphore(%run_scoped3A : memref<!tpu.dma_semaphore, #tpu.memory_space<semaphore_mem>>) src(%arg11 : memref<80x16xf32, #tpu.memory_space<vmem>>) dst(%dma_wait3A_172 : memref<80x16xf32, #tpu.memory_space<vmem_shared>>)
      tpu.yield
    }) : () -> ()
    %add3A_54 = arith.constant 480 : i32
    %add3A_55 = arith.addi %mul3A_29, %add3A_54 : i32
    "tpu.region"() ({
      %run_scoped3A = tpu.sem_alloc : memref<!tpu.dma_semaphore, #tpu.memory_space<semaphore_mem>>
      %dma_start3A_165 = arith.constant 0 : i32
      %dma_start3A_166 = tpu.memref_slice %arg18[%add3A_55, %dma_start3A_165] : memref<10000x128xf32, #tpu.memory_space<vmem_shared>> -> memref<80x128xf32, #tpu.memory_space<vmem_shared>>
      %dma_start3A_167 = arith.constant 0 : i32
      %dma_start3A_168 = tpu.memref_slice %arg18[%add3A_55, %dma_start3A_167] : memref<10000x128xf32, #tpu.memory_space<vmem_shared>> -> memref<80x128xf32, #tpu.memory_space<vmem_shared>>
      tpu.enqueue_dma source(%arg12 : memref<80x128xf32, #tpu.memory_space<vmem>>) target(%dma_start3A_168 : memref<80x128xf32, #tpu.memory_space<vmem_shared>>) target_semaphore(%run_scoped3A : memref<!tpu.dma_semaphore, #tpu.memory_space<semaphore_mem>>)
      %dma_wait3A_169 = arith.constant 0 : i32
      %dma_wait3A_170 = tpu.memref_slice %arg18[%add3A_55, %dma_wait3A_169] : memref<10000x128xf32, #tpu.memory_space<vmem_shared>> -> memref<80x128xf32, #tpu.memory_space<vmem_shared>>
      %dma_wait3A_171 = arith.constant 0 : i32
      %dma_wait3A_172 = tpu.memref_slice %arg18[%add3A_55, %dma_wait3A_171] : memref<10000x128xf32, #tpu.memory_space<vmem_shared>> -> memref<80x128xf32, #tpu.memory_space<vmem_shared>>
      tpu.wait_dma2 semaphore(%run_scoped3A : memref<!tpu.dma_semaphore, #tpu.memory_space<semaphore_mem>>) src(%arg12 : memref<80x128xf32, #tpu.memory_space<vmem>>) dst(%dma_wait3A_172 : memref<80x128xf32, #tpu.memory_space<vmem_shared>>)
      tpu.yield
    }) : () -> ()
    %add3A_56 = arith.constant 480 : i32
    %add3A_57 = arith.addi %mul3A_29, %add3A_56 : i32
    "tpu.region"() ({
      %run_scoped3A = tpu.sem_alloc : memref<!tpu.dma_semaphore, #tpu.memory_space<semaphore_mem>>
      %dma_start3A_165 = arith.constant 0 : i32
      %dma_start3A_166 = tpu.memref_slice %arg19[%add3A_57, %dma_start3A_165] : memref<10000x16xf32, #tpu.memory_space<vmem_shared>> -> memref<80x16xf32, #tpu.memory_space<vmem_shared>>
      %dma_start3A_167 = arith.constant 0 : i32
      %dma_start3A_168 = tpu.memref_slice %arg19[%add3A_57, %dma_start3A_167] : memref<10000x16xf32, #tpu.memory_space<vmem_shared>> -> memref<80x16xf32, #tpu.memory_space<vmem_shared>>
      tpu.enqueue_dma source(%arg11 : memref<80x16xf32, #tpu.memory_space<vmem>>) target(%dma_start3A_168 : memref<80x16xf32, #tpu.memory_space<vmem_shared>>) target_semaphore(%run_scoped3A : memref<!tpu.dma_semaphore, #tpu.memory_space<semaphore_mem>>)
      %dma_wait3A_169 = arith.constant 0 : i32
      %dma_wait3A_170 = tpu.memref_slice %arg19[%add3A_57, %dma_wait3A_169] : memref<10000x16xf32, #tpu.memory_space<vmem_shared>> -> memref<80x16xf32, #tpu.memory_space<vmem_shared>>
      %dma_wait3A_171 = arith.constant 0 : i32
      %dma_wait3A_172 = tpu.memref_slice %arg19[%add3A_57, %dma_wait3A_171] : memref<10000x16xf32, #tpu.memory_space<vmem_shared>> -> memref<80x16xf32, #tpu.memory_space<vmem_shared>>
      tpu.wait_dma2 semaphore(%run_scoped3A : memref<!tpu.dma_semaphore, #tpu.memory_space<semaphore_mem>>) src(%arg11 : memref<80x16xf32, #tpu.memory_space<vmem>>) dst(%dma_wait3A_172 : memref<80x16xf32, #tpu.memory_space<vmem_shared>>)
      tpu.yield
    }) : () -> ()
    %add3A_58 = arith.constant 560 : i32
    %add3A_59 = arith.addi %mul3A_29, %add3A_58 : i32
    "tpu.region"() ({
      %run_scoped3A = tpu.sem_alloc : memref<!tpu.dma_semaphore, #tpu.memory_space<semaphore_mem>>
      %dma_start3A_165 = arith.constant 0 : i32
      %dma_start3A_166 = arith.constant 0 : i32
      %dma_start3A_167 = tpu.memref_slice %arg12[%dma_start3A_165, %dma_start3A_166] : memref<80x128xf32, #tpu.memory_space<vmem>> -> memref<64x128xf32, #tpu.memory_space<vmem>>
      %dma_start3A_168 = arith.constant 0 : i32
      %dma_start3A_169 = tpu.memref_slice %arg18[%add3A_59, %dma_start3A_168] : memref<10000x128xf32, #tpu.memory_space<vmem_shared>> -> memref<64x128xf32, #tpu.memory_space<vmem_shared>>
      %dma_start3A_170 = arith.constant 0 : i32
      %dma_start3A_171 = tpu.memref_slice %arg18[%add3A_59, %dma_start3A_170] : memref<10000x128xf32, #tpu.memory_space<vmem_shared>> -> memref<64x128xf32, #tpu.memory_space<vmem_shared>>
      %dma_start3A_172 = arith.constant 0 : i32
      %dma_start3A_173 = arith.constant 0 : i32
      %dma_start3A_174 = tpu.memref_slice %arg12[%dma_start3A_172, %dma_start3A_173] : memref<80x128xf32, #tpu.memory_space<vmem>> -> memref<64x128xf32, #tpu.memory_space<vmem>>
      tpu.enqueue_dma source(%dma_start3A_174 : memref<64x128xf32, #tpu.memory_space<vmem>>) target(%dma_start3A_171 : memref<64x128xf32, #tpu.memory_space<vmem_shared>>) target_semaphore(%run_scoped3A : memref<!tpu.dma_semaphore, #tpu.memory_space<semaphore_mem>>)
      %dma_wait3A_175 = arith.constant 0 : i32
      %dma_wait3A_176 = arith.constant 0 : i32
      %dma_wait3A_177 = tpu.memref_slice %arg12[%dma_wait3A_175, %dma_wait3A_176] : memref<80x128xf32, #tpu.memory_space<vmem>> -> memref<64x128xf32, #tpu.memory_space<vmem>>
      %dma_wait3A_178 = arith.constant 0 : i32
      %dma_wait3A_179 = tpu.memref_slice %arg18[%add3A_59, %dma_wait3A_178] : memref<10000x128xf32, #tpu.memory_space<vmem_shared>> -> memref<64x128xf32, #tpu.memory_space<vmem_shared>>
      %dma_wait3A_180 = arith.constant 0 : i32
      %dma_wait3A_181 = tpu.memref_slice %arg18[%add3A_59, %dma_wait3A_180] : memref<10000x128xf32, #tpu.memory_space<vmem_shared>> -> memref<64x128xf32, #tpu.memory_space<vmem_shared>>
      %dma_wait3A_182 = arith.constant 0 : i32
      %dma_wait3A_183 = arith.constant 0 : i32
      %dma_wait3A_184 = tpu.memref_slice %arg12[%dma_wait3A_182, %dma_wait3A_183] : memref<80x128xf32, #tpu.memory_space<vmem>> -> memref<64x128xf32, #tpu.memory_space<vmem>>
      tpu.wait_dma2 semaphore(%run_scoped3A : memref<!tpu.dma_semaphore, #tpu.memory_space<semaphore_mem>>) src(%dma_wait3A_184 : memref<64x128xf32, #tpu.memory_space<vmem>>) dst(%dma_wait3A_181 : memref<64x128xf32, #tpu.memory_space<vmem_shared>>)
      tpu.yield
    }) : () -> ()
    %add3A_60 = arith.constant 560 : i32
    %add3A_61 = arith.addi %mul3A_29, %add3A_60 : i32
    "tpu.region"() ({
      %run_scoped3A = tpu.sem_alloc : memref<!tpu.dma_semaphore, #tpu.memory_space<semaphore_mem>>
      %dma_start3A_165 = arith.constant 0 : i32
      %dma_start3A_166 = arith.constant 0 : i32
      %dma_start3A_167 = tpu.memref_slice %arg11[%dma_start3A_165, %dma_start3A_166] : memref<80x16xf32, #tpu.memory_space<vmem>> -> memref<64x16xf32, #tpu.memory_space<vmem>>
      %dma_start3A_168 = arith.constant 0 : i32
      %dma_start3A_169 = tpu.memref_slice %arg19[%add3A_61, %dma_start3A_168] : memref<10000x16xf32, #tpu.memory_space<vmem_shared>> -> memref<64x16xf32, #tpu.memory_space<vmem_shared>>
      %dma_start3A_170 = arith.constant 0 : i32
      %dma_start3A_171 = tpu.memref_slice %arg19[%add3A_61, %dma_start3A_170] : memref<10000x16xf32, #tpu.memory_space<vmem_shared>> -> memref<64x16xf32, #tpu.memory_space<vmem_shared>>
      %dma_start3A_172 = arith.constant 0 : i32
      %dma_start3A_173 = arith.constant 0 : i32
      %dma_start3A_174 = tpu.memref_slice %arg11[%dma_start3A_172, %dma_start3A_173] : memref<80x16xf32, #tpu.memory_space<vmem>> -> memref<64x16xf32, #tpu.memory_space<vmem>>
      tpu.enqueue_dma source(%dma_start3A_174 : memref<64x16xf32, #tpu.memory_space<vmem>>) target(%dma_start3A_171 : memref<64x16xf32, #tpu.memory_space<vmem_shared>>) target_semaphore(%run_scoped3A : memref<!tpu.dma_semaphore, #tpu.memory_space<semaphore_mem>>)
      %dma_wait3A_175 = arith.constant 0 : i32
      %dma_wait3A_176 = arith.constant 0 : i32
      %dma_wait3A_177 = tpu.memref_slice %arg11[%dma_wait3A_175, %dma_wait3A_176] : memref<80x16xf32, #tpu.memory_space<vmem>> -> memref<64x16xf32, #tpu.memory_space<vmem>>
      %dma_wait3A_178 = arith.constant 0 : i32
      %dma_wait3A_179 = tpu.memref_slice %arg19[%add3A_61, %dma_wait3A_178] : memref<10000x16xf32, #tpu.memory_space<vmem_shared>> -> memref<64x16xf32, #tpu.memory_space<vmem_shared>>
      %dma_wait3A_180 = arith.constant 0 : i32
      %dma_wait3A_181 = tpu.memref_slice %arg19[%add3A_61, %dma_wait3A_180] : memref<10000x16xf32, #tpu.memory_space<vmem_shared>> -> memref<64x16xf32, #tpu.memory_space<vmem_shared>>
      %dma_wait3A_182 = arith.constant 0 : i32
      %dma_wait3A_183 = arith.constant 0 : i32
      %dma_wait3A_184 = tpu.memref_slice %arg11[%dma_wait3A_182, %dma_wait3A_183] : memref<80x16xf32, #tpu.memory_space<vmem>> -> memref<64x16xf32, #tpu.memory_space<vmem>>
      tpu.wait_dma2 semaphore(%run_scoped3A : memref<!tpu.dma_semaphore, #tpu.memory_space<semaphore_mem>>) src(%dma_wait3A_184 : memref<64x16xf32, #tpu.memory_space<vmem>>) dst(%dma_wait3A_181 : memref<64x16xf32, #tpu.memory_space<vmem_shared>>)
      tpu.yield
    }) : () -> ()
    %eq3A_62 = arith.constant 15 : i32
    %eq3A_63 = arith.cmpi eq, %arg1, %eq3A_62 : i32
    %convert_element_type3A = arith.extui %eq3A_63 : i1 to i32
    %cond3A = arith.constant 0 : i32
    %cond3A_64 = arith.cmpi ne, %convert_element_type3A, %cond3A : i32
    scf.if %cond3A_64 {
      "tpu.region"() ({
        %run_scoped3A = tpu.sem_alloc : memref<!tpu.dma_semaphore, #tpu.memory_space<semaphore_mem>>
        %dma_start3A_165 = arith.constant 0 : i32
        %dma_start3A_166 = arith.constant 0 : i32
        %dma_start3A_167 = tpu.memref_slice %arg12[%dma_start3A_165, %dma_start3A_166] : memref<80x128xf32, #tpu.memory_space<vmem>> -> memref<16x128xf32, #tpu.memory_space<vmem>>
        %dma_start3A_168 = arith.constant 9984 : i32
        %dma_start3A_169 = arith.constant 0 : i32
        %dma_start3A_170 = tpu.memref_slice %arg18[%dma_start3A_168, %dma_start3A_169] : memref<10000x128xf32, #tpu.memory_space<vmem_shared>> -> memref<16x128xf32, #tpu.memory_space<vmem_shared>>
        %dma_start3A_171 = arith.constant 9984 : i32
        %dma_start3A_172 = arith.constant 0 : i32
        %dma_start3A_173 = tpu.memref_slice %arg18[%dma_start3A_171, %dma_start3A_172] : memref<10000x128xf32, #tpu.memory_space<vmem_shared>> -> memref<16x128xf32, #tpu.memory_space<vmem_shared>>
        %dma_start3A_174 = arith.constant 0 : i32
        %dma_start3A_175 = arith.constant 0 : i32
        %dma_start3A_176 = tpu.memref_slice %arg12[%dma_start3A_174, %dma_start3A_175] : memref<80x128xf32, #tpu.memory_space<vmem>> -> memref<16x128xf32, #tpu.memory_space<vmem>>
        tpu.enqueue_dma source(%dma_start3A_176 : memref<16x128xf32, #tpu.memory_space<vmem>>) target(%dma_start3A_173 : memref<16x128xf32, #tpu.memory_space<vmem_shared>>) target_semaphore(%run_scoped3A : memref<!tpu.dma_semaphore, #tpu.memory_space<semaphore_mem>>)
        %dma_wait3A_177 = arith.constant 0 : i32
        %dma_wait3A_178 = arith.constant 0 : i32
        %dma_wait3A_179 = tpu.memref_slice %arg12[%dma_wait3A_177, %dma_wait3A_178] : memref<80x128xf32, #tpu.memory_space<vmem>> -> memref<16x128xf32, #tpu.memory_space<vmem>>
        %dma_wait3A_180 = arith.constant 9984 : i32
        %dma_wait3A_181 = arith.constant 0 : i32
        %dma_wait3A_182 = tpu.memref_slice %arg18[%dma_wait3A_180, %dma_wait3A_181] : memref<10000x128xf32, #tpu.memory_space<vmem_shared>> -> memref<16x128xf32, #tpu.memory_space<vmem_shared>>
        %dma_wait3A_183 = arith.constant 9984 : i32
        %dma_wait3A_184 = arith.constant 0 : i32
        %dma_wait3A_185 = tpu.memref_slice %arg18[%dma_wait3A_183, %dma_wait3A_184] : memref<10000x128xf32, #tpu.memory_space<vmem_shared>> -> memref<16x128xf32, #tpu.memory_space<vmem_shared>>
        %dma_wait3A_186 = arith.constant 0 : i32
        %dma_wait3A_187 = arith.constant 0 : i32
        %dma_wait3A_188 = tpu.memref_slice %arg12[%dma_wait3A_186, %dma_wait3A_187] : memref<80x128xf32, #tpu.memory_space<vmem>> -> memref<16x128xf32, #tpu.memory_space<vmem>>
        tpu.wait_dma2 semaphore(%run_scoped3A : memref<!tpu.dma_semaphore, #tpu.memory_space<semaphore_mem>>) src(%dma_wait3A_188 : memref<16x128xf32, #tpu.memory_space<vmem>>) dst(%dma_wait3A_185 : memref<16x128xf32, #tpu.memory_space<vmem_shared>>)
        tpu.yield
      }) : () -> ()
      "tpu.region"() ({
        %run_scoped3A = tpu.sem_alloc : memref<!tpu.dma_semaphore, #tpu.memory_space<semaphore_mem>>
        %dma_start3A_165 = arith.constant 0 : i32
        %dma_start3A_166 = arith.constant 0 : i32
        %dma_start3A_167 = tpu.memref_slice %arg11[%dma_start3A_165, %dma_start3A_166] : memref<80x16xf32, #tpu.memory_space<vmem>> -> memref<16x16xf32, #tpu.memory_space<vmem>>
        %dma_start3A_168 = arith.constant 9984 : i32
        %dma_start3A_169 = arith.constant 0 : i32
        %dma_start3A_170 = tpu.memref_slice %arg19[%dma_start3A_168, %dma_start3A_169] : memref<10000x16xf32, #tpu.memory_space<vmem_shared>> -> memref<16x16xf32, #tpu.memory_space<vmem_shared>>
        %dma_start3A_171 = arith.constant 9984 : i32
        %dma_start3A_172 = arith.constant 0 : i32
        %dma_start3A_173 = tpu.memref_slice %arg19[%dma_start3A_171, %dma_start3A_172] : memref<10000x16xf32, #tpu.memory_space<vmem_shared>> -> memref<16x16xf32, #tpu.memory_space<vmem_shared>>
        %dma_start3A_174 = arith.constant 0 : i32
        %dma_start3A_175 = arith.constant 0 : i32
        %dma_start3A_176 = tpu.memref_slice %arg11[%dma_start3A_174, %dma_start3A_175] : memref<80x16xf32, #tpu.memory_space<vmem>> -> memref<16x16xf32, #tpu.memory_space<vmem>>
        tpu.enqueue_dma source(%dma_start3A_176 : memref<16x16xf32, #tpu.memory_space<vmem>>) target(%dma_start3A_173 : memref<16x16xf32, #tpu.memory_space<vmem_shared>>) target_semaphore(%run_scoped3A : memref<!tpu.dma_semaphore, #tpu.memory_space<semaphore_mem>>)
        %dma_wait3A_177 = arith.constant 0 : i32
        %dma_wait3A_178 = arith.constant 0 : i32
        %dma_wait3A_179 = tpu.memref_slice %arg11[%dma_wait3A_177, %dma_wait3A_178] : memref<80x16xf32, #tpu.memory_space<vmem>> -> memref<16x16xf32, #tpu.memory_space<vmem>>
        %dma_wait3A_180 = arith.constant 9984 : i32
        %dma_wait3A_181 = arith.constant 0 : i32
        %dma_wait3A_182 = tpu.memref_slice %arg19[%dma_wait3A_180, %dma_wait3A_181] : memref<10000x16xf32, #tpu.memory_space<vmem_shared>> -> memref<16x16xf32, #tpu.memory_space<vmem_shared>>
        %dma_wait3A_183 = arith.constant 9984 : i32
        %dma_wait3A_184 = arith.constant 0 : i32
        %dma_wait3A_185 = tpu.memref_slice %arg19[%dma_wait3A_183, %dma_wait3A_184] : memref<10000x16xf32, #tpu.memory_space<vmem_shared>> -> memref<16x16xf32, #tpu.memory_space<vmem_shared>>
        %dma_wait3A_186 = arith.constant 0 : i32
        %dma_wait3A_187 = arith.constant 0 : i32
        %dma_wait3A_188 = tpu.memref_slice %arg11[%dma_wait3A_186, %dma_wait3A_187] : memref<80x16xf32, #tpu.memory_space<vmem>> -> memref<16x16xf32, #tpu.memory_space<vmem>>
        tpu.wait_dma2 semaphore(%run_scoped3A : memref<!tpu.dma_semaphore, #tpu.memory_space<semaphore_mem>>) src(%dma_wait3A_188 : memref<16x16xf32, #tpu.memory_space<vmem>>) dst(%dma_wait3A_185 : memref<16x16xf32, #tpu.memory_space<vmem_shared>>)
        tpu.yield
      }) : () -> ()
    } else {
    }
    %barrier3A = arith.constant 0 : index
    tpu.barrier barrier_id(%barrier3A)
    %mul3A_65 = arith.constant 10000 : i32
    %mul3A_66 = arith.muli %add3A, %mul3A_65 : i32
    %add3A_67 = arith.constant 0 : i32
    %add3A_68 = arith.addi %mul3A_66, %add3A_67 : i32
    "tpu.region"() ({
      %run_scoped3A = tpu.sem_alloc : memref<!tpu.dma_semaphore, #tpu.memory_space<semaphore_mem>>
      %dma_start3A_165 = tpu.memref_slice %arg4[%add3A_68] : memref<640000xi32, #tpu.memory_space<hbm>> -> memref<80xi32, #tpu.memory_space<hbm>>
      %dma_start3A_166 = tpu.memref_slice %arg4[%add3A_68] : memref<640000xi32, #tpu.memory_space<hbm>> -> memref<80xi32, #tpu.memory_space<hbm>>
      tpu.enqueue_dma source(%dma_start3A_166 : memref<80xi32, #tpu.memory_space<hbm>>) target(%arg7 : memref<80xi32, #tpu.memory_space<vmem>>) target_semaphore(%run_scoped3A : memref<!tpu.dma_semaphore, #tpu.memory_space<semaphore_mem>>)
      %dma_wait3A_167 = tpu.memref_slice %arg4[%add3A_68] : memref<640000xi32, #tpu.memory_space<hbm>> -> memref<80xi32, #tpu.memory_space<hbm>>
      %dma_wait3A_168 = tpu.memref_slice %arg4[%add3A_68] : memref<640000xi32, #tpu.memory_space<hbm>> -> memref<80xi32, #tpu.memory_space<hbm>>
      tpu.wait_dma2 semaphore(%run_scoped3A : memref<!tpu.dma_semaphore, #tpu.memory_space<semaphore_mem>>) src(%dma_wait3A_168 : memref<80xi32, #tpu.memory_space<hbm>>) dst(%arg7 : memref<80xi32, #tpu.memory_space<vmem>>)
      tpu.yield
    }) : () -> ()
    %add3A_69 = arith.constant 320000 : i32
    %add3A_70 = arith.addi %add3A_69, %add3A_68 : i32
    "tpu.region"() ({
      %run_scoped3A = tpu.sem_alloc : memref<!tpu.dma_semaphore, #tpu.memory_space<semaphore_mem>>
      %dma_start3A_165 = tpu.memref_slice %arg4[%add3A_70] : memref<640000xi32, #tpu.memory_space<hbm>> -> memref<80xi32, #tpu.memory_space<hbm>>
      %dma_start3A_166 = tpu.memref_slice %arg4[%add3A_70] : memref<640000xi32, #tpu.memory_space<hbm>> -> memref<80xi32, #tpu.memory_space<hbm>>
      tpu.enqueue_dma source(%dma_start3A_166 : memref<80xi32, #tpu.memory_space<hbm>>) target(%arg8 : memref<80xi32, #tpu.memory_space<vmem>>) target_semaphore(%run_scoped3A : memref<!tpu.dma_semaphore, #tpu.memory_space<semaphore_mem>>)
      %dma_wait3A_167 = tpu.memref_slice %arg4[%add3A_70] : memref<640000xi32, #tpu.memory_space<hbm>> -> memref<80xi32, #tpu.memory_space<hbm>>
      %dma_wait3A_168 = tpu.memref_slice %arg4[%add3A_70] : memref<640000xi32, #tpu.memory_space<hbm>> -> memref<80xi32, #tpu.memory_space<hbm>>
      tpu.wait_dma2 semaphore(%run_scoped3A : memref<!tpu.dma_semaphore, #tpu.memory_space<semaphore_mem>>) src(%dma_wait3A_168 : memref<80xi32, #tpu.memory_space<hbm>>) dst(%arg8 : memref<80xi32, #tpu.memory_space<vmem>>)
      tpu.yield
    }) : () -> ()
    %dma_start3A = arith.constant 0 : i32
    %dma_start3A_71 = arith.constant 0 : i32
    %dma_start3A_72 = tpu.memref_slice %arg3[%dma_start3A, %dma_start3A_71] : memref<10000x16xf32, #tpu.memory_space<hbm>> -> memref<10000x16xf32, #tpu.memory_space<hbm>>
    tpu.enqueue_indirect_dma source(%dma_start3A_72 : memref<10000x16xf32, #tpu.memory_space<hbm>>) target(%arg9 : memref<80x16xf32, #tpu.memory_space<vmem>>) offsets(%arg7 : memref<80xi32, #tpu.memory_space<vmem>>) semaphore(%arg20 : memref<!tpu.dma_semaphore, #tpu.memory_space<semaphore_mem>>)
    %dma_start3A_73 = arith.constant 0 : i32
    %dma_start3A_74 = arith.constant 0 : i32
    %dma_start3A_75 = tpu.memref_slice %arg3[%dma_start3A_73, %dma_start3A_74] : memref<10000x16xf32, #tpu.memory_space<hbm>> -> memref<10000x16xf32, #tpu.memory_space<hbm>>
    tpu.enqueue_indirect_dma source(%dma_start3A_75 : memref<10000x16xf32, #tpu.memory_space<hbm>>) target(%arg10 : memref<80x16xf32, #tpu.memory_space<vmem>>) offsets(%arg8 : memref<80xi32, #tpu.memory_space<vmem>>) semaphore(%arg21 : memref<!tpu.dma_semaphore, #tpu.memory_space<semaphore_mem>>)
    %dma_start3A_76 = arith.constant 0 : i32
    %dma_start3A_77 = arith.constant 0 : i32
    %dma_start3A_78 = tpu.memref_slice %arg2[%dma_start3A_76, %dma_start3A_77] : memref<10000x128xf32, #tpu.memory_space<hbm>> -> memref<10000x128xf32, #tpu.memory_space<hbm>>
    tpu.enqueue_indirect_dma source(%dma_start3A_78 : memref<10000x128xf32, #tpu.memory_space<hbm>>) target(%arg12 : memref<80x128xf32, #tpu.memory_space<vmem>>) offsets(%arg7 : memref<80xi32, #tpu.memory_space<vmem>>) semaphore(%arg22 : memref<!tpu.dma_semaphore, #tpu.memory_space<semaphore_mem>>)
    %scan3A_79 = arith.constant 0 : i32
    %scan3A_80 = arith.constant 0 : i32
    %scan3A_81 = arith.constant 62 : i32
    %scan3A_82 = arith.addi %scan3A_80, %scan3A_81 : i32
    %scan3A_83 = arith.constant 1 : i32
    scf.for %scan3A_165 = %scan3A_80 to %scan3A_82 step %scan3A_83  : i32 {
      %mul3A_166 = arith.constant 2 : i32
      %mul3A_167 = arith.muli %mul3A_166, %scan3A_165 : i32
      %add3A_168 = arith.constant 1 : i32
      %add3A_169 = arith.addi %mul3A_167, %add3A_168 : i32
      %mul3A_170 = arith.constant 10000 : i32
      %mul3A_171 = arith.muli %add3A, %mul3A_170 : i32
      %mul3A_172 = arith.constant 80 : i32
      %mul3A_173 = arith.muli %add3A_169, %mul3A_172 : i32
      %add3A_174 = arith.addi %mul3A_171, %mul3A_173 : i32
      "tpu.region"() ({
        %run_scoped3A = tpu.sem_alloc : memref<!tpu.dma_semaphore, #tpu.memory_space<semaphore_mem>>
        %dma_start3A_231 = tpu.memref_slice %arg4[%add3A_174] : memref<640000xi32, #tpu.memory_space<hbm>> -> memref<80xi32, #tpu.memory_space<hbm>>
        %dma_start3A_232 = tpu.memref_slice %arg4[%add3A_174] : memref<640000xi32, #tpu.memory_space<hbm>> -> memref<80xi32, #tpu.memory_space<hbm>>
        tpu.enqueue_dma source(%dma_start3A_232 : memref<80xi32, #tpu.memory_space<hbm>>) target(%arg13 : memref<80xi32, #tpu.memory_space<vmem>>) target_semaphore(%run_scoped3A : memref<!tpu.dma_semaphore, #tpu.memory_space<semaphore_mem>>)
        %dma_wait3A_233 = tpu.memref_slice %arg4[%add3A_174] : memref<640000xi32, #tpu.memory_space<hbm>> -> memref<80xi32, #tpu.memory_space<hbm>>
        %dma_wait3A_234 = tpu.memref_slice %arg4[%add3A_174] : memref<640000xi32, #tpu.memory_space<hbm>> -> memref<80xi32, #tpu.memory_space<hbm>>
        tpu.wait_dma2 semaphore(%run_scoped3A : memref<!tpu.dma_semaphore, #tpu.memory_space<semaphore_mem>>) src(%dma_wait3A_234 : memref<80xi32, #tpu.memory_space<hbm>>) dst(%arg13 : memref<80xi32, #tpu.memory_space<vmem>>)
        tpu.yield
      }) : () -> ()
      %add3A_175 = arith.constant 320000 : i32
      %add3A_176 = arith.addi %add3A_175, %add3A_174 : i32
      "tpu.region"() ({
        %run_scoped3A = tpu.sem_alloc : memref<!tpu.dma_semaphore, #tpu.memory_space<semaphore_mem>>
        %dma_start3A_231 = tpu.memref_slice %arg4[%add3A_176] : memref<640000xi32, #tpu.memory_space<hbm>> -> memref<80xi32, #tpu.memory_space<hbm>>
        %dma_start3A_232 = tpu.memref_slice %arg4[%add3A_176] : memref<640000xi32, #tpu.memory_space<hbm>> -> memref<80xi32, #tpu.memory_space<hbm>>
        tpu.enqueue_dma source(%dma_start3A_232 : memref<80xi32, #tpu.memory_space<hbm>>) target(%arg14 : memref<80xi32, #tpu.memory_space<vmem>>) target_semaphore(%run_scoped3A : memref<!tpu.dma_semaphore, #tpu.memory_space<semaphore_mem>>)
        %dma_wait3A_233 = tpu.memref_slice %arg4[%add3A_176] : memref<640000xi32, #tpu.memory_space<hbm>> -> memref<80xi32, #tpu.memory_space<hbm>>
        %dma_wait3A_234 = tpu.memref_slice %arg4[%add3A_176] : memref<640000xi32, #tpu.memory_space<hbm>> -> memref<80xi32, #tpu.memory_space<hbm>>
        tpu.wait_dma2 semaphore(%run_scoped3A : memref<!tpu.dma_semaphore, #tpu.memory_space<semaphore_mem>>) src(%dma_wait3A_234 : memref<80xi32, #tpu.memory_space<hbm>>) dst(%arg14 : memref<80xi32, #tpu.memory_space<vmem>>)
        tpu.yield
      }) : () -> ()
      %dma_start3A_177 = arith.constant 0 : i32
      %dma_start3A_178 = arith.constant 0 : i32
      %dma_start3A_179 = tpu.memref_slice %arg3[%dma_start3A_177, %dma_start3A_178] : memref<10000x16xf32, #tpu.memory_space<hbm>> -> memref<10000x16xf32, #tpu.memory_space<hbm>>
      tpu.enqueue_indirect_dma source(%dma_start3A_179 : memref<10000x16xf32, #tpu.memory_space<hbm>>) target(%arg15 : memref<80x16xf32, #tpu.memory_space<vmem>>) offsets(%arg13 : memref<80xi32, #tpu.memory_space<vmem>>) semaphore(%arg23 : memref<!tpu.dma_semaphore, #tpu.memory_space<semaphore_mem>>)
      %dma_start3A_180 = arith.constant 0 : i32
      %dma_start3A_181 = arith.constant 0 : i32
      %dma_start3A_182 = tpu.memref_slice %arg3[%dma_start3A_180, %dma_start3A_181] : memref<10000x16xf32, #tpu.memory_space<hbm>> -> memref<10000x16xf32, #tpu.memory_space<hbm>>
      tpu.enqueue_indirect_dma source(%dma_start3A_182 : memref<10000x16xf32, #tpu.memory_space<hbm>>) target(%arg16 : memref<80x16xf32, #tpu.memory_space<vmem>>) offsets(%arg14 : memref<80xi32, #tpu.memory_space<vmem>>) semaphore(%arg24 : memref<!tpu.dma_semaphore, #tpu.memory_space<semaphore_mem>>)
      %dma_start3A_183 = arith.constant 0 : i32
      %dma_start3A_184 = arith.constant 0 : i32
      %dma_start3A_185 = tpu.memref_slice %arg2[%dma_start3A_183, %dma_start3A_184] : memref<10000x128xf32, #tpu.memory_space<hbm>> -> memref<10000x128xf32, #tpu.memory_space<hbm>>
      tpu.enqueue_indirect_dma source(%dma_start3A_185 : memref<10000x128xf32, #tpu.memory_space<hbm>>) target(%arg17 : memref<80x128xf32, #tpu.memory_space<vmem>>) offsets(%arg13 : memref<80xi32, #tpu.memory_space<vmem>>) semaphore(%arg25 : memref<!tpu.dma_semaphore, #tpu.memory_space<semaphore_mem>>)
      %dma_wait3A_186 = arith.constant 0 : i32
      %dma_wait3A_187 = arith.constant 0 : i32
      %dma_wait3A_188 = tpu.memref_slice %arg3[%dma_wait3A_186, %dma_wait3A_187] : memref<10000x16xf32, #tpu.memory_space<hbm>> -> memref<10000x16xf32, #tpu.memory_space<hbm>>
      tpu.wait_indirect_dma semaphore(%arg20 : memref<!tpu.dma_semaphore, #tpu.memory_space<semaphore_mem>>) src(%dma_wait3A_188 : memref<10000x16xf32, #tpu.memory_space<hbm>>) dst(%arg9 : memref<80x16xf32, #tpu.memory_space<vmem>>)
      %dma_wait3A_189 = arith.constant 0 : i32
      %dma_wait3A_190 = arith.constant 0 : i32
      %dma_wait3A_191 = tpu.memref_slice %arg3[%dma_wait3A_189, %dma_wait3A_190] : memref<10000x16xf32, #tpu.memory_space<hbm>> -> memref<10000x16xf32, #tpu.memory_space<hbm>>
      tpu.wait_indirect_dma semaphore(%arg21 : memref<!tpu.dma_semaphore, #tpu.memory_space<semaphore_mem>>) src(%dma_wait3A_191 : memref<10000x16xf32, #tpu.memory_space<hbm>>) dst(%arg10 : memref<80x16xf32, #tpu.memory_space<vmem>>)
      %dma_wait3A_192 = arith.constant 0 : i32
      %dma_wait3A_193 = arith.constant 0 : i32
      %dma_wait3A_194 = tpu.memref_slice %arg2[%dma_wait3A_192, %dma_wait3A_193] : memref<10000x128xf32, #tpu.memory_space<hbm>> -> memref<10000x128xf32, #tpu.memory_space<hbm>>
      tpu.wait_indirect_dma semaphore(%arg22 : memref<!tpu.dma_semaphore, #tpu.memory_space<semaphore_mem>>) src(%dma_wait3A_194 : memref<10000x128xf32, #tpu.memory_space<hbm>>) dst(%arg12 : memref<80x128xf32, #tpu.memory_space<vmem>>)
      %parallel_loop3A_195 = arith.constant 0 : i32
      %parallel_loop3A_196 = arith.constant 80 : i32
      %parallel_loop3A_197 = arith.constant 1 : i32
      scf.for %parallel_loop3A_231 = %parallel_loop3A_195 to %parallel_loop3A_196 step %parallel_loop3A_197  : i32 {
        %parallel_loop3A_232 = arith.index_cast %parallel_loop3A_231 : i32 to index
        %parallel_loop3A_233 = arith.constant 0 : index
        %parallel_loop3A_234 = tpu.vector_load %arg9[%parallel_loop3A_232, %parallel_loop3A_233] {strides = array<i32>} : memref<80x16xf32, #tpu.memory_space<vmem>>, vector<1x16xf32>,
        %parallel_loop3A_235 = vector.shape_cast %parallel_loop3A_234 : vector<1x16xf32> to vector<16xf32>
        %parallel_loop3A_236 = arith.index_cast %parallel_loop3A_231 : i32 to index
        %parallel_loop3A_237 = arith.constant 0 : index
        %parallel_loop3A_238 = tpu.vector_load %arg10[%parallel_loop3A_236, %parallel_loop3A_237] {strides = array<i32>} : memref<80x16xf32, #tpu.memory_space<vmem>>, vector<1x16xf32>,
        %parallel_loop3A_239 = vector.shape_cast %parallel_loop3A_238 : vector<1x16xf32> to vector<16xf32>
        %parallel_loop3A_240 = vector.shape_cast %add3A_19 : vector<16xi32> to vector<16x1xi32>
        %parallel_loop3A_241 = vector.shape_cast %parallel_loop3A_240 : vector<16x1xi32> to vector<16xi32>
        %parallel_loop3A_242 = tpu.dynamic_gather %parallel_loop3A_239[%parallel_loop3A_241] in [0] : vector<16xf32>, vector<16xi32> -> vector<16xf32>
        %parallel_loop3A_243 = arith.addf %parallel_loop3A_235, %parallel_loop3A_242 : vector<16xf32>
        %parallel_loop3A_244 = arith.constant 0.000000e+00 : f32
        %parallel_loop3A_245 = vector.broadcast %parallel_loop3A_244 : f32 to vector<16xf32>
        %parallel_loop3A_246 = arith.cmpf oge, %parallel_loop3A_243, %parallel_loop3A_245 : vector<16xf32>
        %parallel_loop3A_247 = arith.constant 2.000000e-01 : f32
        %parallel_loop3A_248 = vector.broadcast %parallel_loop3A_247 : f32 to vector<16xf32>
        %parallel_loop3A_249 = arith.mulf %parallel_loop3A_248, %parallel_loop3A_243 : vector<16xf32>
        %parallel_loop3A_250 = arith.select %parallel_loop3A_246, %parallel_loop3A_243, %parallel_loop3A_249 : vector<16xi1>, vector<16xf32>
        %parallel_loop3A_251 = math.exp %parallel_loop3A_250 : vector<16xf32>
        %parallel_loop3A_252 = arith.constant 0.000000e+00 : f32
        %parallel_loop3A_253 = vector.broadcast %parallel_loop3A_252 : f32 to vector<16xf32>
        %parallel_loop3A_254 = arith.select %lt3A_22, %parallel_loop3A_251, %parallel_loop3A_253 : vector<16xi1>, vector<16xf32>
        %parallel_loop3A_255 = arith.index_cast %parallel_loop3A_231 : i32 to index
        %parallel_loop3A_256 = arith.constant 0 : index
        %parallel_loop3A_257 = tpu.vector_load %arg11[%parallel_loop3A_255, %parallel_loop3A_256] {strides = array<i32>} : memref<80x16xf32, #tpu.memory_space<vmem>>, vector<1x16xf32>,
        %parallel_loop3A_258 = vector.shape_cast %parallel_loop3A_257 : vector<1x16xf32> to vector<16xf32>
        %parallel_loop3A_259 = vector.shape_cast %parallel_loop3A_254 : vector<16xf32> to vector<1x16xf32>
        tpu.vector_store %arg11[%parallel_loop3A_255, %parallel_loop3A_256], %parallel_loop3A_259 {strides = array<i32>} : memref<80x16xf32, #tpu.memory_space<vmem>>, vector<1x16xf32>,
        %parallel_loop3A_260 = arith.constant 0 : i32
        %parallel_loop3A_261 = vector.broadcast %parallel_loop3A_260 : i32 to vector<16xi32>
        %parallel_loop3A_262 = vector.shape_cast %parallel_loop3A_261 : vector<16xi32> to vector<16x1xi32>
        %parallel_loop3A_263 = vector.shape_cast %parallel_loop3A_262 : vector<16x1xi32> to vector<16xi32>
        %parallel_loop3A_264 = tpu.dynamic_gather %parallel_loop3A_251[%parallel_loop3A_263] in [0] : vector<16xf32>, vector<16xi32> -> vector<16xf32>
        %parallel_loop3A_265 = arith.index_cast %parallel_loop3A_231 : i32 to index
        %parallel_loop3A_266 = arith.constant 0 : index
        %parallel_loop3A_267 = tpu.vector_load %arg12[%parallel_loop3A_265, %parallel_loop3A_266] {strides = array<i32>} : memref<80x128xf32, #tpu.memory_space<vmem>>, vector<1x16xf32>,
        %parallel_loop3A_268 = vector.shape_cast %parallel_loop3A_267 : vector<1x16xf32> to vector<16xf32>
        %parallel_loop3A_269 = arith.mulf %parallel_loop3A_268, %parallel_loop3A_264 : vector<16xf32>
        %parallel_loop3A_270 = arith.index_cast %parallel_loop3A_231 : i32 to index
        %parallel_loop3A_271 = arith.constant 0 : index
        %parallel_loop3A_272 = tpu.vector_load %arg12[%parallel_loop3A_270, %parallel_loop3A_271] {strides = array<i32>} : memref<80x128xf32, #tpu.memory_space<vmem>>, vector<1x16xf32>,
        %parallel_loop3A_273 = vector.shape_cast %parallel_loop3A_272 : vector<1x16xf32> to vector<16xf32>
        %parallel_loop3A_274 = vector.shape_cast %parallel_loop3A_269 : vector<16xf32> to vector<1x16xf32>
        tpu.vector_store %arg12[%parallel_loop3A_270, %parallel_loop3A_271], %parallel_loop3A_274 {strides = array<i32>} : memref<80x128xf32, #tpu.memory_space<vmem>>, vector<1x16xf32>,
        %parallel_loop3A_275 = arith.index_cast %parallel_loop3A_231 : i32 to index
        %parallel_loop3A_276 = arith.constant 16 : index
        %parallel_loop3A_277 = tpu.vector_load %arg12[%parallel_loop3A_275, %parallel_loop3A_276] {strides = array<i32>} : memref<80x128xf32, #tpu.memory_space<vmem>>, vector<1x16xf32>,
        %parallel_loop3A_278 = vector.shape_cast %parallel_loop3A_277 : vector<1x16xf32> to vector<16xf32>
        %parallel_loop3A_279 = arith.mulf %parallel_loop3A_278, %parallel_loop3A_264 : vector<16xf32>
        %parallel_loop3A_280 = arith.index_cast %parallel_loop3A_231 : i32 to index
        %parallel_loop3A_281 = arith.constant 16 : index
        %parallel_loop3A_282 = tpu.vector_load %arg12[%parallel_loop3A_280, %parallel_loop3A_281] {strides = array<i32>} : memref<80x128xf32, #tpu.memory_space<vmem>>, vector<1x16xf32>,
        %parallel_loop3A_283 = vector.shape_cast %parallel_loop3A_282 : vector<1x16xf32> to vector<16xf32>
        %parallel_loop3A_284 = vector.shape_cast %parallel_loop3A_279 : vector<16xf32> to vector<1x16xf32>
        tpu.vector_store %arg12[%parallel_loop3A_280, %parallel_loop3A_281], %parallel_loop3A_284 {strides = array<i32>} : memref<80x128xf32, #tpu.memory_space<vmem>>, vector<1x16xf32>,
        %parallel_loop3A_285 = arith.constant 1 : i32
        %parallel_loop3A_286 = vector.broadcast %parallel_loop3A_285 : i32 to vector<16xi32>
        %parallel_loop3A_287 = vector.shape_cast %parallel_loop3A_286 : vector<16xi32> to vector<16x1xi32>
        %parallel_loop3A_288 = vector.shape_cast %parallel_loop3A_287 : vector<16x1xi32> to vector<16xi32>
        %parallel_loop3A_289 = tpu.dynamic_gather %parallel_loop3A_251[%parallel_loop3A_288] in [0] : vector<16xf32>, vector<16xi32> -> vector<16xf32>
        %parallel_loop3A_290 = arith.index_cast %parallel_loop3A_231 : i32 to index
        %parallel_loop3A_291 = arith.constant 32 : index
        %parallel_loop3A_292 = tpu.vector_load %arg12[%parallel_loop3A_290, %parallel_loop3A_291] {strides = array<i32>} : memref<80x128xf32, #tpu.memory_space<vmem>>, vector<1x16xf32>,
        %parallel_loop3A_293 = vector.shape_cast %parallel_loop3A_292 : vector<1x16xf32> to vector<16xf32>
        %parallel_loop3A_294 = arith.mulf %parallel_loop3A_293, %parallel_loop3A_289 : vector<16xf32>
        %parallel_loop3A_295 = arith.index_cast %parallel_loop3A_231 : i32 to index
        %parallel_loop3A_296 = arith.constant 32 : index
        %parallel_loop3A_297 = tpu.vector_load %arg12[%parallel_loop3A_295, %parallel_loop3A_296] {strides = array<i32>} : memref<80x128xf32, #tpu.memory_space<vmem>>, vector<1x16xf32>,
        %parallel_loop3A_298 = vector.shape_cast %parallel_loop3A_297 : vector<1x16xf32> to vector<16xf32>
        %parallel_loop3A_299 = vector.shape_cast %parallel_loop3A_294 : vector<16xf32> to vector<1x16xf32>
        tpu.vector_store %arg12[%parallel_loop3A_295, %parallel_loop3A_296], %parallel_loop3A_299 {strides = array<i32>} : memref<80x128xf32, #tpu.memory_space<vmem>>, vector<1x16xf32>,
        %parallel_loop3A_300 = arith.index_cast %parallel_loop3A_231 : i32 to index
        %parallel_loop3A_301 = arith.constant 48 : index
        %parallel_loop3A_302 = tpu.vector_load %arg12[%parallel_loop3A_300, %parallel_loop3A_301] {strides = array<i32>} : memref<80x128xf32, #tpu.memory_space<vmem>>, vector<1x16xf32>,
        %parallel_loop3A_303 = vector.shape_cast %parallel_loop3A_302 : vector<1x16xf32> to vector<16xf32>
        %parallel_loop3A_304 = arith.mulf %parallel_loop3A_303, %parallel_loop3A_289 : vector<16xf32>
        %parallel_loop3A_305 = arith.index_cast %parallel_loop3A_231 : i32 to index
        %parallel_loop3A_306 = arith.constant 48 : index
        %parallel_loop3A_307 = tpu.vector_load %arg12[%parallel_loop3A_305, %parallel_loop3A_306] {strides = array<i32>} : memref<80x128xf32, #tpu.memory_space<vmem>>, vector<1x16xf32>,
        %parallel_loop3A_308 = vector.shape_cast %parallel_loop3A_307 : vector<1x16xf32> to vector<16xf32>
        %parallel_loop3A_309 = vector.shape_cast %parallel_loop3A_304 : vector<16xf32> to vector<1x16xf32>
        tpu.vector_store %arg12[%parallel_loop3A_305, %parallel_loop3A_306], %parallel_loop3A_309 {strides = array<i32>} : memref<80x128xf32, #tpu.memory_space<vmem>>, vector<1x16xf32>,
        %parallel_loop3A_310 = arith.constant 2 : i32
        %parallel_loop3A_311 = vector.broadcast %parallel_loop3A_310 : i32 to vector<16xi32>
        %parallel_loop3A_312 = vector.shape_cast %parallel_loop3A_311 : vector<16xi32> to vector<16x1xi32>
        %parallel_loop3A_313 = vector.shape_cast %parallel_loop3A_312 : vector<16x1xi32> to vector<16xi32>
        %parallel_loop3A_314 = tpu.dynamic_gather %parallel_loop3A_251[%parallel_loop3A_313] in [0] : vector<16xf32>, vector<16xi32> -> vector<16xf32>
        %parallel_loop3A_315 = arith.index_cast %parallel_loop3A_231 : i32 to index
        %parallel_loop3A_316 = arith.constant 64 : index
        %parallel_loop3A_317 = tpu.vector_load %arg12[%parallel_loop3A_315, %parallel_loop3A_316] {strides = array<i32>} : memref<80x128xf32, #tpu.memory_space<vmem>>, vector<1x16xf32>,
        %parallel_loop3A_318 = vector.shape_cast %parallel_loop3A_317 : vector<1x16xf32> to vector<16xf32>
        %parallel_loop3A_319 = arith.mulf %parallel_loop3A_318, %parallel_loop3A_314 : vector<16xf32>
        %parallel_loop3A_320 = arith.index_cast %parallel_loop3A_231 : i32 to index
        %parallel_loop3A_321 = arith.constant 64 : index
        %parallel_loop3A_322 = tpu.vector_load %arg12[%parallel_loop3A_320, %parallel_loop3A_321] {strides = array<i32>} : memref<80x128xf32, #tpu.memory_space<vmem>>, vector<1x16xf32>,
        %parallel_loop3A_323 = vector.shape_cast %parallel_loop3A_322 : vector<1x16xf32> to vector<16xf32>
        %parallel_loop3A_324 = vector.shape_cast %parallel_loop3A_319 : vector<16xf32> to vector<1x16xf32>
        tpu.vector_store %arg12[%parallel_loop3A_320, %parallel_loop3A_321], %parallel_loop3A_324 {strides = array<i32>} : memref<80x128xf32, #tpu.memory_space<vmem>>, vector<1x16xf32>,
        %parallel_loop3A_325 = arith.index_cast %parallel_loop3A_231 : i32 to index
        %parallel_loop3A_326 = arith.constant 80 : index
        %parallel_loop3A_327 = tpu.vector_load %arg12[%parallel_loop3A_325, %parallel_loop3A_326] {strides = array<i32>} : memref<80x128xf32, #tpu.memory_space<vmem>>, vector<1x16xf32>,
        %parallel_loop3A_328 = vector.shape_cast %parallel_loop3A_327 : vector<1x16xf32> to vector<16xf32>
        %parallel_loop3A_329 = arith.mulf %parallel_loop3A_328, %parallel_loop3A_314 : vector<16xf32>
        %parallel_loop3A_330 = arith.index_cast %parallel_loop3A_231 : i32 to index
        %parallel_loop3A_331 = arith.constant 80 : index
        %parallel_loop3A_332 = tpu.vector_load %arg12[%parallel_loop3A_330, %parallel_loop3A_331] {strides = array<i32>} : memref<80x128xf32, #tpu.memory_space<vmem>>, vector<1x16xf32>,
        %parallel_loop3A_333 = vector.shape_cast %parallel_loop3A_332 : vector<1x16xf32> to vector<16xf32>
        %parallel_loop3A_334 = vector.shape_cast %parallel_loop3A_329 : vector<16xf32> to vector<1x16xf32>
        tpu.vector_store %arg12[%parallel_loop3A_330, %parallel_loop3A_331], %parallel_loop3A_334 {strides = array<i32>} : memref<80x128xf32, #tpu.memory_space<vmem>>, vector<1x16xf32>,
        %parallel_loop3A_335 = arith.constant 3 : i32
        %parallel_loop3A_336 = vector.broadcast %parallel_loop3A_335 : i32 to vector<16xi32>
        %parallel_loop3A_337 = vector.shape_cast %parallel_loop3A_336 : vector<16xi32> to vector<16x1xi32>
        %parallel_loop3A_338 = vector.shape_cast %parallel_loop3A_337 : vector<16x1xi32> to vector<16xi32>
        %parallel_loop3A_339 = tpu.dynamic_gather %parallel_loop3A_251[%parallel_loop3A_338] in [0] : vector<16xf32>, vector<16xi32> -> vector<16xf32>
        %parallel_loop3A_340 = arith.index_cast %parallel_loop3A_231 : i32 to index
        %parallel_loop3A_341 = arith.constant 96 : index
        %parallel_loop3A_342 = tpu.vector_load %arg12[%parallel_loop3A_340, %parallel_loop3A_341] {strides = array<i32>} : memref<80x128xf32, #tpu.memory_space<vmem>>, vector<1x16xf32>,
        %parallel_loop3A_343 = vector.shape_cast %parallel_loop3A_342 : vector<1x16xf32> to vector<16xf32>
        %parallel_loop3A_344 = arith.mulf %parallel_loop3A_343, %parallel_loop3A_339 : vector<16xf32>
        %parallel_loop3A_345 = arith.index_cast %parallel_loop3A_231 : i32 to index
        %parallel_loop3A_346 = arith.constant 96 : index
        %parallel_loop3A_347 = tpu.vector_load %arg12[%parallel_loop3A_345, %parallel_loop3A_346] {strides = array<i32>} : memref<80x128xf32, #tpu.memory_space<vmem>>, vector<1x16xf32>,
        %parallel_loop3A_348 = vector.shape_cast %parallel_loop3A_347 : vector<1x16xf32> to vector<16xf32>
        %parallel_loop3A_349 = vector.shape_cast %parallel_loop3A_344 : vector<16xf32> to vector<1x16xf32>
        tpu.vector_store %arg12[%parallel_loop3A_345, %parallel_loop3A_346], %parallel_loop3A_349 {strides = array<i32>} : memref<80x128xf32, #tpu.memory_space<vmem>>, vector<1x16xf32>,
        %parallel_loop3A_350 = arith.index_cast %parallel_loop3A_231 : i32 to index
        %parallel_loop3A_351 = arith.constant 112 : index
        %parallel_loop3A_352 = tpu.vector_load %arg12[%parallel_loop3A_350, %parallel_loop3A_351] {strides = array<i32>} : memref<80x128xf32, #tpu.memory_space<vmem>>, vector<1x16xf32>,
        %parallel_loop3A_353 = vector.shape_cast %parallel_loop3A_352 : vector<1x16xf32> to vector<16xf32>
        %parallel_loop3A_354 = arith.mulf %parallel_loop3A_353, %parallel_loop3A_339 : vector<16xf32>
        %parallel_loop3A_355 = arith.index_cast %parallel_loop3A_231 : i32 to index
        %parallel_loop3A_356 = arith.constant 112 : index
        %parallel_loop3A_357 = tpu.vector_load %arg12[%parallel_loop3A_355, %parallel_loop3A_356] {strides = array<i32>} : memref<80x128xf32, #tpu.memory_space<vmem>>, vector<1x16xf32>,
        %parallel_loop3A_358 = vector.shape_cast %parallel_loop3A_357 : vector<1x16xf32> to vector<16xf32>
        %parallel_loop3A_359 = vector.shape_cast %parallel_loop3A_354 : vector<16xf32> to vector<1x16xf32>
        tpu.vector_store %arg12[%parallel_loop3A_355, %parallel_loop3A_356], %parallel_loop3A_359 {strides = array<i32>} : memref<80x128xf32, #tpu.memory_space<vmem>>, vector<1x16xf32>,
      } {sc.loop_unroll_factor = 4 : i64, sc.parallel_access}
      "tpu.region"() ({
        %run_scoped3A = tpu.sem_alloc : memref<!tpu.dma_semaphore, #tpu.memory_space<semaphore_mem>>
        %dma_start3A_231 = arith.constant 0 : i32
        %dma_start3A_232 = arith.constant 0 : i32
        %dma_start3A_233 = tpu.memref_slice %arg18[%dma_start3A_231, %dma_start3A_232] : memref<10000x128xf32, #tpu.memory_space<vmem_shared>> -> memref<10000x128xf32, #tpu.memory_space<vmem_shared>>
        tpu.enqueue_indirect_dma source(%arg12 : memref<80x128xf32, #tpu.memory_space<vmem>>) target(%dma_start3A_233 : memref<10000x128xf32, #tpu.memory_space<vmem_shared>>) offsets(%arg8 : memref<80xi32, #tpu.memory_space<vmem>>) semaphore(%run_scoped3A : memref<!tpu.dma_semaphore, #tpu.memory_space<semaphore_mem>>) {add = true}
        %dma_wait3A_234 = arith.constant 0 : i32
        %dma_wait3A_235 = arith.constant 0 : i32
        %dma_wait3A_236 = tpu.memref_slice %arg18[%dma_wait3A_234, %dma_wait3A_235] : memref<10000x128xf32, #tpu.memory_space<vmem_shared>> -> memref<10000x128xf32, #tpu.memory_space<vmem_shared>>
        tpu.wait_indirect_dma semaphore(%run_scoped3A : memref<!tpu.dma_semaphore, #tpu.memory_space<semaphore_mem>>) src(%arg12 : memref<80x128xf32, #tpu.memory_space<vmem>>) dst(%dma_wait3A_236 : memref<10000x128xf32, #tpu.memory_space<vmem_shared>>)
        tpu.yield
      }) : () -> ()
      "tpu.region"() ({
        %run_scoped3A = tpu.sem_alloc : memref<!tpu.dma_semaphore, #tpu.memory_space<semaphore_mem>>
        %dma_start3A_231 = arith.constant 0 : i32
        %dma_start3A_232 = arith.constant 0 : i32
        %dma_start3A_233 = tpu.memref_slice %arg19[%dma_start3A_231, %dma_start3A_232] : memref<10000x16xf32, #tpu.memory_space<vmem_shared>> -> memref<10000x16xf32, #tpu.memory_space<vmem_shared>>
        tpu.enqueue_indirect_dma source(%arg11 : memref<80x16xf32, #tpu.memory_space<vmem>>) target(%dma_start3A_233 : memref<10000x16xf32, #tpu.memory_space<vmem_shared>>) offsets(%arg8 : memref<80xi32, #tpu.memory_space<vmem>>) semaphore(%run_scoped3A : memref<!tpu.dma_semaphore, #tpu.memory_space<semaphore_mem>>) {add = true}
        %dma_wait3A_234 = arith.constant 0 : i32
        %dma_wait3A_235 = arith.constant 0 : i32
        %dma_wait3A_236 = tpu.memref_slice %arg19[%dma_wait3A_234, %dma_wait3A_235] : memref<10000x16xf32, #tpu.memory_space<vmem_shared>> -> memref<10000x16xf32, #tpu.memory_space<vmem_shared>>
        tpu.wait_indirect_dma semaphore(%run_scoped3A : memref<!tpu.dma_semaphore, #tpu.memory_space<semaphore_mem>>) src(%arg11 : memref<80x16xf32, #tpu.memory_space<vmem>>) dst(%dma_wait3A_236 : memref<10000x16xf32, #tpu.memory_space<vmem_shared>>)
        tpu.yield
      }) : () -> ()
      %mul3A_198 = arith.constant 2 : i32
      %mul3A_199 = arith.muli %mul3A_198, %scan3A_165 : i32
      %add3A_200 = arith.constant 2 : i32
      %add3A_201 = arith.addi %mul3A_199, %add3A_200 : i32
      %min3A = arith.constant 124 : i32
      %min3A_202 = arith.minsi %add3A_201, %min3A : i32
      %mul3A_203 = arith.constant 10000 : i32
      %mul3A_204 = arith.muli %add3A, %mul3A_203 : i32
      %mul3A_205 = arith.constant 80 : i32
      %mul3A_206 = arith.muli %min3A_202, %mul3A_205 : i32
      %add3A_207 = arith.addi %mul3A_204, %mul3A_206 : i32
      "tpu.region"() ({
        %run_scoped3A = tpu.sem_alloc : memref<!tpu.dma_semaphore, #tpu.memory_space<semaphore_mem>>
        %dma_start3A_231 = tpu.memref_slice %arg4[%add3A_207] : memref<640000xi32, #tpu.memory_space<hbm>> -> memref<80xi32, #tpu.memory_space<hbm>>
        %dma_start3A_232 = tpu.memref_slice %arg4[%add3A_207] : memref<640000xi32, #tpu.memory_space<hbm>> -> memref<80xi32, #tpu.memory_space<hbm>>
        tpu.enqueue_dma source(%dma_start3A_232 : memref<80xi32, #tpu.memory_space<hbm>>) target(%arg7 : memref<80xi32, #tpu.memory_space<vmem>>) target_semaphore(%run_scoped3A : memref<!tpu.dma_semaphore, #tpu.memory_space<semaphore_mem>>)
        %dma_wait3A_233 = tpu.memref_slice %arg4[%add3A_207] : memref<640000xi32, #tpu.memory_space<hbm>> -> memref<80xi32, #tpu.memory_space<hbm>>
        %dma_wait3A_234 = tpu.memref_slice %arg4[%add3A_207] : memref<640000xi32, #tpu.memory_space<hbm>> -> memref<80xi32, #tpu.memory_space<hbm>>
        tpu.wait_dma2 semaphore(%run_scoped3A : memref<!tpu.dma_semaphore, #tpu.memory_space<semaphore_mem>>) src(%dma_wait3A_234 : memref<80xi32, #tpu.memory_space<hbm>>) dst(%arg7 : memref<80xi32, #tpu.memory_space<vmem>>)
        tpu.yield
      }) : () -> ()
      %add3A_208 = arith.constant 320000 : i32
      %add3A_209 = arith.addi %add3A_208, %add3A_207 : i32
      "tpu.region"() ({
        %run_scoped3A = tpu.sem_alloc : memref<!tpu.dma_semaphore, #tpu.memory_space<semaphore_mem>>
        %dma_start3A_231 = tpu.memref_slice %arg4[%add3A_209] : memref<640000xi32, #tpu.memory_space<hbm>> -> memref<80xi32, #tpu.memory_space<hbm>>
        %dma_start3A_232 = tpu.memref_slice %arg4[%add3A_209] : memref<640000xi32, #tpu.memory_space<hbm>> -> memref<80xi32, #tpu.memory_space<hbm>>
        tpu.enqueue_dma source(%dma_start3A_232 : memref<80xi32, #tpu.memory_space<hbm>>) target(%arg8 : memref<80xi32, #tpu.memory_space<vmem>>) target_semaphore(%run_scoped3A : memref<!tpu.dma_semaphore, #tpu.memory_space<semaphore_mem>>)
        %dma_wait3A_233 = tpu.memref_slice %arg4[%add3A_209] : memref<640000xi32, #tpu.memory_space<hbm>> -> memref<80xi32, #tpu.memory_space<hbm>>
        %dma_wait3A_234 = tpu.memref_slice %arg4[%add3A_209] : memref<640000xi32, #tpu.memory_space<hbm>> -> memref<80xi32, #tpu.memory_space<hbm>>
        tpu.wait_dma2 semaphore(%run_scoped3A : memref<!tpu.dma_semaphore, #tpu.memory_space<semaphore_mem>>) src(%dma_wait3A_234 : memref<80xi32, #tpu.memory_space<hbm>>) dst(%arg8 : memref<80xi32, #tpu.memory_space<vmem>>)
        tpu.yield
      }) : () -> ()
      %dma_start3A_210 = arith.constant 0 : i32
      %dma_start3A_211 = arith.constant 0 : i32
      %dma_start3A_212 = tpu.memref_slice %arg3[%dma_start3A_210, %dma_start3A_211] : memref<10000x16xf32, #tpu.memory_space<hbm>> -> memref<10000x16xf32, #tpu.memory_space<hbm>>
      tpu.enqueue_indirect_dma source(%dma_start3A_212 : memref<10000x16xf32, #tpu.memory_space<hbm>>) target(%arg9 : memref<80x16xf32, #tpu.memory_space<vmem>>) offsets(%arg7 : memref<80xi32, #tpu.memory_space<vmem>>) semaphore(%arg20 : memref<!tpu.dma_semaphore, #tpu.memory_space<semaphore_mem>>)
      %dma_start3A_213 = arith.constant 0 : i32
      %dma_start3A_214 = arith.constant 0 : i32
      %dma_start3A_215 = tpu.memref_slice %arg3[%dma_start3A_213, %dma_start3A_214] : memref<10000x16xf32, #tpu.memory_space<hbm>> -> memref<10000x16xf32, #tpu.memory_space<hbm>>
      tpu.enqueue_indirect_dma source(%dma_start3A_215 : memref<10000x16xf32, #tpu.memory_space<hbm>>) target(%arg10 : memref<80x16xf32, #tpu.memory_space<vmem>>) offsets(%arg8 : memref<80xi32, #tpu.memory_space<vmem>>) semaphore(%arg21 : memref<!tpu.dma_semaphore, #tpu.memory_space<semaphore_mem>>)
      %dma_start3A_216 = arith.constant 0 : i32
      %dma_start3A_217 = arith.constant 0 : i32
      %dma_start3A_218 = tpu.memref_slice %arg2[%dma_start3A_216, %dma_start3A_217] : memref<10000x128xf32, #tpu.memory_space<hbm>> -> memref<10000x128xf32, #tpu.memory_space<hbm>>
      tpu.enqueue_indirect_dma source(%dma_start3A_218 : memref<10000x128xf32, #tpu.memory_space<hbm>>) target(%arg12 : memref<80x128xf32, #tpu.memory_space<vmem>>) offsets(%arg7 : memref<80xi32, #tpu.memory_space<vmem>>) semaphore(%arg22 : memref<!tpu.dma_semaphore, #tpu.memory_space<semaphore_mem>>)
      %dma_wait3A_219 = arith.constant 0 : i32
      %dma_wait3A_220 = arith.constant 0 : i32
      %dma_wait3A_221 = tpu.memref_slice %arg3[%dma_wait3A_219, %dma_wait3A_220] : memref<10000x16xf32, #tpu.memory_space<hbm>> -> memref<10000x16xf32, #tpu.memory_space<hbm>>
      tpu.wait_indirect_dma semaphore(%arg23 : memref<!tpu.dma_semaphore, #tpu.memory_space<semaphore_mem>>) src(%dma_wait3A_221 : memref<10000x16xf32, #tpu.memory_space<hbm>>) dst(%arg15 : memref<80x16xf32, #tpu.memory_space<vmem>>)
      %dma_wait3A_222 = arith.constant 0 : i32
      %dma_wait3A_223 = arith.constant 0 : i32
      %dma_wait3A_224 = tpu.memref_slice %arg3[%dma_wait3A_222, %dma_wait3A_223] : memref<10000x16xf32, #tpu.memory_space<hbm>> -> memref<10000x16xf32, #tpu.memory_space<hbm>>
      tpu.wait_indirect_dma semaphore(%arg24 : memref<!tpu.dma_semaphore, #tpu.memory_space<semaphore_mem>>) src(%dma_wait3A_224 : memref<10000x16xf32, #tpu.memory_space<hbm>>) dst(%arg16 : memref<80x16xf32, #tpu.memory_space<vmem>>)
      %dma_wait3A_225 = arith.constant 0 : i32
      %dma_wait3A_226 = arith.constant 0 : i32
      %dma_wait3A_227 = tpu.memref_slice %arg2[%dma_wait3A_225, %dma_wait3A_226] : memref<10000x128xf32, #tpu.memory_space<hbm>> -> memref<10000x128xf32, #tpu.memory_space<hbm>>
      tpu.wait_indirect_dma semaphore(%arg25 : memref<!tpu.dma_semaphore, #tpu.memory_space<semaphore_mem>>) src(%dma_wait3A_227 : memref<10000x128xf32, #tpu.memory_space<hbm>>) dst(%arg17 : memref<80x128xf32, #tpu.memory_space<vmem>>)
      %parallel_loop3A_228 = arith.constant 0 : i32
      %parallel_loop3A_229 = arith.constant 80 : i32
      %parallel_loop3A_230 = arith.constant 1 : i32
      scf.for %parallel_loop3A_231 = %parallel_loop3A_228 to %parallel_loop3A_229 step %parallel_loop3A_230  : i32 {
        %parallel_loop3A_232 = arith.index_cast %parallel_loop3A_231 : i32 to index
        %parallel_loop3A_233 = arith.constant 0 : index
        %parallel_loop3A_234 = tpu.vector_load %arg15[%parallel_loop3A_232, %parallel_loop3A_233] {strides = array<i32>} : memref<80x16xf32, #tpu.memory_space<vmem>>, vector<1x16xf32>,
        %parallel_loop3A_235 = vector.shape_cast %parallel_loop3A_234 : vector<1x16xf32> to vector<16xf32>
        %parallel_loop3A_236 = arith.index_cast %parallel_loop3A_231 : i32 to index
        %parallel_loop3A_237 = arith.constant 0 : index
        %parallel_loop3A_238 = tpu.vector_load %arg16[%parallel_loop3A_236, %parallel_loop3A_237] {strides = array<i32>} : memref<80x16xf32, #tpu.memory_space<vmem>>, vector<1x16xf32>,
        %parallel_loop3A_239 = vector.shape_cast %parallel_loop3A_238 : vector<1x16xf32> to vector<16xf32>
        %parallel_loop3A_240 = vector.shape_cast %add3A_19 : vector<16xi32> to vector<16x1xi32>
        %parallel_loop3A_241 = vector.shape_cast %parallel_loop3A_240 : vector<16x1xi32> to vector<16xi32>
        %parallel_loop3A_242 = tpu.dynamic_gather %parallel_loop3A_239[%parallel_loop3A_241] in [0] : vector<16xf32>, vector<16xi32> -> vector<16xf32>
        %parallel_loop3A_243 = arith.addf %parallel_loop3A_235, %parallel_loop3A_242 : vector<16xf32>
        %parallel_loop3A_244 = arith.constant 0.000000e+00 : f32
        %parallel_loop3A_245 = vector.broadcast %parallel_loop3A_244 : f32 to vector<16xf32>
        %parallel_loop3A_246 = arith.cmpf oge, %parallel_loop3A_243, %parallel_loop3A_245 : vector<16xf32>
        %parallel_loop3A_247 = arith.constant 2.000000e-01 : f32
        %parallel_loop3A_248 = vector.broadcast %parallel_loop3A_247 : f32 to vector<16xf32>
        %parallel_loop3A_249 = arith.mulf %parallel_loop3A_248, %parallel_loop3A_243 : vector<16xf32>
        %parallel_loop3A_250 = arith.select %parallel_loop3A_246, %parallel_loop3A_243, %parallel_loop3A_249 : vector<16xi1>, vector<16xf32>
        %parallel_loop3A_251 = math.exp %parallel_loop3A_250 : vector<16xf32>
        %parallel_loop3A_252 = arith.constant 0.000000e+00 : f32
        %parallel_loop3A_253 = vector.broadcast %parallel_loop3A_252 : f32 to vector<16xf32>
        %parallel_loop3A_254 = arith.select %lt3A_22, %parallel_loop3A_251, %parallel_loop3A_253 : vector<16xi1>, vector<16xf32>
        %parallel_loop3A_255 = arith.index_cast %parallel_loop3A_231 : i32 to index
        %parallel_loop3A_256 = arith.constant 0 : index
        %parallel_loop3A_257 = tpu.vector_load %arg11[%parallel_loop3A_255, %parallel_loop3A_256] {strides = array<i32>} : memref<80x16xf32, #tpu.memory_space<vmem>>, vector<1x16xf32>,
        %parallel_loop3A_258 = vector.shape_cast %parallel_loop3A_257 : vector<1x16xf32> to vector<16xf32>
        %parallel_loop3A_259 = vector.shape_cast %parallel_loop3A_254 : vector<16xf32> to vector<1x16xf32>
        tpu.vector_store %arg11[%parallel_loop3A_255, %parallel_loop3A_256], %parallel_loop3A_259 {strides = array<i32>} : memref<80x16xf32, #tpu.memory_space<vmem>>, vector<1x16xf32>,
        %parallel_loop3A_260 = arith.constant 0 : i32
        %parallel_loop3A_261 = vector.broadcast %parallel_loop3A_260 : i32 to vector<16xi32>
        %parallel_loop3A_262 = vector.shape_cast %parallel_loop3A_261 : vector<16xi32> to vector<16x1xi32>
        %parallel_loop3A_263 = vector.shape_cast %parallel_loop3A_262 : vector<16x1xi32> to vector<16xi32>
        %parallel_loop3A_264 = tpu.dynamic_gather %parallel_loop3A_251[%parallel_loop3A_263] in [0] : vector<16xf32>, vector<16xi32> -> vector<16xf32>
        %parallel_loop3A_265 = arith.index_cast %parallel_loop3A_231 : i32 to index
        %parallel_loop3A_266 = arith.constant 0 : index
        %parallel_loop3A_267 = tpu.vector_load %arg17[%parallel_loop3A_265, %parallel_loop3A_266] {strides = array<i32>} : memref<80x128xf32, #tpu.memory_space<vmem>>, vector<1x16xf32>,
        %parallel_loop3A_268 = vector.shape_cast %parallel_loop3A_267 : vector<1x16xf32> to vector<16xf32>
        %parallel_loop3A_269 = arith.mulf %parallel_loop3A_268, %parallel_loop3A_264 : vector<16xf32>
        %parallel_loop3A_270 = arith.index_cast %parallel_loop3A_231 : i32 to index
        %parallel_loop3A_271 = arith.constant 0 : index
        %parallel_loop3A_272 = tpu.vector_load %arg17[%parallel_loop3A_270, %parallel_loop3A_271] {strides = array<i32>} : memref<80x128xf32, #tpu.memory_space<vmem>>, vector<1x16xf32>,
        %parallel_loop3A_273 = vector.shape_cast %parallel_loop3A_272 : vector<1x16xf32> to vector<16xf32>
        %parallel_loop3A_274 = vector.shape_cast %parallel_loop3A_269 : vector<16xf32> to vector<1x16xf32>
        tpu.vector_store %arg17[%parallel_loop3A_270, %parallel_loop3A_271], %parallel_loop3A_274 {strides = array<i32>} : memref<80x128xf32, #tpu.memory_space<vmem>>, vector<1x16xf32>,
        %parallel_loop3A_275 = arith.index_cast %parallel_loop3A_231 : i32 to index
        %parallel_loop3A_276 = arith.constant 16 : index
        %parallel_loop3A_277 = tpu.vector_load %arg17[%parallel_loop3A_275, %parallel_loop3A_276] {strides = array<i32>} : memref<80x128xf32, #tpu.memory_space<vmem>>, vector<1x16xf32>,
        %parallel_loop3A_278 = vector.shape_cast %parallel_loop3A_277 : vector<1x16xf32> to vector<16xf32>
        %parallel_loop3A_279 = arith.mulf %parallel_loop3A_278, %parallel_loop3A_264 : vector<16xf32>
        %parallel_loop3A_280 = arith.index_cast %parallel_loop3A_231 : i32 to index
        %parallel_loop3A_281 = arith.constant 16 : index
        %parallel_loop3A_282 = tpu.vector_load %arg17[%parallel_loop3A_280, %parallel_loop3A_281] {strides = array<i32>} : memref<80x128xf32, #tpu.memory_space<vmem>>, vector<1x16xf32>,
        %parallel_loop3A_283 = vector.shape_cast %parallel_loop3A_282 : vector<1x16xf32> to vector<16xf32>
        %parallel_loop3A_284 = vector.shape_cast %parallel_loop3A_279 : vector<16xf32> to vector<1x16xf32>
        tpu.vector_store %arg17[%parallel_loop3A_280, %parallel_loop3A_281], %parallel_loop3A_284 {strides = array<i32>} : memref<80x128xf32, #tpu.memory_space<vmem>>, vector<1x16xf32>,
        %parallel_loop3A_285 = arith.constant 1 : i32
        %parallel_loop3A_286 = vector.broadcast %parallel_loop3A_285 : i32 to vector<16xi32>
        %parallel_loop3A_287 = vector.shape_cast %parallel_loop3A_286 : vector<16xi32> to vector<16x1xi32>
        %parallel_loop3A_288 = vector.shape_cast %parallel_loop3A_287 : vector<16x1xi32> to vector<16xi32>
        %parallel_loop3A_289 = tpu.dynamic_gather %parallel_loop3A_251[%parallel_loop3A_288] in [0] : vector<16xf32>, vector<16xi32> -> vector<16xf32>
        %parallel_loop3A_290 = arith.index_cast %parallel_loop3A_231 : i32 to index
        %parallel_loop3A_291 = arith.constant 32 : index
        %parallel_loop3A_292 = tpu.vector_load %arg17[%parallel_loop3A_290, %parallel_loop3A_291] {strides = array<i32>} : memref<80x128xf32, #tpu.memory_space<vmem>>, vector<1x16xf32>,
        %parallel_loop3A_293 = vector.shape_cast %parallel_loop3A_292 : vector<1x16xf32> to vector<16xf32>
        %parallel_loop3A_294 = arith.mulf %parallel_loop3A_293, %parallel_loop3A_289 : vector<16xf32>
        %parallel_loop3A_295 = arith.index_cast %parallel_loop3A_231 : i32 to index
        %parallel_loop3A_296 = arith.constant 32 : index
        %parallel_loop3A_297 = tpu.vector_load %arg17[%parallel_loop3A_295, %parallel_loop3A_296] {strides = array<i32>} : memref<80x128xf32, #tpu.memory_space<vmem>>, vector<1x16xf32>,
        %parallel_loop3A_298 = vector.shape_cast %parallel_loop3A_297 : vector<1x16xf32> to vector<16xf32>
        %parallel_loop3A_299 = vector.shape_cast %parallel_loop3A_294 : vector<16xf32> to vector<1x16xf32>
        tpu.vector_store %arg17[%parallel_loop3A_295, %parallel_loop3A_296], %parallel_loop3A_299 {strides = array<i32>} : memref<80x128xf32, #tpu.memory_space<vmem>>, vector<1x16xf32>,
        %parallel_loop3A_300 = arith.index_cast %parallel_loop3A_231 : i32 to index
        %parallel_loop3A_301 = arith.constant 48 : index
        %parallel_loop3A_302 = tpu.vector_load %arg17[%parallel_loop3A_300, %parallel_loop3A_301] {strides = array<i32>} : memref<80x128xf32, #tpu.memory_space<vmem>>, vector<1x16xf32>,
        %parallel_loop3A_303 = vector.shape_cast %parallel_loop3A_302 : vector<1x16xf32> to vector<16xf32>
        %parallel_loop3A_304 = arith.mulf %parallel_loop3A_303, %parallel_loop3A_289 : vector<16xf32>
        %parallel_loop3A_305 = arith.index_cast %parallel_loop3A_231 : i32 to index
        %parallel_loop3A_306 = arith.constant 48 : index
        %parallel_loop3A_307 = tpu.vector_load %arg17[%parallel_loop3A_305, %parallel_loop3A_306] {strides = array<i32>} : memref<80x128xf32, #tpu.memory_space<vmem>>, vector<1x16xf32>,
        %parallel_loop3A_308 = vector.shape_cast %parallel_loop3A_307 : vector<1x16xf32> to vector<16xf32>
        %parallel_loop3A_309 = vector.shape_cast %parallel_loop3A_304 : vector<16xf32> to vector<1x16xf32>
        tpu.vector_store %arg17[%parallel_loop3A_305, %parallel_loop3A_306], %parallel_loop3A_309 {strides = array<i32>} : memref<80x128xf32, #tpu.memory_space<vmem>>, vector<1x16xf32>,
        %parallel_loop3A_310 = arith.constant 2 : i32
        %parallel_loop3A_311 = vector.broadcast %parallel_loop3A_310 : i32 to vector<16xi32>
        %parallel_loop3A_312 = vector.shape_cast %parallel_loop3A_311 : vector<16xi32> to vector<16x1xi32>
        %parallel_loop3A_313 = vector.shape_cast %parallel_loop3A_312 : vector<16x1xi32> to vector<16xi32>
        %parallel_loop3A_314 = tpu.dynamic_gather %parallel_loop3A_251[%parallel_loop3A_313] in [0] : vector<16xf32>, vector<16xi32> -> vector<16xf32>
        %parallel_loop3A_315 = arith.index_cast %parallel_loop3A_231 : i32 to index
        %parallel_loop3A_316 = arith.constant 64 : index
        %parallel_loop3A_317 = tpu.vector_load %arg17[%parallel_loop3A_315, %parallel_loop3A_316] {strides = array<i32>} : memref<80x128xf32, #tpu.memory_space<vmem>>, vector<1x16xf32>,
        %parallel_loop3A_318 = vector.shape_cast %parallel_loop3A_317 : vector<1x16xf32> to vector<16xf32>
        %parallel_loop3A_319 = arith.mulf %parallel_loop3A_318, %parallel_loop3A_314 : vector<16xf32>
        %parallel_loop3A_320 = arith.index_cast %parallel_loop3A_231 : i32 to index
        %parallel_loop3A_321 = arith.constant 64 : index
        %parallel_loop3A_322 = tpu.vector_load %arg17[%parallel_loop3A_320, %parallel_loop3A_321] {strides = array<i32>} : memref<80x128xf32, #tpu.memory_space<vmem>>, vector<1x16xf32>,
        %parallel_loop3A_323 = vector.shape_cast %parallel_loop3A_322 : vector<1x16xf32> to vector<16xf32>
        %parallel_loop3A_324 = vector.shape_cast %parallel_loop3A_319 : vector<16xf32> to vector<1x16xf32>
        tpu.vector_store %arg17[%parallel_loop3A_320, %parallel_loop3A_321], %parallel_loop3A_324 {strides = array<i32>} : memref<80x128xf32, #tpu.memory_space<vmem>>, vector<1x16xf32>,
        %parallel_loop3A_325 = arith.index_cast %parallel_loop3A_231 : i32 to index
        %parallel_loop3A_326 = arith.constant 80 : index
        %parallel_loop3A_327 = tpu.vector_load %arg17[%parallel_loop3A_325, %parallel_loop3A_326] {strides = array<i32>} : memref<80x128xf32, #tpu.memory_space<vmem>>, vector<1x16xf32>,
        %parallel_loop3A_328 = vector.shape_cast %parallel_loop3A_327 : vector<1x16xf32> to vector<16xf32>
        %parallel_loop3A_329 = arith.mulf %parallel_loop3A_328, %parallel_loop3A_314 : vector<16xf32>
        %parallel_loop3A_330 = arith.index_cast %parallel_loop3A_231 : i32 to index
        %parallel_loop3A_331 = arith.constant 80 : index
        %parallel_loop3A_332 = tpu.vector_load %arg17[%parallel_loop3A_330, %parallel_loop3A_331] {strides = array<i32>} : memref<80x128xf32, #tpu.memory_space<vmem>>, vector<1x16xf32>,
        %parallel_loop3A_333 = vector.shape_cast %parallel_loop3A_332 : vector<1x16xf32> to vector<16xf32>
        %parallel_loop3A_334 = vector.shape_cast %parallel_loop3A_329 : vector<16xf32> to vector<1x16xf32>
        tpu.vector_store %arg17[%parallel_loop3A_330, %parallel_loop3A_331], %parallel_loop3A_334 {strides = array<i32>} : memref<80x128xf32, #tpu.memory_space<vmem>>, vector<1x16xf32>,
        %parallel_loop3A_335 = arith.constant 3 : i32
        %parallel_loop3A_336 = vector.broadcast %parallel_loop3A_335 : i32 to vector<16xi32>
        %parallel_loop3A_337 = vector.shape_cast %parallel_loop3A_336 : vector<16xi32> to vector<16x1xi32>
        %parallel_loop3A_338 = vector.shape_cast %parallel_loop3A_337 : vector<16x1xi32> to vector<16xi32>
        %parallel_loop3A_339 = tpu.dynamic_gather %parallel_loop3A_251[%parallel_loop3A_338] in [0] : vector<16xf32>, vector<16xi32> -> vector<16xf32>
        %parallel_loop3A_340 = arith.index_cast %parallel_loop3A_231 : i32 to index
        %parallel_loop3A_341 = arith.constant 96 : index
        %parallel_loop3A_342 = tpu.vector_load %arg17[%parallel_loop3A_340, %parallel_loop3A_341] {strides = array<i32>} : memref<80x128xf32, #tpu.memory_space<vmem>>, vector<1x16xf32>,
        %parallel_loop3A_343 = vector.shape_cast %parallel_loop3A_342 : vector<1x16xf32> to vector<16xf32>
        %parallel_loop3A_344 = arith.mulf %parallel_loop3A_343, %parallel_loop3A_339 : vector<16xf32>
        %parallel_loop3A_345 = arith.index_cast %parallel_loop3A_231 : i32 to index
        %parallel_loop3A_346 = arith.constant 96 : index
        %parallel_loop3A_347 = tpu.vector_load %arg17[%parallel_loop3A_345, %parallel_loop3A_346] {strides = array<i32>} : memref<80x128xf32, #tpu.memory_space<vmem>>, vector<1x16xf32>,
        %parallel_loop3A_348 = vector.shape_cast %parallel_loop3A_347 : vector<1x16xf32> to vector<16xf32>
        %parallel_loop3A_349 = vector.shape_cast %parallel_loop3A_344 : vector<16xf32> to vector<1x16xf32>
        tpu.vector_store %arg17[%parallel_loop3A_345, %parallel_loop3A_346], %parallel_loop3A_349 {strides = array<i32>} : memref<80x128xf32, #tpu.memory_space<vmem>>, vector<1x16xf32>,
        %parallel_loop3A_350 = arith.index_cast %parallel_loop3A_231 : i32 to index
        %parallel_loop3A_351 = arith.constant 112 : index
        %parallel_loop3A_352 = tpu.vector_load %arg17[%parallel_loop3A_350, %parallel_loop3A_351] {strides = array<i32>} : memref<80x128xf32, #tpu.memory_space<vmem>>, vector<1x16xf32>,
        %parallel_loop3A_353 = vector.shape_cast %parallel_loop3A_352 : vector<1x16xf32> to vector<16xf32>
        %parallel_loop3A_354 = arith.mulf %parallel_loop3A_353, %parallel_loop3A_339 : vector<16xf32>
        %parallel_loop3A_355 = arith.index_cast %parallel_loop3A_231 : i32 to index
        %parallel_loop3A_356 = arith.constant 112 : index
        %parallel_loop3A_357 = tpu.vector_load %arg17[%parallel_loop3A_355, %parallel_loop3A_356] {strides = array<i32>} : memref<80x128xf32, #tpu.memory_space<vmem>>, vector<1x16xf32>,
        %parallel_loop3A_358 = vector.shape_cast %parallel_loop3A_357 : vector<1x16xf32> to vector<16xf32>
        %parallel_loop3A_359 = vector.shape_cast %parallel_loop3A_354 : vector<16xf32> to vector<1x16xf32>
        tpu.vector_store %arg17[%parallel_loop3A_355, %parallel_loop3A_356], %parallel_loop3A_359 {strides = array<i32>} : memref<80x128xf32, #tpu.memory_space<vmem>>, vector<1x16xf32>,
      } {sc.loop_unroll_factor = 4 : i64, sc.parallel_access}
      "tpu.region"() ({
        %run_scoped3A = tpu.sem_alloc : memref<!tpu.dma_semaphore, #tpu.memory_space<semaphore_mem>>
        %dma_start3A_231 = arith.constant 0 : i32
        %dma_start3A_232 = arith.constant 0 : i32
        %dma_start3A_233 = tpu.memref_slice %arg18[%dma_start3A_231, %dma_start3A_232] : memref<10000x128xf32, #tpu.memory_space<vmem_shared>> -> memref<10000x128xf32, #tpu.memory_space<vmem_shared>>
        tpu.enqueue_indirect_dma source(%arg17 : memref<80x128xf32, #tpu.memory_space<vmem>>) target(%dma_start3A_233 : memref<10000x128xf32, #tpu.memory_space<vmem_shared>>) offsets(%arg14 : memref<80xi32, #tpu.memory_space<vmem>>) semaphore(%run_scoped3A : memref<!tpu.dma_semaphore, #tpu.memory_space<semaphore_mem>>) {add = true}
        %dma_wait3A_234 = arith.constant 0 : i32
        %dma_wait3A_235 = arith.constant 0 : i32
        %dma_wait3A_236 = tpu.memref_slice %arg18[%dma_wait3A_234, %dma_wait3A_235] : memref<10000x128xf32, #tpu.memory_space<vmem_shared>> -> memref<10000x128xf32, #tpu.memory_space<vmem_shared>>
        tpu.wait_indirect_dma semaphore(%run_scoped3A : memref<!tpu.dma_semaphore, #tpu.memory_space<semaphore_mem>>) src(%arg17 : memref<80x128xf32, #tpu.memory_space<vmem>>) dst(%dma_wait3A_236 : memref<10000x128xf32, #tpu.memory_space<vmem_shared>>)
        tpu.yield
      }) : () -> ()
      "tpu.region"() ({
        %run_scoped3A = tpu.sem_alloc : memref<!tpu.dma_semaphore, #tpu.memory_space<semaphore_mem>>
        %dma_start3A_231 = arith.constant 0 : i32
        %dma_start3A_232 = arith.constant 0 : i32
        %dma_start3A_233 = tpu.memref_slice %arg19[%dma_start3A_231, %dma_start3A_232] : memref<10000x16xf32, #tpu.memory_space<vmem_shared>> -> memref<10000x16xf32, #tpu.memory_space<vmem_shared>>
        tpu.enqueue_indirect_dma source(%arg11 : memref<80x16xf32, #tpu.memory_space<vmem>>) target(%dma_start3A_233 : memref<10000x16xf32, #tpu.memory_space<vmem_shared>>) offsets(%arg14 : memref<80xi32, #tpu.memory_space<vmem>>) semaphore(%run_scoped3A : memref<!tpu.dma_semaphore, #tpu.memory_space<semaphore_mem>>) {add = true}
        %dma_wait3A_234 = arith.constant 0 : i32
        %dma_wait3A_235 = arith.constant 0 : i32
        %dma_wait3A_236 = tpu.memref_slice %arg19[%dma_wait3A_234, %dma_wait3A_235] : memref<10000x16xf32, #tpu.memory_space<vmem_shared>> -> memref<10000x16xf32, #tpu.memory_space<vmem_shared>>
        tpu.wait_indirect_dma semaphore(%run_scoped3A : memref<!tpu.dma_semaphore, #tpu.memory_space<semaphore_mem>>) src(%arg11 : memref<80x16xf32, #tpu.memory_space<vmem>>) dst(%dma_wait3A_236 : memref<10000x16xf32, #tpu.memory_space<vmem_shared>>)
        tpu.yield
      }) : () -> ()
    }
    %scan3A_84 = arith.constant 62 : i32
    %dma_wait3A = arith.constant 0 : i32
    %dma_wait3A_85 = arith.constant 0 : i32
    %dma_wait3A_86 = tpu.memref_slice %arg3[%dma_wait3A, %dma_wait3A_85] : memref<10000x16xf32, #tpu.memory_space<hbm>> -> memref<10000x16xf32, #tpu.memory_space<hbm>>
    tpu.wait_indirect_dma semaphore(%arg20 : memref<!tpu.dma_semaphore, #tpu.memory_space<semaphore_mem>>) src(%dma_wait3A_86 : memref<10000x16xf32, #tpu.memory_space<hbm>>) dst(%arg9 : memref<80x16xf32, #tpu.memory_space<vmem>>)
    %dma_wait3A_87 = arith.constant 0 : i32
    %dma_wait3A_88 = arith.constant 0 : i32
    %dma_wait3A_89 = tpu.memref_slice %arg3[%dma_wait3A_87, %dma_wait3A_88] : memref<10000x16xf32, #tpu.memory_space<hbm>> -> memref<10000x16xf32, #tpu.memory_space<hbm>>
    tpu.wait_indirect_dma semaphore(%arg21 : memref<!tpu.dma_semaphore, #tpu.memory_space<semaphore_mem>>) src(%dma_wait3A_89 : memref<10000x16xf32, #tpu.memory_space<hbm>>) dst(%arg10 : memref<80x16xf32, #tpu.memory_space<vmem>>)
    %dma_wait3A_90 = arith.constant 0 : i32
    %dma_wait3A_91 = arith.constant 0 : i32
    %dma_wait3A_92 = tpu.memref_slice %arg2[%dma_wait3A_90, %dma_wait3A_91] : memref<10000x128xf32, #tpu.memory_space<hbm>> -> memref<10000x128xf32, #tpu.memory_space<hbm>>
    tpu.wait_indirect_dma semaphore(%arg22 : memref<!tpu.dma_semaphore, #tpu.memory_space<semaphore_mem>>) src(%dma_wait3A_92 : memref<10000x128xf32, #tpu.memory_space<hbm>>) dst(%arg12 : memref<80x128xf32, #tpu.memory_space<vmem>>)
    %parallel_loop3A = arith.constant 0 : i32
    %parallel_loop3A_93 = arith.constant 80 : i32
    %parallel_loop3A_94 = arith.constant 1 : i32
    scf.for %parallel_loop3A_165 = %parallel_loop3A to %parallel_loop3A_93 step %parallel_loop3A_94  : i32 {
      %parallel_loop3A_166 = arith.index_cast %parallel_loop3A_165 : i32 to index
      %parallel_loop3A_167 = arith.constant 0 : index
      %parallel_loop3A_168 = tpu.vector_load %arg9[%parallel_loop3A_166, %parallel_loop3A_167] {strides = array<i32>} : memref<80x16xf32, #tpu.memory_space<vmem>>, vector<1x16xf32>,
      %parallel_loop3A_169 = vector.shape_cast %parallel_loop3A_168 : vector<1x16xf32> to vector<16xf32>
      %parallel_loop3A_170 = arith.index_cast %parallel_loop3A_165 : i32 to index
      %parallel_loop3A_171 = arith.constant 0 : index
      %parallel_loop3A_172 = tpu.vector_load %arg10[%parallel_loop3A_170, %parallel_loop3A_171] {strides = array<i32>} : memref<80x16xf32, #tpu.memory_space<vmem>>, vector<1x16xf32>,
      %parallel_loop3A_173 = vector.shape_cast %parallel_loop3A_172 : vector<1x16xf32> to vector<16xf32>
      %parallel_loop3A_174 = vector.shape_cast %add3A_19 : vector<16xi32> to vector<16x1xi32>
      %parallel_loop3A_175 = vector.shape_cast %parallel_loop3A_174 : vector<16x1xi32> to vector<16xi32>
      %parallel_loop3A_176 = tpu.dynamic_gather %parallel_loop3A_173[%parallel_loop3A_175] in [0] : vector<16xf32>, vector<16xi32> -> vector<16xf32>
      %parallel_loop3A_177 = arith.addf %parallel_loop3A_169, %parallel_loop3A_176 : vector<16xf32>
      %parallel_loop3A_178 = arith.constant 0.000000e+00 : f32
      %parallel_loop3A_179 = vector.broadcast %parallel_loop3A_178 : f32 to vector<16xf32>
      %parallel_loop3A_180 = arith.cmpf oge, %parallel_loop3A_177, %parallel_loop3A_179 : vector<16xf32>
      %parallel_loop3A_181 = arith.constant 2.000000e-01 : f32
      %parallel_loop3A_182 = vector.broadcast %parallel_loop3A_181 : f32 to vector<16xf32>
      %parallel_loop3A_183 = arith.mulf %parallel_loop3A_182, %parallel_loop3A_177 : vector<16xf32>
      %parallel_loop3A_184 = arith.select %parallel_loop3A_180, %parallel_loop3A_177, %parallel_loop3A_183 : vector<16xi1>, vector<16xf32>
      %parallel_loop3A_185 = math.exp %parallel_loop3A_184 : vector<16xf32>
      %parallel_loop3A_186 = arith.constant 0.000000e+00 : f32
      %parallel_loop3A_187 = vector.broadcast %parallel_loop3A_186 : f32 to vector<16xf32>
      %parallel_loop3A_188 = arith.select %lt3A_22, %parallel_loop3A_185, %parallel_loop3A_187 : vector<16xi1>, vector<16xf32>
      %parallel_loop3A_189 = arith.index_cast %parallel_loop3A_165 : i32 to index
      %parallel_loop3A_190 = arith.constant 0 : index
      %parallel_loop3A_191 = tpu.vector_load %arg11[%parallel_loop3A_189, %parallel_loop3A_190] {strides = array<i32>} : memref<80x16xf32, #tpu.memory_space<vmem>>, vector<1x16xf32>,
      %parallel_loop3A_192 = vector.shape_cast %parallel_loop3A_191 : vector<1x16xf32> to vector<16xf32>
      %parallel_loop3A_193 = vector.shape_cast %parallel_loop3A_188 : vector<16xf32> to vector<1x16xf32>
      tpu.vector_store %arg11[%parallel_loop3A_189, %parallel_loop3A_190], %parallel_loop3A_193 {strides = array<i32>} : memref<80x16xf32, #tpu.memory_space<vmem>>, vector<1x16xf32>,
      %parallel_loop3A_194 = arith.constant 0 : i32
      %parallel_loop3A_195 = vector.broadcast %parallel_loop3A_194 : i32 to vector<16xi32>
      %parallel_loop3A_196 = vector.shape_cast %parallel_loop3A_195 : vector<16xi32> to vector<16x1xi32>
      %parallel_loop3A_197 = vector.shape_cast %parallel_loop3A_196 : vector<16x1xi32> to vector<16xi32>
      %parallel_loop3A_198 = tpu.dynamic_gather %parallel_loop3A_185[%parallel_loop3A_197] in [0] : vector<16xf32>, vector<16xi32> -> vector<16xf32>
      %parallel_loop3A_199 = arith.index_cast %parallel_loop3A_165 : i32 to index
      %parallel_loop3A_200 = arith.constant 0 : index
      %parallel_loop3A_201 = tpu.vector_load %arg12[%parallel_loop3A_199, %parallel_loop3A_200] {strides = array<i32>} : memref<80x128xf32, #tpu.memory_space<vmem>>, vector<1x16xf32>,
      %parallel_loop3A_202 = vector.shape_cast %parallel_loop3A_201 : vector<1x16xf32> to vector<16xf32>
      %parallel_loop3A_203 = arith.mulf %parallel_loop3A_202, %parallel_loop3A_198 : vector<16xf32>
      %parallel_loop3A_204 = arith.index_cast %parallel_loop3A_165 : i32 to index
      %parallel_loop3A_205 = arith.constant 0 : index
      %parallel_loop3A_206 = tpu.vector_load %arg12[%parallel_loop3A_204, %parallel_loop3A_205] {strides = array<i32>} : memref<80x128xf32, #tpu.memory_space<vmem>>, vector<1x16xf32>,
      %parallel_loop3A_207 = vector.shape_cast %parallel_loop3A_206 : vector<1x16xf32> to vector<16xf32>
      %parallel_loop3A_208 = vector.shape_cast %parallel_loop3A_203 : vector<16xf32> to vector<1x16xf32>
      tpu.vector_store %arg12[%parallel_loop3A_204, %parallel_loop3A_205], %parallel_loop3A_208 {strides = array<i32>} : memref<80x128xf32, #tpu.memory_space<vmem>>, vector<1x16xf32>,
      %parallel_loop3A_209 = arith.index_cast %parallel_loop3A_165 : i32 to index
      %parallel_loop3A_210 = arith.constant 16 : index
      %parallel_loop3A_211 = tpu.vector_load %arg12[%parallel_loop3A_209, %parallel_loop3A_210] {strides = array<i32>} : memref<80x128xf32, #tpu.memory_space<vmem>>, vector<1x16xf32>,
      %parallel_loop3A_212 = vector.shape_cast %parallel_loop3A_211 : vector<1x16xf32> to vector<16xf32>
      %parallel_loop3A_213 = arith.mulf %parallel_loop3A_212, %parallel_loop3A_198 : vector<16xf32>
      %parallel_loop3A_214 = arith.index_cast %parallel_loop3A_165 : i32 to index
      %parallel_loop3A_215 = arith.constant 16 : index
      %parallel_loop3A_216 = tpu.vector_load %arg12[%parallel_loop3A_214, %parallel_loop3A_215] {strides = array<i32>} : memref<80x128xf32, #tpu.memory_space<vmem>>, vector<1x16xf32>,
      %parallel_loop3A_217 = vector.shape_cast %parallel_loop3A_216 : vector<1x16xf32> to vector<16xf32>
      %parallel_loop3A_218 = vector.shape_cast %parallel_loop3A_213 : vector<16xf32> to vector<1x16xf32>
      tpu.vector_store %arg12[%parallel_loop3A_214, %parallel_loop3A_215], %parallel_loop3A_218 {strides = array<i32>} : memref<80x128xf32, #tpu.memory_space<vmem>>, vector<1x16xf32>,
      %parallel_loop3A_219 = arith.constant 1 : i32
      %parallel_loop3A_220 = vector.broadcast %parallel_loop3A_219 : i32 to vector<16xi32>
      %parallel_loop3A_221 = vector.shape_cast %parallel_loop3A_220 : vector<16xi32> to vector<16x1xi32>
      %parallel_loop3A_222 = vector.shape_cast %parallel_loop3A_221 : vector<16x1xi32> to vector<16xi32>
      %parallel_loop3A_223 = tpu.dynamic_gather %parallel_loop3A_185[%parallel_loop3A_222] in [0] : vector<16xf32>, vector<16xi32> -> vector<16xf32>
      %parallel_loop3A_224 = arith.index_cast %parallel_loop3A_165 : i32 to index
      %parallel_loop3A_225 = arith.constant 32 : index
      %parallel_loop3A_226 = tpu.vector_load %arg12[%parallel_loop3A_224, %parallel_loop3A_225] {strides = array<i32>} : memref<80x128xf32, #tpu.memory_space<vmem>>, vector<1x16xf32>,
      %parallel_loop3A_227 = vector.shape_cast %parallel_loop3A_226 : vector<1x16xf32> to vector<16xf32>
      %parallel_loop3A_228 = arith.mulf %parallel_loop3A_227, %parallel_loop3A_223 : vector<16xf32>
      %parallel_loop3A_229 = arith.index_cast %parallel_loop3A_165 : i32 to index
      %parallel_loop3A_230 = arith.constant 32 : index
      %parallel_loop3A_231 = tpu.vector_load %arg12[%parallel_loop3A_229, %parallel_loop3A_230] {strides = array<i32>} : memref<80x128xf32, #tpu.memory_space<vmem>>, vector<1x16xf32>,
      %parallel_loop3A_232 = vector.shape_cast %parallel_loop3A_231 : vector<1x16xf32> to vector<16xf32>
      %parallel_loop3A_233 = vector.shape_cast %parallel_loop3A_228 : vector<16xf32> to vector<1x16xf32>
      tpu.vector_store %arg12[%parallel_loop3A_229, %parallel_loop3A_230], %parallel_loop3A_233 {strides = array<i32>} : memref<80x128xf32, #tpu.memory_space<vmem>>, vector<1x16xf32>,
      %parallel_loop3A_234 = arith.index_cast %parallel_loop3A_165 : i32 to index
      %parallel_loop3A_235 = arith.constant 48 : index
      %parallel_loop3A_236 = tpu.vector_load %arg12[%parallel_loop3A_234, %parallel_loop3A_235] {strides = array<i32>} : memref<80x128xf32, #tpu.memory_space<vmem>>, vector<1x16xf32>,
      %parallel_loop3A_237 = vector.shape_cast %parallel_loop3A_236 : vector<1x16xf32> to vector<16xf32>
      %parallel_loop3A_238 = arith.mulf %parallel_loop3A_237, %parallel_loop3A_223 : vector<16xf32>
      %parallel_loop3A_239 = arith.index_cast %parallel_loop3A_165 : i32 to index
      %parallel_loop3A_240 = arith.constant 48 : index
      %parallel_loop3A_241 = tpu.vector_load %arg12[%parallel_loop3A_239, %parallel_loop3A_240] {strides = array<i32>} : memref<80x128xf32, #tpu.memory_space<vmem>>, vector<1x16xf32>,
      %parallel_loop3A_242 = vector.shape_cast %parallel_loop3A_241 : vector<1x16xf32> to vector<16xf32>
      %parallel_loop3A_243 = vector.shape_cast %parallel_loop3A_238 : vector<16xf32> to vector<1x16xf32>
      tpu.vector_store %arg12[%parallel_loop3A_239, %parallel_loop3A_240], %parallel_loop3A_243 {strides = array<i32>} : memref<80x128xf32, #tpu.memory_space<vmem>>, vector<1x16xf32>,
      %parallel_loop3A_244 = arith.constant 2 : i32
      %parallel_loop3A_245 = vector.broadcast %parallel_loop3A_244 : i32 to vector<16xi32>
      %parallel_loop3A_246 = vector.shape_cast %parallel_loop3A_245 : vector<16xi32> to vector<16x1xi32>
      %parallel_loop3A_247 = vector.shape_cast %parallel_loop3A_246 : vector<16x1xi32> to vector<16xi32>
      %parallel_loop3A_248 = tpu.dynamic_gather %parallel_loop3A_185[%parallel_loop3A_247] in [0] : vector<16xf32>, vector<16xi32> -> vector<16xf32>
      %parallel_loop3A_249 = arith.index_cast %parallel_loop3A_165 : i32 to index
      %parallel_loop3A_250 = arith.constant 64 : index
      %parallel_loop3A_251 = tpu.vector_load %arg12[%parallel_loop3A_249, %parallel_loop3A_250] {strides = array<i32>} : memref<80x128xf32, #tpu.memory_space<vmem>>, vector<1x16xf32>,
      %parallel_loop3A_252 = vector.shape_cast %parallel_loop3A_251 : vector<1x16xf32> to vector<16xf32>
      %parallel_loop3A_253 = arith.mulf %parallel_loop3A_252, %parallel_loop3A_248 : vector<16xf32>
      %parallel_loop3A_254 = arith.index_cast %parallel_loop3A_165 : i32 to index
      %parallel_loop3A_255 = arith.constant 64 : index
      %parallel_loop3A_256 = tpu.vector_load %arg12[%parallel_loop3A_254, %parallel_loop3A_255] {strides = array<i32>} : memref<80x128xf32, #tpu.memory_space<vmem>>, vector<1x16xf32>,
      %parallel_loop3A_257 = vector.shape_cast %parallel_loop3A_256 : vector<1x16xf32> to vector<16xf32>
      %parallel_loop3A_258 = vector.shape_cast %parallel_loop3A_253 : vector<16xf32> to vector<1x16xf32>
      tpu.vector_store %arg12[%parallel_loop3A_254, %parallel_loop3A_255], %parallel_loop3A_258 {strides = array<i32>} : memref<80x128xf32, #tpu.memory_space<vmem>>, vector<1x16xf32>,
      %parallel_loop3A_259 = arith.index_cast %parallel_loop3A_165 : i32 to index
      %parallel_loop3A_260 = arith.constant 80 : index
      %parallel_loop3A_261 = tpu.vector_load %arg12[%parallel_loop3A_259, %parallel_loop3A_260] {strides = array<i32>} : memref<80x128xf32, #tpu.memory_space<vmem>>, vector<1x16xf32>,
      %parallel_loop3A_262 = vector.shape_cast %parallel_loop3A_261 : vector<1x16xf32> to vector<16xf32>
      %parallel_loop3A_263 = arith.mulf %parallel_loop3A_262, %parallel_loop3A_248 : vector<16xf32>
      %parallel_loop3A_264 = arith.index_cast %parallel_loop3A_165 : i32 to index
      %parallel_loop3A_265 = arith.constant 80 : index
      %parallel_loop3A_266 = tpu.vector_load %arg12[%parallel_loop3A_264, %parallel_loop3A_265] {strides = array<i32>} : memref<80x128xf32, #tpu.memory_space<vmem>>, vector<1x16xf32>,
      %parallel_loop3A_267 = vector.shape_cast %parallel_loop3A_266 : vector<1x16xf32> to vector<16xf32>
      %parallel_loop3A_268 = vector.shape_cast %parallel_loop3A_263 : vector<16xf32> to vector<1x16xf32>
      tpu.vector_store %arg12[%parallel_loop3A_264, %parallel_loop3A_265], %parallel_loop3A_268 {strides = array<i32>} : memref<80x128xf32, #tpu.memory_space<vmem>>, vector<1x16xf32>,
      %parallel_loop3A_269 = arith.constant 3 : i32
      %parallel_loop3A_270 = vector.broadcast %parallel_loop3A_269 : i32 to vector<16xi32>
      %parallel_loop3A_271 = vector.shape_cast %parallel_loop3A_270 : vector<16xi32> to vector<16x1xi32>
      %parallel_loop3A_272 = vector.shape_cast %parallel_loop3A_271 : vector<16x1xi32> to vector<16xi32>
      %parallel_loop3A_273 = tpu.dynamic_gather %parallel_loop3A_185[%parallel_loop3A_272] in [0] : vector<16xf32>, vector<16xi32> -> vector<16xf32>
      %parallel_loop3A_274 = arith.index_cast %parallel_loop3A_165 : i32 to index
      %parallel_loop3A_275 = arith.constant 96 : index
      %parallel_loop3A_276 = tpu.vector_load %arg12[%parallel_loop3A_274, %parallel_loop3A_275] {strides = array<i32>} : memref<80x128xf32, #tpu.memory_space<vmem>>, vector<1x16xf32>,
      %parallel_loop3A_277 = vector.shape_cast %parallel_loop3A_276 : vector<1x16xf32> to vector<16xf32>
      %parallel_loop3A_278 = arith.mulf %parallel_loop3A_277, %parallel_loop3A_273 : vector<16xf32>
      %parallel_loop3A_279 = arith.index_cast %parallel_loop3A_165 : i32 to index
      %parallel_loop3A_280 = arith.constant 96 : index
      %parallel_loop3A_281 = tpu.vector_load %arg12[%parallel_loop3A_279, %parallel_loop3A_280] {strides = array<i32>} : memref<80x128xf32, #tpu.memory_space<vmem>>, vector<1x16xf32>,
      %parallel_loop3A_282 = vector.shape_cast %parallel_loop3A_281 : vector<1x16xf32> to vector<16xf32>
      %parallel_loop3A_283 = vector.shape_cast %parallel_loop3A_278 : vector<16xf32> to vector<1x16xf32>
      tpu.vector_store %arg12[%parallel_loop3A_279, %parallel_loop3A_280], %parallel_loop3A_283 {strides = array<i32>} : memref<80x128xf32, #tpu.memory_space<vmem>>, vector<1x16xf32>,
      %parallel_loop3A_284 = arith.index_cast %parallel_loop3A_165 : i32 to index
      %parallel_loop3A_285 = arith.constant 112 : index
      %parallel_loop3A_286 = tpu.vector_load %arg12[%parallel_loop3A_284, %parallel_loop3A_285] {strides = array<i32>} : memref<80x128xf32, #tpu.memory_space<vmem>>, vector<1x16xf32>,
      %parallel_loop3A_287 = vector.shape_cast %parallel_loop3A_286 : vector<1x16xf32> to vector<16xf32>
      %parallel_loop3A_288 = arith.mulf %parallel_loop3A_287, %parallel_loop3A_273 : vector<16xf32>
      %parallel_loop3A_289 = arith.index_cast %parallel_loop3A_165 : i32 to index
      %parallel_loop3A_290 = arith.constant 112 : index
      %parallel_loop3A_291 = tpu.vector_load %arg12[%parallel_loop3A_289, %parallel_loop3A_290] {strides = array<i32>} : memref<80x128xf32, #tpu.memory_space<vmem>>, vector<1x16xf32>,
      %parallel_loop3A_292 = vector.shape_cast %parallel_loop3A_291 : vector<1x16xf32> to vector<16xf32>
      %parallel_loop3A_293 = vector.shape_cast %parallel_loop3A_288 : vector<16xf32> to vector<1x16xf32>
      tpu.vector_store %arg12[%parallel_loop3A_289, %parallel_loop3A_290], %parallel_loop3A_293 {strides = array<i32>} : memref<80x128xf32, #tpu.memory_space<vmem>>, vector<1x16xf32>,
    } {sc.loop_unroll_factor = 4 : i64, sc.parallel_access}
    "tpu.region"() ({
      %run_scoped3A = tpu.sem_alloc : memref<!tpu.dma_semaphore, #tpu.memory_space<semaphore_mem>>
      %dma_start3A_165 = arith.constant 0 : i32
      %dma_start3A_166 = arith.constant 0 : i32
      %dma_start3A_167 = tpu.memref_slice %arg18[%dma_start3A_165, %dma_start3A_166] : memref<10000x128xf32, #tpu.memory_space<vmem_shared>> -> memref<10000x128xf32, #tpu.memory_space<vmem_shared>>
      tpu.enqueue_indirect_dma source(%arg12 : memref<80x128xf32, #tpu.memory_space<vmem>>) target(%dma_start3A_167 : memref<10000x128xf32, #tpu.memory_space<vmem_shared>>) offsets(%arg8 : memref<80xi32, #tpu.memory_space<vmem>>) semaphore(%run_scoped3A : memref<!tpu.dma_semaphore, #tpu.memory_space<semaphore_mem>>) {add = true}
      %dma_wait3A_168 = arith.constant 0 : i32
      %dma_wait3A_169 = arith.constant 0 : i32
      %dma_wait3A_170 = tpu.memref_slice %arg18[%dma_wait3A_168, %dma_wait3A_169] : memref<10000x128xf32, #tpu.memory_space<vmem_shared>> -> memref<10000x128xf32, #tpu.memory_space<vmem_shared>>
      tpu.wait_indirect_dma semaphore(%run_scoped3A : memref<!tpu.dma_semaphore, #tpu.memory_space<semaphore_mem>>) src(%arg12 : memref<80x128xf32, #tpu.memory_space<vmem>>) dst(%dma_wait3A_170 : memref<10000x128xf32, #tpu.memory_space<vmem_shared>>)
      tpu.yield
    }) : () -> ()
    "tpu.region"() ({
      %run_scoped3A = tpu.sem_alloc : memref<!tpu.dma_semaphore, #tpu.memory_space<semaphore_mem>>
      %dma_start3A_165 = arith.constant 0 : i32
      %dma_start3A_166 = arith.constant 0 : i32
      %dma_start3A_167 = tpu.memref_slice %arg19[%dma_start3A_165, %dma_start3A_166] : memref<10000x16xf32, #tpu.memory_space<vmem_shared>> -> memref<10000x16xf32, #tpu.memory_space<vmem_shared>>
      tpu.enqueue_indirect_dma source(%arg11 : memref<80x16xf32, #tpu.memory_space<vmem>>) target(%dma_start3A_167 : memref<10000x16xf32, #tpu.memory_space<vmem_shared>>) offsets(%arg8 : memref<80xi32, #tpu.memory_space<vmem>>) semaphore(%run_scoped3A : memref<!tpu.dma_semaphore, #tpu.memory_space<semaphore_mem>>) {add = true}
      %dma_wait3A_168 = arith.constant 0 : i32
      %dma_wait3A_169 = arith.constant 0 : i32
      %dma_wait3A_170 = tpu.memref_slice %arg19[%dma_wait3A_168, %dma_wait3A_169] : memref<10000x16xf32, #tpu.memory_space<vmem_shared>> -> memref<10000x16xf32, #tpu.memory_space<vmem_shared>>
      tpu.wait_indirect_dma semaphore(%run_scoped3A : memref<!tpu.dma_semaphore, #tpu.memory_space<semaphore_mem>>) src(%arg11 : memref<80x16xf32, #tpu.memory_space<vmem>>) dst(%dma_wait3A_170 : memref<10000x16xf32, #tpu.memory_space<vmem_shared>>)
      tpu.yield
    }) : () -> ()
    %barrier3A_95 = arith.constant 0 : index
    tpu.barrier barrier_id(%barrier3A_95)
    %add3A_96 = arith.constant 0 : i32
    %add3A_97 = arith.addi %mul3A_29, %add3A_96 : i32
    "tpu.region"() ({
      %run_scoped3A = tpu.sem_alloc : memref<!tpu.dma_semaphore, #tpu.memory_space<semaphore_mem>>
      %dma_start3A_165 = arith.constant 0 : i32
      %dma_start3A_166 = tpu.memref_slice %arg18[%add3A_97, %dma_start3A_165] : memref<10000x128xf32, #tpu.memory_space<vmem_shared>> -> memref<80x128xf32, #tpu.memory_space<vmem_shared>>
      %dma_start3A_167 = arith.constant 0 : i32
      %dma_start3A_168 = tpu.memref_slice %arg18[%add3A_97, %dma_start3A_167] : memref<10000x128xf32, #tpu.memory_space<vmem_shared>> -> memref<80x128xf32, #tpu.memory_space<vmem_shared>>
      tpu.enqueue_dma source(%dma_start3A_168 : memref<80x128xf32, #tpu.memory_space<vmem_shared>>) target(%arg12 : memref<80x128xf32, #tpu.memory_space<vmem>>) target_semaphore(%run_scoped3A : memref<!tpu.dma_semaphore, #tpu.memory_space<semaphore_mem>>)
      %dma_wait3A_169 = arith.constant 0 : i32
      %dma_wait3A_170 = tpu.memref_slice %arg18[%add3A_97, %dma_wait3A_169] : memref<10000x128xf32, #tpu.memory_space<vmem_shared>> -> memref<80x128xf32, #tpu.memory_space<vmem_shared>>
      %dma_wait3A_171 = arith.constant 0 : i32
      %dma_wait3A_172 = tpu.memref_slice %arg18[%add3A_97, %dma_wait3A_171] : memref<10000x128xf32, #tpu.memory_space<vmem_shared>> -> memref<80x128xf32, #tpu.memory_space<vmem_shared>>
      tpu.wait_dma2 semaphore(%run_scoped3A : memref<!tpu.dma_semaphore, #tpu.memory_space<semaphore_mem>>) src(%dma_wait3A_172 : memref<80x128xf32, #tpu.memory_space<vmem_shared>>) dst(%arg12 : memref<80x128xf32, #tpu.memory_space<vmem>>)
      tpu.yield
    }) : () -> ()
    %add3A_98 = arith.constant 0 : i32
    %add3A_99 = arith.addi %mul3A_29, %add3A_98 : i32
    "tpu.region"() ({
      %run_scoped3A = tpu.sem_alloc : memref<!tpu.dma_semaphore, #tpu.memory_space<semaphore_mem>>
      %dma_start3A_165 = arith.constant 0 : i32
      %dma_start3A_166 = tpu.memref_slice %arg5[%arg0, %add3A_99, %dma_start3A_165] : memref<2x10000x128xf32, #tpu.memory_space<hbm>> -> memref<1x80x128xf32, #tpu.memory_space<hbm>>
      %dma_start3A_167 = tpu.memref_squeeze %dma_start3A_166 : memref<1x80x128xf32, #tpu.memory_space<hbm>> -> memref<80x128xf32, #tpu.memory_space<hbm>>
      %dma_start3A_168 = arith.constant 0 : i32
      %dma_start3A_169 = tpu.memref_slice %arg5[%arg0, %add3A_99, %dma_start3A_168] : memref<2x10000x128xf32, #tpu.memory_space<hbm>> -> memref<1x80x128xf32, #tpu.memory_space<hbm>>
      %dma_start3A_170 = tpu.memref_squeeze %dma_start3A_169 : memref<1x80x128xf32, #tpu.memory_space<hbm>> -> memref<80x128xf32, #tpu.memory_space<hbm>>
      tpu.enqueue_dma source(%arg12 : memref<80x128xf32, #tpu.memory_space<vmem>>) target(%dma_start3A_170 : memref<80x128xf32, #tpu.memory_space<hbm>>) target_semaphore(%run_scoped3A : memref<!tpu.dma_semaphore, #tpu.memory_space<semaphore_mem>>)
      %dma_wait3A_171 = arith.constant 0 : i32
      %dma_wait3A_172 = tpu.memref_slice %arg5[%arg0, %add3A_99, %dma_wait3A_171] : memref<2x10000x128xf32, #tpu.memory_space<hbm>> -> memref<1x80x128xf32, #tpu.memory_space<hbm>>
      %dma_wait3A_173 = tpu.memref_squeeze %dma_wait3A_172 : memref<1x80x128xf32, #tpu.memory_space<hbm>> -> memref<80x128xf32, #tpu.memory_space<hbm>>
      %dma_wait3A_174 = arith.constant 0 : i32
      %dma_wait3A_175 = tpu.memref_slice %arg5[%arg0, %add3A_99, %dma_wait3A_174] : memref<2x10000x128xf32, #tpu.memory_space<hbm>> -> memref<1x80x128xf32, #tpu.memory_space<hbm>>
      %dma_wait3A_176 = tpu.memref_squeeze %dma_wait3A_175 : memref<1x80x128xf32, #tpu.memory_space<hbm>> -> memref<80x128xf32, #tpu.memory_space<hbm>>
      tpu.wait_dma2 semaphore(%run_scoped3A : memref<!tpu.dma_semaphore, #tpu.memory_space<semaphore_mem>>) src(%arg12 : memref<80x128xf32, #tpu.memory_space<vmem>>) dst(%dma_wait3A_176 : memref<80x128xf32, #tpu.memory_space<hbm>>)
      tpu.yield
    }) : () -> ()
    %add3A_100 = arith.constant 0 : i32
    %add3A_101 = arith.addi %mul3A_29, %add3A_100 : i32
    "tpu.region"() ({
      %run_scoped3A = tpu.sem_alloc : memref<!tpu.dma_semaphore, #tpu.memory_space<semaphore_mem>>
      %dma_start3A_165 = arith.constant 0 : i32
      %dma_start3A_166 = tpu.memref_slice %arg19[%add3A_101, %dma_start3A_165] : memref<10000x16xf32, #tpu.memory_space<vmem_shared>> -> memref<80x16xf32, #tpu.memory_space<vmem_shared>>
      %dma_start3A_167 = arith.constant 0 : i32
      %dma_start3A_168 = tpu.memref_slice %arg19[%add3A_101, %dma_start3A_167] : memref<10000x16xf32, #tpu.memory_space<vmem_shared>> -> memref<80x16xf32, #tpu.memory_space<vmem_shared>>
      tpu.enqueue_dma source(%dma_start3A_168 : memref<80x16xf32, #tpu.memory_space<vmem_shared>>) target(%arg11 : memref<80x16xf32, #tpu.memory_space<vmem>>) target_semaphore(%run_scoped3A : memref<!tpu.dma_semaphore, #tpu.memory_space<semaphore_mem>>)
      %dma_wait3A_169 = arith.constant 0 : i32
      %dma_wait3A_170 = tpu.memref_slice %arg19[%add3A_101, %dma_wait3A_169] : memref<10000x16xf32, #tpu.memory_space<vmem_shared>> -> memref<80x16xf32, #tpu.memory_space<vmem_shared>>
      %dma_wait3A_171 = arith.constant 0 : i32
      %dma_wait3A_172 = tpu.memref_slice %arg19[%add3A_101, %dma_wait3A_171] : memref<10000x16xf32, #tpu.memory_space<vmem_shared>> -> memref<80x16xf32, #tpu.memory_space<vmem_shared>>
      tpu.wait_dma2 semaphore(%run_scoped3A : memref<!tpu.dma_semaphore, #tpu.memory_space<semaphore_mem>>) src(%dma_wait3A_172 : memref<80x16xf32, #tpu.memory_space<vmem_shared>>) dst(%arg11 : memref<80x16xf32, #tpu.memory_space<vmem>>)
      tpu.yield
    }) : () -> ()
    %add3A_102 = arith.constant 0 : i32
    %add3A_103 = arith.addi %mul3A_29, %add3A_102 : i32
    "tpu.region"() ({
      %run_scoped3A = tpu.sem_alloc : memref<!tpu.dma_semaphore, #tpu.memory_space<semaphore_mem>>
      %dma_start3A_165 = arith.constant 0 : i32
      %dma_start3A_166 = tpu.memref_slice %arg6[%arg0, %add3A_103, %dma_start3A_165] : memref<2x10000x16xf32, #tpu.memory_space<hbm>> -> memref<1x80x16xf32, #tpu.memory_space<hbm>>
      %dma_start3A_167 = tpu.memref_squeeze %dma_start3A_166 : memref<1x80x16xf32, #tpu.memory_space<hbm>> -> memref<80x16xf32, #tpu.memory_space<hbm>>
      %dma_start3A_168 = arith.constant 0 : i32
      %dma_start3A_169 = tpu.memref_slice %arg6[%arg0, %add3A_103, %dma_start3A_168] : memref<2x10000x16xf32, #tpu.memory_space<hbm>> -> memref<1x80x16xf32, #tpu.memory_space<hbm>>
      %dma_start3A_170 = tpu.memref_squeeze %dma_start3A_169 : memref<1x80x16xf32, #tpu.memory_space<hbm>> -> memref<80x16xf32, #tpu.memory_space<hbm>>
      tpu.enqueue_dma source(%arg11 : memref<80x16xf32, #tpu.memory_space<vmem>>) target(%dma_start3A_170 : memref<80x16xf32, #tpu.memory_space<hbm>>) target_semaphore(%run_scoped3A : memref<!tpu.dma_semaphore, #tpu.memory_space<semaphore_mem>>)
      %dma_wait3A_171 = arith.constant 0 : i32
      %dma_wait3A_172 = tpu.memref_slice %arg6[%arg0, %add3A_103, %dma_wait3A_171] : memref<2x10000x16xf32, #tpu.memory_space<hbm>> -> memref<1x80x16xf32, #tpu.memory_space<hbm>>
      %dma_wait3A_173 = tpu.memref_squeeze %dma_wait3A_172 : memref<1x80x16xf32, #tpu.memory_space<hbm>> -> memref<80x16xf32, #tpu.memory_space<hbm>>
      %dma_wait3A_174 = arith.constant 0 : i32
      %dma_wait3A_175 = tpu.memref_slice %arg6[%arg0, %add3A_103, %dma_wait3A_174] : memref<2x10000x16xf32, #tpu.memory_space<hbm>> -> memref<1x80x16xf32, #tpu.memory_space<hbm>>
      %dma_wait3A_176 = tpu.memref_squeeze %dma_wait3A_175 : memref<1x80x16xf32, #tpu.memory_space<hbm>> -> memref<80x16xf32, #tpu.memory_space<hbm>>
      tpu.wait_dma2 semaphore(%run_scoped3A : memref<!tpu.dma_semaphore, #tpu.memory_space<semaphore_mem>>) src(%arg11 : memref<80x16xf32, #tpu.memory_space<vmem>>) dst(%dma_wait3A_176 : memref<80x16xf32, #tpu.memory_space<hbm>>)
      tpu.yield
    }) : () -> ()
    %add3A_104 = arith.constant 80 : i32
    %add3A_105 = arith.addi %mul3A_29, %add3A_104 : i32
    "tpu.region"() ({
      %run_scoped3A = tpu.sem_alloc : memref<!tpu.dma_semaphore, #tpu.memory_space<semaphore_mem>>
      %dma_start3A_165 = arith.constant 0 : i32
      %dma_start3A_166 = tpu.memref_slice %arg18[%add3A_105, %dma_start3A_165] : memref<10000x128xf32, #tpu.memory_space<vmem_shared>> -> memref<80x128xf32, #tpu.memory_space<vmem_shared>>
      %dma_start3A_167 = arith.constant 0 : i32
      %dma_start3A_168 = tpu.memref_slice %arg18[%add3A_105, %dma_start3A_167] : memref<10000x128xf32, #tpu.memory_space<vmem_shared>> -> memref<80x128xf32, #tpu.memory_space<vmem_shared>>
      tpu.enqueue_dma source(%dma_start3A_168 : memref<80x128xf32, #tpu.memory_space<vmem_shared>>) target(%arg12 : memref<80x128xf32, #tpu.memory_space<vmem>>) target_semaphore(%run_scoped3A : memref<!tpu.dma_semaphore, #tpu.memory_space<semaphore_mem>>)
      %dma_wait3A_169 = arith.constant 0 : i32
      %dma_wait3A_170 = tpu.memref_slice %arg18[%add3A_105, %dma_wait3A_169] : memref<10000x128xf32, #tpu.memory_space<vmem_shared>> -> memref<80x128xf32, #tpu.memory_space<vmem_shared>>
      %dma_wait3A_171 = arith.constant 0 : i32
      %dma_wait3A_172 = tpu.memref_slice %arg18[%add3A_105, %dma_wait3A_171] : memref<10000x128xf32, #tpu.memory_space<vmem_shared>> -> memref<80x128xf32, #tpu.memory_space<vmem_shared>>
      tpu.wait_dma2 semaphore(%run_scoped3A : memref<!tpu.dma_semaphore, #tpu.memory_space<semaphore_mem>>) src(%dma_wait3A_172 : memref<80x128xf32, #tpu.memory_space<vmem_shared>>) dst(%arg12 : memref<80x128xf32, #tpu.memory_space<vmem>>)
      tpu.yield
    }) : () -> ()
    %add3A_106 = arith.constant 80 : i32
    %add3A_107 = arith.addi %mul3A_29, %add3A_106 : i32
    "tpu.region"() ({
      %run_scoped3A = tpu.sem_alloc : memref<!tpu.dma_semaphore, #tpu.memory_space<semaphore_mem>>
      %dma_start3A_165 = arith.constant 0 : i32
      %dma_start3A_166 = tpu.memref_slice %arg5[%arg0, %add3A_107, %dma_start3A_165] : memref<2x10000x128xf32, #tpu.memory_space<hbm>> -> memref<1x80x128xf32, #tpu.memory_space<hbm>>
      %dma_start3A_167 = tpu.memref_squeeze %dma_start3A_166 : memref<1x80x128xf32, #tpu.memory_space<hbm>> -> memref<80x128xf32, #tpu.memory_space<hbm>>
      %dma_start3A_168 = arith.constant 0 : i32
      %dma_start3A_169 = tpu.memref_slice %arg5[%arg0, %add3A_107, %dma_start3A_168] : memref<2x10000x128xf32, #tpu.memory_space<hbm>> -> memref<1x80x128xf32, #tpu.memory_space<hbm>>
      %dma_start3A_170 = tpu.memref_squeeze %dma_start3A_169 : memref<1x80x128xf32, #tpu.memory_space<hbm>> -> memref<80x128xf32, #tpu.memory_space<hbm>>
      tpu.enqueue_dma source(%arg12 : memref<80x128xf32, #tpu.memory_space<vmem>>) target(%dma_start3A_170 : memref<80x128xf32, #tpu.memory_space<hbm>>) target_semaphore(%run_scoped3A : memref<!tpu.dma_semaphore, #tpu.memory_space<semaphore_mem>>)
      %dma_wait3A_171 = arith.constant 0 : i32
      %dma_wait3A_172 = tpu.memref_slice %arg5[%arg0, %add3A_107, %dma_wait3A_171] : memref<2x10000x128xf32, #tpu.memory_space<hbm>> -> memref<1x80x128xf32, #tpu.memory_space<hbm>>
      %dma_wait3A_173 = tpu.memref_squeeze %dma_wait3A_172 : memref<1x80x128xf32, #tpu.memory_space<hbm>> -> memref<80x128xf32, #tpu.memory_space<hbm>>
      %dma_wait3A_174 = arith.constant 0 : i32
      %dma_wait3A_175 = tpu.memref_slice %arg5[%arg0, %add3A_107, %dma_wait3A_174] : memref<2x10000x128xf32, #tpu.memory_space<hbm>> -> memref<1x80x128xf32, #tpu.memory_space<hbm>>
      %dma_wait3A_176 = tpu.memref_squeeze %dma_wait3A_175 : memref<1x80x128xf32, #tpu.memory_space<hbm>> -> memref<80x128xf32, #tpu.memory_space<hbm>>
      tpu.wait_dma2 semaphore(%run_scoped3A : memref<!tpu.dma_semaphore, #tpu.memory_space<semaphore_mem>>) src(%arg12 : memref<80x128xf32, #tpu.memory_space<vmem>>) dst(%dma_wait3A_176 : memref<80x128xf32, #tpu.memory_space<hbm>>)
      tpu.yield
    }) : () -> ()
    %add3A_108 = arith.constant 80 : i32
    %add3A_109 = arith.addi %mul3A_29, %add3A_108 : i32
    "tpu.region"() ({
      %run_scoped3A = tpu.sem_alloc : memref<!tpu.dma_semaphore, #tpu.memory_space<semaphore_mem>>
      %dma_start3A_165 = arith.constant 0 : i32
      %dma_start3A_166 = tpu.memref_slice %arg19[%add3A_109, %dma_start3A_165] : memref<10000x16xf32, #tpu.memory_space<vmem_shared>> -> memref<80x16xf32, #tpu.memory_space<vmem_shared>>
      %dma_start3A_167 = arith.constant 0 : i32
      %dma_start3A_168 = tpu.memref_slice %arg19[%add3A_109, %dma_start3A_167] : memref<10000x16xf32, #tpu.memory_space<vmem_shared>> -> memref<80x16xf32, #tpu.memory_space<vmem_shared>>
      tpu.enqueue_dma source(%dma_start3A_168 : memref<80x16xf32, #tpu.memory_space<vmem_shared>>) target(%arg11 : memref<80x16xf32, #tpu.memory_space<vmem>>) target_semaphore(%run_scoped3A : memref<!tpu.dma_semaphore, #tpu.memory_space<semaphore_mem>>)
      %dma_wait3A_169 = arith.constant 0 : i32
      %dma_wait3A_170 = tpu.memref_slice %arg19[%add3A_109, %dma_wait3A_169] : memref<10000x16xf32, #tpu.memory_space<vmem_shared>> -> memref<80x16xf32, #tpu.memory_space<vmem_shared>>
      %dma_wait3A_171 = arith.constant 0 : i32
      %dma_wait3A_172 = tpu.memref_slice %arg19[%add3A_109, %dma_wait3A_171] : memref<10000x16xf32, #tpu.memory_space<vmem_shared>> -> memref<80x16xf32, #tpu.memory_space<vmem_shared>>
      tpu.wait_dma2 semaphore(%run_scoped3A : memref<!tpu.dma_semaphore, #tpu.memory_space<semaphore_mem>>) src(%dma_wait3A_172 : memref<80x16xf32, #tpu.memory_space<vmem_shared>>) dst(%arg11 : memref<80x16xf32, #tpu.memory_space<vmem>>)
      tpu.yield
    }) : () -> ()
    %add3A_110 = arith.constant 80 : i32
    %add3A_111 = arith.addi %mul3A_29, %add3A_110 : i32
    "tpu.region"() ({
      %run_scoped3A = tpu.sem_alloc : memref<!tpu.dma_semaphore, #tpu.memory_space<semaphore_mem>>
      %dma_start3A_165 = arith.constant 0 : i32
      %dma_start3A_166 = tpu.memref_slice %arg6[%arg0, %add3A_111, %dma_start3A_165] : memref<2x10000x16xf32, #tpu.memory_space<hbm>> -> memref<1x80x16xf32, #tpu.memory_space<hbm>>
      %dma_start3A_167 = tpu.memref_squeeze %dma_start3A_166 : memref<1x80x16xf32, #tpu.memory_space<hbm>> -> memref<80x16xf32, #tpu.memory_space<hbm>>
      %dma_start3A_168 = arith.constant 0 : i32
      %dma_start3A_169 = tpu.memref_slice %arg6[%arg0, %add3A_111, %dma_start3A_168] : memref<2x10000x16xf32, #tpu.memory_space<hbm>> -> memref<1x80x16xf32, #tpu.memory_space<hbm>>
      %dma_start3A_170 = tpu.memref_squeeze %dma_start3A_169 : memref<1x80x16xf32, #tpu.memory_space<hbm>> -> memref<80x16xf32, #tpu.memory_space<hbm>>
      tpu.enqueue_dma source(%arg11 : memref<80x16xf32, #tpu.memory_space<vmem>>) target(%dma_start3A_170 : memref<80x16xf32, #tpu.memory_space<hbm>>) target_semaphore(%run_scoped3A : memref<!tpu.dma_semaphore, #tpu.memory_space<semaphore_mem>>)
      %dma_wait3A_171 = arith.constant 0 : i32
      %dma_wait3A_172 = tpu.memref_slice %arg6[%arg0, %add3A_111, %dma_wait3A_171] : memref<2x10000x16xf32, #tpu.memory_space<hbm>> -> memref<1x80x16xf32, #tpu.memory_space<hbm>>
      %dma_wait3A_173 = tpu.memref_squeeze %dma_wait3A_172 : memref<1x80x16xf32, #tpu.memory_space<hbm>> -> memref<80x16xf32, #tpu.memory_space<hbm>>
      %dma_wait3A_174 = arith.constant 0 : i32
      %dma_wait3A_175 = tpu.memref_slice %arg6[%arg0, %add3A_111, %dma_wait3A_174] : memref<2x10000x16xf32, #tpu.memory_space<hbm>> -> memref<1x80x16xf32, #tpu.memory_space<hbm>>
      %dma_wait3A_176 = tpu.memref_squeeze %dma_wait3A_175 : memref<1x80x16xf32, #tpu.memory_space<hbm>> -> memref<80x16xf32, #tpu.memory_space<hbm>>
      tpu.wait_dma2 semaphore(%run_scoped3A : memref<!tpu.dma_semaphore, #tpu.memory_space<semaphore_mem>>) src(%arg11 : memref<80x16xf32, #tpu.memory_space<vmem>>) dst(%dma_wait3A_176 : memref<80x16xf32, #tpu.memory_space<hbm>>)
      tpu.yield
    }) : () -> ()
    %add3A_112 = arith.constant 160 : i32
    %add3A_113 = arith.addi %mul3A_29, %add3A_112 : i32
    "tpu.region"() ({
      %run_scoped3A = tpu.sem_alloc : memref<!tpu.dma_semaphore, #tpu.memory_space<semaphore_mem>>
      %dma_start3A_165 = arith.constant 0 : i32
      %dma_start3A_166 = tpu.memref_slice %arg18[%add3A_113, %dma_start3A_165] : memref<10000x128xf32, #tpu.memory_space<vmem_shared>> -> memref<80x128xf32, #tpu.memory_space<vmem_shared>>
      %dma_start3A_167 = arith.constant 0 : i32
      %dma_start3A_168 = tpu.memref_slice %arg18[%add3A_113, %dma_start3A_167] : memref<10000x128xf32, #tpu.memory_space<vmem_shared>> -> memref<80x128xf32, #tpu.memory_space<vmem_shared>>
      tpu.enqueue_dma source(%dma_start3A_168 : memref<80x128xf32, #tpu.memory_space<vmem_shared>>) target(%arg12 : memref<80x128xf32, #tpu.memory_space<vmem>>) target_semaphore(%run_scoped3A : memref<!tpu.dma_semaphore, #tpu.memory_space<semaphore_mem>>)
      %dma_wait3A_169 = arith.constant 0 : i32
      %dma_wait3A_170 = tpu.memref_slice %arg18[%add3A_113, %dma_wait3A_169] : memref<10000x128xf32, #tpu.memory_space<vmem_shared>> -> memref<80x128xf32, #tpu.memory_space<vmem_shared>>
      %dma_wait3A_171 = arith.constant 0 : i32
      %dma_wait3A_172 = tpu.memref_slice %arg18[%add3A_113, %dma_wait3A_171] : memref<10000x128xf32, #tpu.memory_space<vmem_shared>> -> memref<80x128xf32, #tpu.memory_space<vmem_shared>>
      tpu.wait_dma2 semaphore(%run_scoped3A : memref<!tpu.dma_semaphore, #tpu.memory_space<semaphore_mem>>) src(%dma_wait3A_172 : memref<80x128xf32, #tpu.memory_space<vmem_shared>>) dst(%arg12 : memref<80x128xf32, #tpu.memory_space<vmem>>)
      tpu.yield
    }) : () -> ()
    %add3A_114 = arith.constant 160 : i32
    %add3A_115 = arith.addi %mul3A_29, %add3A_114 : i32
    "tpu.region"() ({
      %run_scoped3A = tpu.sem_alloc : memref<!tpu.dma_semaphore, #tpu.memory_space<semaphore_mem>>
      %dma_start3A_165 = arith.constant 0 : i32
      %dma_start3A_166 = tpu.memref_slice %arg5[%arg0, %add3A_115, %dma_start3A_165] : memref<2x10000x128xf32, #tpu.memory_space<hbm>> -> memref<1x80x128xf32, #tpu.memory_space<hbm>>
      %dma_start3A_167 = tpu.memref_squeeze %dma_start3A_166 : memref<1x80x128xf32, #tpu.memory_space<hbm>> -> memref<80x128xf32, #tpu.memory_space<hbm>>
      %dma_start3A_168 = arith.constant 0 : i32
      %dma_start3A_169 = tpu.memref_slice %arg5[%arg0, %add3A_115, %dma_start3A_168] : memref<2x10000x128xf32, #tpu.memory_space<hbm>> -> memref<1x80x128xf32, #tpu.memory_space<hbm>>
      %dma_start3A_170 = tpu.memref_squeeze %dma_start3A_169 : memref<1x80x128xf32, #tpu.memory_space<hbm>> -> memref<80x128xf32, #tpu.memory_space<hbm>>
      tpu.enqueue_dma source(%arg12 : memref<80x128xf32, #tpu.memory_space<vmem>>) target(%dma_start3A_170 : memref<80x128xf32, #tpu.memory_space<hbm>>) target_semaphore(%run_scoped3A : memref<!tpu.dma_semaphore, #tpu.memory_space<semaphore_mem>>)
      %dma_wait3A_171 = arith.constant 0 : i32
      %dma_wait3A_172 = tpu.memref_slice %arg5[%arg0, %add3A_115, %dma_wait3A_171] : memref<2x10000x128xf32, #tpu.memory_space<hbm>> -> memref<1x80x128xf32, #tpu.memory_space<hbm>>
      %dma_wait3A_173 = tpu.memref_squeeze %dma_wait3A_172 : memref<1x80x128xf32, #tpu.memory_space<hbm>> -> memref<80x128xf32, #tpu.memory_space<hbm>>
      %dma_wait3A_174 = arith.constant 0 : i32
      %dma_wait3A_175 = tpu.memref_slice %arg5[%arg0, %add3A_115, %dma_wait3A_174] : memref<2x10000x128xf32, #tpu.memory_space<hbm>> -> memref<1x80x128xf32, #tpu.memory_space<hbm>>
      %dma_wait3A_176 = tpu.memref_squeeze %dma_wait3A_175 : memref<1x80x128xf32, #tpu.memory_space<hbm>> -> memref<80x128xf32, #tpu.memory_space<hbm>>
      tpu.wait_dma2 semaphore(%run_scoped3A : memref<!tpu.dma_semaphore, #tpu.memory_space<semaphore_mem>>) src(%arg12 : memref<80x128xf32, #tpu.memory_space<vmem>>) dst(%dma_wait3A_176 : memref<80x128xf32, #tpu.memory_space<hbm>>)
      tpu.yield
    }) : () -> ()
    %add3A_116 = arith.constant 160 : i32
    %add3A_117 = arith.addi %mul3A_29, %add3A_116 : i32
    "tpu.region"() ({
      %run_scoped3A = tpu.sem_alloc : memref<!tpu.dma_semaphore, #tpu.memory_space<semaphore_mem>>
      %dma_start3A_165 = arith.constant 0 : i32
      %dma_start3A_166 = tpu.memref_slice %arg19[%add3A_117, %dma_start3A_165] : memref<10000x16xf32, #tpu.memory_space<vmem_shared>> -> memref<80x16xf32, #tpu.memory_space<vmem_shared>>
      %dma_start3A_167 = arith.constant 0 : i32
      %dma_start3A_168 = tpu.memref_slice %arg19[%add3A_117, %dma_start3A_167] : memref<10000x16xf32, #tpu.memory_space<vmem_shared>> -> memref<80x16xf32, #tpu.memory_space<vmem_shared>>
      tpu.enqueue_dma source(%dma_start3A_168 : memref<80x16xf32, #tpu.memory_space<vmem_shared>>) target(%arg11 : memref<80x16xf32, #tpu.memory_space<vmem>>) target_semaphore(%run_scoped3A : memref<!tpu.dma_semaphore, #tpu.memory_space<semaphore_mem>>)
      %dma_wait3A_169 = arith.constant 0 : i32
      %dma_wait3A_170 = tpu.memref_slice %arg19[%add3A_117, %dma_wait3A_169] : memref<10000x16xf32, #tpu.memory_space<vmem_shared>> -> memref<80x16xf32, #tpu.memory_space<vmem_shared>>
      %dma_wait3A_171 = arith.constant 0 : i32
      %dma_wait3A_172 = tpu.memref_slice %arg19[%add3A_117, %dma_wait3A_171] : memref<10000x16xf32, #tpu.memory_space<vmem_shared>> -> memref<80x16xf32, #tpu.memory_space<vmem_shared>>
      tpu.wait_dma2 semaphore(%run_scoped3A : memref<!tpu.dma_semaphore, #tpu.memory_space<semaphore_mem>>) src(%dma_wait3A_172 : memref<80x16xf32, #tpu.memory_space<vmem_shared>>) dst(%arg11 : memref<80x16xf32, #tpu.memory_space<vmem>>)
      tpu.yield
    }) : () -> ()
    %add3A_118 = arith.constant 160 : i32
    %add3A_119 = arith.addi %mul3A_29, %add3A_118 : i32
    "tpu.region"() ({
      %run_scoped3A = tpu.sem_alloc : memref<!tpu.dma_semaphore, #tpu.memory_space<semaphore_mem>>
      %dma_start3A_165 = arith.constant 0 : i32
      %dma_start3A_166 = tpu.memref_slice %arg6[%arg0, %add3A_119, %dma_start3A_165] : memref<2x10000x16xf32, #tpu.memory_space<hbm>> -> memref<1x80x16xf32, #tpu.memory_space<hbm>>
      %dma_start3A_167 = tpu.memref_squeeze %dma_start3A_166 : memref<1x80x16xf32, #tpu.memory_space<hbm>> -> memref<80x16xf32, #tpu.memory_space<hbm>>
      %dma_start3A_168 = arith.constant 0 : i32
      %dma_start3A_169 = tpu.memref_slice %arg6[%arg0, %add3A_119, %dma_start3A_168] : memref<2x10000x16xf32, #tpu.memory_space<hbm>> -> memref<1x80x16xf32, #tpu.memory_space<hbm>>
      %dma_start3A_170 = tpu.memref_squeeze %dma_start3A_169 : memref<1x80x16xf32, #tpu.memory_space<hbm>> -> memref<80x16xf32, #tpu.memory_space<hbm>>
      tpu.enqueue_dma source(%arg11 : memref<80x16xf32, #tpu.memory_space<vmem>>) target(%dma_start3A_170 : memref<80x16xf32, #tpu.memory_space<hbm>>) target_semaphore(%run_scoped3A : memref<!tpu.dma_semaphore, #tpu.memory_space<semaphore_mem>>)
      %dma_wait3A_171 = arith.constant 0 : i32
      %dma_wait3A_172 = tpu.memref_slice %arg6[%arg0, %add3A_119, %dma_wait3A_171] : memref<2x10000x16xf32, #tpu.memory_space<hbm>> -> memref<1x80x16xf32, #tpu.memory_space<hbm>>
      %dma_wait3A_173 = tpu.memref_squeeze %dma_wait3A_172 : memref<1x80x16xf32, #tpu.memory_space<hbm>> -> memref<80x16xf32, #tpu.memory_space<hbm>>
      %dma_wait3A_174 = arith.constant 0 : i32
      %dma_wait3A_175 = tpu.memref_slice %arg6[%arg0, %add3A_119, %dma_wait3A_174] : memref<2x10000x16xf32, #tpu.memory_space<hbm>> -> memref<1x80x16xf32, #tpu.memory_space<hbm>>
      %dma_wait3A_176 = tpu.memref_squeeze %dma_wait3A_175 : memref<1x80x16xf32, #tpu.memory_space<hbm>> -> memref<80x16xf32, #tpu.memory_space<hbm>>
      tpu.wait_dma2 semaphore(%run_scoped3A : memref<!tpu.dma_semaphore, #tpu.memory_space<semaphore_mem>>) src(%arg11 : memref<80x16xf32, #tpu.memory_space<vmem>>) dst(%dma_wait3A_176 : memref<80x16xf32, #tpu.memory_space<hbm>>)
      tpu.yield
    }) : () -> ()
    %add3A_120 = arith.constant 240 : i32
    %add3A_121 = arith.addi %mul3A_29, %add3A_120 : i32
    "tpu.region"() ({
      %run_scoped3A = tpu.sem_alloc : memref<!tpu.dma_semaphore, #tpu.memory_space<semaphore_mem>>
      %dma_start3A_165 = arith.constant 0 : i32
      %dma_start3A_166 = tpu.memref_slice %arg18[%add3A_121, %dma_start3A_165] : memref<10000x128xf32, #tpu.memory_space<vmem_shared>> -> memref<80x128xf32, #tpu.memory_space<vmem_shared>>
      %dma_start3A_167 = arith.constant 0 : i32
      %dma_start3A_168 = tpu.memref_slice %arg18[%add3A_121, %dma_start3A_167] : memref<10000x128xf32, #tpu.memory_space<vmem_shared>> -> memref<80x128xf32, #tpu.memory_space<vmem_shared>>
      tpu.enqueue_dma source(%dma_start3A_168 : memref<80x128xf32, #tpu.memory_space<vmem_shared>>) target(%arg12 : memref<80x128xf32, #tpu.memory_space<vmem>>) target_semaphore(%run_scoped3A : memref<!tpu.dma_semaphore, #tpu.memory_space<semaphore_mem>>)
      %dma_wait3A_169 = arith.constant 0 : i32
      %dma_wait3A_170 = tpu.memref_slice %arg18[%add3A_121, %dma_wait3A_169] : memref<10000x128xf32, #tpu.memory_space<vmem_shared>> -> memref<80x128xf32, #tpu.memory_space<vmem_shared>>
      %dma_wait3A_171 = arith.constant 0 : i32
      %dma_wait3A_172 = tpu.memref_slice %arg18[%add3A_121, %dma_wait3A_171] : memref<10000x128xf32, #tpu.memory_space<vmem_shared>> -> memref<80x128xf32, #tpu.memory_space<vmem_shared>>
      tpu.wait_dma2 semaphore(%run_scoped3A : memref<!tpu.dma_semaphore, #tpu.memory_space<semaphore_mem>>) src(%dma_wait3A_172 : memref<80x128xf32, #tpu.memory_space<vmem_shared>>) dst(%arg12 : memref<80x128xf32, #tpu.memory_space<vmem>>)
      tpu.yield
    }) : () -> ()
    %add3A_122 = arith.constant 240 : i32
    %add3A_123 = arith.addi %mul3A_29, %add3A_122 : i32
    "tpu.region"() ({
      %run_scoped3A = tpu.sem_alloc : memref<!tpu.dma_semaphore, #tpu.memory_space<semaphore_mem>>
      %dma_start3A_165 = arith.constant 0 : i32
      %dma_start3A_166 = tpu.memref_slice %arg5[%arg0, %add3A_123, %dma_start3A_165] : memref<2x10000x128xf32, #tpu.memory_space<hbm>> -> memref<1x80x128xf32, #tpu.memory_space<hbm>>
      %dma_start3A_167 = tpu.memref_squeeze %dma_start3A_166 : memref<1x80x128xf32, #tpu.memory_space<hbm>> -> memref<80x128xf32, #tpu.memory_space<hbm>>
      %dma_start3A_168 = arith.constant 0 : i32
      %dma_start3A_169 = tpu.memref_slice %arg5[%arg0, %add3A_123, %dma_start3A_168] : memref<2x10000x128xf32, #tpu.memory_space<hbm>> -> memref<1x80x128xf32, #tpu.memory_space<hbm>>
      %dma_start3A_170 = tpu.memref_squeeze %dma_start3A_169 : memref<1x80x128xf32, #tpu.memory_space<hbm>> -> memref<80x128xf32, #tpu.memory_space<hbm>>
      tpu.enqueue_dma source(%arg12 : memref<80x128xf32, #tpu.memory_space<vmem>>) target(%dma_start3A_170 : memref<80x128xf32, #tpu.memory_space<hbm>>) target_semaphore(%run_scoped3A : memref<!tpu.dma_semaphore, #tpu.memory_space<semaphore_mem>>)
      %dma_wait3A_171 = arith.constant 0 : i32
      %dma_wait3A_172 = tpu.memref_slice %arg5[%arg0, %add3A_123, %dma_wait3A_171] : memref<2x10000x128xf32, #tpu.memory_space<hbm>> -> memref<1x80x128xf32, #tpu.memory_space<hbm>>
      %dma_wait3A_173 = tpu.memref_squeeze %dma_wait3A_172 : memref<1x80x128xf32, #tpu.memory_space<hbm>> -> memref<80x128xf32, #tpu.memory_space<hbm>>
      %dma_wait3A_174 = arith.constant 0 : i32
      %dma_wait3A_175 = tpu.memref_slice %arg5[%arg0, %add3A_123, %dma_wait3A_174] : memref<2x10000x128xf32, #tpu.memory_space<hbm>> -> memref<1x80x128xf32, #tpu.memory_space<hbm>>
      %dma_wait3A_176 = tpu.memref_squeeze %dma_wait3A_175 : memref<1x80x128xf32, #tpu.memory_space<hbm>> -> memref<80x128xf32, #tpu.memory_space<hbm>>
      tpu.wait_dma2 semaphore(%run_scoped3A : memref<!tpu.dma_semaphore, #tpu.memory_space<semaphore_mem>>) src(%arg12 : memref<80x128xf32, #tpu.memory_space<vmem>>) dst(%dma_wait3A_176 : memref<80x128xf32, #tpu.memory_space<hbm>>)
      tpu.yield
    }) : () -> ()
    %add3A_124 = arith.constant 240 : i32
    %add3A_125 = arith.addi %mul3A_29, %add3A_124 : i32
    "tpu.region"() ({
      %run_scoped3A = tpu.sem_alloc : memref<!tpu.dma_semaphore, #tpu.memory_space<semaphore_mem>>
      %dma_start3A_165 = arith.constant 0 : i32
      %dma_start3A_166 = tpu.memref_slice %arg19[%add3A_125, %dma_start3A_165] : memref<10000x16xf32, #tpu.memory_space<vmem_shared>> -> memref<80x16xf32, #tpu.memory_space<vmem_shared>>
      %dma_start3A_167 = arith.constant 0 : i32
      %dma_start3A_168 = tpu.memref_slice %arg19[%add3A_125, %dma_start3A_167] : memref<10000x16xf32, #tpu.memory_space<vmem_shared>> -> memref<80x16xf32, #tpu.memory_space<vmem_shared>>
      tpu.enqueue_dma source(%dma_start3A_168 : memref<80x16xf32, #tpu.memory_space<vmem_shared>>) target(%arg11 : memref<80x16xf32, #tpu.memory_space<vmem>>) target_semaphore(%run_scoped3A : memref<!tpu.dma_semaphore, #tpu.memory_space<semaphore_mem>>)
      %dma_wait3A_169 = arith.constant 0 : i32
      %dma_wait3A_170 = tpu.memref_slice %arg19[%add3A_125, %dma_wait3A_169] : memref<10000x16xf32, #tpu.memory_space<vmem_shared>> -> memref<80x16xf32, #tpu.memory_space<vmem_shared>>
      %dma_wait3A_171 = arith.constant 0 : i32
      %dma_wait3A_172 = tpu.memref_slice %arg19[%add3A_125, %dma_wait3A_171] : memref<10000x16xf32, #tpu.memory_space<vmem_shared>> -> memref<80x16xf32, #tpu.memory_space<vmem_shared>>
      tpu.wait_dma2 semaphore(%run_scoped3A : memref<!tpu.dma_semaphore, #tpu.memory_space<semaphore_mem>>) src(%dma_wait3A_172 : memref<80x16xf32, #tpu.memory_space<vmem_shared>>) dst(%arg11 : memref<80x16xf32, #tpu.memory_space<vmem>>)
      tpu.yield
    }) : () -> ()
    %add3A_126 = arith.constant 240 : i32
    %add3A_127 = arith.addi %mul3A_29, %add3A_126 : i32
    "tpu.region"() ({
      %run_scoped3A = tpu.sem_alloc : memref<!tpu.dma_semaphore, #tpu.memory_space<semaphore_mem>>
      %dma_start3A_165 = arith.constant 0 : i32
      %dma_start3A_166 = tpu.memref_slice %arg6[%arg0, %add3A_127, %dma_start3A_165] : memref<2x10000x16xf32, #tpu.memory_space<hbm>> -> memref<1x80x16xf32, #tpu.memory_space<hbm>>
      %dma_start3A_167 = tpu.memref_squeeze %dma_start3A_166 : memref<1x80x16xf32, #tpu.memory_space<hbm>> -> memref<80x16xf32, #tpu.memory_space<hbm>>
      %dma_start3A_168 = arith.constant 0 : i32
      %dma_start3A_169 = tpu.memref_slice %arg6[%arg0, %add3A_127, %dma_start3A_168] : memref<2x10000x16xf32, #tpu.memory_space<hbm>> -> memref<1x80x16xf32, #tpu.memory_space<hbm>>
      %dma_start3A_170 = tpu.memref_squeeze %dma_start3A_169 : memref<1x80x16xf32, #tpu.memory_space<hbm>> -> memref<80x16xf32, #tpu.memory_space<hbm>>
      tpu.enqueue_dma source(%arg11 : memref<80x16xf32, #tpu.memory_space<vmem>>) target(%dma_start3A_170 : memref<80x16xf32, #tpu.memory_space<hbm>>) target_semaphore(%run_scoped3A : memref<!tpu.dma_semaphore, #tpu.memory_space<semaphore_mem>>)
      %dma_wait3A_171 = arith.constant 0 : i32
      %dma_wait3A_172 = tpu.memref_slice %arg6[%arg0, %add3A_127, %dma_wait3A_171] : memref<2x10000x16xf32, #tpu.memory_space<hbm>> -> memref<1x80x16xf32, #tpu.memory_space<hbm>>
      %dma_wait3A_173 = tpu.memref_squeeze %dma_wait3A_172 : memref<1x80x16xf32, #tpu.memory_space<hbm>> -> memref<80x16xf32, #tpu.memory_space<hbm>>
      %dma_wait3A_174 = arith.constant 0 : i32
      %dma_wait3A_175 = tpu.memref_slice %arg6[%arg0, %add3A_127, %dma_wait3A_174] : memref<2x10000x16xf32, #tpu.memory_space<hbm>> -> memref<1x80x16xf32, #tpu.memory_space<hbm>>
      %dma_wait3A_176 = tpu.memref_squeeze %dma_wait3A_175 : memref<1x80x16xf32, #tpu.memory_space<hbm>> -> memref<80x16xf32, #tpu.memory_space<hbm>>
      tpu.wait_dma2 semaphore(%run_scoped3A : memref<!tpu.dma_semaphore, #tpu.memory_space<semaphore_mem>>) src(%arg11 : memref<80x16xf32, #tpu.memory_space<vmem>>) dst(%dma_wait3A_176 : memref<80x16xf32, #tpu.memory_space<hbm>>)
      tpu.yield
    }) : () -> ()
    %add3A_128 = arith.constant 320 : i32
    %add3A_129 = arith.addi %mul3A_29, %add3A_128 : i32
    "tpu.region"() ({
      %run_scoped3A = tpu.sem_alloc : memref<!tpu.dma_semaphore, #tpu.memory_space<semaphore_mem>>
      %dma_start3A_165 = arith.constant 0 : i32
      %dma_start3A_166 = tpu.memref_slice %arg18[%add3A_129, %dma_start3A_165] : memref<10000x128xf32, #tpu.memory_space<vmem_shared>> -> memref<80x128xf32, #tpu.memory_space<vmem_shared>>
      %dma_start3A_167 = arith.constant 0 : i32
      %dma_start3A_168 = tpu.memref_slice %arg18[%add3A_129, %dma_start3A_167] : memref<10000x128xf32, #tpu.memory_space<vmem_shared>> -> memref<80x128xf32, #tpu.memory_space<vmem_shared>>
      tpu.enqueue_dma source(%dma_start3A_168 : memref<80x128xf32, #tpu.memory_space<vmem_shared>>) target(%arg12 : memref<80x128xf32, #tpu.memory_space<vmem>>) target_semaphore(%run_scoped3A : memref<!tpu.dma_semaphore, #tpu.memory_space<semaphore_mem>>)
      %dma_wait3A_169 = arith.constant 0 : i32
      %dma_wait3A_170 = tpu.memref_slice %arg18[%add3A_129, %dma_wait3A_169] : memref<10000x128xf32, #tpu.memory_space<vmem_shared>> -> memref<80x128xf32, #tpu.memory_space<vmem_shared>>
      %dma_wait3A_171 = arith.constant 0 : i32
      %dma_wait3A_172 = tpu.memref_slice %arg18[%add3A_129, %dma_wait3A_171] : memref<10000x128xf32, #tpu.memory_space<vmem_shared>> -> memref<80x128xf32, #tpu.memory_space<vmem_shared>>
      tpu.wait_dma2 semaphore(%run_scoped3A : memref<!tpu.dma_semaphore, #tpu.memory_space<semaphore_mem>>) src(%dma_wait3A_172 : memref<80x128xf32, #tpu.memory_space<vmem_shared>>) dst(%arg12 : memref<80x128xf32, #tpu.memory_space<vmem>>)
      tpu.yield
    }) : () -> ()
    %add3A_130 = arith.constant 320 : i32
    %add3A_131 = arith.addi %mul3A_29, %add3A_130 : i32
    "tpu.region"() ({
      %run_scoped3A = tpu.sem_alloc : memref<!tpu.dma_semaphore, #tpu.memory_space<semaphore_mem>>
      %dma_start3A_165 = arith.constant 0 : i32
      %dma_start3A_166 = tpu.memref_slice %arg5[%arg0, %add3A_131, %dma_start3A_165] : memref<2x10000x128xf32, #tpu.memory_space<hbm>> -> memref<1x80x128xf32, #tpu.memory_space<hbm>>
      %dma_start3A_167 = tpu.memref_squeeze %dma_start3A_166 : memref<1x80x128xf32, #tpu.memory_space<hbm>> -> memref<80x128xf32, #tpu.memory_space<hbm>>
      %dma_start3A_168 = arith.constant 0 : i32
      %dma_start3A_169 = tpu.memref_slice %arg5[%arg0, %add3A_131, %dma_start3A_168] : memref<2x10000x128xf32, #tpu.memory_space<hbm>> -> memref<1x80x128xf32, #tpu.memory_space<hbm>>
      %dma_start3A_170 = tpu.memref_squeeze %dma_start3A_169 : memref<1x80x128xf32, #tpu.memory_space<hbm>> -> memref<80x128xf32, #tpu.memory_space<hbm>>
      tpu.enqueue_dma source(%arg12 : memref<80x128xf32, #tpu.memory_space<vmem>>) target(%dma_start3A_170 : memref<80x128xf32, #tpu.memory_space<hbm>>) target_semaphore(%run_scoped3A : memref<!tpu.dma_semaphore, #tpu.memory_space<semaphore_mem>>)
      %dma_wait3A_171 = arith.constant 0 : i32
      %dma_wait3A_172 = tpu.memref_slice %arg5[%arg0, %add3A_131, %dma_wait3A_171] : memref<2x10000x128xf32, #tpu.memory_space<hbm>> -> memref<1x80x128xf32, #tpu.memory_space<hbm>>
      %dma_wait3A_173 = tpu.memref_squeeze %dma_wait3A_172 : memref<1x80x128xf32, #tpu.memory_space<hbm>> -> memref<80x128xf32, #tpu.memory_space<hbm>>
      %dma_wait3A_174 = arith.constant 0 : i32
      %dma_wait3A_175 = tpu.memref_slice %arg5[%arg0, %add3A_131, %dma_wait3A_174] : memref<2x10000x128xf32, #tpu.memory_space<hbm>> -> memref<1x80x128xf32, #tpu.memory_space<hbm>>
      %dma_wait3A_176 = tpu.memref_squeeze %dma_wait3A_175 : memref<1x80x128xf32, #tpu.memory_space<hbm>> -> memref<80x128xf32, #tpu.memory_space<hbm>>
      tpu.wait_dma2 semaphore(%run_scoped3A : memref<!tpu.dma_semaphore, #tpu.memory_space<semaphore_mem>>) src(%arg12 : memref<80x128xf32, #tpu.memory_space<vmem>>) dst(%dma_wait3A_176 : memref<80x128xf32, #tpu.memory_space<hbm>>)
      tpu.yield
    }) : () -> ()
    %add3A_132 = arith.constant 320 : i32
    %add3A_133 = arith.addi %mul3A_29, %add3A_132 : i32
    "tpu.region"() ({
      %run_scoped3A = tpu.sem_alloc : memref<!tpu.dma_semaphore, #tpu.memory_space<semaphore_mem>>
      %dma_start3A_165 = arith.constant 0 : i32
      %dma_start3A_166 = tpu.memref_slice %arg19[%add3A_133, %dma_start3A_165] : memref<10000x16xf32, #tpu.memory_space<vmem_shared>> -> memref<80x16xf32, #tpu.memory_space<vmem_shared>>
      %dma_start3A_167 = arith.constant 0 : i32
      %dma_start3A_168 = tpu.memref_slice %arg19[%add3A_133, %dma_start3A_167] : memref<10000x16xf32, #tpu.memory_space<vmem_shared>> -> memref<80x16xf32, #tpu.memory_space<vmem_shared>>
      tpu.enqueue_dma source(%dma_start3A_168 : memref<80x16xf32, #tpu.memory_space<vmem_shared>>) target(%arg11 : memref<80x16xf32, #tpu.memory_space<vmem>>) target_semaphore(%run_scoped3A : memref<!tpu.dma_semaphore, #tpu.memory_space<semaphore_mem>>)
      %dma_wait3A_169 = arith.constant 0 : i32
      %dma_wait3A_170 = tpu.memref_slice %arg19[%add3A_133, %dma_wait3A_169] : memref<10000x16xf32, #tpu.memory_space<vmem_shared>> -> memref<80x16xf32, #tpu.memory_space<vmem_shared>>
      %dma_wait3A_171 = arith.constant 0 : i32
      %dma_wait3A_172 = tpu.memref_slice %arg19[%add3A_133, %dma_wait3A_171] : memref<10000x16xf32, #tpu.memory_space<vmem_shared>> -> memref<80x16xf32, #tpu.memory_space<vmem_shared>>
      tpu.wait_dma2 semaphore(%run_scoped3A : memref<!tpu.dma_semaphore, #tpu.memory_space<semaphore_mem>>) src(%dma_wait3A_172 : memref<80x16xf32, #tpu.memory_space<vmem_shared>>) dst(%arg11 : memref<80x16xf32, #tpu.memory_space<vmem>>)
      tpu.yield
    }) : () -> ()
    %add3A_134 = arith.constant 320 : i32
    %add3A_135 = arith.addi %mul3A_29, %add3A_134 : i32
    "tpu.region"() ({
      %run_scoped3A = tpu.sem_alloc : memref<!tpu.dma_semaphore, #tpu.memory_space<semaphore_mem>>
      %dma_start3A_165 = arith.constant 0 : i32
      %dma_start3A_166 = tpu.memref_slice %arg6[%arg0, %add3A_135, %dma_start3A_165] : memref<2x10000x16xf32, #tpu.memory_space<hbm>> -> memref<1x80x16xf32, #tpu.memory_space<hbm>>
      %dma_start3A_167 = tpu.memref_squeeze %dma_start3A_166 : memref<1x80x16xf32, #tpu.memory_space<hbm>> -> memref<80x16xf32, #tpu.memory_space<hbm>>
      %dma_start3A_168 = arith.constant 0 : i32
      %dma_start3A_169 = tpu.memref_slice %arg6[%arg0, %add3A_135, %dma_start3A_168] : memref<2x10000x16xf32, #tpu.memory_space<hbm>> -> memref<1x80x16xf32, #tpu.memory_space<hbm>>
      %dma_start3A_170 = tpu.memref_squeeze %dma_start3A_169 : memref<1x80x16xf32, #tpu.memory_space<hbm>> -> memref<80x16xf32, #tpu.memory_space<hbm>>
      tpu.enqueue_dma source(%arg11 : memref<80x16xf32, #tpu.memory_space<vmem>>) target(%dma_start3A_170 : memref<80x16xf32, #tpu.memory_space<hbm>>) target_semaphore(%run_scoped3A : memref<!tpu.dma_semaphore, #tpu.memory_space<semaphore_mem>>)
      %dma_wait3A_171 = arith.constant 0 : i32
      %dma_wait3A_172 = tpu.memref_slice %arg6[%arg0, %add3A_135, %dma_wait3A_171] : memref<2x10000x16xf32, #tpu.memory_space<hbm>> -> memref<1x80x16xf32, #tpu.memory_space<hbm>>
      %dma_wait3A_173 = tpu.memref_squeeze %dma_wait3A_172 : memref<1x80x16xf32, #tpu.memory_space<hbm>> -> memref<80x16xf32, #tpu.memory_space<hbm>>
      %dma_wait3A_174 = arith.constant 0 : i32
      %dma_wait3A_175 = tpu.memref_slice %arg6[%arg0, %add3A_135, %dma_wait3A_174] : memref<2x10000x16xf32, #tpu.memory_space<hbm>> -> memref<1x80x16xf32, #tpu.memory_space<hbm>>
      %dma_wait3A_176 = tpu.memref_squeeze %dma_wait3A_175 : memref<1x80x16xf32, #tpu.memory_space<hbm>> -> memref<80x16xf32, #tpu.memory_space<hbm>>
      tpu.wait_dma2 semaphore(%run_scoped3A : memref<!tpu.dma_semaphore, #tpu.memory_space<semaphore_mem>>) src(%arg11 : memref<80x16xf32, #tpu.memory_space<vmem>>) dst(%dma_wait3A_176 : memref<80x16xf32, #tpu.memory_space<hbm>>)
      tpu.yield
    }) : () -> ()
    %add3A_136 = arith.constant 400 : i32
    %add3A_137 = arith.addi %mul3A_29, %add3A_136 : i32
    "tpu.region"() ({
      %run_scoped3A = tpu.sem_alloc : memref<!tpu.dma_semaphore, #tpu.memory_space<semaphore_mem>>
      %dma_start3A_165 = arith.constant 0 : i32
      %dma_start3A_166 = tpu.memref_slice %arg18[%add3A_137, %dma_start3A_165] : memref<10000x128xf32, #tpu.memory_space<vmem_shared>> -> memref<80x128xf32, #tpu.memory_space<vmem_shared>>
      %dma_start3A_167 = arith.constant 0 : i32
      %dma_start3A_168 = tpu.memref_slice %arg18[%add3A_137, %dma_start3A_167] : memref<10000x128xf32, #tpu.memory_space<vmem_shared>> -> memref<80x128xf32, #tpu.memory_space<vmem_shared>>
      tpu.enqueue_dma source(%dma_start3A_168 : memref<80x128xf32, #tpu.memory_space<vmem_shared>>) target(%arg12 : memref<80x128xf32, #tpu.memory_space<vmem>>) target_semaphore(%run_scoped3A : memref<!tpu.dma_semaphore, #tpu.memory_space<semaphore_mem>>)
      %dma_wait3A_169 = arith.constant 0 : i32
      %dma_wait3A_170 = tpu.memref_slice %arg18[%add3A_137, %dma_wait3A_169] : memref<10000x128xf32, #tpu.memory_space<vmem_shared>> -> memref<80x128xf32, #tpu.memory_space<vmem_shared>>
      %dma_wait3A_171 = arith.constant 0 : i32
      %dma_wait3A_172 = tpu.memref_slice %arg18[%add3A_137, %dma_wait3A_171] : memref<10000x128xf32, #tpu.memory_space<vmem_shared>> -> memref<80x128xf32, #tpu.memory_space<vmem_shared>>
      tpu.wait_dma2 semaphore(%run_scoped3A : memref<!tpu.dma_semaphore, #tpu.memory_space<semaphore_mem>>) src(%dma_wait3A_172 : memref<80x128xf32, #tpu.memory_space<vmem_shared>>) dst(%arg12 : memref<80x128xf32, #tpu.memory_space<vmem>>)
      tpu.yield
    }) : () -> ()
    %add3A_138 = arith.constant 400 : i32
    %add3A_139 = arith.addi %mul3A_29, %add3A_138 : i32
    "tpu.region"() ({
      %run_scoped3A = tpu.sem_alloc : memref<!tpu.dma_semaphore, #tpu.memory_space<semaphore_mem>>
      %dma_start3A_165 = arith.constant 0 : i32
      %dma_start3A_166 = tpu.memref_slice %arg5[%arg0, %add3A_139, %dma_start3A_165] : memref<2x10000x128xf32, #tpu.memory_space<hbm>> -> memref<1x80x128xf32, #tpu.memory_space<hbm>>
      %dma_start3A_167 = tpu.memref_squeeze %dma_start3A_166 : memref<1x80x128xf32, #tpu.memory_space<hbm>> -> memref<80x128xf32, #tpu.memory_space<hbm>>
      %dma_start3A_168 = arith.constant 0 : i32
      %dma_start3A_169 = tpu.memref_slice %arg5[%arg0, %add3A_139, %dma_start3A_168] : memref<2x10000x128xf32, #tpu.memory_space<hbm>> -> memref<1x80x128xf32, #tpu.memory_space<hbm>>
      %dma_start3A_170 = tpu.memref_squeeze %dma_start3A_169 : memref<1x80x128xf32, #tpu.memory_space<hbm>> -> memref<80x128xf32, #tpu.memory_space<hbm>>
      tpu.enqueue_dma source(%arg12 : memref<80x128xf32, #tpu.memory_space<vmem>>) target(%dma_start3A_170 : memref<80x128xf32, #tpu.memory_space<hbm>>) target_semaphore(%run_scoped3A : memref<!tpu.dma_semaphore, #tpu.memory_space<semaphore_mem>>)
      %dma_wait3A_171 = arith.constant 0 : i32
      %dma_wait3A_172 = tpu.memref_slice %arg5[%arg0, %add3A_139, %dma_wait3A_171] : memref<2x10000x128xf32, #tpu.memory_space<hbm>> -> memref<1x80x128xf32, #tpu.memory_space<hbm>>
      %dma_wait3A_173 = tpu.memref_squeeze %dma_wait3A_172 : memref<1x80x128xf32, #tpu.memory_space<hbm>> -> memref<80x128xf32, #tpu.memory_space<hbm>>
      %dma_wait3A_174 = arith.constant 0 : i32
      %dma_wait3A_175 = tpu.memref_slice %arg5[%arg0, %add3A_139, %dma_wait3A_174] : memref<2x10000x128xf32, #tpu.memory_space<hbm>> -> memref<1x80x128xf32, #tpu.memory_space<hbm>>
      %dma_wait3A_176 = tpu.memref_squeeze %dma_wait3A_175 : memref<1x80x128xf32, #tpu.memory_space<hbm>> -> memref<80x128xf32, #tpu.memory_space<hbm>>
      tpu.wait_dma2 semaphore(%run_scoped3A : memref<!tpu.dma_semaphore, #tpu.memory_space<semaphore_mem>>) src(%arg12 : memref<80x128xf32, #tpu.memory_space<vmem>>) dst(%dma_wait3A_176 : memref<80x128xf32, #tpu.memory_space<hbm>>)
      tpu.yield
    }) : () -> ()
    %add3A_140 = arith.constant 400 : i32
    %add3A_141 = arith.addi %mul3A_29, %add3A_140 : i32
    "tpu.region"() ({
      %run_scoped3A = tpu.sem_alloc : memref<!tpu.dma_semaphore, #tpu.memory_space<semaphore_mem>>
      %dma_start3A_165 = arith.constant 0 : i32
      %dma_start3A_166 = tpu.memref_slice %arg19[%add3A_141, %dma_start3A_165] : memref<10000x16xf32, #tpu.memory_space<vmem_shared>> -> memref<80x16xf32, #tpu.memory_space<vmem_shared>>
      %dma_start3A_167 = arith.constant 0 : i32
      %dma_start3A_168 = tpu.memref_slice %arg19[%add3A_141, %dma_start3A_167] : memref<10000x16xf32, #tpu.memory_space<vmem_shared>> -> memref<80x16xf32, #tpu.memory_space<vmem_shared>>
      tpu.enqueue_dma source(%dma_start3A_168 : memref<80x16xf32, #tpu.memory_space<vmem_shared>>) target(%arg11 : memref<80x16xf32, #tpu.memory_space<vmem>>) target_semaphore(%run_scoped3A : memref<!tpu.dma_semaphore, #tpu.memory_space<semaphore_mem>>)
      %dma_wait3A_169 = arith.constant 0 : i32
      %dma_wait3A_170 = tpu.memref_slice %arg19[%add3A_141, %dma_wait3A_169] : memref<10000x16xf32, #tpu.memory_space<vmem_shared>> -> memref<80x16xf32, #tpu.memory_space<vmem_shared>>
      %dma_wait3A_171 = arith.constant 0 : i32
      %dma_wait3A_172 = tpu.memref_slice %arg19[%add3A_141, %dma_wait3A_171] : memref<10000x16xf32, #tpu.memory_space<vmem_shared>> -> memref<80x16xf32, #tpu.memory_space<vmem_shared>>
      tpu.wait_dma2 semaphore(%run_scoped3A : memref<!tpu.dma_semaphore, #tpu.memory_space<semaphore_mem>>) src(%dma_wait3A_172 : memref<80x16xf32, #tpu.memory_space<vmem_shared>>) dst(%arg11 : memref<80x16xf32, #tpu.memory_space<vmem>>)
      tpu.yield
    }) : () -> ()
    %add3A_142 = arith.constant 400 : i32
    %add3A_143 = arith.addi %mul3A_29, %add3A_142 : i32
    "tpu.region"() ({
      %run_scoped3A = tpu.sem_alloc : memref<!tpu.dma_semaphore, #tpu.memory_space<semaphore_mem>>
      %dma_start3A_165 = arith.constant 0 : i32
      %dma_start3A_166 = tpu.memref_slice %arg6[%arg0, %add3A_143, %dma_start3A_165] : memref<2x10000x16xf32, #tpu.memory_space<hbm>> -> memref<1x80x16xf32, #tpu.memory_space<hbm>>
      %dma_start3A_167 = tpu.memref_squeeze %dma_start3A_166 : memref<1x80x16xf32, #tpu.memory_space<hbm>> -> memref<80x16xf32, #tpu.memory_space<hbm>>
      %dma_start3A_168 = arith.constant 0 : i32
      %dma_start3A_169 = tpu.memref_slice %arg6[%arg0, %add3A_143, %dma_start3A_168] : memref<2x10000x16xf32, #tpu.memory_space<hbm>> -> memref<1x80x16xf32, #tpu.memory_space<hbm>>
      %dma_start3A_170 = tpu.memref_squeeze %dma_start3A_169 : memref<1x80x16xf32, #tpu.memory_space<hbm>> -> memref<80x16xf32, #tpu.memory_space<hbm>>
      tpu.enqueue_dma source(%arg11 : memref<80x16xf32, #tpu.memory_space<vmem>>) target(%dma_start3A_170 : memref<80x16xf32, #tpu.memory_space<hbm>>) target_semaphore(%run_scoped3A : memref<!tpu.dma_semaphore, #tpu.memory_space<semaphore_mem>>)
      %dma_wait3A_171 = arith.constant 0 : i32
      %dma_wait3A_172 = tpu.memref_slice %arg6[%arg0, %add3A_143, %dma_wait3A_171] : memref<2x10000x16xf32, #tpu.memory_space<hbm>> -> memref<1x80x16xf32, #tpu.memory_space<hbm>>
      %dma_wait3A_173 = tpu.memref_squeeze %dma_wait3A_172 : memref<1x80x16xf32, #tpu.memory_space<hbm>> -> memref<80x16xf32, #tpu.memory_space<hbm>>
      %dma_wait3A_174 = arith.constant 0 : i32
      %dma_wait3A_175 = tpu.memref_slice %arg6[%arg0, %add3A_143, %dma_wait3A_174] : memref<2x10000x16xf32, #tpu.memory_space<hbm>> -> memref<1x80x16xf32, #tpu.memory_space<hbm>>
      %dma_wait3A_176 = tpu.memref_squeeze %dma_wait3A_175 : memref<1x80x16xf32, #tpu.memory_space<hbm>> -> memref<80x16xf32, #tpu.memory_space<hbm>>
      tpu.wait_dma2 semaphore(%run_scoped3A : memref<!tpu.dma_semaphore, #tpu.memory_space<semaphore_mem>>) src(%arg11 : memref<80x16xf32, #tpu.memory_space<vmem>>) dst(%dma_wait3A_176 : memref<80x16xf32, #tpu.memory_space<hbm>>)
      tpu.yield
    }) : () -> ()
    %add3A_144 = arith.constant 480 : i32
    %add3A_145 = arith.addi %mul3A_29, %add3A_144 : i32
    "tpu.region"() ({
      %run_scoped3A = tpu.sem_alloc : memref<!tpu.dma_semaphore, #tpu.memory_space<semaphore_mem>>
      %dma_start3A_165 = arith.constant 0 : i32
      %dma_start3A_166 = tpu.memref_slice %arg18[%add3A_145, %dma_start3A_165] : memref<10000x128xf32, #tpu.memory_space<vmem_shared>> -> memref<80x128xf32, #tpu.memory_space<vmem_shared>>
      %dma_start3A_167 = arith.constant 0 : i32
      %dma_start3A_168 = tpu.memref_slice %arg18[%add3A_145, %dma_start3A_167] : memref<10000x128xf32, #tpu.memory_space<vmem_shared>> -> memref<80x128xf32, #tpu.memory_space<vmem_shared>>
      tpu.enqueue_dma source(%dma_start3A_168 : memref<80x128xf32, #tpu.memory_space<vmem_shared>>) target(%arg12 : memref<80x128xf32, #tpu.memory_space<vmem>>) target_semaphore(%run_scoped3A : memref<!tpu.dma_semaphore, #tpu.memory_space<semaphore_mem>>)
      %dma_wait3A_169 = arith.constant 0 : i32
      %dma_wait3A_170 = tpu.memref_slice %arg18[%add3A_145, %dma_wait3A_169] : memref<10000x128xf32, #tpu.memory_space<vmem_shared>> -> memref<80x128xf32, #tpu.memory_space<vmem_shared>>
      %dma_wait3A_171 = arith.constant 0 : i32
      %dma_wait3A_172 = tpu.memref_slice %arg18[%add3A_145, %dma_wait3A_171] : memref<10000x128xf32, #tpu.memory_space<vmem_shared>> -> memref<80x128xf32, #tpu.memory_space<vmem_shared>>
      tpu.wait_dma2 semaphore(%run_scoped3A : memref<!tpu.dma_semaphore, #tpu.memory_space<semaphore_mem>>) src(%dma_wait3A_172 : memref<80x128xf32, #tpu.memory_space<vmem_shared>>) dst(%arg12 : memref<80x128xf32, #tpu.memory_space<vmem>>)
      tpu.yield
    }) : () -> ()
    %add3A_146 = arith.constant 480 : i32
    %add3A_147 = arith.addi %mul3A_29, %add3A_146 : i32
    "tpu.region"() ({
      %run_scoped3A = tpu.sem_alloc : memref<!tpu.dma_semaphore, #tpu.memory_space<semaphore_mem>>
      %dma_start3A_165 = arith.constant 0 : i32
      %dma_start3A_166 = tpu.memref_slice %arg5[%arg0, %add3A_147, %dma_start3A_165] : memref<2x10000x128xf32, #tpu.memory_space<hbm>> -> memref<1x80x128xf32, #tpu.memory_space<hbm>>
      %dma_start3A_167 = tpu.memref_squeeze %dma_start3A_166 : memref<1x80x128xf32, #tpu.memory_space<hbm>> -> memref<80x128xf32, #tpu.memory_space<hbm>>
      %dma_start3A_168 = arith.constant 0 : i32
      %dma_start3A_169 = tpu.memref_slice %arg5[%arg0, %add3A_147, %dma_start3A_168] : memref<2x10000x128xf32, #tpu.memory_space<hbm>> -> memref<1x80x128xf32, #tpu.memory_space<hbm>>
      %dma_start3A_170 = tpu.memref_squeeze %dma_start3A_169 : memref<1x80x128xf32, #tpu.memory_space<hbm>> -> memref<80x128xf32, #tpu.memory_space<hbm>>
      tpu.enqueue_dma source(%arg12 : memref<80x128xf32, #tpu.memory_space<vmem>>) target(%dma_start3A_170 : memref<80x128xf32, #tpu.memory_space<hbm>>) target_semaphore(%run_scoped3A : memref<!tpu.dma_semaphore, #tpu.memory_space<semaphore_mem>>)
      %dma_wait3A_171 = arith.constant 0 : i32
      %dma_wait3A_172 = tpu.memref_slice %arg5[%arg0, %add3A_147, %dma_wait3A_171] : memref<2x10000x128xf32, #tpu.memory_space<hbm>> -> memref<1x80x128xf32, #tpu.memory_space<hbm>>
      %dma_wait3A_173 = tpu.memref_squeeze %dma_wait3A_172 : memref<1x80x128xf32, #tpu.memory_space<hbm>> -> memref<80x128xf32, #tpu.memory_space<hbm>>
      %dma_wait3A_174 = arith.constant 0 : i32
      %dma_wait3A_175 = tpu.memref_slice %arg5[%arg0, %add3A_147, %dma_wait3A_174] : memref<2x10000x128xf32, #tpu.memory_space<hbm>> -> memref<1x80x128xf32, #tpu.memory_space<hbm>>
      %dma_wait3A_176 = tpu.memref_squeeze %dma_wait3A_175 : memref<1x80x128xf32, #tpu.memory_space<hbm>> -> memref<80x128xf32, #tpu.memory_space<hbm>>
      tpu.wait_dma2 semaphore(%run_scoped3A : memref<!tpu.dma_semaphore, #tpu.memory_space<semaphore_mem>>) src(%arg12 : memref<80x128xf32, #tpu.memory_space<vmem>>) dst(%dma_wait3A_176 : memref<80x128xf32, #tpu.memory_space<hbm>>)
      tpu.yield
    }) : () -> ()
    %add3A_148 = arith.constant 480 : i32
    %add3A_149 = arith.addi %mul3A_29, %add3A_148 : i32
    "tpu.region"() ({
      %run_scoped3A = tpu.sem_alloc : memref<!tpu.dma_semaphore, #tpu.memory_space<semaphore_mem>>
      %dma_start3A_165 = arith.constant 0 : i32
      %dma_start3A_166 = tpu.memref_slice %arg19[%add3A_149, %dma_start3A_165] : memref<10000x16xf32, #tpu.memory_space<vmem_shared>> -> memref<80x16xf32, #tpu.memory_space<vmem_shared>>
      %dma_start3A_167 = arith.constant 0 : i32
      %dma_start3A_168 = tpu.memref_slice %arg19[%add3A_149, %dma_start3A_167] : memref<10000x16xf32, #tpu.memory_space<vmem_shared>> -> memref<80x16xf32, #tpu.memory_space<vmem_shared>>
      tpu.enqueue_dma source(%dma_start3A_168 : memref<80x16xf32, #tpu.memory_space<vmem_shared>>) target(%arg11 : memref<80x16xf32, #tpu.memory_space<vmem>>) target_semaphore(%run_scoped3A : memref<!tpu.dma_semaphore, #tpu.memory_space<semaphore_mem>>)
      %dma_wait3A_169 = arith.constant 0 : i32
      %dma_wait3A_170 = tpu.memref_slice %arg19[%add3A_149, %dma_wait3A_169] : memref<10000x16xf32, #tpu.memory_space<vmem_shared>> -> memref<80x16xf32, #tpu.memory_space<vmem_shared>>
      %dma_wait3A_171 = arith.constant 0 : i32
      %dma_wait3A_172 = tpu.memref_slice %arg19[%add3A_149, %dma_wait3A_171] : memref<10000x16xf32, #tpu.memory_space<vmem_shared>> -> memref<80x16xf32, #tpu.memory_space<vmem_shared>>
      tpu.wait_dma2 semaphore(%run_scoped3A : memref<!tpu.dma_semaphore, #tpu.memory_space<semaphore_mem>>) src(%dma_wait3A_172 : memref<80x16xf32, #tpu.memory_space<vmem_shared>>) dst(%arg11 : memref<80x16xf32, #tpu.memory_space<vmem>>)
      tpu.yield
    }) : () -> ()
    %add3A_150 = arith.constant 480 : i32
    %add3A_151 = arith.addi %mul3A_29, %add3A_150 : i32
    "tpu.region"() ({
      %run_scoped3A = tpu.sem_alloc : memref<!tpu.dma_semaphore, #tpu.memory_space<semaphore_mem>>
      %dma_start3A_165 = arith.constant 0 : i32
      %dma_start3A_166 = tpu.memref_slice %arg6[%arg0, %add3A_151, %dma_start3A_165] : memref<2x10000x16xf32, #tpu.memory_space<hbm>> -> memref<1x80x16xf32, #tpu.memory_space<hbm>>
      %dma_start3A_167 = tpu.memref_squeeze %dma_start3A_166 : memref<1x80x16xf32, #tpu.memory_space<hbm>> -> memref<80x16xf32, #tpu.memory_space<hbm>>
      %dma_start3A_168 = arith.constant 0 : i32
      %dma_start3A_169 = tpu.memref_slice %arg6[%arg0, %add3A_151, %dma_start3A_168] : memref<2x10000x16xf32, #tpu.memory_space<hbm>> -> memref<1x80x16xf32, #tpu.memory_space<hbm>>
      %dma_start3A_170 = tpu.memref_squeeze %dma_start3A_169 : memref<1x80x16xf32, #tpu.memory_space<hbm>> -> memref<80x16xf32, #tpu.memory_space<hbm>>
      tpu.enqueue_dma source(%arg11 : memref<80x16xf32, #tpu.memory_space<vmem>>) target(%dma_start3A_170 : memref<80x16xf32, #tpu.memory_space<hbm>>) target_semaphore(%run_scoped3A : memref<!tpu.dma_semaphore, #tpu.memory_space<semaphore_mem>>)
      %dma_wait3A_171 = arith.constant 0 : i32
      %dma_wait3A_172 = tpu.memref_slice %arg6[%arg0, %add3A_151, %dma_wait3A_171] : memref<2x10000x16xf32, #tpu.memory_space<hbm>> -> memref<1x80x16xf32, #tpu.memory_space<hbm>>
      %dma_wait3A_173 = tpu.memref_squeeze %dma_wait3A_172 : memref<1x80x16xf32, #tpu.memory_space<hbm>> -> memref<80x16xf32, #tpu.memory_space<hbm>>
      %dma_wait3A_174 = arith.constant 0 : i32
      %dma_wait3A_175 = tpu.memref_slice %arg6[%arg0, %add3A_151, %dma_wait3A_174] : memref<2x10000x16xf32, #tpu.memory_space<hbm>> -> memref<1x80x16xf32, #tpu.memory_space<hbm>>
      %dma_wait3A_176 = tpu.memref_squeeze %dma_wait3A_175 : memref<1x80x16xf32, #tpu.memory_space<hbm>> -> memref<80x16xf32, #tpu.memory_space<hbm>>
      tpu.wait_dma2 semaphore(%run_scoped3A : memref<!tpu.dma_semaphore, #tpu.memory_space<semaphore_mem>>) src(%arg11 : memref<80x16xf32, #tpu.memory_space<vmem>>) dst(%dma_wait3A_176 : memref<80x16xf32, #tpu.memory_space<hbm>>)
      tpu.yield
    }) : () -> ()
    %add3A_152 = arith.constant 560 : i32
    %add3A_153 = arith.addi %mul3A_29, %add3A_152 : i32
    "tpu.region"() ({
      %run_scoped3A = tpu.sem_alloc : memref<!tpu.dma_semaphore, #tpu.memory_space<semaphore_mem>>
      %dma_start3A_165 = arith.constant 0 : i32
      %dma_start3A_166 = arith.constant 0 : i32
      %dma_start3A_167 = tpu.memref_slice %arg12[%dma_start3A_165, %dma_start3A_166] : memref<80x128xf32, #tpu.memory_space<vmem>> -> memref<64x128xf32, #tpu.memory_space<vmem>>
      %dma_start3A_168 = arith.constant 0 : i32
      %dma_start3A_169 = tpu.memref_slice %arg18[%add3A_153, %dma_start3A_168] : memref<10000x128xf32, #tpu.memory_space<vmem_shared>> -> memref<64x128xf32, #tpu.memory_space<vmem_shared>>
      %dma_start3A_170 = arith.constant 0 : i32
      %dma_start3A_171 = arith.constant 0 : i32
      %dma_start3A_172 = tpu.memref_slice %arg12[%dma_start3A_170, %dma_start3A_171] : memref<80x128xf32, #tpu.memory_space<vmem>> -> memref<64x128xf32, #tpu.memory_space<vmem>>
      %dma_start3A_173 = arith.constant 0 : i32
      %dma_start3A_174 = tpu.memref_slice %arg18[%add3A_153, %dma_start3A_173] : memref<10000x128xf32, #tpu.memory_space<vmem_shared>> -> memref<64x128xf32, #tpu.memory_space<vmem_shared>>
      tpu.enqueue_dma source(%dma_start3A_174 : memref<64x128xf32, #tpu.memory_space<vmem_shared>>) target(%dma_start3A_172 : memref<64x128xf32, #tpu.memory_space<vmem>>) target_semaphore(%run_scoped3A : memref<!tpu.dma_semaphore, #tpu.memory_space<semaphore_mem>>)
      %dma_wait3A_175 = arith.constant 0 : i32
      %dma_wait3A_176 = arith.constant 0 : i32
      %dma_wait3A_177 = tpu.memref_slice %arg12[%dma_wait3A_175, %dma_wait3A_176] : memref<80x128xf32, #tpu.memory_space<vmem>> -> memref<64x128xf32, #tpu.memory_space<vmem>>
      %dma_wait3A_178 = arith.constant 0 : i32
      %dma_wait3A_179 = tpu.memref_slice %arg18[%add3A_153, %dma_wait3A_178] : memref<10000x128xf32, #tpu.memory_space<vmem_shared>> -> memref<64x128xf32, #tpu.memory_space<vmem_shared>>
      %dma_wait3A_180 = arith.constant 0 : i32
      %dma_wait3A_181 = arith.constant 0 : i32
      %dma_wait3A_182 = tpu.memref_slice %arg12[%dma_wait3A_180, %dma_wait3A_181] : memref<80x128xf32, #tpu.memory_space<vmem>> -> memref<64x128xf32, #tpu.memory_space<vmem>>
      %dma_wait3A_183 = arith.constant 0 : i32
      %dma_wait3A_184 = tpu.memref_slice %arg18[%add3A_153, %dma_wait3A_183] : memref<10000x128xf32, #tpu.memory_space<vmem_shared>> -> memref<64x128xf32, #tpu.memory_space<vmem_shared>>
      tpu.wait_dma2 semaphore(%run_scoped3A : memref<!tpu.dma_semaphore, #tpu.memory_space<semaphore_mem>>) src(%dma_wait3A_184 : memref<64x128xf32, #tpu.memory_space<vmem_shared>>) dst(%dma_wait3A_182 : memref<64x128xf32, #tpu.memory_space<vmem>>)
      tpu.yield
    }) : () -> ()
    %add3A_154 = arith.constant 560 : i32
    %add3A_155 = arith.addi %mul3A_29, %add3A_154 : i32
    "tpu.region"() ({
      %run_scoped3A = tpu.sem_alloc : memref<!tpu.dma_semaphore, #tpu.memory_space<semaphore_mem>>
      %dma_start3A_165 = arith.constant 0 : i32
      %dma_start3A_166 = arith.constant 0 : i32
      %dma_start3A_167 = tpu.memref_slice %arg12[%dma_start3A_165, %dma_start3A_166] : memref<80x128xf32, #tpu.memory_space<vmem>> -> memref<64x128xf32, #tpu.memory_space<vmem>>
      %dma_start3A_168 = arith.constant 0 : i32
      %dma_start3A_169 = tpu.memref_slice %arg5[%arg0, %add3A_155, %dma_start3A_168] : memref<2x10000x128xf32, #tpu.memory_space<hbm>> -> memref<1x64x128xf32, #tpu.memory_space<hbm>>
      %dma_start3A_170 = tpu.memref_squeeze %dma_start3A_169 : memref<1x64x128xf32, #tpu.memory_space<hbm>> -> memref<64x128xf32, #tpu.memory_space<hbm>>
      %dma_start3A_171 = arith.constant 0 : i32
      %dma_start3A_172 = tpu.memref_slice %arg5[%arg0, %add3A_155, %dma_start3A_171] : memref<2x10000x128xf32, #tpu.memory_space<hbm>> -> memref<1x64x128xf32, #tpu.memory_space<hbm>>
      %dma_start3A_173 = tpu.memref_squeeze %dma_start3A_172 : memref<1x64x128xf32, #tpu.memory_space<hbm>> -> memref<64x128xf32, #tpu.memory_space<hbm>>
      %dma_start3A_174 = arith.constant 0 : i32
      %dma_start3A_175 = arith.constant 0 : i32
      %dma_start3A_176 = tpu.memref_slice %arg12[%dma_start3A_174, %dma_start3A_175] : memref<80x128xf32, #tpu.memory_space<vmem>> -> memref<64x128xf32, #tpu.memory_space<vmem>>
      tpu.enqueue_dma source(%dma_start3A_176 : memref<64x128xf32, #tpu.memory_space<vmem>>) target(%dma_start3A_173 : memref<64x128xf32, #tpu.memory_space<hbm>>) target_semaphore(%run_scoped3A : memref<!tpu.dma_semaphore, #tpu.memory_space<semaphore_mem>>)
      %dma_wait3A_177 = arith.constant 0 : i32
      %dma_wait3A_178 = arith.constant 0 : i32
      %dma_wait3A_179 = tpu.memref_slice %arg12[%dma_wait3A_177, %dma_wait3A_178] : memref<80x128xf32, #tpu.memory_space<vmem>> -> memref<64x128xf32, #tpu.memory_space<vmem>>
      %dma_wait3A_180 = arith.constant 0 : i32
      %dma_wait3A_181 = tpu.memref_slice %arg5[%arg0, %add3A_155, %dma_wait3A_180] : memref<2x10000x128xf32, #tpu.memory_space<hbm>> -> memref<1x64x128xf32, #tpu.memory_space<hbm>>
      %dma_wait3A_182 = tpu.memref_squeeze %dma_wait3A_181 : memref<1x64x128xf32, #tpu.memory_space<hbm>> -> memref<64x128xf32, #tpu.memory_space<hbm>>
      %dma_wait3A_183 = arith.constant 0 : i32
      %dma_wait3A_184 = tpu.memref_slice %arg5[%arg0, %add3A_155, %dma_wait3A_183] : memref<2x10000x128xf32, #tpu.memory_space<hbm>> -> memref<1x64x128xf32, #tpu.memory_space<hbm>>
      %dma_wait3A_185 = tpu.memref_squeeze %dma_wait3A_184 : memref<1x64x128xf32, #tpu.memory_space<hbm>> -> memref<64x128xf32, #tpu.memory_space<hbm>>
      %dma_wait3A_186 = arith.constant 0 : i32
      %dma_wait3A_187 = arith.constant 0 : i32
      %dma_wait3A_188 = tpu.memref_slice %arg12[%dma_wait3A_186, %dma_wait3A_187] : memref<80x128xf32, #tpu.memory_space<vmem>> -> memref<64x128xf32, #tpu.memory_space<vmem>>
      tpu.wait_dma2 semaphore(%run_scoped3A : memref<!tpu.dma_semaphore, #tpu.memory_space<semaphore_mem>>) src(%dma_wait3A_188 : memref<64x128xf32, #tpu.memory_space<vmem>>) dst(%dma_wait3A_185 : memref<64x128xf32, #tpu.memory_space<hbm>>)
      tpu.yield
    }) : () -> ()
    %add3A_156 = arith.constant 560 : i32
    %add3A_157 = arith.addi %mul3A_29, %add3A_156 : i32
    "tpu.region"() ({
      %run_scoped3A = tpu.sem_alloc : memref<!tpu.dma_semaphore, #tpu.memory_space<semaphore_mem>>
      %dma_start3A_165 = arith.constant 0 : i32
      %dma_start3A_166 = arith.constant 0 : i32
      %dma_start3A_167 = tpu.memref_slice %arg11[%dma_start3A_165, %dma_start3A_166] : memref<80x16xf32, #tpu.memory_space<vmem>> -> memref<64x16xf32, #tpu.memory_space<vmem>>
      %dma_start3A_168 = arith.constant 0 : i32
      %dma_start3A_169 = tpu.memref_slice %arg19[%add3A_157, %dma_start3A_168] : memref<10000x16xf32, #tpu.memory_space<vmem_shared>> -> memref<64x16xf32, #tpu.memory_space<vmem_shared>>
      %dma_start3A_170 = arith.constant 0 : i32
      %dma_start3A_171 = arith.constant 0 : i32
      %dma_start3A_172 = tpu.memref_slice %arg11[%dma_start3A_170, %dma_start3A_171] : memref<80x16xf32, #tpu.memory_space<vmem>> -> memref<64x16xf32, #tpu.memory_space<vmem>>
      %dma_start3A_173 = arith.constant 0 : i32
      %dma_start3A_174 = tpu.memref_slice %arg19[%add3A_157, %dma_start3A_173] : memref<10000x16xf32, #tpu.memory_space<vmem_shared>> -> memref<64x16xf32, #tpu.memory_space<vmem_shared>>
      tpu.enqueue_dma source(%dma_start3A_174 : memref<64x16xf32, #tpu.memory_space<vmem_shared>>) target(%dma_start3A_172 : memref<64x16xf32, #tpu.memory_space<vmem>>) target_semaphore(%run_scoped3A : memref<!tpu.dma_semaphore, #tpu.memory_space<semaphore_mem>>)
      %dma_wait3A_175 = arith.constant 0 : i32
      %dma_wait3A_176 = arith.constant 0 : i32
      %dma_wait3A_177 = tpu.memref_slice %arg11[%dma_wait3A_175, %dma_wait3A_176] : memref<80x16xf32, #tpu.memory_space<vmem>> -> memref<64x16xf32, #tpu.memory_space<vmem>>
      %dma_wait3A_178 = arith.constant 0 : i32
      %dma_wait3A_179 = tpu.memref_slice %arg19[%add3A_157, %dma_wait3A_178] : memref<10000x16xf32, #tpu.memory_space<vmem_shared>> -> memref<64x16xf32, #tpu.memory_space<vmem_shared>>
      %dma_wait3A_180 = arith.constant 0 : i32
      %dma_wait3A_181 = arith.constant 0 : i32
      %dma_wait3A_182 = tpu.memref_slice %arg11[%dma_wait3A_180, %dma_wait3A_181] : memref<80x16xf32, #tpu.memory_space<vmem>> -> memref<64x16xf32, #tpu.memory_space<vmem>>
      %dma_wait3A_183 = arith.constant 0 : i32
      %dma_wait3A_184 = tpu.memref_slice %arg19[%add3A_157, %dma_wait3A_183] : memref<10000x16xf32, #tpu.memory_space<vmem_shared>> -> memref<64x16xf32, #tpu.memory_space<vmem_shared>>
      tpu.wait_dma2 semaphore(%run_scoped3A : memref<!tpu.dma_semaphore, #tpu.memory_space<semaphore_mem>>) src(%dma_wait3A_184 : memref<64x16xf32, #tpu.memory_space<vmem_shared>>) dst(%dma_wait3A_182 : memref<64x16xf32, #tpu.memory_space<vmem>>)
      tpu.yield
    }) : () -> ()
    %add3A_158 = arith.constant 560 : i32
    %add3A_159 = arith.addi %mul3A_29, %add3A_158 : i32
    "tpu.region"() ({
      %run_scoped3A = tpu.sem_alloc : memref<!tpu.dma_semaphore, #tpu.memory_space<semaphore_mem>>
      %dma_start3A_165 = arith.constant 0 : i32
      %dma_start3A_166 = arith.constant 0 : i32
      %dma_start3A_167 = tpu.memref_slice %arg11[%dma_start3A_165, %dma_start3A_166] : memref<80x16xf32, #tpu.memory_space<vmem>> -> memref<64x16xf32, #tpu.memory_space<vmem>>
      %dma_start3A_168 = arith.constant 0 : i32
      %dma_start3A_169 = tpu.memref_slice %arg6[%arg0, %add3A_159, %dma_start3A_168] : memref<2x10000x16xf32, #tpu.memory_space<hbm>> -> memref<1x64x16xf32, #tpu.memory_space<hbm>>
      %dma_start3A_170 = tpu.memref_squeeze %dma_start3A_169 : memref<1x64x16xf32, #tpu.memory_space<hbm>> -> memref<64x16xf32, #tpu.memory_space<hbm>>
      %dma_start3A_171 = arith.constant 0 : i32
      %dma_start3A_172 = tpu.memref_slice %arg6[%arg0, %add3A_159, %dma_start3A_171] : memref<2x10000x16xf32, #tpu.memory_space<hbm>> -> memref<1x64x16xf32, #tpu.memory_space<hbm>>
      %dma_start3A_173 = tpu.memref_squeeze %dma_start3A_172 : memref<1x64x16xf32, #tpu.memory_space<hbm>> -> memref<64x16xf32, #tpu.memory_space<hbm>>
      %dma_start3A_174 = arith.constant 0 : i32
      %dma_start3A_175 = arith.constant 0 : i32
      %dma_start3A_176 = tpu.memref_slice %arg11[%dma_start3A_174, %dma_start3A_175] : memref<80x16xf32, #tpu.memory_space<vmem>> -> memref<64x16xf32, #tpu.memory_space<vmem>>
      tpu.enqueue_dma source(%dma_start3A_176 : memref<64x16xf32, #tpu.memory_space<vmem>>) target(%dma_start3A_173 : memref<64x16xf32, #tpu.memory_space<hbm>>) target_semaphore(%run_scoped3A : memref<!tpu.dma_semaphore, #tpu.memory_space<semaphore_mem>>)
      %dma_wait3A_177 = arith.constant 0 : i32
      %dma_wait3A_178 = arith.constant 0 : i32
      %dma_wait3A_179 = tpu.memref_slice %arg11[%dma_wait3A_177, %dma_wait3A_178] : memref<80x16xf32, #tpu.memory_space<vmem>> -> memref<64x16xf32, #tpu.memory_space<vmem>>
      %dma_wait3A_180 = arith.constant 0 : i32
      %dma_wait3A_181 = tpu.memref_slice %arg6[%arg0, %add3A_159, %dma_wait3A_180] : memref<2x10000x16xf32, #tpu.memory_space<hbm>> -> memref<1x64x16xf32, #tpu.memory_space<hbm>>
      %dma_wait3A_182 = tpu.memref_squeeze %dma_wait3A_181 : memref<1x64x16xf32, #tpu.memory_space<hbm>> -> memref<64x16xf32, #tpu.memory_space<hbm>>
      %dma_wait3A_183 = arith.constant 0 : i32
      %dma_wait3A_184 = tpu.memref_slice %arg6[%arg0, %add3A_159, %dma_wait3A_183] : memref<2x10000x16xf32, #tpu.memory_space<hbm>> -> memref<1x64x16xf32, #tpu.memory_space<hbm>>
      %dma_wait3A_185 = tpu.memref_squeeze %dma_wait3A_184 : memref<1x64x16xf32, #tpu.memory_space<hbm>> -> memref<64x16xf32, #tpu.memory_space<hbm>>
      %dma_wait3A_186 = arith.constant 0 : i32
      %dma_wait3A_187 = arith.constant 0 : i32
      %dma_wait3A_188 = tpu.memref_slice %arg11[%dma_wait3A_186, %dma_wait3A_187] : memref<80x16xf32, #tpu.memory_space<vmem>> -> memref<64x16xf32, #tpu.memory_space<vmem>>
      tpu.wait_dma2 semaphore(%run_scoped3A : memref<!tpu.dma_semaphore, #tpu.memory_space<semaphore_mem>>) src(%dma_wait3A_188 : memref<64x16xf32, #tpu.memory_space<vmem>>) dst(%dma_wait3A_185 : memref<64x16xf32, #tpu.memory_space<hbm>>)
      tpu.yield
    }) : () -> ()
    %eq3A_160 = arith.constant 15 : i32
    %eq3A_161 = arith.cmpi eq, %arg1, %eq3A_160 : i32
    %convert_element_type3A_162 = arith.extui %eq3A_161 : i1 to i32
    %cond3A_163 = arith.constant 0 : i32
    %cond3A_164 = arith.cmpi ne, %convert_element_type3A_162, %cond3A_163 : i32
    scf.if %cond3A_164 {
      "tpu.region"() ({
        %run_scoped3A = tpu.sem_alloc : memref<!tpu.dma_semaphore, #tpu.memory_space<semaphore_mem>>
        %dma_start3A_165 = arith.constant 0 : i32
        %dma_start3A_166 = arith.constant 0 : i32
        %dma_start3A_167 = tpu.memref_slice %arg12[%dma_start3A_165, %dma_start3A_166] : memref<80x128xf32, #tpu.memory_space<vmem>> -> memref<16x128xf32, #tpu.memory_space<vmem>>
        %dma_start3A_168 = arith.constant 9984 : i32
        %dma_start3A_169 = arith.constant 0 : i32
        %dma_start3A_170 = tpu.memref_slice %arg18[%dma_start3A_168, %dma_start3A_169] : memref<10000x128xf32, #tpu.memory_space<vmem_shared>> -> memref<16x128xf32, #tpu.memory_space<vmem_shared>>
        %dma_start3A_171 = arith.constant 0 : i32
        %dma_start3A_172 = arith.constant 0 : i32
        %dma_start3A_173 = tpu.memref_slice %arg12[%dma_start3A_171, %dma_start3A_172] : memref<80x128xf32, #tpu.memory_space<vmem>> -> memref<16x128xf32, #tpu.memory_space<vmem>>
        %dma_start3A_174 = arith.constant 9984 : i32
        %dma_start3A_175 = arith.constant 0 : i32
        %dma_start3A_176 = tpu.memref_slice %arg18[%dma_start3A_174, %dma_start3A_175] : memref<10000x128xf32, #tpu.memory_space<vmem_shared>> -> memref<16x128xf32, #tpu.memory_space<vmem_shared>>
        tpu.enqueue_dma source(%dma_start3A_176 : memref<16x128xf32, #tpu.memory_space<vmem_shared>>) target(%dma_start3A_173 : memref<16x128xf32, #tpu.memory_space<vmem>>) target_semaphore(%run_scoped3A : memref<!tpu.dma_semaphore, #tpu.memory_space<semaphore_mem>>)
        %dma_wait3A_177 = arith.constant 0 : i32
        %dma_wait3A_178 = arith.constant 0 : i32
        %dma_wait3A_179 = tpu.memref_slice %arg12[%dma_wait3A_177, %dma_wait3A_178] : memref<80x128xf32, #tpu.memory_space<vmem>> -> memref<16x128xf32, #tpu.memory_space<vmem>>
        %dma_wait3A_180 = arith.constant 9984 : i32
        %dma_wait3A_181 = arith.constant 0 : i32
        %dma_wait3A_182 = tpu.memref_slice %arg18[%dma_wait3A_180, %dma_wait3A_181] : memref<10000x128xf32, #tpu.memory_space<vmem_shared>> -> memref<16x128xf32, #tpu.memory_space<vmem_shared>>
        %dma_wait3A_183 = arith.constant 0 : i32
        %dma_wait3A_184 = arith.constant 0 : i32
        %dma_wait3A_185 = tpu.memref_slice %arg12[%dma_wait3A_183, %dma_wait3A_184] : memref<80x128xf32, #tpu.memory_space<vmem>> -> memref<16x128xf32, #tpu.memory_space<vmem>>
        %dma_wait3A_186 = arith.constant 9984 : i32
        %dma_wait3A_187 = arith.constant 0 : i32
        %dma_wait3A_188 = tpu.memref_slice %arg18[%dma_wait3A_186, %dma_wait3A_187] : memref<10000x128xf32, #tpu.memory_space<vmem_shared>> -> memref<16x128xf32, #tpu.memory_space<vmem_shared>>
        tpu.wait_dma2 semaphore(%run_scoped3A : memref<!tpu.dma_semaphore, #tpu.memory_space<semaphore_mem>>) src(%dma_wait3A_188 : memref<16x128xf32, #tpu.memory_space<vmem_shared>>) dst(%dma_wait3A_185 : memref<16x128xf32, #tpu.memory_space<vmem>>)
        tpu.yield
      }) : () -> ()
      "tpu.region"() ({
        %run_scoped3A = tpu.sem_alloc : memref<!tpu.dma_semaphore, #tpu.memory_space<semaphore_mem>>
        %dma_start3A_165 = arith.constant 0 : i32
        %dma_start3A_166 = arith.constant 0 : i32
        %dma_start3A_167 = tpu.memref_slice %arg12[%dma_start3A_165, %dma_start3A_166] : memref<80x128xf32, #tpu.memory_space<vmem>> -> memref<16x128xf32, #tpu.memory_space<vmem>>
        %dma_start3A_168 = arith.constant 9984 : i32
        %dma_start3A_169 = arith.constant 0 : i32
        %dma_start3A_170 = tpu.memref_slice %arg5[%arg0, %dma_start3A_168, %dma_start3A_169] : memref<2x10000x128xf32, #tpu.memory_space<hbm>> -> memref<1x16x128xf32, #tpu.memory_space<hbm>>
        %dma_start3A_171 = tpu.memref_squeeze %dma_start3A_170 : memref<1x16x128xf32, #tpu.memory_space<hbm>> -> memref<16x128xf32, #tpu.memory_space<hbm>>
        %dma_start3A_172 = arith.constant 9984 : i32
        %dma_start3A_173 = arith.constant 0 : i32
        %dma_start3A_174 = tpu.memref_slice %arg5[%arg0, %dma_start3A_172, %dma_start3A_173] : memref<2x10000x128xf32, #tpu.memory_space<hbm>> -> memref<1x16x128xf32, #tpu.memory_space<hbm>>
        %dma_start3A_175 = tpu.memref_squeeze %dma_start3A_174 : memref<1x16x128xf32, #tpu.memory_space<hbm>> -> memref<16x128xf32, #tpu.memory_space<hbm>>
        %dma_start3A_176 = arith.constant 0 : i32
        %dma_start3A_177 = arith.constant 0 : i32
        %dma_start3A_178 = tpu.memref_slice %arg12[%dma_start3A_176, %dma_start3A_177] : memref<80x128xf32, #tpu.memory_space<vmem>> -> memref<16x128xf32, #tpu.memory_space<vmem>>
        tpu.enqueue_dma source(%dma_start3A_178 : memref<16x128xf32, #tpu.memory_space<vmem>>) target(%dma_start3A_175 : memref<16x128xf32, #tpu.memory_space<hbm>>) target_semaphore(%run_scoped3A : memref<!tpu.dma_semaphore, #tpu.memory_space<semaphore_mem>>)
        %dma_wait3A_179 = arith.constant 0 : i32
        %dma_wait3A_180 = arith.constant 0 : i32
        %dma_wait3A_181 = tpu.memref_slice %arg12[%dma_wait3A_179, %dma_wait3A_180] : memref<80x128xf32, #tpu.memory_space<vmem>> -> memref<16x128xf32, #tpu.memory_space<vmem>>
        %dma_wait3A_182 = arith.constant 9984 : i32
        %dma_wait3A_183 = arith.constant 0 : i32
        %dma_wait3A_184 = tpu.memref_slice %arg5[%arg0, %dma_wait3A_182, %dma_wait3A_183] : memref<2x10000x128xf32, #tpu.memory_space<hbm>> -> memref<1x16x128xf32, #tpu.memory_space<hbm>>
        %dma_wait3A_185 = tpu.memref_squeeze %dma_wait3A_184 : memref<1x16x128xf32, #tpu.memory_space<hbm>> -> memref<16x128xf32, #tpu.memory_space<hbm>>
        %dma_wait3A_186 = arith.constant 9984 : i32
        %dma_wait3A_187 = arith.constant 0 : i32
        %dma_wait3A_188 = tpu.memref_slice %arg5[%arg0, %dma_wait3A_186, %dma_wait3A_187] : memref<2x10000x128xf32, #tpu.memory_space<hbm>> -> memref<1x16x128xf32, #tpu.memory_space<hbm>>
        %dma_wait3A_189 = tpu.memref_squeeze %dma_wait3A_188 : memref<1x16x128xf32, #tpu.memory_space<hbm>> -> memref<16x128xf32, #tpu.memory_space<hbm>>
        %dma_wait3A_190 = arith.constant 0 : i32
        %dma_wait3A_191 = arith.constant 0 : i32
        %dma_wait3A_192 = tpu.memref_slice %arg12[%dma_wait3A_190, %dma_wait3A_191] : memref<80x128xf32, #tpu.memory_space<vmem>> -> memref<16x128xf32, #tpu.memory_space<vmem>>
        tpu.wait_dma2 semaphore(%run_scoped3A : memref<!tpu.dma_semaphore, #tpu.memory_space<semaphore_mem>>) src(%dma_wait3A_192 : memref<16x128xf32, #tpu.memory_space<vmem>>) dst(%dma_wait3A_189 : memref<16x128xf32, #tpu.memory_space<hbm>>)
        tpu.yield
      }) : () -> ()
      "tpu.region"() ({
        %run_scoped3A = tpu.sem_alloc : memref<!tpu.dma_semaphore, #tpu.memory_space<semaphore_mem>>
        %dma_start3A_165 = arith.constant 0 : i32
        %dma_start3A_166 = arith.constant 0 : i32
        %dma_start3A_167 = tpu.memref_slice %arg11[%dma_start3A_165, %dma_start3A_166] : memref<80x16xf32, #tpu.memory_space<vmem>> -> memref<16x16xf32, #tpu.memory_space<vmem>>
        %dma_start3A_168 = arith.constant 9984 : i32
        %dma_start3A_169 = arith.constant 0 : i32
        %dma_start3A_170 = tpu.memref_slice %arg19[%dma_start3A_168, %dma_start3A_169] : memref<10000x16xf32, #tpu.memory_space<vmem_shared>> -> memref<16x16xf32, #tpu.memory_space<vmem_shared>>
        %dma_start3A_171 = arith.constant 0 : i32
        %dma_start3A_172 = arith.constant 0 : i32
        %dma_start3A_173 = tpu.memref_slice %arg11[%dma_start3A_171, %dma_start3A_172] : memref<80x16xf32, #tpu.memory_space<vmem>> -> memref<16x16xf32, #tpu.memory_space<vmem>>
        %dma_start3A_174 = arith.constant 9984 : i32
        %dma_start3A_175 = arith.constant 0 : i32
        %dma_start3A_176 = tpu.memref_slice %arg19[%dma_start3A_174, %dma_start3A_175] : memref<10000x16xf32, #tpu.memory_space<vmem_shared>> -> memref<16x16xf32, #tpu.memory_space<vmem_shared>>
        tpu.enqueue_dma source(%dma_start3A_176 : memref<16x16xf32, #tpu.memory_space<vmem_shared>>) target(%dma_start3A_173 : memref<16x16xf32, #tpu.memory_space<vmem>>) target_semaphore(%run_scoped3A : memref<!tpu.dma_semaphore, #tpu.memory_space<semaphore_mem>>)
        %dma_wait3A_177 = arith.constant 0 : i32
        %dma_wait3A_178 = arith.constant 0 : i32
        %dma_wait3A_179 = tpu.memref_slice %arg11[%dma_wait3A_177, %dma_wait3A_178] : memref<80x16xf32, #tpu.memory_space<vmem>> -> memref<16x16xf32, #tpu.memory_space<vmem>>
        %dma_wait3A_180 = arith.constant 9984 : i32
        %dma_wait3A_181 = arith.constant 0 : i32
        %dma_wait3A_182 = tpu.memref_slice %arg19[%dma_wait3A_180, %dma_wait3A_181] : memref<10000x16xf32, #tpu.memory_space<vmem_shared>> -> memref<16x16xf32, #tpu.memory_space<vmem_shared>>
        %dma_wait3A_183 = arith.constant 0 : i32
        %dma_wait3A_184 = arith.constant 0 : i32
        %dma_wait3A_185 = tpu.memref_slice %arg11[%dma_wait3A_183, %dma_wait3A_184] : memref<80x16xf32, #tpu.memory_space<vmem>> -> memref<16x16xf32, #tpu.memory_space<vmem>>
        %dma_wait3A_186 = arith.constant 9984 : i32
        %dma_wait3A_187 = arith.constant 0 : i32
        %dma_wait3A_188 = tpu.memref_slice %arg19[%dma_wait3A_186, %dma_wait3A_187] : memref<10000x16xf32, #tpu.memory_space<vmem_shared>> -> memref<16x16xf32, #tpu.memory_space<vmem_shared>>
        tpu.wait_dma2 semaphore(%run_scoped3A : memref<!tpu.dma_semaphore, #tpu.memory_space<semaphore_mem>>) src(%dma_wait3A_188 : memref<16x16xf32, #tpu.memory_space<vmem_shared>>) dst(%dma_wait3A_185 : memref<16x16xf32, #tpu.memory_space<vmem>>)
        tpu.yield
      }) : () -> ()
      "tpu.region"() ({
        %run_scoped3A = tpu.sem_alloc : memref<!tpu.dma_semaphore, #tpu.memory_space<semaphore_mem>>
        %dma_start3A_165 = arith.constant 0 : i32
        %dma_start3A_166 = arith.constant 0 : i32
        %dma_start3A_167 = tpu.memref_slice %arg11[%dma_start3A_165, %dma_start3A_166] : memref<80x16xf32, #tpu.memory_space<vmem>> -> memref<16x16xf32, #tpu.memory_space<vmem>>
        %dma_start3A_168 = arith.constant 9984 : i32
        %dma_start3A_169 = arith.constant 0 : i32
        %dma_start3A_170 = tpu.memref_slice %arg6[%arg0, %dma_start3A_168, %dma_start3A_169] : memref<2x10000x16xf32, #tpu.memory_space<hbm>> -> memref<1x16x16xf32, #tpu.memory_space<hbm>>
        %dma_start3A_171 = tpu.memref_squeeze %dma_start3A_170 : memref<1x16x16xf32, #tpu.memory_space<hbm>> -> memref<16x16xf32, #tpu.memory_space<hbm>>
        %dma_start3A_172 = arith.constant 9984 : i32
        %dma_start3A_173 = arith.constant 0 : i32
        %dma_start3A_174 = tpu.memref_slice %arg6[%arg0, %dma_start3A_172, %dma_start3A_173] : memref<2x10000x16xf32, #tpu.memory_space<hbm>> -> memref<1x16x16xf32, #tpu.memory_space<hbm>>
        %dma_start3A_175 = tpu.memref_squeeze %dma_start3A_174 : memref<1x16x16xf32, #tpu.memory_space<hbm>> -> memref<16x16xf32, #tpu.memory_space<hbm>>
        %dma_start3A_176 = arith.constant 0 : i32
        %dma_start3A_177 = arith.constant 0 : i32
        %dma_start3A_178 = tpu.memref_slice %arg11[%dma_start3A_176, %dma_start3A_177] : memref<80x16xf32, #tpu.memory_space<vmem>> -> memref<16x16xf32, #tpu.memory_space<vmem>>
        tpu.enqueue_dma source(%dma_start3A_178 : memref<16x16xf32, #tpu.memory_space<vmem>>) target(%dma_start3A_175 : memref<16x16xf32, #tpu.memory_space<hbm>>) target_semaphore(%run_scoped3A : memref<!tpu.dma_semaphore, #tpu.memory_space<semaphore_mem>>)
        %dma_wait3A_179 = arith.constant 0 : i32
        %dma_wait3A_180 = arith.constant 0 : i32
        %dma_wait3A_181 = tpu.memref_slice %arg11[%dma_wait3A_179, %dma_wait3A_180] : memref<80x16xf32, #tpu.memory_space<vmem>> -> memref<16x16xf32, #tpu.memory_space<vmem>>
        %dma_wait3A_182 = arith.constant 9984 : i32
        %dma_wait3A_183 = arith.constant 0 : i32
        %dma_wait3A_184 = tpu.memref_slice %arg6[%arg0, %dma_wait3A_182, %dma_wait3A_183] : memref<2x10000x16xf32, #tpu.memory_space<hbm>> -> memref<1x16x16xf32, #tpu.memory_space<hbm>>
        %dma_wait3A_185 = tpu.memref_squeeze %dma_wait3A_184 : memref<1x16x16xf32, #tpu.memory_space<hbm>> -> memref<16x16xf32, #tpu.memory_space<hbm>>
        %dma_wait3A_186 = arith.constant 9984 : i32
        %dma_wait3A_187 = arith.constant 0 : i32
        %dma_wait3A_188 = tpu.memref_slice %arg6[%arg0, %dma_wait3A_186, %dma_wait3A_187] : memref<2x10000x16xf32, #tpu.memory_space<hbm>> -> memref<1x16x16xf32, #tpu.memory_space<hbm>>
        %dma_wait3A_189 = tpu.memref_squeeze %dma_wait3A_188 : memref<1x16x16xf32, #tpu.memory_space<hbm>> -> memref<16x16xf32, #tpu.memory_space<hbm>>
        %dma_wait3A_190 = arith.constant 0 : i32
        %dma_wait3A_191 = arith.constant 0 : i32
        %dma_wait3A_192 = tpu.memref_slice %arg11[%dma_wait3A_190, %dma_wait3A_191] : memref<80x16xf32, #tpu.memory_space<vmem>> -> memref<16x16xf32, #tpu.memory_space<vmem>>
        tpu.wait_dma2 semaphore(%run_scoped3A : memref<!tpu.dma_semaphore, #tpu.memory_space<semaphore_mem>>) src(%dma_wait3A_192 : memref<16x16xf32, #tpu.memory_space<vmem>>) dst(%dma_wait3A_189 : memref<16x16xf32, #tpu.memory_space<hbm>>)
        tpu.yield
      }) : () -> ()
    } else {
    }
    return
  }
}

module attributes {stable_mosaic.version = 14 : i64} {
  func.func @_prep_body(%arg0: i32, %arg1: memref<2000x128xf32, #tpu.memory_space<vmem>>, %arg2: memref<128x128xf32, #tpu.memory_space<vmem>>, %arg3: memref<128x32xf32, #tpu.memory_space<vmem>>, %arg4: memref<160x16xf32, #tpu.memory_space<vmem>>, %arg5: memref<2000x128xf32, #tpu.memory_space<vmem>>, %arg6: memref<2000x16xf32, #tpu.memory_space<vmem>>) attributes {dimension_semantics = [#tpu.dimension_semantics<arbitrary>], iteration_bounds = array<i64: 5>, scalar_prefetch = 0 : i64, scratch_operands = 0 : i64, tpu.core_type = #tpu.core_type<tc>, window_params = [{transform_indices = @transform_0, window_bounds = array<i64: 2000, 128>}, {pipeline_mode = #tpu.pipeline_mode<synchronous>, transform_indices = @transform_1, window_bounds = array<i64: 128, 128>}, {pipeline_mode = #tpu.pipeline_mode<synchronous>, transform_indices = @transform_2, window_bounds = array<i64: 128, 32>}, {pipeline_mode = #tpu.pipeline_mode<synchronous>, transform_indices = @transform_3, window_bounds = array<i64: 160, 16>}, {transform_indices = @transform_4, window_bounds = array<i64: 2000, 128>}, {transform_indices = @transform_5, window_bounds = array<i64: 2000, 16>}]} {
    %get3A = arith.constant 0 : index
    %get3A_0 = arith.constant 0 : index
    %get3A_1 = vector.load %arg1[%get3A, %get3A_0] : memref<2000x128xf32, #tpu.memory_space<vmem>>, vector<2000x128xf32>
    %get3A_2 = arith.constant 0 : index
    %get3A_3 = arith.constant 0 : index
    %get3A_4 = vector.load %arg2[%get3A_2, %get3A_3] : memref<128x128xf32, #tpu.memory_space<vmem>>, vector<128x128xf32>
    %dot_general3A = arith.constant dense<0.000000e+00> : vector<2000x128xf32>
    %dot_general3A_5 = tpu.matmul %get3A_1, %get3A_4, %dot_general3A {dimension_numbers = #tpu.dot_dimension_numbers<[1], [0], [0], [1], [0, 0, 1, 1], [], []>, transpose_lhs_hint = false} : vector<2000x128xf32>, vector<128x128xf32>, vector<2000x128xf32> -> vector<2000x128xf32>
    %get3A_6 = arith.constant 0 : index
    %get3A_7 = arith.constant 0 : index
    %get3A_8 = vector.load %arg3[%get3A_6, %get3A_7] : memref<128x32xf32, #tpu.memory_space<vmem>>, vector<128x32xf32>
    %dot_general3A_9 = arith.constant dense<0.000000e+00> : vector<2000x32xf32>
    %dot_general3A_10 = tpu.matmul %get3A_1, %get3A_8, %dot_general3A_9 {dimension_numbers = #tpu.dot_dimension_numbers<[1], [0], [0], [1], [0, 0, 1, 1], [], []>, transpose_lhs_hint = false} : vector<2000x128xf32>, vector<128x32xf32>, vector<2000x32xf32> -> vector<2000x32xf32>
    %swap3A = arith.constant 0 : index
    %swap3A_11 = arith.constant 0 : index
    %swap3A_12 = vector.load %arg5[%swap3A, %swap3A_11] : memref<2000x128xf32, #tpu.memory_space<vmem>>, vector<2000x128xf32>
    tpu.vector_store %arg5[%swap3A, %swap3A_11], %dot_general3A_5 {strides = array<i32>} : memref<2000x128xf32, #tpu.memory_space<vmem>>, vector<2000x128xf32>,
    %concatenate3A = tpu.concatenate %dot_general3A_5, %dot_general3A_10 in 1 : vector<2000x128xf32>, vector<2000x32xf32> -> vector<2000x160xf32>
    %get3A_13 = arith.constant 0 : index
    %get3A_14 = arith.constant 0 : index
    %get3A_15 = vector.load %arg4[%get3A_13, %get3A_14] : memref<160x16xf32, #tpu.memory_space<vmem>>, vector<160x16xf32>
    %dot_general3A_16 = arith.constant dense<0.000000e+00> : vector<2000x16xf32>
    %dot_general3A_17 = tpu.matmul %concatenate3A, %get3A_15, %dot_general3A_16 {dimension_numbers = #tpu.dot_dimension_numbers<[1], [0], [0], [1], [0, 0, 1, 1], [], []>, transpose_lhs_hint = false} : vector<2000x160xf32>, vector<160x16xf32>, vector<2000x16xf32> -> vector<2000x16xf32>
    %swap3A_18 = arith.constant 0 : index
    %swap3A_19 = arith.constant 0 : index
    %swap3A_20 = vector.load %arg6[%swap3A_18, %swap3A_19] : memref<2000x16xf32, #tpu.memory_space<vmem>>, vector<2000x16xf32>
    tpu.vector_store %arg6[%swap3A_18, %swap3A_19], %dot_general3A_17 {strides = array<i32>} : memref<2000x16xf32, #tpu.memory_space<vmem>>, vector<2000x16xf32>,
    return
  }
  func.func @transform_0(%arg0: i32) -> (i32, i32) {
    %c0_i32 = arith.constant 0 : i32
    %c0_i32_0 = arith.constant 0 : i32
    return %arg0, %c0_i32 : i32, i32
  }
  func.func @transform_1(%arg0: i32) -> (i32, i32) {
    %c0_i32 = arith.constant 0 : i32
    %c0_i32_0 = arith.constant 0 : i32
    %c0_i32_1 = arith.constant 0 : i32
    return %c0_i32, %c0_i32_0 : i32, i32
  }
  func.func @transform_2(%arg0: i32) -> (i32, i32) {
    %c0_i32 = arith.constant 0 : i32
    %c0_i32_0 = arith.constant 0 : i32
    %c0_i32_1 = arith.constant 0 : i32
    return %c0_i32, %c0_i32_0 : i32, i32
  }
  func.func @transform_3(%arg0: i32) -> (i32, i32) {
    %c0_i32 = arith.constant 0 : i32
    %c0_i32_0 = arith.constant 0 : i32
    %c0_i32_1 = arith.constant 0 : i32
    return %c0_i32, %c0_i32_0 : i32, i32
  }
  func.func @transform_4(%arg0: i32) -> (i32, i32) {
    %c0_i32 = arith.constant 0 : i32
    %c0_i32_0 = arith.constant 0 : i32
    return %arg0, %c0_i32 : i32, i32
  }
  func.func @transform_5(%arg0: i32) -> (i32, i32) {
    %c0_i32 = arith.constant 0 : i32
    %c0_i32_0 = arith.constant 0 : i32
    return %arg0, %c0_i32 : i32, i32
  }
}

module attributes {stable_mosaic.version = 14 : i64} {
  func.func @_combine_body(%arg0: i32, %arg1: memref<2x2000x128xf32, #tpu.memory_space<vmem>>, %arg2: memref<2x2000x16xf32, #tpu.memory_space<vmem>>, %arg3: memref<2000x128xf32, #tpu.memory_space<vmem>>, %arg4: memref<2000x128xf32, #tpu.memory_space<vmem>>) attributes {dimension_semantics = [#tpu.dimension_semantics<arbitrary>], iteration_bounds = array<i64: 5>, scalar_prefetch = 0 : i64, scratch_operands = 0 : i64, tpu.core_type = #tpu.core_type<tc>, window_params = [{transform_indices = @transform_0, window_bounds = array<i64: 2, 2000, 128>}, {transform_indices = @transform_1, window_bounds = array<i64: 2, 2000, 16>}, {transform_indices = @transform_2, window_bounds = array<i64: 2000, 128>}, {transform_indices = @transform_3, window_bounds = array<i64: 2000, 128>}]} {
    %get3A = arith.constant 0 : index
    %get3A_0 = arith.constant 0 : index
    %get3A_1 = arith.constant 0 : index
    %get3A_2 = vector.load %arg1[%get3A, %get3A_0, %get3A_1] : memref<2x2000x128xf32, #tpu.memory_space<vmem>>, vector<1x2000x128xf32>
    %get3A_3 = vector.shape_cast %get3A_2 : vector<1x2000x128xf32> to vector<2000x128xf32>
    %get3A_4 = arith.constant 1 : index
    %get3A_5 = arith.constant 0 : index
    %get3A_6 = arith.constant 0 : index
    %get3A_7 = vector.load %arg1[%get3A_4, %get3A_5, %get3A_6] : memref<2x2000x128xf32, #tpu.memory_space<vmem>>, vector<1x2000x128xf32>
    %get3A_8 = vector.shape_cast %get3A_7 : vector<1x2000x128xf32> to vector<2000x128xf32>
    %add3A = arith.addf %get3A_3, %get3A_8 : vector<2000x128xf32>
    %get3A_9 = arith.constant 0 : index
    %get3A_10 = arith.constant 0 : index
    %get3A_11 = arith.constant 0 : index
    %get3A_12 = vector.load %arg2[%get3A_9, %get3A_10, %get3A_11] : memref<2x2000x16xf32, #tpu.memory_space<vmem>>, vector<1x2000x4xf32>
    %get3A_13 = vector.shape_cast %get3A_12 : vector<1x2000x4xf32> to vector<2000x4xf32>
    %get3A_14 = arith.constant 1 : index
    %get3A_15 = arith.constant 0 : index
    %get3A_16 = arith.constant 0 : index
    %get3A_17 = vector.load %arg2[%get3A_14, %get3A_15, %get3A_16] : memref<2x2000x16xf32, #tpu.memory_space<vmem>>, vector<1x2000x4xf32>
    %get3A_18 = vector.shape_cast %get3A_17 : vector<1x2000x4xf32> to vector<2000x4xf32>
    %add3A_19 = arith.addf %get3A_13, %get3A_18 : vector<2000x4xf32>
    %broadcast_in_dim3A = vector.shape_cast %add3A_19 : vector<2000x4xf32> to vector<2000x4x1xf32>
    %broadcast_in_dim3A_20 = vector.shape_cast %broadcast_in_dim3A : vector<2000x4x1xf32> to vector<2000x4x1xf32>
    %broadcast_in_dim3A_21 = vector.broadcast %broadcast_in_dim3A_20 : vector<2000x4x1xf32> to vector<2000x4x32xf32>
    %reshape3A = vector.shape_cast %broadcast_in_dim3A_21 : vector<2000x4x32xf32> to vector<2000x128xf32>
    %add3A_22 = arith.constant 9.99999971E-10 : f32
    %add3A_23 = vector.broadcast %add3A_22 : f32 to vector<2000x128xf32>
    %add3A_24 = arith.addf %reshape3A, %add3A_23 : vector<2000x128xf32>
    %div3A = arith.divf %add3A, %add3A_24 : vector<2000x128xf32>
    %get3A_25 = arith.constant 0 : index
    %get3A_26 = arith.constant 0 : index
    %get3A_27 = vector.load %arg3[%get3A_25, %get3A_26] : memref<2000x128xf32, #tpu.memory_space<vmem>>, vector<2000x128xf32>
    %add3A_28 = arith.addf %div3A, %get3A_27 : vector<2000x128xf32>
    %swap3A = arith.constant 0 : index
    %swap3A_29 = arith.constant 0 : index
    %swap3A_30 = vector.load %arg4[%swap3A, %swap3A_29] : memref<2000x128xf32, #tpu.memory_space<vmem>>, vector<2000x128xf32>
    tpu.vector_store %arg4[%swap3A, %swap3A_29], %add3A_28 {strides = array<i32>} : memref<2000x128xf32, #tpu.memory_space<vmem>>, vector<2000x128xf32>,
    return
  }
  func.func @transform_0(%arg0: i32) -> (i32, i32, i32) {
    %c0_i32 = arith.constant 0 : i32
    %c0_i32_0 = arith.constant 0 : i32
    %c0_i32_1 = arith.constant 0 : i32
    return %c0_i32, %arg0, %c0_i32_0 : i32, i32, i32
  }
  func.func @transform_1(%arg0: i32) -> (i32, i32, i32) {
    %c0_i32 = arith.constant 0 : i32
    %c0_i32_0 = arith.constant 0 : i32
    %c0_i32_1 = arith.constant 0 : i32
    return %c0_i32, %arg0, %c0_i32_0 : i32, i32, i32
  }
  func.func @transform_2(%arg0: i32) -> (i32, i32) {
    %c0_i32 = arith.constant 0 : i32
    %c0_i32_0 = arith.constant 0 : i32
    return %arg0, %c0_i32 : i32, i32
  }
  func.func @transform_3(%arg0: i32) -> (i32, i32) {
    %c0_i32 = arith.constant 0 : i32
    %c0_i32_0 = arith.constant 0 : i32
    return %arg0, %c0_i32 : i32, i32
  }
}

</mosaic_0001>

<sc_bundles>
// kernel: kernel.5.cloned.1.call-start
scs
__scs_entry_jumppad:
0x0: {  	(pc) =	sbr.rel $0x88, $3  }
0x1: {  	(tag) =	ssettag $0x0;
	lr =	simm.s32 $0x1  }
0x2: {  	[smem:$0x3F98] =	sst lr;
	_ =	strace $0xD0000000  }
0x3: {  	_ = 	snop  }
0x4: {  	_ = 	snop  }
0x5: {  	_ = 	snop  }
0x6: {  	_ = 	snop  }
0x7: {  	_ = 	snop  }
__scs_overlays_trampoline_lowered:
0x8: {  	[smem:$0x3FA7] =	sst s0  }
0x9: {  	[smem:$0x3FA8] =	sst s1  }
0xa: {  	[smem:$0x3FA9] =	sst s2  }
0xb: {  	[smem:$0x3FAA] =	sst s3  }
0xc: {  	[smem:$0x3FAB] =	sst s4  }
0xd: {  	[smem:$0x3FAC] =	sst s5  }
0xe: {  	[smem:$0x3FAD] =	sst s6  }
0xf: {  	[smem:$0x3FAE] =	sst s7  }
0x10: {  	[smem:$0x3FAF] =	sst s8  }
0x11: {  	[smem:$0x3FB0] =	sst s9;
	s0 =	simm.s32 @!p0 $0x0  }
0x12: {  	s1 =	sld [smem:$0x3F96];
	s0 =	simm.s32 @p0 $0x1  }
0x13: {  	[smem:$0x3FB1] =	sst s0;
	s0 =	simm.s32 @!p1 $0x0  }
0x14: {  	s2 =	sld [smem:$0x3F95];
	s0 =	simm.s32 @p1 $0x1  }
0x15: {  	[smem:$0x3FB2] =	sst s0;
	s0 =	simm.s32 @!p2 $0x0  }
0x16: {  	s3 =	sld [smem:$0x3FDB];
	s0 =	simm.s32 @p2 $0x1  }
0x17: {  	s4 =	simm.s32 $0x1BF5;
	[smem:$0x3FB4] =	sst s0  }
0x18: {  	s0 =	sld [smem:$0x3F97];
	_ =	swait.ge [sflag:s4], $0x0  }
0x19: {  	s7 =	sld [smem:$0x3F98]  }
0x1a: {  	s8 =	sadd.s32 $0xFFFFE003, lr  }
0x1b: {  	s9 =	sadd.s32 $0xFFFFFEF7, lr;
	s5 =	simm.s32 $0xFFFFFFFF;
	p2 =	slt.u32 s8, $0xFFFFF086  }
0x1c: {  	p1 =	slt.u32 s9, $0xF7A;
	s5 =	simm.s32 @!p2 $0x0  }
0x1d: {  	s5 =	simm.s32 @p1 $0x1;
	p0 =	seq.s32 s7, s2  }
0x1e: {  	s7 =	smul.u32 @!p0 $0xF7A, s2;
	p2 =	seq.s32 @!p0 s5, $0x0  }
0x1f: {  	s9 =	smul.u32 $0xF7A, s1;
	s8 =	simm.s32 @!p0 $0x1BF5;
	p2 =	por !p2, p0  }
0x20: {  	[sflag:s8] =	ssyncset.s32 @!p0 $0xFFFFF086;
	s6 =	sadd.s32 @!p0 s3, s7;
	s7 =	simm.s32 @!p0 $0x108  }
0x21: {  	s3 =	sadd.s32 s3, s9;
	s6 =	sadd.s32 @!p0 $0x88, s6;
	s7 =	simm.s32 @p2 $0x1082  }
0x22: {  	[simem:s7], [sflag:s8] =	dma.local @!p0 [hbm:s6], $0xF7A  }
0x23: {  	s9 =	sor.u32 $0xD0000000, s2;
	s6 =	simm.s32 $0x108;
	_ =	swait.ge @!p0 [sflag:s8], $0x0  }
0x24: {  	s3 =	sadd.s32 $0x88, s3;
	s6 =	simm.s32 @!p1 $0x1082;
	[sflag:s4] =	ssyncset.s32 $0xFFFFF086  }
0x25: {  	[simem:s6], [sflag:s4] =	dma.local [hbm:s3], $0xF7A  }
0x26: {  	[smem:$0x3F98] =	sst s1;
	(tag) =	ssettag s2;
	_ =	strace s9  }
0x27: {  	s1 =	sld [smem:$0x3FA8]  }
0x28: {  	s2 =	sld [smem:$0x3FA9]  }
0x29: {  	s4 =	sld [smem:$0x3FAB]  }
0x2a: {  	p0 =	seq.s32 s5, $0x0;
	s5 =	sld [smem:$0x3FAC]  }
0x2b: {  	s6 =	sld [smem:$0x3FAD]  }
0x2c: {  	s7 =	sld [smem:$0x3FAE]  }
0x2d: {  	s3 =	simm.s32 $0x108;
	s8 =	sld [smem:$0x3FAF]  }
0x2e: {  	s3 =	simm.s32 @!p0 $0x1082;
	s9 =	sld [smem:$0x3FB0]  }
0x2f: {  	lr =	sadd.s32 s0, s3;
	s0 =	sld [smem:$0x3FA7]  }
0x30: {  	s3 =	sld [smem:$0x3FAA]  }
0x31: {  	[smem:$0x3FB3] =	sst s10  }
0x32: {  	s10 =	sld [smem:$0x3FB1];
	_ =	sdelay $0x3  }
0x33: {  	p0 =	seq.s32 s10, $0x1;
	s10 =	sld [smem:$0x3FB3];
	_ =	sdelay $0x3  }
0x34: {  	[smem:$0x3FB3] =	sst s10  }
0x35: {  	s10 =	sld [smem:$0x3FB2];
	_ =	sdelay $0x3  }
0x36: {  	p1 =	seq.s32 s10, $0x1;
	s10 =	sld [smem:$0x3FB3];
	_ =	sdelay $0x3  }
0x37: {  	[smem:$0x3FB3] =	sst s10  }
0x38: {  	s10 =	sld [smem:$0x3FB4]  }
0x39: {  	_ = 	snop;
	(pc) =	sbr.ind lr, $3  }
0x3a: {  	_ = 	snop  }
0x3b: {  	_ = 	snop  }
0x3c: {  	p2 =	seq.s32 s10, $0x1;
	s10 =	sld [smem:$0x3FB3]  }
0x3d: {  	_ =	shalt  }
0x3e: {  	_ =	shalt  }
0x3f: {  	_ =	shalt  }
0x40: {  	_ =	shalt  }
0x41: {  	_ =	shalt  }
0x42: {  	_ =	shalt  }
0x43: {  	_ =	shalt  }
0x44: {  	_ =	shalt  }
0x45: {  	_ =	shalt  }
0x46: {  	_ =	shalt  }
0x47: {  	_ =	shalt  }
0x48: {  	_ =	shalt  }
0x49: {  	_ =	shalt  }
0x4a: {  	_ =	shalt  }
0x4b: {  	_ =	shalt  }
0x4c: {  	_ =	shalt  }
0x4d: {  	_ =	shalt  }
0x4e: {  	_ =	shalt  }
0x4f: {  	_ =	shalt  }
0x50: {  	_ =	shalt  }
0x51: {  	_ =	shalt  }
0x52: {  	_ =	shalt  }
0x53: {  	_ =	shalt  }
0x54: {  	_ =	shalt  }
0x55: {  	_ =	shalt  }
0x56: {  	_ =	shalt  }
0x57: {  	_ =	shalt  }
0x58: {  	_ =	shalt  }
0x59: {  	_ =	shalt  }
0x5a: {  	_ =	shalt  }
0x5b: {  	_ =	shalt  }
0x5c: {  	_ =	shalt  }
0x5d: {  	_ =	shalt  }
0x5e: {  	_ =	shalt  }
0x5f: {  	_ =	shalt  }
0x60: {  	_ =	shalt  }
0x61: {  	_ =	shalt  }
0x62: {  	_ =	shalt  }
0x63: {  	_ =	shalt  }
0x64: {  	_ =	shalt  }
0x65: {  	_ =	shalt  }
0x66: {  	_ =	shalt  }
0x67: {  	_ =	shalt  }
0x68: {  	_ =	shalt  }
0x69: {  	_ =	shalt  }
0x6a: {  	_ =	shalt  }
0x6b: {  	_ =	shalt  }
0x6c: {  	_ =	shalt  }
0x6d: {  	_ =	shalt  }
0x6e: {  	_ =	shalt  }
0x6f: {  	_ =	shalt  }
0x70: {  	_ =	shalt  }
0x71: {  	_ =	shalt  }
0x72: {  	_ =	shalt  }
0x73: {  	_ =	shalt  }
0x74: {  	_ =	shalt  }
0x75: {  	_ =	shalt  }
0x76: {  	_ =	shalt  }
0x77: {  	_ =	shalt  }
0x78: {  	_ =	shalt  }
0x79: {  	_ =	shalt  }
0x7a: {  	_ =	shalt  }
0x7b: {  	_ =	shalt  }
0x7c: {  	_ =	shalt  }
0x7d: {  	_ =	shalt  }
0x7e: {  	_ =	shalt  }
0x7f: {  	_ =	shalt  }
0x80: {  	_ =	shalt  }
0x81: {  	_ =	shalt  }
0x82: {  	_ =	shalt  }
0x83: {  	_ =	shalt  }
0x84: {  	_ =	shalt  }
0x85: {  	_ =	shalt  }
0x86: {  	_ =	shalt  }
0x87: {  	_ =	shalt  }
.Lfunc_end0:
.L_simem_size_0:
called_computation_lowered:
.L_overlay_start_0:
0x88: {  	s2 =	sld [smem:$0x3FD9]  }
0x89: {  	s3 =	sld [smem:$0x3FFE];
	_ =	sdelay $0x1  }
0x8a: {  	s1 =	srdreg.scid  }
0x8b: {  	s0 =	sand.u32 $0x1, s1  }
0x8c: {  	s17 =	sshll.u32 s0, $0xA;
	s2 =	sadd.s32 s3, s2  }
0x8d: {  	s2 =	sadd.s32 s2, s17  }
0x8e: {  	[smem:$0x3FBF] =	sst s2  }
0x8f: {  	_ = 	snop  }
0x90: {  	s2 =	sld [smem:$0x3FD0];
	(tm) =	ssettm $0x1  }
0x91: {  	s18 =	sld [smem:$0x3FFB];
	_ =	sdelay $0x3  }
0x92: {  	_ =	strace s18  }
0x93: {  	s3 =	sld [smem:$0x3FFC];
	_ =	sdelay $0x3  }
0x94: {  	_ =	strace s3  }
0x95: {  	s3 =	sld [smem:$0x3FFD];
	_ =	sdelay $0x3  }
0x96: {  	_ =	strace s3  }
0x97: {  	_ =	strace $0x8FFFFFFF  }
0x98: {  	s19 =	sld [smem:$0x3FDB];
	_ =	sdelay $0x1  }
0x99: {  	s4 =	simm.s32 $_scs_section_size  }
0x9a: {  	s5 =	simm.s32 $_size__tile_overlayer_lowered;
	s6 =	simm.s32 $_tile_overlayer_lowered  }
0x9b: {  	s22 =	simm.s32 $0x1BFF;
	s21 =	sshll.u32 s6, $0x1;
	s3 =	sadd.s32 s4, s19  }
0x9c: {  	s7 =	simm.s32 $0x0;
	s20 =	sshll.u32 s5, $0x1;
	s5 =	sadd.s32 s21, s3  }
0x9d: {  	[timem:s7], [sflag:s22] =	dma.local [hbm:s5], s20  }
0x9e: {  	_ =	swait.ge [sflag:s22], s20  }
0x9f: {  	s4 =	ssub.s32 $0x0, s20;
	[sflag:s22] =	ssyncset.done $0x0  }
0xa0: {  	[sflag:s22] =	ssyncadd.s32 s4;
	_ =	sdelay $0x1  }
0xa1: {  	s23 =	simm.s32 $0x1B8B  }
0xa2: {  	_ =	swait.ge [sflag:s23], $0x1  }
0xa3: {  	[sflag:s23] =	ssyncset.done $0x0  }
0xa4: {  	s25 =	simm.s32 $0x1B8E;
	s24 =	sld [smem:$0x3FFE];
	[sflag:s23] =	ssyncadd.s32 $0xFFFFFFFF  }
0xa5: {  	s26 =	simm.s32 $execute0_lowered;
	[smem:$0x3FD2] =	sst s25  }
0xa6: {  	s5 =	sshll.u32 s26, $0x1;
	_ =	strace $0x80000046;
	[dreg:$0x1] =	wrdreg $0xFFFFFFFF  }
0xa7: {  	s28 =	simm.s32 $_size_execute0_lowered;
	s3 =	sadd.s32 s3, s5;
	[dreg:$0x0] =	wrdreg $0x0  }
0xa8: {  	s5 =	sshll.u32 s28, $0x1;
	[dreg:$0x2] =	wrdreg s3  }
0xa9: {  	[dreg:$0x3] =	wrdreg s5  }
0xaa: {  	[dreg:$0x4] =	wrdreg $0xC0  }
0xab: {  	_ =	task [dreg:s7], $0x5FFFF  }
0xac: {  	[dreg:$0x1] =	wrdreg $0xFFFFFFFF  }
0xad: {  	[dreg:$0x0] =	wrdreg $0x60  }
0xae: {  	[dreg:$0x2] =	wrdreg s2  }
0xaf: {  	[dreg:$0x3] =	wrdreg s24  }
0xb0: {  	[dreg:$0x4] =	wrdreg $0x6A400  }
0xb1: {  	[dreg:$0x5] =	wrdreg $0x1A2C00  }
0xb2: {  	[dreg:$0x6] =	wrdreg $0x9  }
0xb3: {  	_ =	task.clear_ibuf [dreg:s7], $0x7FFFF;
	_ =	strace $0x90000046  }
0xb4: {  	s29 =	simm.s32 $0x9;
	_ =	strace $0x80000048  }
0xb5: {  	_ =	swait.ge [sflag:s29], $0x1  }
0xb6: {  	[sflag:s29] =	ssyncadd.s32 $0xFFFFFFFF  }
0xb7: {  	_ =	strace $0x90000048  }
0xb8: {  	_ =	sfence  }
0xb9: {  	s30 =	sld [smem:$0x0];
	_ =	sdelay $0x2  }
0xba: {  	s31 =	sshll.u32 s1, $0xD;
	s1 =	sshrl.u32 s1, $0x2  }
0xbb: {  	s3 =	sand.u32 $0x4000, s31;
	s1 =	sadd.s32 s1, s30  }
0xbc: {  	s0 =	sor.u32 s3, s0;
	s1 =	sshll.u32 s1, $0x11  }
0xbd: {  	s0 =	sor.u32 s1, s0  }
0xbe: {  	s0 =	sadd.s32 $0x8F2B, s0  }
0xbf: {  	[sflag:s0] =	ssyncadd.remote.s32 $0x1  }
0xc0: {  	_ =	sfence.sel $0xFFFF  }
0xc1: {  	[dreg:$0x0] =	wrdreg $0xFFFFFFFF;
	(pc) =	sbr.abs _section_cstart, $3  }
0xc2: {  	[dreg:$0x1] =	wrdreg $0xFFFFFFFF  }
0xc3: {  	_ =	task.clear_ibuf [dreg:s7], $0x2FFFF;
	_ =	strace $0x9FFFFFFF  }
0xc4: {  	(tm) =	ssettm $0x7FFFFFFF  }
0xc5: {  	_ =	shalt  }
tec
execute0_lowered:
.L_overlay_start_1:
0x0: {  	(tag) =	ssettag $0x1  }
0x1: {  	s0 =	srdreg.scid;
	s28 =	stileid.u32  }
0x2: {  	s2 =	rddreg [dreg:$0x1];
	s1 =	sand.u32 $0x1, s0;
	s9 =	smul.u32 $0x270, s28  }
0x3: {  	s12 =	sadd.s32 $0x24200, s2;
	s0 =	ssub.s32 $0x2, s1  }
0x4: {  	s17 =	smul.u32 $0x138800, s1;
	s3 =	sshrl.u32 s0, $0x1;
	s13 =	sadd.s32 $0x50, s9  }
0x5: {  	s14 =	sadd.s32 $0xA0, s9;
	s15 =	sadd.s32 $0xF0, s9;
	s16 =	sadd.s32 $0x140, s9  }
0x6: {  	s18 =	sadd.s32 $0x190, s9;
	s19 =	sadd.s32 $0x1E0, s9;
	s20 =	sadd.s32 $0x230, s9  }
0x7: {  	s0 =	ssub.s32 s0, s3;
	s3 =	smul.u32 $0x13800, s28;
	s7 =	sshll.u32 s13, $0x7  }
0x8: {  	s4 =	sshll.u32 s14, $0x7;
	s5 =	sshll.u32 s15, $0x7;
	s8 =	sshll.u32 s16, $0x7  }
0x9: {  	s10 =	sshll.u32 s18, $0x7;
	s6 =	sshll.u32 s19, $0x7;
	s13 =	sshll.u32 s13, $0x4  }
0xa: {  	s14 =	sshll.u32 s14, $0x4;
	s15 =	sshll.u32 s15, $0x4;
	s21 =	sadd.s32 s17, s7  }
0xb: {  	s25 =	sadd.s32 s17, s4;
	s26 =	sadd.s32 s17, s5;
	s11 =	sadd.s32 s3, s17  }
0xc: {  	s22 =	sadd.s32 s17, s8;
	s24 =	sshrl.u32 s21, $0x3;
	s23 =	sshrl.u32 s11, $0x3  }
0xd: {  	s21 =	sshrl.u32 s26, $0x3;
	s22 =	sshrl.u32 s22, $0x3;
	s9 =	sadd.s32 s12, s23  }
0xe: {  	s11 =	sshll.u32 s20, $0x7;
	[dreg:$0x5] =	wrdreg s9;
	s9 =	sadd.s32 s12, s24  }
0xf: {  	s21 =	sadd.s32 s12, s21;
	[dreg:$0x6] =	wrdreg s9;
	s9 =	sshrl.u32 s25, $0x3  }
0x10: {  	[dreg:$0x8] =	wrdreg s21;
	s23 =	sadd.s32 s17, s10;
	s9 =	sadd.s32 s12, s9  }
0x11: {  	s24 =	sadd.s32 s17, s6;
	[dreg:$0x7] =	wrdreg s9;
	s9 =	sadd.s32 s12, s22  }
0x12: {  	s21 =	sshrl.u32 s24, $0x3;
	[dreg:$0x9] =	wrdreg s9;
	s9 =	sshrl.u32 s23, $0x3  }
0x13: {  	s25 =	sadd.s32 s17, s11;
	s17 =	sshrl.u32 s17, $0x3;
	s9 =	sadd.s32 s12, s9  }
0x14: {  	s26 =	sadd.s32 s12, s21;
	s21 =	sshrl.u32 s25, $0x3;
	[dreg:$0xa] =	wrdreg s9  }
0x15: {  	s9 =	sadd.s32 s12, s21;
	s12 =	sadd.s32 s12, s17;
	s17 =	smul.u32 $0x2700, s28  }
0x16: {  	s24 =	sshll.u32 s16, $0x4;
	[dreg:$0xb] =	wrdreg s26;
	s21 =	smul.u32 $0x27100, s1  }
0x17: {  	s25 =	sshll.u32 s18, $0x4;
	[dreg:$0xc] =	wrdreg s9;
	s9 =	simm.s32 $0x0  }
0x18: {  	s26 =	sshll.u32 s20, $0x4;
	[smem:$0x7FF] =	sst s9;
	s22 =	sadd.s32 s17, s21  }
0x19: {  	s23 =	sadd.s32 s21, s13;
	s16 =	sshrl.u32 s22, $0x3;
	s22 =	sadd.s32 $0x1A400, s2  }
0x1a: {  	s20 =	sshrl.u32 s23, $0x3;
	s23 =	sadd.s32 s21, s14;
	s16 =	sadd.s32 s22, s16  }
0x1b: {  	[dreg:$0xd] =	wrdreg s16;
	s16 =	sadd.s32 s22, s20;
	s20 =	sshrl.u32 s23, $0x3  }
0x1c: {  	s23 =	sadd.s32 s21, s15;
	[dreg:$0xe] =	wrdreg s16;
	s16 =	sadd.s32 s22, s20  }
0x1d: {  	s20 =	sshrl.u32 s23, $0x3;
	s23 =	sadd.s32 s21, s24;
	[dreg:$0xf] =	wrdreg s16  }
0x1e: {  	s16 =	sadd.s32 s22, s20;
	s20 =	sshrl.u32 s23, $0x3;
	s23 =	sadd.s32 s21, s25  }
0x1f: {  	[dreg:$0x10] =	wrdreg s16;
	s16 =	sadd.s32 s22, s20;
	s20 =	sshrl.u32 s23, $0x3  }
0x20: {  	s19 =	sshll.u32 s19, $0x4;
	[dreg:$0x11] =	wrdreg s16;
	s16 =	sadd.s32 s22, s20  }
0x21: {  	s23 =	sadd.s32 s21, s19;
	[dreg:$0x12] =	wrdreg s16  }
0x22: {  	s18 =	sshrl.u32 s23, $0x3;
	s20 =	sadd.s32 s21, s26;
	s16 =	rddreg [dreg:$0x0]  }
0x23: {  	s18 =	sadd.s32 s22, s18;
	s23 =	sshrl.u32 s20, $0x3;
	s20 =	rddreg [dreg:$0x3]  }
0x24: {  	[dreg:$0x13] =	wrdreg s18  }
0x25: {  	s18 =	rddreg [dreg:$0x2];
	s23 =	sadd.s32 s22, s23  }
0x26: {  	s13 =	sadd.s32 s13, s20;
	[dreg:$0x14] =	wrdreg s23;
	s29 =	sadd.s32 s3, s18  }
0x27: {  	s3 =	sadd.s32 s4, s18;
	_ =	strace $0x80000047;
	[dreg:$0x18] =	wrdreg s13  }
0x28: {  	s30 =	simm.s32 $0x4240;
	s4 =	sadd.s32 s14, s20;
	[dreg:$0x19] =	wrdreg s3  }
0x29: {  	s31 =	simm.s32 $0x1;
	s14 =	sadd.s32 s8, s18;
	[dreg:$0x1a] =	wrdreg s4  }
0x2a: {  	p0 =	sne.s32 s28, $0xF;
	s6 =	sadd.s32 s6, s18;
	[dreg:$0x1d] =	wrdreg s14  }
0x2b: {  	s0 =	smax.u32 s0, $0x1;
	s8 =	sadd.s32 s19, s20;
	[smem:$0x7F3] =	sst s6  }
0x2c: {  	s1 =	sshll.u32 s1, $0x4;
	s19 =	sadd.s32 $0x27000, s12;
	[smem:$0x7F4] =	sst s8  }
0x2d: {  	s1 =	sor.u32 s28, s1;
	s21 =	sshrl.u32 s21, $0x3;
	[smem:$0x7F7] =	sst s19  }
0x2e: {  	s1 =	smul.u32 $0x2710, s1;
	s21 =	sadd.s32 s22, s21;
	[smem:$0x7F9] =	sst s0  }
0x2f: {  	s22 =	sadd.s32 $0x15400, s2;
	s17 =	sadd.s32 s17, s20;
	[dreg:$0x15] =	wrdreg s29  }
0x30: {  	s15 =	sadd.s32 s15, s20;
	s7 =	sadd.s32 s7, s18;
	[dreg:$0x16] =	wrdreg s17  }
0x31: {  	s23 =	sadd.s32 $0x1A00, s2;
	s12 =	simm.s32 $0xFA0;
	[dreg:$0x17] =	wrdreg s7  }
0x32: {  	s13 =	sadd.s32 s5, s18;
	s3 =	sadd.s32 s24, s20;
	[dreg:$0x1c] =	wrdreg s15  }
0x33: {  	s4 =	sadd.s32 s10, s18;
	s5 =	sadd.s32 s25, s20;
	[dreg:$0x1b] =	wrdreg s13  }
0x34: {  	s10 =	sshrl.u32 s1, $0x3;
	s14 =	sadd.s32 s26, s20;
	[dreg:$0x1e] =	wrdreg s3  }
0x35: {  	s24 =	sadd.s32 $0x4E00, s21;
	s25 =	sadd.s32 $0x138000, s18;
	[dreg:$0x1f] =	wrdreg s4  }
0x36: {  	s26 =	sadd.s32 $0x27000, s20;
	s21 =	simm.s32 $0x50;
	[smem:$0x7F2] =	sst s5  }
0x37: {  	s8 =	simm.s32 $0xA0;
	s19 =	simm.s32 $0x2;
	[smem:$0x7F6] =	sst s14  }
0x38: {  	s0 =	simm.s32 $0x3;
	s6 =	simm.s32 $0x0;
	[smem:$0x7F8] =	sst s24  }
0x39: {  	s13 =	sadd.s32 s11, s18;
	s2 =	sadd.s32 s23, s10;
	[smem:$0x7FA] =	sst s25  }
0x3a: {  	s10 =	sadd.s32 $0x50, s1;
	s11 =	sadd.s32 $0xA0, s1;
	[smem:$0x7FB] =	sst s26  }
0x3b: {  	s14 =	simm.s32 $0xAA0;
	s24 =	simm.s32 $0x5A0;
	s25 =	simm.s32 $0x37A0  }
0x3c: {  	v1 =	vlaneseq.u32;
	v0 =	vimm.f32 $0.0e+00;
	vm0 =	vmmov $0xf;
	s26 =	simm.s32 $0x37F0;
	s1 =	simm.s32 $0x4;
	[smem:$0x7F5] =	sst s13  }
0x3d: {  	v2 =	vimm.s32 $0x0;
	v3 =	vimm.s32 $0x1;
	v1 =	vand.u32 $0x3, v1;
	s3 =	simm.s32 $0x6;
	[smem:$0x7FC] =	sst s2;
	s28 =	sadd.s32 $0x9C40, s2  }
0x3e: {  	v4 =	vimm.s32 $0x2;
	v5 =	vimm.s32 $0x3;
	v1 =	vor.u32 $0x4, v1;
	s13 =	simm.s32 $0x7;
	s2 =	simm.s32 $0x5;
	[smem:$0x7FD] =	sst s28  }
.LBB2_1:
0x3f: {  	s4 =	simm.s32 $0xFE0  }
0x40: {  	[tilespmem:s4+$0xFFFFFFD0] =	vst v0  }
0x41: {  	[tilespmem:s4+$0xFFFFFFE0] =	vst v0  }
0x42: {  	[tilespmem:s4+$0xFFFFFFF0] =	vst v0  }
0x43: {  	[tilespmem:s4+$0x0] =	vst v0  }
0x44: {  	[tilespmem:s4+$0x10] =	vst v0  }
0x45: {  	[tilespmem:s4+$0x20] =	vst v0  }
0x46: {  	[tilespmem:s4+$0x30] =	vst v0  }
0x47: {  	[smem:$0x7F1] =	sst s6;
	s6 =	simm.s32 $0x0;
	s5 =	simm.s32 $0x40;
	[tilespmem:s4+$0xFFFFFFC0] =	vst v0  }
.LBB2_2:
0x48: {  	p1 =	sne.s32 s5, $0x13C0;
	[tilespmem:s6+$0xAA0] =	vst v0;
	s4 =	sadd.s32 $0x80, s4  }
0x49: {  	[tilespmem:s4+$0xFFFFFFD0] =	vst v0  }
0x4a: {  	[tilespmem:s4+$0xFFFFFFE0] =	vst v0  }
0x4b: {  	[tilespmem:s4+$0xFFFFFFF0] =	vst v0  }
.Ltmp0:
0x4c: {  	[tilespmem:s4+$0x0] =	vst v0;
	(pc) =	sbr.rel @p1 .LBB2_2-.Ltmp0, $4  }
0x4d: {  	[tilespmem:s4+$0x10] =	vst v0  }
0x4e: {  	[tilespmem:s4+$0x20] =	vst v0  }
0x4f: {  	[tilespmem:s4+$0x30] =	vst v0  }
0x50: {  	s6 =	sshra.s32 s5, $0x2;
	s5 =	sadd.s32 $0x40, s5;
	[tilespmem:s4+$0xFFFFFFC0] =	vst v0  }
0x51: {  	[tilespmem:s6+$0xAA0] =	vst v0  }
0x52: {  	[spmem:s29] =	stream.linear.scatter [tilespmem:s12], [sflag:$0x7], $0x2800, $0x38;
	[tilespmem:$0x1C9D0] =	vst v63  }
0x53: {  	_ =	swait.ge [sflag:s13], $0x2800  }
0x54: {  	[sflag:s13] =	ssyncset.done $0x0  }
0x55: {  	[sflag:s13] =	ssyncadd.s32 $0xFFFFD800  }
0x56: {  	[spmem:s17] =	stream.linear.scatter [tilespmem:s14], [sflag:$0x7], $0x500, $0x38;
	[tilespmem:$0x1C9D0] =	vst v63  }
0x57: {  	_ =	swait.ge [sflag:s13], $0x500  }
0x58: {  	[sflag:s13] =	ssyncset.done $0x0  }
0x59: {  	[sflag:s13] =	ssyncadd.s32 $0xFFFFFB00  }
0x5a: {  	[spmem:s7] =	stream.linear.scatter [tilespmem:s12], [sflag:$0x7], $0x2800, $0x38;
	[tilespmem:$0x1C9D0] =	vst v63  }
0x5b: {  	_ =	swait.ge [sflag:s13], $0x2800  }
0x5c: {  	[sflag:s13] =	ssyncset.done $0x0  }
0x5d: {  	s4 =	rddreg [dreg:$0x18];
	[sflag:s13] =	ssyncadd.s32 $0xFFFFD800  }
0x5e: {  	[spmem:s4] =	stream.linear.scatter [tilespmem:s14], [sflag:$0x7], $0x500, $0x38;
	[tilespmem:$0x1C9D0] =	vst v63  }
0x5f: {  	_ =	swait.ge [sflag:s13], $0x500  }
0x60: {  	[sflag:s13] =	ssyncset.done $0x0  }
0x61: {  	s5 =	rddreg [dreg:$0x19];
	[sflag:s13] =	ssyncadd.s32 $0xFFFFFB00  }
0x62: {  	[spmem:s5] =	stream.linear.scatter [tilespmem:s12], [sflag:$0x7], $0x2800, $0x38;
	[tilespmem:$0x1C9D0] =	vst v63  }
0x63: {  	_ =	swait.ge [sflag:s13], $0x2800  }
0x64: {  	[sflag:s13] =	ssyncset.done $0x0  }
0x65: {  	s6 =	rddreg [dreg:$0x1a];
	[sflag:s13] =	ssyncadd.s32 $0xFFFFD800  }
0x66: {  	[spmem:s6] =	stream.linear.scatter [tilespmem:s14], [sflag:$0x7], $0x500, $0x38;
	[tilespmem:$0x1C9D0] =	vst v63  }
0x67: {  	_ =	swait.ge [sflag:s13], $0x500  }
0x68: {  	[sflag:s13] =	ssyncset.done $0x0  }
0x69: {  	s7 =	rddreg [dreg:$0x1b];
	[sflag:s13] =	ssyncadd.s32 $0xFFFFFB00  }
0x6a: {  	[spmem:s7] =	stream.linear.scatter [tilespmem:s12], [sflag:$0x7], $0x2800, $0x38;
	[tilespmem:$0x1C9D0] =	vst v63  }
0x6b: {  	_ =	swait.ge [sflag:s13], $0x2800  }
0x6c: {  	[sflag:s13] =	ssyncset.done $0x0  }
0x6d: {  	[sflag:s13] =	ssyncadd.s32 $0xFFFFD800  }
0x6e: {  	[spmem:s15] =	stream.linear.scatter [tilespmem:s14], [sflag:$0x7], $0x500, $0x38;
	[tilespmem:$0x1C9D0] =	vst v63  }
0x6f: {  	_ =	swait.ge [sflag:s13], $0x500  }
0x70: {  	[sflag:s13] =	ssyncset.done $0x0  }
0x71: {  	s17 =	rddreg [dreg:$0x1d];
	[sflag:s13] =	ssyncadd.s32 $0xFFFFFB00  }
0x72: {  	[spmem:s17] =	stream.linear.scatter [tilespmem:s12], [sflag:$0x7], $0x2800, $0x38;
	[tilespmem:$0x1C9D0] =	vst v63  }
0x73: {  	_ =	swait.ge [sflag:s13], $0x2800  }
0x74: {  	[sflag:s13] =	ssyncset.done $0x0  }
0x75: {  	s28 =	rddreg [dreg:$0x1e];
	[sflag:s13] =	ssyncadd.s32 $0xFFFFD800  }
0x76: {  	[spmem:s28] =	stream.linear.scatter [tilespmem:s14], [sflag:$0x7], $0x500, $0x38;
	[tilespmem:$0x1C9D0] =	vst v63  }
0x77: {  	_ =	swait.ge [sflag:s13], $0x500  }
0x78: {  	[sflag:s13] =	ssyncset.done $0x0  }
0x79: {  	s29 =	rddreg [dreg:$0x1f];
	[sflag:s13] =	ssyncadd.s32 $0xFFFFFB00  }
0x7a: {  	[spmem:s29] =	stream.linear.scatter [tilespmem:s12], [sflag:$0x7], $0x2800, $0x38;
	[tilespmem:$0x1C9D0] =	vst v63  }
0x7b: {  	_ =	swait.ge [sflag:s13], $0x2800  }
0x7c: {  	s5 =	sld [smem:$0x7F2]  }
0x7d: {  	[sflag:s13] =	ssyncset.done $0x0  }
0x7e: {  	[sflag:s13] =	ssyncadd.s32 $0xFFFFD800  }
0x7f: {  	[spmem:s5] =	stream.linear.scatter [tilespmem:s14], [sflag:$0x7], $0x500, $0x38;
	[tilespmem:$0x1C9D0] =	vst v63  }
0x80: {  	_ =	swait.ge [sflag:s13], $0x500  }
0x81: {  	s6 =	sld [smem:$0x7F3]  }
0x82: {  	[sflag:s13] =	ssyncset.done $0x0  }
0x83: {  	[sflag:s13] =	ssyncadd.s32 $0xFFFFFB00  }
0x84: {  	[spmem:s6] =	stream.linear.scatter [tilespmem:s12], [sflag:$0x7], $0x2800, $0x38;
	[tilespmem:$0x1C9D0] =	vst v63  }
0x85: {  	_ =	swait.ge [sflag:s13], $0x2800  }
0x86: {  	s7 =	sld [smem:$0x7F4]  }
0x87: {  	[sflag:s13] =	ssyncset.done $0x0  }
0x88: {  	[sflag:s13] =	ssyncadd.s32 $0xFFFFD800  }
0x89: {  	[spmem:s7] =	stream.linear.scatter [tilespmem:s14], [sflag:$0x7], $0x500, $0x38;
	[tilespmem:$0x1C9D0] =	vst v63  }
0x8a: {  	_ =	swait.ge [sflag:s13], $0x500  }
0x8b: {  	s15 =	sld [smem:$0x7F5]  }
0x8c: {  	[sflag:s13] =	ssyncset.done $0x0  }
0x8d: {  	[sflag:s13] =	ssyncadd.s32 $0xFFFFFB00  }
0x8e: {  	[spmem:s15] =	stream.linear.scatter [tilespmem:s12], [sflag:$0x7], $0x2000, $0x38;
	[tilespmem:$0x1C9D0] =	vst v63  }
0x8f: {  	_ =	swait.ge [sflag:s13], $0x2000  }
0x90: {  	s17 =	sld [smem:$0x7F6]  }
0x91: {  	[sflag:s13] =	ssyncset.done $0x0  }
0x92: {  	[sflag:s13] =	ssyncadd.s32 $0xFFFFE000  }
0x93: {  	[spmem:s17] =	stream.linear.scatter [tilespmem:s14], [sflag:$0x7], $0x400, $0x38;
	[tilespmem:$0x1C9D0] =	vst v63  }
0x94: {  	_ =	swait.ge [sflag:s13], $0x400  }
0x95: {  	s5 =	sld [smem:$0x7FA]  }
0x96: {  	[sflag:s13] =	ssyncset.done $0x0  }
0x97: {  	s4 =	simm.s32 @!p0 $0xFA0;
	[sflag:s13] =	ssyncadd.s32 $0xFFFFFC00  }
0x98: {  	[spmem:s5] =	stream.linear.scatter @!p0 [tilespmem:s4], [sflag:$0x7], $0x800, $0x38;
	[tilespmem:$0x1C9D0] =	vst v63  }
0x99: {  	s4 =	simm.s32 @!p0 $0x7  }
0x9a: {  	_ =	swait.ge @!p0 [sflag:s4], $0x800  }
0x9b: {  	s6 =	sld [smem:$0x7FB]  }
0x9c: {  	[sflag:s4] =	ssyncset.done @!p0 $0x0  }
0x9d: {  	s5 =	simm.s32 @!p0 $0xAA0;
	[sflag:s4] =	ssyncadd.s32 @!p0 $0xFFFFF800  }
0x9e: {  	[spmem:s6] =	stream.linear.scatter @!p0 [tilespmem:s5], [sflag:$0x7], $0x100, $0x38;
	[tilespmem:$0x1C9D0] =	vst v63  }
0x9f: {  	_ =	swait.ge @!p0 [sflag:s4], $0x100  }
0xa0: {  	[sflag:s4] =	ssyncset.done @!p0 $0x0  }
0xa1: {  	[sflag:s4] =	ssyncadd.s32 @!p0 $0xFFFFFF00  }
0xa2: {  	[bflag:$0x0] =	sbarrier.arrive $0xFFFF  }
0xa3: {  	s28 =	sld [smem:$0x7FC];
	_ =	sdelay $0x1  }
0xa4: {  	s5 =	simm.s32 $0x0  }
0xa5: {  	[tilespmem:s5], [sflag:$0x7] =	stream.linear.gather [hbm4b:s28+s5], $0x50, $0x38;
	[tilespmem:$0x1C9D0] =	vst v63  }
0xa6: {  	_ =	swait.ge [sflag:s13], $0x50  }
0xa7: {  	s29 =	sld [smem:$0x7FD]  }
0xa8: {  	[sflag:s13] =	ssyncset.done $0x0  }
0xa9: {  	[sflag:s13] =	ssyncadd.s32 $0xFFFFFFB0  }
0xaa: {  	[tilespmem:s21], [sflag:$0x7] =	stream.linear.gather [hbm4b:s29+s5], $0x50, $0x38;
	[tilespmem:$0x1C9D0] =	vst v63  }
0xab: {  	_ =	swait.ge [sflag:s13], $0x50  }
0xac: {  	[sflag:s13] =	ssyncset.done $0x0  }
0xad: {  	[sflag:s13] =	ssyncadd.s32 $0xFFFFFFB0  }
0xae: {  	[tilespmem:s8], [sflag:$0x1] =	stream.indirect.gather [hbm4b:s22+s21], $0x10, s5, s21, $0xb8;
	[tilespmem:$0x1C9D0] =	vst v63  }
0xaf: {  	_ = 	snop  }
0xb0: {  	[tilespmem:s24], [sflag:$0x2] =	stream.indirect.gather [hbm4b:s22+s21], $0x10, s21, s21, $0xb8;
	[tilespmem:$0x1C9D0] =	vst v63  }
0xb1: {  	_ = 	snop  }
0xb2: {  	[tilespmem:s12], [sflag:$0x3] =	stream.indirect.gather [hbm4b:s16+s21], $0x80, s5, s21, $0xb8;
	[tilespmem:$0x1C9D0] =	vst v63  }
.LBB2_4:
0xb3: {  	s6 =	smul.u32 $0xA0, s5;
	_ =	sdelay $0x1  }
0xb4: {  	s4 =	sadd.s32 s6, s10  }
0xb5: {  	s4 =	sshrl.u32 s4, $0x3  }
0xb6: {  	s4 =	sadd.s32 s23, s4  }
0xb7: {  	[tilespmem:s25], [sflag:$0x7] =	stream.linear.gather [hbm4b:s4+s9], $0x50, $0x38;
	[tilespmem:$0x1C9D0] =	vst v63  }
0xb8: {  	_ =	swait.ge [sflag:s13], $0x50  }
0xb9: {  	[sflag:s13] =	ssyncset.done $0x0  }
0xba: {  	s4 =	sadd.s32 $0x9C40, s4;
	[sflag:s13] =	ssyncadd.s32 $0xFFFFFFB0  }
0xbb: {  	[tilespmem:s26], [sflag:$0x7] =	stream.linear.gather [hbm4b:s4+s9], $0x50, $0x38;
	[tilespmem:$0x1C9D0] =	vst v63  }
0xbc: {  	_ =	swait.ge [sflag:s13], $0x50  }
0xbd: {  	[sflag:s13] =	ssyncset.done $0x0  }
0xbe: {  	s7 =	simm.s32 $0x3840;
	[sflag:s13] =	ssyncadd.s32 $0xFFFFFFB0  }
0xbf: {  	[tilespmem:s7], [sflag:$0x4] =	stream.indirect.gather [hbm4b:s22+s21], $0x10, s25, s21, $0xb8;
	[tilespmem:$0x1C9D0] =	vst v63  }
0xc0: {  	s15 =	simm.s32 $0x3D40  }
0xc1: {  	[tilespmem:s15], [sflag:$0x5] =	stream.indirect.gather [hbm4b:s22+s21], $0x10, s26, s21, $0xb8;
	[tilespmem:$0x1C9D0] =	vst v63  }
0xc2: {  	_ = 	snop  }
0xc3: {  	[tilespmem:s30], [sflag:$0x6] =	stream.indirect.gather [hbm4b:s16+s21], $0x80, s25, s21, $0xb8;
	[tilespmem:$0x1C9D0] =	vst v63  }
0xc4: {  	_ =	swait.ge [sflag:s31], $0x500  }
0xc5: {  	[sflag:s31] =	ssyncset.done $0x0  }
0xc6: {  	[sflag:s31] =	ssyncadd.s32 $0xFFFFFB00  }
0xc7: {  	_ =	swait.ge [sflag:s19], $0x500  }
0xc8: {  	[sflag:s19] =	ssyncset.done $0x0  }
0xc9: {  	[sflag:s19] =	ssyncadd.s32 $0xFFFFFB00  }
0xca: {  	_ =	swait.ge [sflag:s0], $0x2800  }
0xcb: {  	[sflag:s0] =	ssyncset.done $0x0  }
0xcc: {  	s17 =	simm.s32 $0x5C0;
	[sflag:s0] =	ssyncadd.s32 $0xFFFFD800  }
0xcd: {  	v6 =	vld [tilespmem:s17+$0x10]  }
0xce: {  	s7 =	simm.s32 $0xC0  }
0xcf: {  	v7 =	vld [tilespmem:s7+$0x10]  }
0xd0: {  	v8 =	vld [tilespmem:s17+$0xFFFFFFF0]  }
0xd1: {  	v9 =	vld [tilespmem:s17+$0xFFFFFFE0]  }
0xd2: {  	v10 =	vld [tilespmem:s7+$0xFFFFFFF0];
	v6 =	vperm.xlane v6, v1;
	_ =	sdelay $0x1  }
0xd3: {  	v11 =	vld [tilespmem:s7+$0xFFFFFFE0];
	v6 =	vadd.f32 v6, v7  }
0xd4: {  	v7 =	vperm.xlane v8, v1  }
0xd5: {  	v8 =	vperm.xlane v9, v1;
	v9 =	vmul.f32 $2.000000030e-01, v6  }
0xd6: {  	v7 =	vadd.f32 v7, v10;
	vm1 =	vge.f32 v6, $0.0e+00  }
0xd7: {  	v6 =	vsel vm1, v6, v9  }
0xd8: {  	v8 =	vadd.f32 v8, v11;
	v9 =	vmul.f32 $2.000000030e-01, v7;
	v6 =	vmul.f32 $1.442695020e+00, v6  }
0xd9: {  	vm1 =	vge.f32 v7, $0.0e+00  }
0xda: {  	v10 =	vmul.f32 $2.000000030e-01, v8;
	(erf) = vpow2.f32 v6;
	v6 =	vsel vm1, v7, v9  }
0xdb: {  	vm2 =	vge.f32 v8, $0.0e+00;
	v6 =	vmul.f32 $1.442695020e+00, v6  }
0xdc: {  	v7 =	vsel vm2, v8, v10  }
0xdd: {  	v7 =	vmul.f32 $1.442695020e+00, v7;
	(erf) = vpow2.f32 v6;
	v6 =	vld [tilespmem:s17+$0x0];
	_ =	sdelay $0x1  }
0xde: {  	(erf) = vpow2.f32 v7;
	v7 =	vld [tilespmem:s7+$0x0]  }
0xdf: {  	s15 =	simm.s32 $0x100  }
0xe0: {  	v34 =	vld [tilespmem:s15+$0x10]  }
0xe1: {  	v37 =	vld [tilespmem:s15+$0xFFFFFFF0];
	s17 =	simm.s32 $0x600;
	v6 =	vperm.xlane v6, v1  }
0xe2: {  	v29 =	vld [tilespmem:s17+$0x10];
	v8 =	vpop (erf)  }
0xe3: {  	s4 =	simm.s32 $0xAC0;
	v32 =	vld [tilespmem:s17+$0xFFFFFFE0];
	v9 =	vnsel vm0, $0x0, v8;
	v6 =	vadd.f32 v6, v7  }
0xe4: {  	s7 =	simm.s32 $0x10A0;
	v36 =	vld [tilespmem:s17+$0xFFFFFFF0];
	[tilespmem:s4+$0x10] =	vst v9  }
0xe5: {  	v7 =	vld [tilespmem:s7+$0xF0];
	v10 =	vpop (erf);
	v9 =	vmul.f32 $2.000000030e-01, v6  }
0xe6: {  	v11 =	vld [tilespmem:s7+$0x80];
	vm1 =	vge.f32 v6, $0.0e+00;
	v12 =	vnsel vm0, $0x0, v10  }
0xe7: {  	v14 =	vld [tilespmem:s7+$0x90];
	v13 =	vpop (erf);
	[tilespmem:s4+$0xFFFFFFF0] =	vst v12;
	v6 =	vsel vm1, v6, v9  }
0xe8: {  	v29 =	vperm.xlane v29, v1;
	v15 =	vnsel vm0, $0x0, v13;
	v9 =	vld [tilespmem:s7+$0xFFFFFF80];
	v6 =	vmul.f32 $1.442695020e+00, v6  }
0xe9: {  	v24 =	vperm.xlane v8, v2;
	v17 =	vperm.xlane v8, v4;
	[tilespmem:s4+$0xFFFFFFE0] =	vst v15;
	v27 =	vld [tilespmem:s7+$0xFFFFFF90]  }
0xea: {  	v20 =	vperm.xlane v10, v2;
	v12 =	vld [tilespmem:s7+$0xFFFFFF00];
	(erf) = vpow2.f32 v6  }
0xeb: {  	v26 =	vperm.xlane v10, v3;
	v31 =	vperm.xlane v10, v4;
	v15 =	vld [tilespmem:s7+$0xFFFFFF10]  }
0xec: {  	v25 =	vld [tilespmem:s7+$0xA0];
	v10 =	vperm.xlane v10, v5;
	v18 =	vperm.xlane v13, v2  }
0xed: {  	v28 =	vperm.xlane v13, v4;
	v16 =	vld [tilespmem:s7+$0xFFFFFF20];
	v11 =	vmul.f32 v11, v24  }
0xee: {  	v19 =	vld [tilespmem:s7+$0xFFFFFF30];
	v14 =	vmul.f32 v14, v24;
	v22 =	vmul.f32 v9, v20  }
0xef: {  	v9 =	vperm.xlane v8, v3;
	v6 =	vmul.f32 v12, v18;
	v12 =	vld [tilespmem:s7+$0xFFFFFF50]  }
0xf0: {  	v21 =	vld [tilespmem:s7+$0xFFFFFF40];
	v20 =	vmul.f32 v27, v20;
	v15 =	vmul.f32 v15, v18  }
0xf1: {  	v18 =	vld [tilespmem:s17+$0x0];
	v25 =	vmul.f32 v25, v9;
	[tilespmem:s7+$0xFFFFFF00] =	vst v6;
	v6 =	vperm.xlane v8, v5  }
0xf2: {  	v23 =	vld [tilespmem:s7+$0xFFFFFF60];
	[tilespmem:s7+$0xFFFFFF90] =	vst v20;
	v20 =	vperm.xlane v36, v1;
	v8 =	vperm.xlane v13, v3  }
0xf3: {  	[tilespmem:s7+$0xFFFFFF80] =	vst v22;
	v22 =	vld [tilespmem:s7+$0xFFFFFF70];
	v13 =	vperm.xlane v13, v5;
	v7 =	vmul.f32 v7, v6;
	v30 =	vpop (erf)  }
0xf4: {  	[tilespmem:s7+$0xFFFFFF10] =	vst v15;
	v15 =	vld [tilespmem:s7+$0xFFFFFFA0];
	v16 =	vmul.f32 v16, v8;
	v12 =	vmul.f32 v12, v28;
	v24 =	vnsel vm0, $0x0, v30  }
0xf5: {  	[tilespmem:s7+$0xF0] =	vst v7;
	v7 =	vmul.f32 v19, v8;
	v8 =	vmul.f32 v21, v28;
	v19 =	vld [tilespmem:s15+$0xFFFFFFE0];
	v21 =	vadd.f32 v29, v34  }
0xf6: {  	v18 =	vperm.xlane v18, v1;
	v33 =	vperm.xlane v30, v2;
	[tilespmem:s4+$0x0] =	vst v24;
	v24 =	vld [tilespmem:s15+$0x0]  }
0xf7: {  	[tilespmem:s7+$0xFFFFFF20] =	vst v16;
	v16 =	vmul.f32 v23, v13;
	v27 =	vmul.f32 $2.000000030e-01, v21  }
0xf8: {  	v23 =	vperm.xlane v32, v1;
	v28 =	vld [tilespmem:s7+$0xFFFFFFB0];
	vm1 =	vge.f32 v21, $0.0e+00;
	[tilespmem:s7+$0xFFFFFF30] =	vst v7;
	v7 =	vadd.f32 v20, v37  }
0xf9: {  	v35 =	vperm.xlane v30, v3;
	[tilespmem:s7+$0xFFFFFF40] =	vst v8;
	v8 =	vmul.f32 v22, v13;
	v13 =	vld [tilespmem:s7+$0xFFFFFFD0];
	v21 =	vsel vm1, v21, v27  }
0xfa: {  	[tilespmem:s7+$0xFFFFFF50] =	vst v12;
	v20 =	vld [tilespmem:s7+$0xFFFFFFC0];
	v12 =	vmul.f32 $2.000000030e-01, v7;
	v19 =	vadd.f32 v23, v19;
	v21 =	vmul.f32 $1.442695020e+00, v21  }
0xfb: {  	[tilespmem:s7+$0x80] =	vst v11;
	v11 =	vmul.f32 v15, v26;
	v22 =	vld [tilespmem:s7+$0xFFFFFFE0];
	vm1 =	vge.f32 v7, $0.0e+00;
	v18 =	vadd.f32 v18, v24  }
0xfc: {  	[tilespmem:s7+$0xFFFFFF60] =	vst v16;
	v16 =	vld [tilespmem:s7+$0xFFFFFFF0];
	v7 =	vsel vm1, v7, v12;
	v24 =	vmul.f32 $2.000000030e-01, v19;
	(erf) = vpow2.f32 v21  }
0xfd: {  	v15 =	vld [tilespmem:s7+$0x10];
	v7 =	vmul.f32 $1.442695020e+00, v7;
	v23 =	vmul.f32 $2.000000030e-01, v18  }
0xfe: {  	[tilespmem:s7+$0x90] =	vst v14;
	v14 =	vld [tilespmem:s7+$0x20];
	vm3 =	vge.f32 v19, $0.0e+00;
	v13 =	vmul.f32 v13, v31;
	vm2 =	vge.f32 v18, $0.0e+00  }
0xff: {  	[tilespmem:s7+$0xFFFFFF70] =	vst v8;
	v8 =	vld [tilespmem:s7+$0x0];
	(erf) = vpow2.f32 v7;
	v12 =	vsel vm2, v18, v23;
	v18 =	vsel vm3, v19, v24  }
0x100: {  	[tilespmem:s7+$0xFFFFFFA0] =	vst v11;
	v11 =	vld [tilespmem:s7+$0x40];
	v7 =	vmul.f32 v20, v31;
	v18 =	vmul.f32 $1.442695020e+00, v18  }
0x101: {  	v21 =	vld [tilespmem:s7+$0x30];
	[tilespmem:s7+$0xFFFFFFD0] =	vst v13;
	v19 =	vmul.f32 v28, v26;
	v12 =	vmul.f32 $1.442695020e+00, v12  }
0x102: {  	[tilespmem:s7+$0xFFFFFFC0] =	vst v7;
	v7 =	vmul.f32 v22, v10;
	v22 =	vld [tilespmem:s7+$0xB0];
	(erf) = vpow2.f32 v18  }
0x103: {  	v15 =	vmul.f32 v15, v33;
	v10 =	vmul.f32 v16, v10;
	[tilespmem:s7+$0xFFFFFFB0] =	vst v19;
	v19 =	vld [tilespmem:s7+$0x50]  }
0x104: {  	v16 =	vmul.f32 v8, v33;
	[tilespmem:s7+$0xFFFFFFE0] =	vst v7;
	(erf) = vpow2.f32 v12;
	v12 =	vld [tilespmem:s7+$0x60]  }
0x105: {  	v14 =	vmul.f32 v14, v35;
	v13 =	vld [tilespmem:s7+$0x70];
	v18 =	vperm.xlane v30, v4;
	[tilespmem:s7+$0xFFFFFFF0] =	vst v10;
	v23 =	vpop (erf)  }
0x106: {  	v58 =	vld [tilespmem:s7+$0xD0];
	s4 =	simm.s32 $0xB00;
	v20 =	vperm.xlane v30, v5;
	v10 =	vmul.f32 v21, v35;
	[tilespmem:s7+$0x0] =	vst v16;
	v7 =	vnsel vm0, $0x0, v23  }
0x107: {  	s17 =	simm.s32 $0x12A0;
	v31 =	vld [tilespmem:s7+$0xC0];
	v24 =	vmul.f32 v11, v18;
	v16 =	vmul.f32 v22, v9;
	[tilespmem:s4+$0x10] =	vst v7  }
0x108: {  	[tilespmem:s7+$0xA0] =	vst v25;
	v25 =	vperm.xlane v23, v2;
	v8 =	vperm.xlane v23, v3;
	v26 =	vld [tilespmem:s17+$0xF0]  }
0x109: {  	[tilespmem:s7+$0x10] =	vst v15;
	v27 =	vmul.f32 v19, v18;
	v28 =	vmul.f32 v12, v20;
	v29 =	vld [tilespmem:s17+$0x80];
	v12 =	vpop (erf)  }
0x10a: {  	[tilespmem:s7+$0x20] =	vst v14;
	v18 =	vperm.xlane v23, v5;
	v20 =	vmul.f32 v13, v20;
	v30 =	vld [tilespmem:s17+$0x90];
	v9 =	vnsel vm0, $0x0, v12  }
0x10b: {  	v7 =	vperm.xlane v23, v4;
	v59 =	vld [tilespmem:s17+$0xA0];
	v19 =	vperm.xlane v12, v2;
	[tilespmem:s4+$0xFFFFFFF0] =	vst v9;
	v13 =	vpop (erf)  }
0x10c: {  	v11 =	vperm.xlane v12, v3;
	v15 =	vperm.xlane v12, v4;
	[tilespmem:s7+$0x70] =	vst v20;
	v20 =	vld [tilespmem:s7+$0xE0];
	v14 =	vnsel vm0, $0x0, v13  }
0x10d: {  	v23 =	vld [tilespmem:s17+$0xFFFFFF80];
	v60 =	vperm.xlane v13, v2;
	v9 =	vpop (erf);
	v61 =	vperm.xlane v13, v3;
	[tilespmem:s4+$0xFFFFFFE0] =	vst v14  }
0x10e: {  	[tilespmem:s7+$0x30] =	vst v10;
	v22 =	vperm.xlane v13, v4;
	v21 =	vperm.xlane v13, v5;
	v10 =	vnsel vm0, $0x0, v9;
	v62 =	vld [tilespmem:s17+$0xFFFFFF00]  }
0x10f: {  	v14 =	vperm.xlane v12, v5;
	[tilespmem:s4+$0x0] =	vst v10;
	v10 =	vmul.f32 v26, v18;
	v26 =	vld [tilespmem:s17+$0xFFFFFF10]  }
0x110: {  	[tilespmem:s7+$0x40] =	vst v24;
	v13 =	vperm.xlane v9, v2;
	v12 =	vperm.xlane v9, v3;
	v63 =	vld [tilespmem:s17+$0xFFFFFF20]  }
0x111: {  	[tilespmem:s7+$0x50] =	vst v27;
	v24 =	vmul.f32 v29, v25;
	v25 =	vmul.f32 v30, v25;
	v38 =	vld [tilespmem:s17+$0xFFFFFF30]  }
0x112: {  	v27 =	vld [tilespmem:s17+$0xFFFFFF40];
	[tilespmem:s17+$0xF0] =	vst v10;
	v10 =	vperm.xlane v9, v4;
	v23 =	vmul.f32 v23, v19  }
0x113: {  	[tilespmem:s7+$0x60] =	vst v28;
	v28 =	vld [tilespmem:s17+$0xFFFFFF50];
	v9 =	vperm.xlane v9, v5;
	v36 =	vmul.f32 v62, v60  }
0x114: {  	v29 =	vld [tilespmem:s17+$0xFFFFFF60];
	[tilespmem:s17+$0xFFFFFF80] =	vst v23;
	v23 =	vmul.f32 v31, v17;
	v33 =	vmul.f32 v26, v60  }
0x115: {  	v30 =	vld [tilespmem:s17+$0xFFFFFF70];
	v17 =	vmul.f32 v58, v17;
	v32 =	vmul.f32 v63, v61;
	[tilespmem:s17+$0xFFFFFF00] =	vst v36  }
0x116: {  	s28 =	simm.s32 $0x4;
	s29 =	simm.s32 $0x640;
	v31 =	vld [tilespmem:s17+$0xFFFFFF90];
	v26 =	vmul.f32 v59, v8;
	[tilespmem:s17+$0xFFFFFF10] =	vst v33;
	v33 =	vmul.f32 v38, v61  }
.LBB2_5:
0x117: {  	v34 =	vld [tilespmem:s29+$0x10];
	s28 =	sadd.s32 $0x4, s28;
	[tilespmem:s17+$0xFFFFFF20] =	vst v32;
	v27 =	vmul.f32 v27, v22;
	v20 =	vmul.f32 v20, v6;
	v6 =	vmov v18  }
0x118: {  	s15 =	sadd.s32 $0x40, s15;
	v18 =	vld [tilespmem:s29+$0xFFFFFFE0];
	p1 =	slt.u32 s28, $0x4C;
	[tilespmem:s17+$0xFFFFFF30] =	vst v33;
	v22 =	vmul.f32 v28, v22  }
0x119: {  	v28 =	vld [tilespmem:s15+$0x10];
	[tilespmem:s17+$0xFFFFFF40] =	vst v27;
	v27 =	vmul.f32 v29, v21  }
0x11a: {  	v29 =	vld [tilespmem:s29+$0xFFFFFFF0];
	[tilespmem:s17+$0xFFFFFF50] =	vst v22;
	v21 =	vmul.f32 v30, v21  }
0x11b: {  	v22 =	vld [tilespmem:s29+$0x0];
	[tilespmem:s17+$0xFFFFFF60] =	vst v27;
	v19 =	vmul.f32 v31, v19  }
0x11c: {  	v27 =	vld [tilespmem:s15+$0xFFFFFFF0];
	v30 =	vperm.xlane v34, v1;
	[tilespmem:s17+$0xFFFFFF70] =	vst v21  }
0x11d: {  	v18 =	vperm.xlane v18, v1;
	v21 =	vld [tilespmem:s15+$0x0];
	[tilespmem:s17+$0xFFFFFF90] =	vst v19  }
0x11e: {  	v19 =	vld [tilespmem:s15+$0xFFFFFFE0];
	v28 =	vadd.f32 v30, v28;
	[tilespmem:s17+$0x80] =	vst v24  }
0x11f: {  	v24 =	vperm.xlane v29, v1;
	v29 =	vld [tilespmem:s17+$0xFFFFFFA0];
	[tilespmem:s17+$0x90] =	vst v25  }
0x120: {  	v22 =	vperm.xlane v22, v1;
	v25 =	vmul.f32 $2.000000030e-01, v28;
	v30 =	vld [tilespmem:s17+$0xFFFFFFB0];
	[tilespmem:s17+$0xA0] =	vst v26  }
0x121: {  	vm1 =	vge.f32 v28, $0.0e+00;
	v24 =	vadd.f32 v24, v27;
	v26 =	vld [tilespmem:s17+$0xFFFFFFC0];
	[tilespmem:s7+$0xB0] =	vst v16  }
0x122: {  	v16 =	vadd.f32 v22, v21;
	v21 =	vsel vm1, v28, v25;
	v22 =	vld [tilespmem:s17+$0xFFFFFFD0];
	[tilespmem:s7+$0xC0] =	vst v23  }
0x123: {  	v18 =	vadd.f32 v18, v19;
	v19 =	vmul.f32 $2.000000030e-01, v24;
	v21 =	vmul.f32 $1.442695020e+00, v21;
	v23 =	vld [tilespmem:s17+$0xFFFFFFE0];
	[tilespmem:s7+$0xD0] =	vst v17  }
0x124: {  	vm1 =	vge.f32 v24, $0.0e+00;
	vm2 =	vge.f32 v16, $0.0e+00;
	v17 =	vmul.f32 $2.000000030e-01, v16;
	v25 =	vld [tilespmem:s17+$0xFFFFFFF0];
	[tilespmem:s7+$0xE0] =	vst v20;
	s7 =	smov.u32 s17  }
0x125: {  	vm3 =	vge.f32 v18, $0.0e+00;
	v20 =	vmul.f32 $2.000000030e-01, v18;
	(erf) = vpow2.f32 v21;
	v21 =	vld [tilespmem:s17+$0x0]  }
0x126: {  	v19 =	vsel vm1, v24, v19;
	v16 =	vsel vm2, v16, v17;
	v17 =	vmul.f32 v29, v11;
	v24 =	vld [tilespmem:s17+$0x10]  }
0x127: {  	v19 =	vmul.f32 $1.442695020e+00, v19;
	v18 =	vsel vm3, v18, v20;
	v16 =	vmul.f32 $1.442695020e+00, v16;
	v20 =	vld [tilespmem:s17+$0x20]  }
0x128: {  	v11 =	vmul.f32 v30, v11;
	v18 =	vmul.f32 $1.442695020e+00, v18;
	[tilespmem:s17+$0xFFFFFFA0] =	vst v17;
	v17 =	vld [tilespmem:s17+$0x30]  }
0x129: {  	(erf) = vpow2.f32 v19;
	v19 =	vmul.f32 v26, v15;
	v26 =	vld [tilespmem:s17+$0x40]  }
0x12a: {  	(erf) = vpow2.f32 v18;
	[tilespmem:s17+$0xFFFFFFB0] =	vst v11;
	v11 =	vmul.f32 v22, v15;
	v15 =	vld [tilespmem:s17+$0x50]  }
0x12b: {  	(erf) = vpow2.f32 v16;
	[tilespmem:s17+$0xFFFFFFC0] =	vst v19;
	v16 =	vmul.f32 v23, v14;
	v18 =	vld [tilespmem:s17+$0x60]  }
0x12c: {  	[tilespmem:s17+$0xFFFFFFD0] =	vst v11;
	v11 =	vmul.f32 v25, v14;
	v14 =	vmul.f32 v21, v13;
	v19 =	vld [tilespmem:s17+$0x70]  }
0x12d: {  	v13 =	vmul.f32 v24, v13;
	[tilespmem:s17+$0xFFFFFFE0] =	vst v16;
	v16 =	vmul.f32 v20, v12;
	v21 =	vld [tilespmem:s17+$0xB0]  }
0x12e: {  	v12 =	vmul.f32 v17, v12;
	v22 =	vpop (erf);
	[tilespmem:s17+$0xFFFFFFF0] =	vst v11;
	v17 =	vmul.f32 v26, v10;
	v23 =	vld [tilespmem:s17+$0xC0]  }
0x12f: {  	s4 =	sadd.s32 $0x40, s4;
	v11 =	vnsel vm0, $0x0, v22;
	v25 =	vperm.xlane v22, v2;
	v24 =	vperm.xlane v22, v3;
	[tilespmem:s17+$0x0] =	vst v14;
	v34 =	vld [tilespmem:s17+$0xD0]  }
0x130: {  	v35 =	vperm.xlane v22, v4;
	v26 =	vmul.f32 v15, v10;
	s17 =	sadd.s32 $0x200, s17;
	[tilespmem:s4+$0x10] =	vst v11;
	v20 =	vld [tilespmem:s7+$0xE0]  }
0x131: {  	v28 =	vmul.f32 v18, v9;
	v10 =	vld [tilespmem:s17+$0xF0];
	[tilespmem:s7+$0x10] =	vst v13;
	v29 =	vmul.f32 v19, v9  }
0x132: {  	v30 =	vld [tilespmem:s17+$0x80];
	v9 =	vpop (erf);
	[tilespmem:s7+$0x20] =	vst v16;
	v16 =	vmul.f32 v21, v8;
	v8 =	vmov v24  }
0x133: {  	v13 =	vnsel vm0, $0x0, v9;
	v19 =	vperm.xlane v9, v2;
	v11 =	vperm.xlane v9, v3;
	v31 =	vld [tilespmem:s17+$0x90];
	v14 =	vpop (erf);
	[tilespmem:s7+$0x30] =	vst v12  }
0x134: {  	v18 =	vperm.xlane v22, v5;
	v12 =	vnsel vm0, $0x0, v14;
	v32 =	vperm.xlane v14, v2;
	[tilespmem:s4+$0xFFFFFFF0] =	vst v13;
	v33 =	vld [tilespmem:s17+$0xA0];
	v24 =	vpop (erf)  }
0x135: {  	v36 =	vperm.xlane v14, v3;
	v22 =	vperm.xlane v14, v4;
	[tilespmem:s4+$0xFFFFFFE0] =	vst v12;
	v37 =	vld [tilespmem:s17+$0xFFFFFF80];
	v12 =	vnsel vm0, $0x0, v24  }
0x136: {  	v21 =	vperm.xlane v14, v5;
	v38 =	vld [tilespmem:s17+$0xFFFFFF00];
	[tilespmem:s4+$0x0] =	vst v12;
	v10 =	vmul.f32 v10, v18  }
0x137: {  	v15 =	vperm.xlane v9, v4;
	v14 =	vperm.xlane v9, v5;
	v39 =	vld [tilespmem:s17+$0xFFFFFF10];
	[tilespmem:s7+$0x40] =	vst v17  }
0x138: {  	v13 =	vperm.xlane v24, v2;
	v12 =	vperm.xlane v24, v3;
	v17 =	vld [tilespmem:s17+$0xFFFFFF20];
	[tilespmem:s17+$0xF0] =	vst v10  }
0x139: {  	v9 =	vperm.xlane v24, v5;
	v10 =	vperm.xlane v24, v4;
	v40 =	vld [tilespmem:s17+$0xFFFFFF30];
	[tilespmem:s7+$0x50] =	vst v26  }
.Ltmp1:
0x13a: {  	v24 =	vmul.f32 v30, v25;
	v27 =	vld [tilespmem:s17+$0xFFFFFF40];
	v26 =	vmul.f32 v37, v19;
	[tilespmem:s7+$0x60] =	vst v28;
	(pc) =	sbr.rel @p1 .LBB2_5-.Ltmp1, $4  }
0x13b: {  	v25 =	vmul.f32 v31, v25;
	v30 =	vmul.f32 v38, v32;
	v28 =	vld [tilespmem:s17+$0xFFFFFF50];
	[tilespmem:s7+$0x70] =	vst v29  }
0x13c: {  	v31 =	vmul.f32 v39, v32;
	v29 =	vld [tilespmem:s17+$0xFFFFFF60];
	[tilespmem:s17+$0xFFFFFF80] =	vst v26;
	v26 =	vmul.f32 v33, v8  }
0x13d: {  	v23 =	vmul.f32 v23, v7;
	[tilespmem:s17+$0xFFFFFF00] =	vst v30;
	v32 =	vmul.f32 v17, v36;
	v30 =	vld [tilespmem:s17+$0xFFFFFF70]  }
0x13e: {  	s29 =	sadd.s32 $0x40, s29;
	v17 =	vmul.f32 v34, v7;
	v7 =	vmov v35;
	[tilespmem:s17+$0xFFFFFF10] =	vst v31;
	v33 =	vmul.f32 v40, v36;
	v31 =	vld [tilespmem:s17+$0xFFFFFF90]  }
0x13f: {  	[tilespmem:s17+$0xFFFFFF20] =	vst v32  }
0x140: {  	[tilespmem:s17+$0x80] =	vst v24  }
0x141: {  	[tilespmem:s17+$0x90] =	vst v25  }
0x142: {  	[tilespmem:s17+$0xA0] =	vst v26  }
0x143: {  	[tilespmem:s7+$0xB0] =	vst v16  }
0x144: {  	v27 =	vmul.f32 v27, v22;
	[tilespmem:s7+$0xC0] =	vst v23  }
0x145: {  	v16 =	vld [tilespmem:s17+$0xFFFFFFE0];
	v6 =	vmul.f32 v20, v6;
	[tilespmem:s7+$0xD0] =	vst v17  }
0x146: {  	v17 =	vld [tilespmem:s17+$0x0];
	[tilespmem:s17+$0xFFFFFF40] =	vst v27;
	v19 =	vmul.f32 v31, v19  }
0x147: {  	v27 =	vmul.f32 v29, v21;
	[tilespmem:s7+$0xE0] =	vst v6;
	v6 =	vld [tilespmem:s17+$0x10];
	v21 =	vmul.f32 v30, v21  }
0x148: {  	v22 =	vmul.f32 v28, v22;
	[tilespmem:s17+$0xFFFFFF90] =	vst v19;
	v19 =	vld [tilespmem:s17+$0xFFFFFFA0]  }
0x149: {  	[tilespmem:s17+$0xFFFFFF70] =	vst v21;
	v21 =	vld [tilespmem:s17+$0xFFFFFFB0]  }
0x14a: {  	[tilespmem:s17+$0xFFFFFF50] =	vst v22;
	v22 =	vld [tilespmem:s17+$0xFFFFFFC0]  }
0x14b: {  	v24 =	vld [tilespmem:s17+$0xFFFFFFD0];
	[tilespmem:s17+$0xFFFFFF30] =	vst v33;
	v16 =	vmul.f32 v16, v14  }
0x14c: {  	v20 =	vld [tilespmem:s17+$0xFFFFFFF0];
	[tilespmem:s17+$0xFFFFFF60] =	vst v27;
	v17 =	vmul.f32 v17, v13  }
0x14d: {  	[tilespmem:s17+$0xFFFFFFE0] =	vst v16;
	v6 =	vmul.f32 v6, v13;
	v13 =	vld [tilespmem:s17+$0xB0];
	v19 =	vmul.f32 v19, v11  }
0x14e: {  	[tilespmem:s17+$0x0] =	vst v17;
	v11 =	vmul.f32 v21, v11;
	v21 =	vld [tilespmem:s17+$0x20]  }
0x14f: {  	[tilespmem:s17+$0xFFFFFFA0] =	vst v19;
	v19 =	vmul.f32 v22, v15;
	v22 =	vld [tilespmem:s17+$0x30]  }
0x150: {  	[tilespmem:s17+$0xFFFFFFB0] =	vst v11;
	v11 =	vmul.f32 v24, v15;
	v15 =	vld [tilespmem:s17+$0x40]  }
0x151: {  	[tilespmem:s17+$0xFFFFFFC0] =	vst v19  }
0x152: {  	v19 =	vld [tilespmem:s17+$0x50];
	[tilespmem:s17+$0xFFFFFFD0] =	vst v11;
	v11 =	vmul.f32 v20, v14  }
0x153: {  	v16 =	vld [tilespmem:s17+$0x70];
	[tilespmem:s17+$0x10] =	vst v6;
	v8 =	vmul.f32 v13, v8  }
0x154: {  	v14 =	vld [tilespmem:s17+$0x60];
	[tilespmem:s17+$0xFFFFFFF0] =	vst v11;
	v11 =	vmul.f32 v21, v12  }
0x155: {  	[tilespmem:s17+$0xB0] =	vst v8;
	v12 =	vmul.f32 v22, v12;
	v6 =	vmul.f32 v15, v10;
	v15 =	vld [tilespmem:s17+$0xC0]  }
0x156: {  	[tilespmem:s17+$0x20] =	vst v11;
	v11 =	vld [tilespmem:s17+$0xD0]  }
0x157: {  	v10 =	vmul.f32 v19, v10;
	[tilespmem:s17+$0x30] =	vst v12;
	v12 =	vld [tilespmem:s17+$0xE0]  }
0x158: {  	[tilespmem:s17+$0x40] =	vst v6;
	v6 =	vmul.f32 v16, v9  }
0x159: {  	v14 =	vmul.f32 v14, v9;
	[tilespmem:s17+$0x50] =	vst v10  }
0x15a: {  	[tilespmem:s17+$0x70] =	vst v6;
	v6 =	vmul.f32 v15, v7  }
0x15b: {  	[tilespmem:s17+$0x60] =	vst v14;
	v7 =	vmul.f32 v11, v7  }
0x15c: {  	v8 =	vmul.f32 v12, v18;
	[tilespmem:s17+$0xC0] =	vst v6  }
0x15d: {  	[tilespmem:s17+$0xD0] =	vst v7  }
0x15e: {  	[tilespmem:s17+$0xE0] =	vst v8  }
0x15f: {  	[spmem:s18] =	stream.indirect.scatter.add.f32 [tilespmem:s12], [sflag:$0x7], $0x80, s21, s21, $0xb8;
	[tilespmem:$0x1C9D0] =	vst v63  }
0x160: {  	_ =	swait.ge [sflag:s13], $0x2800  }
0x161: {  	[sflag:s13] =	ssyncset.done $0x0  }
0x162: {  	[sflag:s13] =	ssyncadd.s32 $0xFFFFD800  }
0x163: {  	[spmem:s20] =	stream.indirect.scatter.add.f32 [tilespmem:s14], [sflag:$0x7], $0x10, s21, s21, $0xb8;
	[tilespmem:$0x1C9D0] =	vst v63  }
0x164: {  	s4 =	sadd.s32 s6, s11;
	_ =	swait.ge [sflag:s13], $0x500  }
0x165: {  	s4 =	sshrl.u32 s4, $0x3;
	[sflag:s13] =	ssyncset.done $0x0  }
0x166: {  	s4 =	sadd.s32 s23, s4;
	[sflag:s13] =	ssyncadd.s32 $0xFFFFFB00  }
0x167: {  	[tilespmem:s9], [sflag:$0x7] =	stream.linear.gather [hbm4b:s4+s9], $0x50, $0x38;
	[tilespmem:$0x1C9D0] =	vst v63  }
0x168: {  	_ =	swait.ge [sflag:s13], $0x50  }
0x169: {  	[sflag:s13] =	ssyncset.done $0x0  }
0x16a: {  	s4 =	sadd.s32 $0x9C40, s4;
	[sflag:s13] =	ssyncadd.s32 $0xFFFFFFB0  }
0x16b: {  	[tilespmem:s21], [sflag:$0x7] =	stream.linear.gather [hbm4b:s4+s9], $0x50, $0x38;
	[tilespmem:$0x1C9D0] =	vst v63  }
0x16c: {  	_ =	swait.ge [sflag:s13], $0x50  }
0x16d: {  	[sflag:s13] =	ssyncset.done $0x0  }
0x16e: {  	[sflag:s13] =	ssyncadd.s32 $0xFFFFFFB0  }
0x16f: {  	[tilespmem:s8], [sflag:$0x1] =	stream.indirect.gather [hbm4b:s22+s21], $0x10, s9, s21, $0xb8;
	[tilespmem:$0x1C9D0] =	vst v63  }
0x170: {  	_ = 	snop  }
0x171: {  	[tilespmem:s24], [sflag:$0x2] =	stream.indirect.gather [hbm4b:s22+s21], $0x10, s21, s21, $0xb8;
	[tilespmem:$0x1C9D0] =	vst v63  }
0x172: {  	_ = 	snop  }
0x173: {  	[tilespmem:s12], [sflag:$0x3] =	stream.indirect.gather [hbm4b:s16+s21], $0x80, s9, s21, $0xb8;
	[tilespmem:$0x1C9D0] =	vst v63  }
0x174: {  	_ =	swait.ge [sflag:s1], $0x500  }
0x175: {  	[sflag:s1] =	ssyncset.done $0x0  }
0x176: {  	[sflag:s1] =	ssyncadd.s32 $0xFFFFFB00  }
0x177: {  	_ =	swait.ge [sflag:s2], $0x500  }
0x178: {  	[sflag:s2] =	ssyncset.done $0x0  }
0x179: {  	[sflag:s2] =	ssyncadd.s32 $0xFFFFFB00  }
0x17a: {  	_ =	swait.ge [sflag:s3], $0x2800  }
0x17b: {  	[sflag:s3] =	ssyncset.done $0x0  }
0x17c: {  	s15 =	simm.s32 $0x3D60;
	[sflag:s3] =	ssyncadd.s32 $0xFFFFD800  }
0x17d: {  	v6 =	vld [tilespmem:s15+$0x10]  }
0x17e: {  	s17 =	simm.s32 $0x3860  }
0x17f: {  	v7 =	vld [tilespmem:s17+$0x10]  }
0x180: {  	v8 =	vld [tilespmem:s15+$0xFFFFFFF0]  }
0x181: {  	v9 =	vld [tilespmem:s15+$0xFFFFFFE0]  }
0x182: {  	v10 =	vld [tilespmem:s17+$0xFFFFFFF0];
	v6 =	vperm.xlane v6, v1;
	_ =	sdelay $0x1  }
0x183: {  	v11 =	vld [tilespmem:s17+$0xFFFFFFE0];
	v6 =	vadd.f32 v6, v7  }
0x184: {  	v7 =	vperm.xlane v8, v1  }
0x185: {  	v8 =	vperm.xlane v9, v1;
	v9 =	vmul.f32 $2.000000030e-01, v6  }
0x186: {  	v7 =	vadd.f32 v7, v10;
	vm1 =	vge.f32 v6, $0.0e+00  }
0x187: {  	v6 =	vsel vm1, v6, v9  }
0x188: {  	v8 =	vadd.f32 v8, v11;
	v9 =	vmul.f32 $2.000000030e-01, v7;
	v6 =	vmul.f32 $1.442695020e+00, v6  }
0x189: {  	vm1 =	vge.f32 v7, $0.0e+00  }
0x18a: {  	v10 =	vmul.f32 $2.000000030e-01, v8;
	(erf) = vpow2.f32 v6;
	v6 =	vsel vm1, v7, v9  }
0x18b: {  	vm2 =	vge.f32 v8, $0.0e+00;
	v6 =	vmul.f32 $1.442695020e+00, v6  }
0x18c: {  	v7 =	vsel vm2, v8, v10  }
0x18d: {  	v7 =	vmul.f32 $1.442695020e+00, v7;
	(erf) = vpow2.f32 v6;
	v6 =	vld [tilespmem:s15+$0x0];
	_ =	sdelay $0x1  }
0x18e: {  	(erf) = vpow2.f32 v7;
	v7 =	vld [tilespmem:s17+$0x0]  }
0x18f: {  	s7 =	simm.s32 $0x38A0  }
0x190: {  	v34 =	vld [tilespmem:s7+$0x10]  }
0x191: {  	v37 =	vld [tilespmem:s7+$0xFFFFFFF0];
	s15 =	simm.s32 $0x3DA0;
	v6 =	vperm.xlane v6, v1  }
0x192: {  	v29 =	vld [tilespmem:s15+$0x10];
	v8 =	vpop (erf)  }
0x193: {  	s29 =	simm.s32 $0xAC0;
	v56 =	vld [tilespmem:s15+$0xFFFFFFE0];
	v9 =	vnsel vm0, $0x0, v8;
	v6 =	vadd.f32 v6, v7  }
0x194: {  	s6 =	simm.s32 $0x4340;
	v36 =	vld [tilespmem:s15+$0xFFFFFFF0];
	[tilespmem:s29+$0x10] =	vst v9  }
0x195: {  	v7 =	vld [tilespmem:s6+$0xF0];
	v10 =	vpop (erf);
	v9 =	vmul.f32 $2.000000030e-01, v6  }
0x196: {  	v11 =	vld [tilespmem:s6+$0x80];
	vm1 =	vge.f32 v6, $0.0e+00;
	v12 =	vnsel vm0, $0x0, v10  }
0x197: {  	v14 =	vld [tilespmem:s6+$0x90];
	v13 =	vpop (erf);
	[tilespmem:s29+$0xFFFFFFF0] =	vst v12;
	v6 =	vsel vm1, v6, v9  }
0x198: {  	v29 =	vperm.xlane v29, v1;
	v15 =	vnsel vm0, $0x0, v13;
	v9 =	vld [tilespmem:s6+$0xFFFFFF80];
	v6 =	vmul.f32 $1.442695020e+00, v6  }
0x199: {  	v24 =	vperm.xlane v8, v2;
	v17 =	vperm.xlane v8, v4;
	[tilespmem:s29+$0xFFFFFFE0] =	vst v15;
	v27 =	vld [tilespmem:s6+$0xFFFFFF90]  }
0x19a: {  	v20 =	vperm.xlane v10, v2;
	v12 =	vld [tilespmem:s6+$0xFFFFFF00];
	(erf) = vpow2.f32 v6  }
0x19b: {  	v26 =	vperm.xlane v10, v3;
	v31 =	vperm.xlane v10, v4;
	v15 =	vld [tilespmem:s6+$0xFFFFFF10]  }
0x19c: {  	v25 =	vld [tilespmem:s6+$0xA0];
	v10 =	vperm.xlane v10, v5;
	v18 =	vperm.xlane v13, v2  }
0x19d: {  	v28 =	vperm.xlane v13, v4;
	v16 =	vld [tilespmem:s6+$0xFFFFFF20];
	v11 =	vmul.f32 v11, v24  }
0x19e: {  	v19 =	vld [tilespmem:s6+$0xFFFFFF30];
	v14 =	vmul.f32 v14, v24;
	v22 =	vmul.f32 v9, v20  }
0x19f: {  	v9 =	vperm.xlane v8, v3;
	v6 =	vmul.f32 v12, v18;
	v12 =	vld [tilespmem:s6+$0xFFFFFF50]  }
0x1a0: {  	v21 =	vld [tilespmem:s6+$0xFFFFFF40];
	v20 =	vmul.f32 v27, v20;
	v15 =	vmul.f32 v15, v18  }
0x1a1: {  	v18 =	vld [tilespmem:s15+$0x0];
	v25 =	vmul.f32 v25, v9;
	[tilespmem:s6+$0xFFFFFF00] =	vst v6;
	v6 =	vperm.xlane v8, v5  }
0x1a2: {  	v23 =	vld [tilespmem:s6+$0xFFFFFF60];
	[tilespmem:s6+$0xFFFFFF90] =	vst v20;
	v20 =	vperm.xlane v36, v1;
	v8 =	vperm.xlane v13, v3  }
0x1a3: {  	[tilespmem:s6+$0xFFFFFF80] =	vst v22;
	v22 =	vld [tilespmem:s6+$0xFFFFFF70];
	v13 =	vperm.xlane v13, v5;
	v7 =	vmul.f32 v7, v6;
	v30 =	vpop (erf)  }
0x1a4: {  	[tilespmem:s6+$0xFFFFFF10] =	vst v15;
	v15 =	vld [tilespmem:s6+$0xFFFFFFA0];
	v16 =	vmul.f32 v16, v8;
	v12 =	vmul.f32 v12, v28;
	v24 =	vnsel vm0, $0x0, v30  }
0x1a5: {  	[tilespmem:s6+$0xF0] =	vst v7;
	v7 =	vmul.f32 v19, v8;
	v8 =	vmul.f32 v21, v28;
	v19 =	vld [tilespmem:s7+$0xFFFFFFE0];
	v21 =	vadd.f32 v29, v34  }
0x1a6: {  	v18 =	vperm.xlane v18, v1;
	v57 =	vperm.xlane v30, v2;
	[tilespmem:s29+$0x0] =	vst v24;
	v24 =	vld [tilespmem:s7+$0x0]  }
0x1a7: {  	[tilespmem:s6+$0xFFFFFF20] =	vst v16;
	v16 =	vmul.f32 v23, v13;
	v27 =	vmul.f32 $2.000000030e-01, v21  }
0x1a8: {  	v23 =	vperm.xlane v56, v1;
	v28 =	vld [tilespmem:s6+$0xFFFFFFB0];
	vm1 =	vge.f32 v21, $0.0e+00;
	[tilespmem:s6+$0xFFFFFF30] =	vst v7;
	v7 =	vadd.f32 v20, v37  }
0x1a9: {  	v35 =	vperm.xlane v30, v3;
	[tilespmem:s6+$0xFFFFFF40] =	vst v8;
	v8 =	vmul.f32 v22, v13;
	v13 =	vld [tilespmem:s6+$0xFFFFFFD0];
	v21 =	vsel vm1, v21, v27  }
0x1aa: {  	[tilespmem:s6+$0xFFFFFF50] =	vst v12;
	v20 =	vld [tilespmem:s6+$0xFFFFFFC0];
	v12 =	vmul.f32 $2.000000030e-01, v7;
	v19 =	vadd.f32 v23, v19;
	v21 =	vmul.f32 $1.442695020e+00, v21  }
0x1ab: {  	[tilespmem:s6+$0x80] =	vst v11;
	v11 =	vmul.f32 v15, v26;
	v22 =	vld [tilespmem:s6+$0xFFFFFFE0];
	vm1 =	vge.f32 v7, $0.0e+00;
	v18 =	vadd.f32 v18, v24  }
0x1ac: {  	[tilespmem:s6+$0xFFFFFF60] =	vst v16;
	v16 =	vld [tilespmem:s6+$0xFFFFFFF0];
	v7 =	vsel vm1, v7, v12;
	v24 =	vmul.f32 $2.000000030e-01, v19;
	(erf) = vpow2.f32 v21  }
0x1ad: {  	v15 =	vld [tilespmem:s6+$0x10];
	v7 =	vmul.f32 $1.442695020e+00, v7;
	v23 =	vmul.f32 $2.000000030e-01, v18  }
0x1ae: {  	[tilespmem:s6+$0x90] =	vst v14;
	v14 =	vld [tilespmem:s6+$0x20];
	vm3 =	vge.f32 v19, $0.0e+00;
	v13 =	vmul.f32 v13, v31;
	vm2 =	vge.f32 v18, $0.0e+00  }
0x1af: {  	[tilespmem:s6+$0xFFFFFF70] =	vst v8;
	v8 =	vld [tilespmem:s6+$0x0];
	(erf) = vpow2.f32 v7;
	v12 =	vsel vm2, v18, v23;
	v18 =	vsel vm3, v19, v24  }
0x1b0: {  	[tilespmem:s6+$0xFFFFFFA0] =	vst v11;
	v11 =	vld [tilespmem:s6+$0x40];
	v7 =	vmul.f32 v20, v31;
	v18 =	vmul.f32 $1.442695020e+00, v18  }
0x1b1: {  	v21 =	vld [tilespmem:s6+$0x30];
	[tilespmem:s6+$0xFFFFFFD0] =	vst v13;
	v19 =	vmul.f32 v28, v26;
	v12 =	vmul.f32 $1.442695020e+00, v12  }
0x1b2: {  	[tilespmem:s6+$0xFFFFFFC0] =	vst v7;
	v7 =	vmul.f32 v22, v10;
	v22 =	vld [tilespmem:s6+$0xB0];
	(erf) = vpow2.f32 v18  }
0x1b3: {  	v15 =	vmul.f32 v15, v57;
	v10 =	vmul.f32 v16, v10;
	[tilespmem:s6+$0xFFFFFFB0] =	vst v19;
	v19 =	vld [tilespmem:s6+$0x50]  }
0x1b4: {  	v16 =	vmul.f32 v8, v57;
	[tilespmem:s6+$0xFFFFFFE0] =	vst v7;
	(erf) = vpow2.f32 v12;
	v12 =	vld [tilespmem:s6+$0x60]  }
0x1b5: {  	v14 =	vmul.f32 v14, v35;
	v13 =	vld [tilespmem:s6+$0x70];
	v18 =	vperm.xlane v30, v4;
	[tilespmem:s6+$0xFFFFFFF0] =	vst v10;
	v23 =	vpop (erf)  }
0x1b6: {  	s4 =	simm.s32 $0xB00;
	v58 =	vld [tilespmem:s6+$0xD0];
	v20 =	vperm.xlane v30, v5;
	v10 =	vmul.f32 v21, v35;
	[tilespmem:s6+$0x0] =	vst v16;
	v7 =	vnsel vm0, $0x0, v23  }
0x1b7: {  	s15 =	simm.s32 $0x4540;
	v31 =	vld [tilespmem:s6+$0xC0];
	v24 =	vmul.f32 v11, v18;
	v16 =	vmul.f32 v22, v9;
	[tilespmem:s4+$0x10] =	vst v7  }
0x1b8: {  	[tilespmem:s6+$0xA0] =	vst v25;
	v25 =	vperm.xlane v23, v2;
	v8 =	vperm.xlane v23, v3;
	v26 =	vld [tilespmem:s15+$0xF0]  }
0x1b9: {  	[tilespmem:s6+$0x10] =	vst v15;
	v27 =	vmul.f32 v19, v18;
	v28 =	vmul.f32 v12, v20;
	v29 =	vld [tilespmem:s15+$0x80];
	v12 =	vpop (erf)  }
0x1ba: {  	[tilespmem:s6+$0x20] =	vst v14;
	v18 =	vperm.xlane v23, v5;
	v20 =	vmul.f32 v13, v20;
	v30 =	vld [tilespmem:s15+$0x90];
	v9 =	vnsel vm0, $0x0, v12  }
0x1bb: {  	v7 =	vperm.xlane v23, v4;
	v59 =	vld [tilespmem:s15+$0xA0];
	v19 =	vperm.xlane v12, v2;
	[tilespmem:s4+$0xFFFFFFF0] =	vst v9;
	v13 =	vpop (erf)  }
0x1bc: {  	v11 =	vperm.xlane v12, v3;
	v15 =	vperm.xlane v12, v4;
	[tilespmem:s6+$0x70] =	vst v20;
	v20 =	vld [tilespmem:s6+$0xE0];
	v14 =	vnsel vm0, $0x0, v13  }
0x1bd: {  	v23 =	vld [tilespmem:s15+$0xFFFFFF80];
	v60 =	vperm.xlane v13, v2;
	v9 =	vpop (erf);
	v61 =	vperm.xlane v13, v3;
	[tilespmem:s4+$0xFFFFFFE0] =	vst v14  }
0x1be: {  	[tilespmem:s6+$0x30] =	vst v10;
	v22 =	vperm.xlane v13, v4;
	v21 =	vperm.xlane v13, v5;
	v10 =	vnsel vm0, $0x0, v9;
	v62 =	vld [tilespmem:s15+$0xFFFFFF00]  }
0x1bf: {  	v14 =	vperm.xlane v12, v5;
	[tilespmem:s4+$0x0] =	vst v10;
	v10 =	vmul.f32 v26, v18;
	v26 =	vld [tilespmem:s15+$0xFFFFFF10]  }
0x1c0: {  	[tilespmem:s6+$0x40] =	vst v24;
	v13 =	vperm.xlane v9, v2;
	v12 =	vperm.xlane v9, v3;
	v63 =	vld [tilespmem:s15+$0xFFFFFF20]  }
0x1c1: {  	[tilespmem:s6+$0x50] =	vst v27;
	v24 =	vmul.f32 v29, v25;
	v25 =	vmul.f32 v30, v25;
	v38 =	vld [tilespmem:s15+$0xFFFFFF30]  }
0x1c2: {  	v27 =	vld [tilespmem:s15+$0xFFFFFF40];
	[tilespmem:s15+$0xF0] =	vst v10;
	v10 =	vperm.xlane v9, v4;
	v23 =	vmul.f32 v23, v19  }
0x1c3: {  	[tilespmem:s6+$0x60] =	vst v28;
	v28 =	vld [tilespmem:s15+$0xFFFFFF50];
	v9 =	vperm.xlane v9, v5;
	v36 =	vmul.f32 v62, v60  }
0x1c4: {  	v29 =	vld [tilespmem:s15+$0xFFFFFF60];
	[tilespmem:s15+$0xFFFFFF80] =	vst v23;
	v23 =	vmul.f32 v31, v17;
	v33 =	vmul.f32 v26, v60  }
0x1c5: {  	v30 =	vld [tilespmem:s15+$0xFFFFFF70];
	v17 =	vmul.f32 v58, v17;
	v32 =	vmul.f32 v63, v61;
	[tilespmem:s15+$0xFFFFFF00] =	vst v36  }
0x1c6: {  	s28 =	simm.s32 $0x3DE0;
	s17 =	simm.s32 $0x4;
	v31 =	vld [tilespmem:s15+$0xFFFFFF90];
	v26 =	vmul.f32 v59, v8;
	[tilespmem:s15+$0xFFFFFF10] =	vst v33;
	v33 =	vmul.f32 v38, v61  }
.LBB2_7:
0x1c7: {  	v34 =	vld [tilespmem:s28+$0x10];
	s17 =	sadd.s32 $0x4, s17;
	[tilespmem:s15+$0xFFFFFF20] =	vst v32;
	v27 =	vmul.f32 v27, v22;
	v20 =	vmul.f32 v20, v6;
	v6 =	vmov v18  }
0x1c8: {  	s7 =	sadd.s32 $0x40, s7;
	v18 =	vld [tilespmem:s28+$0xFFFFFFE0];
	p1 =	slt.u32 s17, $0x4C;
	[tilespmem:s15+$0xFFFFFF30] =	vst v33;
	v22 =	vmul.f32 v28, v22  }
0x1c9: {  	v28 =	vld [tilespmem:s7+$0x10];
	[tilespmem:s15+$0xFFFFFF40] =	vst v27;
	v27 =	vmul.f32 v29, v21  }
0x1ca: {  	v29 =	vld [tilespmem:s28+$0xFFFFFFF0];
	[tilespmem:s15+$0xFFFFFF50] =	vst v22;
	v21 =	vmul.f32 v30, v21  }
0x1cb: {  	v22 =	vld [tilespmem:s28+$0x0];
	[tilespmem:s15+$0xFFFFFF60] =	vst v27;
	v19 =	vmul.f32 v31, v19  }
0x1cc: {  	v27 =	vld [tilespmem:s7+$0xFFFFFFF0];
	v30 =	vperm.xlane v34, v1;
	[tilespmem:s15+$0xFFFFFF70] =	vst v21  }
0x1cd: {  	v18 =	vperm.xlane v18, v1;
	v21 =	vld [tilespmem:s7+$0x0];
	[tilespmem:s15+$0xFFFFFF90] =	vst v19  }
0x1ce: {  	v19 =	vld [tilespmem:s7+$0xFFFFFFE0];
	v28 =	vadd.f32 v30, v28;
	[tilespmem:s15+$0x80] =	vst v24  }
0x1cf: {  	v24 =	vperm.xlane v29, v1;
	v29 =	vld [tilespmem:s15+$0xFFFFFFA0];
	[tilespmem:s15+$0x90] =	vst v25  }
0x1d0: {  	v22 =	vperm.xlane v22, v1;
	v25 =	vmul.f32 $2.000000030e-01, v28;
	v30 =	vld [tilespmem:s15+$0xFFFFFFB0];
	[tilespmem:s15+$0xA0] =	vst v26  }
0x1d1: {  	vm1 =	vge.f32 v28, $0.0e+00;
	v24 =	vadd.f32 v24, v27;
	v26 =	vld [tilespmem:s15+$0xFFFFFFC0];
	[tilespmem:s6+$0xB0] =	vst v16  }
0x1d2: {  	v16 =	vadd.f32 v22, v21;
	v21 =	vsel vm1, v28, v25;
	v22 =	vld [tilespmem:s15+$0xFFFFFFD0];
	[tilespmem:s6+$0xC0] =	vst v23  }
0x1d3: {  	v18 =	vadd.f32 v18, v19;
	v19 =	vmul.f32 $2.000000030e-01, v24;
	v21 =	vmul.f32 $1.442695020e+00, v21;
	v23 =	vld [tilespmem:s15+$0xFFFFFFE0];
	[tilespmem:s6+$0xD0] =	vst v17  }
0x1d4: {  	vm1 =	vge.f32 v24, $0.0e+00;
	vm2 =	vge.f32 v16, $0.0e+00;
	v17 =	vmul.f32 $2.000000030e-01, v16;
	v25 =	vld [tilespmem:s15+$0xFFFFFFF0];
	[tilespmem:s6+$0xE0] =	vst v20;
	s6 =	smov.u32 s15  }
0x1d5: {  	vm3 =	vge.f32 v18, $0.0e+00;
	v20 =	vmul.f32 $2.000000030e-01, v18;
	(erf) = vpow2.f32 v21;
	v21 =	vld [tilespmem:s15+$0x0]  }
0x1d6: {  	v19 =	vsel vm1, v24, v19;
	v16 =	vsel vm2, v16, v17;
	v17 =	vmul.f32 v29, v11;
	v24 =	vld [tilespmem:s15+$0x10]  }
0x1d7: {  	v19 =	vmul.f32 $1.442695020e+00, v19;
	v18 =	vsel vm3, v18, v20;
	v16 =	vmul.f32 $1.442695020e+00, v16;
	v20 =	vld [tilespmem:s15+$0x20]  }
0x1d8: {  	v11 =	vmul.f32 v30, v11;
	v18 =	vmul.f32 $1.442695020e+00, v18;
	[tilespmem:s15+$0xFFFFFFA0] =	vst v17;
	v17 =	vld [tilespmem:s15+$0x30]  }
0x1d9: {  	(erf) = vpow2.f32 v19;
	v19 =	vmul.f32 v26, v15;
	v26 =	vld [tilespmem:s15+$0x40]  }
0x1da: {  	(erf) = vpow2.f32 v18;
	[tilespmem:s15+$0xFFFFFFB0] =	vst v11;
	v11 =	vmul.f32 v22, v15;
	v15 =	vld [tilespmem:s15+$0x50]  }
0x1db: {  	(erf) = vpow2.f32 v16;
	[tilespmem:s15+$0xFFFFFFC0] =	vst v19;
	v16 =	vmul.f32 v23, v14;
	v18 =	vld [tilespmem:s15+$0x60]  }
0x1dc: {  	[tilespmem:s15+$0xFFFFFFD0] =	vst v11;
	v11 =	vmul.f32 v25, v14;
	v14 =	vmul.f32 v21, v13;
	v19 =	vld [tilespmem:s15+$0x70]  }
0x1dd: {  	v13 =	vmul.f32 v24, v13;
	[tilespmem:s15+$0xFFFFFFE0] =	vst v16;
	v16 =	vmul.f32 v20, v12;
	v21 =	vld [tilespmem:s15+$0xB0]  }
0x1de: {  	v12 =	vmul.f32 v17, v12;
	v22 =	vpop (erf);
	[tilespmem:s15+$0xFFFFFFF0] =	vst v11;
	v17 =	vmul.f32 v26, v10;
	v23 =	vld [tilespmem:s15+$0xC0]  }
0x1df: {  	s4 =	sadd.s32 $0x40, s4;
	v11 =	vnsel vm0, $0x0, v22;
	v25 =	vperm.xlane v22, v2;
	v24 =	vperm.xlane v22, v3;
	[tilespmem:s15+$0x0] =	vst v14;
	v34 =	vld [tilespmem:s15+$0xD0]  }
0x1e0: {  	v35 =	vperm.xlane v22, v4;
	v26 =	vmul.f32 v15, v10;
	s15 =	sadd.s32 $0x200, s15;
	[tilespmem:s4+$0x10] =	vst v11;
	v20 =	vld [tilespmem:s6+$0xE0]  }
0x1e1: {  	v28 =	vmul.f32 v18, v9;
	v10 =	vld [tilespmem:s15+$0xF0];
	[tilespmem:s6+$0x10] =	vst v13;
	v29 =	vmul.f32 v19, v9  }
0x1e2: {  	v30 =	vld [tilespmem:s15+$0x80];
	v9 =	vpop (erf);
	[tilespmem:s6+$0x20] =	vst v16;
	v16 =	vmul.f32 v21, v8;
	v8 =	vmov v24  }
0x1e3: {  	v13 =	vnsel vm0, $0x0, v9;
	v19 =	vperm.xlane v9, v2;
	v11 =	vperm.xlane v9, v3;
	v31 =	vld [tilespmem:s15+$0x90];
	v14 =	vpop (erf);
	[tilespmem:s6+$0x30] =	vst v12  }
0x1e4: {  	v18 =	vperm.xlane v22, v5;
	v12 =	vnsel vm0, $0x0, v14;
	v32 =	vperm.xlane v14, v2;
	[tilespmem:s4+$0xFFFFFFF0] =	vst v13;
	v33 =	vld [tilespmem:s15+$0xA0];
	v24 =	vpop (erf)  }
0x1e5: {  	v36 =	vperm.xlane v14, v3;
	v22 =	vperm.xlane v14, v4;
	[tilespmem:s4+$0xFFFFFFE0] =	vst v12;
	v37 =	vld [tilespmem:s15+$0xFFFFFF80];
	v12 =	vnsel vm0, $0x0, v24  }
0x1e6: {  	v21 =	vperm.xlane v14, v5;
	v38 =	vld [tilespmem:s15+$0xFFFFFF00];
	[tilespmem:s4+$0x0] =	vst v12;
	v10 =	vmul.f32 v10, v18  }
0x1e7: {  	v15 =	vperm.xlane v9, v4;
	v14 =	vperm.xlane v9, v5;
	v39 =	vld [tilespmem:s15+$0xFFFFFF10];
	[tilespmem:s6+$0x40] =	vst v17  }
0x1e8: {  	v13 =	vperm.xlane v24, v2;
	v12 =	vperm.xlane v24, v3;
	v17 =	vld [tilespmem:s15+$0xFFFFFF20];
	[tilespmem:s15+$0xF0] =	vst v10  }
0x1e9: {  	v9 =	vperm.xlane v24, v5;
	v10 =	vperm.xlane v24, v4;
	v40 =	vld [tilespmem:s15+$0xFFFFFF30];
	[tilespmem:s6+$0x50] =	vst v26  }
.Ltmp2:
0x1ea: {  	v24 =	vmul.f32 v30, v25;
	v27 =	vld [tilespmem:s15+$0xFFFFFF40];
	v26 =	vmul.f32 v37, v19;
	[tilespmem:s6+$0x60] =	vst v28;
	(pc) =	sbr.rel @p1 .LBB2_7-.Ltmp2, $4  }
0x1eb: {  	v25 =	vmul.f32 v31, v25;
	v30 =	vmul.f32 v38, v32;
	v28 =	vld [tilespmem:s15+$0xFFFFFF50];
	[tilespmem:s6+$0x70] =	vst v29  }
0x1ec: {  	v31 =	vmul.f32 v39, v32;
	v29 =	vld [tilespmem:s15+$0xFFFFFF60];
	[tilespmem:s15+$0xFFFFFF80] =	vst v26;
	v26 =	vmul.f32 v33, v8  }
0x1ed: {  	v23 =	vmul.f32 v23, v7;
	[tilespmem:s15+$0xFFFFFF00] =	vst v30;
	v32 =	vmul.f32 v17, v36;
	v30 =	vld [tilespmem:s15+$0xFFFFFF70]  }
0x1ee: {  	s28 =	sadd.s32 $0x40, s28;
	v17 =	vmul.f32 v34, v7;
	v7 =	vmov v35;
	[tilespmem:s15+$0xFFFFFF10] =	vst v31;
	v33 =	vmul.f32 v40, v36;
	v31 =	vld [tilespmem:s15+$0xFFFFFF90]  }
0x1ef: {  	[tilespmem:s15+$0xFFFFFF20] =	vst v32  }
0x1f0: {  	[tilespmem:s15+$0x80] =	vst v24  }
0x1f1: {  	[tilespmem:s15+$0x90] =	vst v25  }
0x1f2: {  	[tilespmem:s15+$0xA0] =	vst v26  }
0x1f3: {  	[tilespmem:s6+$0xB0] =	vst v16  }
0x1f4: {  	[tilespmem:s6+$0xC0] =	vst v23  }
0x1f5: {  	v27 =	vmul.f32 v27, v22;
	[tilespmem:s15+$0xFFFFFF30] =	vst v33  }
0x1f6: {  	v40 =	vld [tilespmem:s15+$0xFFFFFFB0];
	v6 =	vmul.f32 v20, v6;
	[tilespmem:s6+$0xD0] =	vst v17  }
0x1f7: {  	v41 =	vld [tilespmem:s15+$0xFFFFFFC0];
	v36 =	vmul.f32 v28, v22;
	[tilespmem:s15+$0xFFFFFF40] =	vst v27  }
0x1f8: {  	v42 =	vld [tilespmem:s15+$0xFFFFFFD0];
	v37 =	vmul.f32 v29, v21;
	[tilespmem:s6+$0xE0] =	vst v6  }
0x1f9: {  	v43 =	vld [tilespmem:s15+$0xFFFFFFE0];
	[tilespmem:s15+$0xFFFFFF50] =	vst v36;
	v38 =	vmul.f32 v30, v21  }
0x1fa: {  	v44 =	vld [tilespmem:s15+$0xFFFFFFF0];
	v19 =	vmul.f32 v31, v19;
	[tilespmem:s15+$0xFFFFFF60] =	vst v37  }
0x1fb: {  	v45 =	vld [tilespmem:s15+$0x0];
	[tilespmem:s15+$0xFFFFFF70] =	vst v38;
	v46 =	vmul.f32 v40, v11  }
0x1fc: {  	v47 =	vld [tilespmem:s15+$0x20];
	v48 =	vmul.f32 v41, v15;
	[tilespmem:s15+$0xFFFFFF90] =	vst v19  }
0x1fd: {  	v49 =	vld [tilespmem:s15+$0x30];
	v50 =	vmul.f32 v42, v15;
	[tilespmem:s15+$0xFFFFFFB0] =	vst v46  }
0x1fe: {  	v52 =	vld [tilespmem:s15+$0x50];
	v16 =	vmul.f32 v43, v14;
	[tilespmem:s15+$0xFFFFFFC0] =	vst v48  }
0x1ff: {  	v54 =	vld [tilespmem:s15+$0x60];
	v53 =	vmul.f32 v44, v14;
	[tilespmem:s15+$0xFFFFFFD0] =	vst v50  }
0x200: {  	v6 =	vld [tilespmem:s15+$0x10];
	v17 =	vmul.f32 v45, v13;
	[tilespmem:s15+$0xFFFFFFE0] =	vst v16  }
0x201: {  	v57 =	vld [tilespmem:s15+$0xB0];
	v56 =	vmul.f32 v47, v12;
	[tilespmem:s15+$0xFFFFFFF0] =	vst v53  }
0x202: {  	v51 =	vld [tilespmem:s15+$0x40];
	v58 =	vmul.f32 v49, v12;
	[tilespmem:s15+$0x0] =	vst v17  }
0x203: {  	v62 =	vld [tilespmem:s15+$0xE0];
	v61 =	vmul.f32 v52, v10;
	[tilespmem:s15+$0x20] =	vst v56  }
0x204: {  	v55 =	vld [tilespmem:s15+$0x70];
	v14 =	vmul.f32 v54, v9;
	[tilespmem:s15+$0x30] =	vst v58  }
0x205: {  	v39 =	vld [tilespmem:s15+$0xFFFFFFA0];
	v6 =	vmul.f32 v6, v13;
	[tilespmem:s15+$0x50] =	vst v61  }
0x206: {  	v59 =	vld [tilespmem:s15+$0xC0];
	v8 =	vmul.f32 v57, v8;
	[tilespmem:s15+$0x60] =	vst v14  }
0x207: {  	v60 =	vld [tilespmem:s15+$0xD0];
	[tilespmem:s15+$0x10] =	vst v6;
	v6 =	vmul.f32 v51, v10  }
0x208: {  	v63 =	vmul.f32 v62, v18;
	[tilespmem:s15+$0xB0] =	vst v8  }
0x209: {  	[tilespmem:s15+$0x40] =	vst v6;
	v6 =	vmul.f32 v55, v9  }
0x20a: {  	v19 =	vmul.f32 v39, v11;
	[tilespmem:s15+$0xE0] =	vst v63  }
0x20b: {  	[tilespmem:s15+$0x70] =	vst v6;
	v6 =	vmul.f32 v59, v7  }
0x20c: {  	[tilespmem:s15+$0xFFFFFFA0] =	vst v19;
	v7 =	vmul.f32 v60, v7  }
0x20d: {  	[tilespmem:s15+$0xC0] =	vst v6  }
0x20e: {  	[tilespmem:s15+$0xD0] =	vst v7  }
0x20f: {  	[spmem:s18] =	stream.indirect.scatter.add.f32 [tilespmem:s30], [sflag:$0x7], $0x80, s26, s21, $0xb8;
	[tilespmem:$0x1C9D0] =	vst v63  }
0x210: {  	s5 =	sadd.s32 $0x1, s5;
	_ =	swait.ge [sflag:s13], $0x2800  }
0x211: {  	p1 =	sne.s32 s5, $0x3E;
	[sflag:s13] =	ssyncset.done $0x0  }
.Ltmp3:
0x212: {  	[sflag:s13] =	ssyncadd.s32 $0xFFFFD800;
	(pc) =	sbr.rel @p1 .LBB2_4-.Ltmp3, $4  }
0x213: {  	[spmem:s20] =	stream.indirect.scatter.add.f32 [tilespmem:s14], [sflag:$0x7], $0x10, s26, s21, $0xb8;
	[tilespmem:$0x1C9D0] =	vst v63  }
0x214: {  	_ =	swait.ge [sflag:s13], $0x500  }
0x215: {  	[sflag:s13] =	ssyncset.done $0x0  }
0x216: {  	[sflag:s13] =	ssyncadd.s32 $0xFFFFFB00  }
0x217: {  	_ =	swait.ge [sflag:s31], $0x500  }
0x218: {  	[sflag:s31] =	ssyncset.done $0x0  }
0x219: {  	[sflag:s31] =	ssyncadd.s32 $0xFFFFFB00  }
0x21a: {  	_ =	swait.ge [sflag:s19], $0x500  }
0x21b: {  	[sflag:s19] =	ssyncset.done $0x0  }
0x21c: {  	[sflag:s19] =	ssyncadd.s32 $0xFFFFFB00  }
0x21d: {  	_ =	swait.ge [sflag:s0], $0x2800  }
0x21e: {  	[sflag:s0] =	ssyncset.done $0x0  }
0x21f: {  	s4 =	simm.s32 $0x5C0;
	[sflag:s0] =	ssyncadd.s32 $0xFFFFD800  }
0x220: {  	v6 =	vld [tilespmem:s4+$0x10]  }
0x221: {  	s5 =	simm.s32 $0xC0  }
0x222: {  	v7 =	vld [tilespmem:s5+$0x10]  }
0x223: {  	v8 =	vld [tilespmem:s4+$0xFFFFFFF0]  }
0x224: {  	v9 =	vld [tilespmem:s4+$0xFFFFFFE0]  }
0x225: {  	v10 =	vld [tilespmem:s5+$0xFFFFFFF0];
	v6 =	vperm.xlane v6, v1;
	_ =	sdelay $0x1  }
0x226: {  	v11 =	vld [tilespmem:s5+$0xFFFFFFE0];
	v6 =	vadd.f32 v6, v7  }
0x227: {  	v7 =	vperm.xlane v8, v1  }
0x228: {  	v8 =	vperm.xlane v9, v1;
	v9 =	vmul.f32 $2.000000030e-01, v6  }
0x229: {  	v7 =	vadd.f32 v7, v10;
	vm1 =	vge.f32 v6, $0.0e+00  }
0x22a: {  	v6 =	vsel vm1, v6, v9  }
0x22b: {  	v8 =	vadd.f32 v8, v11;
	v9 =	vmul.f32 $2.000000030e-01, v7;
	v6 =	vmul.f32 $1.442695020e+00, v6  }
0x22c: {  	vm1 =	vge.f32 v7, $0.0e+00  }
0x22d: {  	v10 =	vmul.f32 $2.000000030e-01, v8;
	(erf) = vpow2.f32 v6;
	v6 =	vsel vm1, v7, v9  }
0x22e: {  	vm2 =	vge.f32 v8, $0.0e+00;
	v6 =	vmul.f32 $1.442695020e+00, v6  }
0x22f: {  	v7 =	vsel vm2, v8, v10  }
0x230: {  	v7 =	vmul.f32 $1.442695020e+00, v7;
	(erf) = vpow2.f32 v6;
	v6 =	vld [tilespmem:s4+$0x0];
	_ =	sdelay $0x1  }
0x231: {  	(erf) = vpow2.f32 v7;
	v7 =	vld [tilespmem:s5+$0x0]  }
0x232: {  	s7 =	simm.s32 $0x600  }
0x233: {  	v29 =	vld [tilespmem:s7+$0x10]  }
0x234: {  	s6 =	simm.s32 $0x100;
	v32 =	vld [tilespmem:s7+$0xFFFFFFE0];
	v6 =	vperm.xlane v6, v1  }
0x235: {  	v34 =	vld [tilespmem:s6+$0x10];
	v8 =	vpop (erf)  }
0x236: {  	s29 =	simm.s32 $0xAC0;
	v36 =	vld [tilespmem:s7+$0xFFFFFFF0];
	v9 =	vnsel vm0, $0x0, v8;
	v6 =	vadd.f32 v6, v7  }
0x237: {  	v37 =	vld [tilespmem:s6+$0xFFFFFFF0];
	s5 =	simm.s32 $0x10A0;
	[tilespmem:s29+$0x10] =	vst v9  }
0x238: {  	v7 =	vld [tilespmem:s5+$0xF0];
	v10 =	vpop (erf);
	v9 =	vmul.f32 $2.000000030e-01, v6  }
0x239: {  	v11 =	vld [tilespmem:s5+$0x80];
	vm1 =	vge.f32 v6, $0.0e+00;
	v12 =	vnsel vm0, $0x0, v10  }
0x23a: {  	v14 =	vld [tilespmem:s5+$0x90];
	v13 =	vpop (erf);
	[tilespmem:s29+$0xFFFFFFF0] =	vst v12;
	v6 =	vsel vm1, v6, v9  }
0x23b: {  	v29 =	vperm.xlane v29, v1;
	v15 =	vnsel vm0, $0x0, v13;
	v9 =	vld [tilespmem:s5+$0xFFFFFF80];
	v6 =	vmul.f32 $1.442695020e+00, v6  }
0x23c: {  	v24 =	vperm.xlane v8, v2;
	v17 =	vperm.xlane v8, v4;
	[tilespmem:s29+$0xFFFFFFE0] =	vst v15;
	v27 =	vld [tilespmem:s5+$0xFFFFFF90]  }
0x23d: {  	v20 =	vperm.xlane v10, v2;
	v12 =	vld [tilespmem:s5+$0xFFFFFF00];
	(erf) = vpow2.f32 v6  }
0x23e: {  	v26 =	vperm.xlane v10, v3;
	v31 =	vperm.xlane v10, v4;
	v15 =	vld [tilespmem:s5+$0xFFFFFF10]  }
0x23f: {  	v25 =	vld [tilespmem:s5+$0xA0];
	v10 =	vperm.xlane v10, v5;
	v18 =	vperm.xlane v13, v2  }
0x240: {  	v28 =	vperm.xlane v13, v4;
	v16 =	vld [tilespmem:s5+$0xFFFFFF20];
	v11 =	vmul.f32 v11, v24  }
0x241: {  	v19 =	vld [tilespmem:s5+$0xFFFFFF30];
	v14 =	vmul.f32 v14, v24;
	v22 =	vmul.f32 v9, v20  }
0x242: {  	v9 =	vperm.xlane v8, v3;
	v6 =	vmul.f32 v12, v18;
	v12 =	vld [tilespmem:s5+$0xFFFFFF50]  }
0x243: {  	v21 =	vld [tilespmem:s5+$0xFFFFFF40];
	v20 =	vmul.f32 v27, v20;
	v15 =	vmul.f32 v15, v18  }
0x244: {  	v18 =	vld [tilespmem:s7+$0x0];
	v25 =	vmul.f32 v25, v9;
	[tilespmem:s5+$0xFFFFFF00] =	vst v6;
	v6 =	vperm.xlane v8, v5  }
0x245: {  	v23 =	vld [tilespmem:s5+$0xFFFFFF60];
	[tilespmem:s5+$0xFFFFFF90] =	vst v20;
	v20 =	vperm.xlane v36, v1;
	v8 =	vperm.xlane v13, v3  }
0x246: {  	[tilespmem:s5+$0xFFFFFF80] =	vst v22;
	v22 =	vld [tilespmem:s5+$0xFFFFFF70];
	v13 =	vperm.xlane v13, v5;
	v7 =	vmul.f32 v7, v6;
	v30 =	vpop (erf)  }
0x247: {  	[tilespmem:s5+$0xFFFFFF10] =	vst v15;
	v15 =	vld [tilespmem:s5+$0xFFFFFFA0];
	v16 =	vmul.f32 v16, v8;
	v12 =	vmul.f32 v12, v28;
	v24 =	vnsel vm0, $0x0, v30  }
0x248: {  	[tilespmem:s5+$0xF0] =	vst v7;
	v7 =	vmul.f32 v19, v8;
	v8 =	vmul.f32 v21, v28;
	v19 =	vld [tilespmem:s6+$0xFFFFFFE0];
	v21 =	vadd.f32 v29, v34  }
0x249: {  	v18 =	vperm.xlane v18, v1;
	v33 =	vperm.xlane v30, v2;
	[tilespmem:s29+$0x0] =	vst v24;
	v24 =	vld [tilespmem:s6+$0x0]  }
0x24a: {  	[tilespmem:s5+$0xFFFFFF20] =	vst v16;
	v16 =	vmul.f32 v23, v13;
	v27 =	vmul.f32 $2.000000030e-01, v21  }
0x24b: {  	v23 =	vperm.xlane v32, v1;
	v28 =	vld [tilespmem:s5+$0xFFFFFFB0];
	vm1 =	vge.f32 v21, $0.0e+00;
	[tilespmem:s5+$0xFFFFFF30] =	vst v7;
	v7 =	vadd.f32 v20, v37  }
0x24c: {  	v35 =	vperm.xlane v30, v3;
	[tilespmem:s5+$0xFFFFFF40] =	vst v8;
	v8 =	vmul.f32 v22, v13;
	v13 =	vld [tilespmem:s5+$0xFFFFFFD0];
	v21 =	vsel vm1, v21, v27  }
0x24d: {  	[tilespmem:s5+$0xFFFFFF50] =	vst v12;
	v20 =	vld [tilespmem:s5+$0xFFFFFFC0];
	v12 =	vmul.f32 $2.000000030e-01, v7;
	v19 =	vadd.f32 v23, v19;
	v21 =	vmul.f32 $1.442695020e+00, v21  }
0x24e: {  	[tilespmem:s5+$0x80] =	vst v11;
	v11 =	vmul.f32 v15, v26;
	v22 =	vld [tilespmem:s5+$0xFFFFFFE0];
	vm1 =	vge.f32 v7, $0.0e+00;
	v18 =	vadd.f32 v18, v24  }
0x24f: {  	[tilespmem:s5+$0xFFFFFF60] =	vst v16;
	v16 =	vld [tilespmem:s5+$0xFFFFFFF0];
	v7 =	vsel vm1, v7, v12;
	v24 =	vmul.f32 $2.000000030e-01, v19;
	(erf) = vpow2.f32 v21  }
0x250: {  	v15 =	vld [tilespmem:s5+$0x10];
	v7 =	vmul.f32 $1.442695020e+00, v7;
	v23 =	vmul.f32 $2.000000030e-01, v18  }
0x251: {  	[tilespmem:s5+$0x90] =	vst v14;
	v14 =	vld [tilespmem:s5+$0x20];
	vm3 =	vge.f32 v19, $0.0e+00;
	v13 =	vmul.f32 v13, v31;
	vm2 =	vge.f32 v18, $0.0e+00  }
0x252: {  	[tilespmem:s5+$0xFFFFFF70] =	vst v8;
	v8 =	vld [tilespmem:s5+$0x0];
	(erf) = vpow2.f32 v7;
	v12 =	vsel vm2, v18, v23;
	v18 =	vsel vm3, v19, v24  }
0x253: {  	[tilespmem:s5+$0xFFFFFFA0] =	vst v11;
	v11 =	vld [tilespmem:s5+$0x40];
	v7 =	vmul.f32 v20, v31;
	v18 =	vmul.f32 $1.442695020e+00, v18  }
0x254: {  	v21 =	vld [tilespmem:s5+$0x30];
	[tilespmem:s5+$0xFFFFFFD0] =	vst v13;
	v19 =	vmul.f32 v28, v26;
	v12 =	vmul.f32 $1.442695020e+00, v12  }
0x255: {  	[tilespmem:s5+$0xFFFFFFC0] =	vst v7;
	v7 =	vmul.f32 v22, v10;
	v22 =	vld [tilespmem:s5+$0xB0];
	(erf) = vpow2.f32 v18  }
0x256: {  	v15 =	vmul.f32 v15, v33;
	v10 =	vmul.f32 v16, v10;
	[tilespmem:s5+$0xFFFFFFB0] =	vst v19;
	v19 =	vld [tilespmem:s5+$0x50]  }
0x257: {  	v16 =	vmul.f32 v8, v33;
	[tilespmem:s5+$0xFFFFFFE0] =	vst v7;
	(erf) = vpow2.f32 v12;
	v12 =	vld [tilespmem:s5+$0x60]  }
0x258: {  	v14 =	vmul.f32 v14, v35;
	v13 =	vld [tilespmem:s5+$0x70];
	v18 =	vperm.xlane v30, v4;
	[tilespmem:s5+$0xFFFFFFF0] =	vst v10;
	v23 =	vpop (erf)  }
0x259: {  	s4 =	simm.s32 $0xB00;
	v58 =	vld [tilespmem:s5+$0xD0];
	v20 =	vperm.xlane v30, v5;
	v10 =	vmul.f32 v21, v35;
	[tilespmem:s5+$0x0] =	vst v16;
	v7 =	vnsel vm0, $0x0, v23  }
0x25a: {  	s7 =	simm.s32 $0x12A0;
	v31 =	vld [tilespmem:s5+$0xC0];
	v24 =	vmul.f32 v11, v18;
	v16 =	vmul.f32 v22, v9;
	[tilespmem:s4+$0x10] =	vst v7  }
0x25b: {  	[tilespmem:s5+$0xA0] =	vst v25;
	v25 =	vperm.xlane v23, v2;
	v8 =	vperm.xlane v23, v3;
	v26 =	vld [tilespmem:s7+$0xF0]  }
0x25c: {  	[tilespmem:s5+$0x10] =	vst v15;
	v27 =	vmul.f32 v19, v18;
	v28 =	vmul.f32 v12, v20;
	v29 =	vld [tilespmem:s7+$0x80];
	v12 =	vpop (erf)  }
0x25d: {  	[tilespmem:s5+$0x20] =	vst v14;
	v18 =	vperm.xlane v23, v5;
	v20 =	vmul.f32 v13, v20;
	v30 =	vld [tilespmem:s7+$0x90];
	v9 =	vnsel vm0, $0x0, v12  }
0x25e: {  	v7 =	vperm.xlane v23, v4;
	v59 =	vld [tilespmem:s7+$0xA0];
	v19 =	vperm.xlane v12, v2;
	[tilespmem:s4+$0xFFFFFFF0] =	vst v9;
	v13 =	vpop (erf)  }
0x25f: {  	v11 =	vperm.xlane v12, v3;
	v15 =	vperm.xlane v12, v4;
	[tilespmem:s5+$0x70] =	vst v20;
	v20 =	vld [tilespmem:s5+$0xE0];
	v14 =	vnsel vm0, $0x0, v13  }
0x260: {  	v23 =	vld [tilespmem:s7+$0xFFFFFF80];
	v60 =	vperm.xlane v13, v2;
	v9 =	vpop (erf);
	v61 =	vperm.xlane v13, v3;
	[tilespmem:s4+$0xFFFFFFE0] =	vst v14  }
0x261: {  	[tilespmem:s5+$0x30] =	vst v10;
	v22 =	vperm.xlane v13, v4;
	v21 =	vperm.xlane v13, v5;
	v10 =	vnsel vm0, $0x0, v9;
	v62 =	vld [tilespmem:s7+$0xFFFFFF00]  }
0x262: {  	v14 =	vperm.xlane v12, v5;
	[tilespmem:s4+$0x0] =	vst v10;
	v10 =	vmul.f32 v26, v18;
	v26 =	vld [tilespmem:s7+$0xFFFFFF10]  }
0x263: {  	[tilespmem:s5+$0x40] =	vst v24;
	v13 =	vperm.xlane v9, v2;
	v12 =	vperm.xlane v9, v3;
	v63 =	vld [tilespmem:s7+$0xFFFFFF20]  }
0x264: {  	[tilespmem:s5+$0x50] =	vst v27;
	v24 =	vmul.f32 v29, v25;
	v25 =	vmul.f32 v30, v25;
	v38 =	vld [tilespmem:s7+$0xFFFFFF30]  }
0x265: {  	v27 =	vld [tilespmem:s7+$0xFFFFFF40];
	[tilespmem:s7+$0xF0] =	vst v10;
	v10 =	vperm.xlane v9, v4;
	v23 =	vmul.f32 v23, v19  }
0x266: {  	[tilespmem:s5+$0x60] =	vst v28;
	v28 =	vld [tilespmem:s7+$0xFFFFFF50];
	v9 =	vperm.xlane v9, v5;
	v36 =	vmul.f32 v62, v60  }
0x267: {  	v29 =	vld [tilespmem:s7+$0xFFFFFF60];
	[tilespmem:s7+$0xFFFFFF80] =	vst v23;
	v23 =	vmul.f32 v31, v17;
	v33 =	vmul.f32 v26, v60  }
0x268: {  	v30 =	vld [tilespmem:s7+$0xFFFFFF70];
	v17 =	vmul.f32 v58, v17;
	v32 =	vmul.f32 v63, v61;
	[tilespmem:s7+$0xFFFFFF00] =	vst v36  }
0x269: {  	s15 =	simm.s32 $0x4;
	s17 =	simm.s32 $0x640;
	v31 =	vld [tilespmem:s7+$0xFFFFFF90];
	v26 =	vmul.f32 v59, v8;
	[tilespmem:s7+$0xFFFFFF10] =	vst v33;
	v33 =	vmul.f32 v38, v61  }
.LBB2_10:
0x26a: {  	v34 =	vld [tilespmem:s17+$0x10];
	s15 =	sadd.s32 $0x4, s15;
	[tilespmem:s7+$0xFFFFFF20] =	vst v32;
	v27 =	vmul.f32 v27, v22;
	v20 =	vmul.f32 v20, v6;
	v6 =	vmov v18  }
0x26b: {  	s6 =	sadd.s32 $0x40, s6;
	v18 =	vld [tilespmem:s17+$0xFFFFFFE0];
	p1 =	slt.u32 s15, $0x4C;
	[tilespmem:s7+$0xFFFFFF30] =	vst v33;
	v22 =	vmul.f32 v28, v22  }
0x26c: {  	v28 =	vld [tilespmem:s6+$0x10];
	[tilespmem:s7+$0xFFFFFF40] =	vst v27;
	v27 =	vmul.f32 v29, v21  }
0x26d: {  	v29 =	vld [tilespmem:s17+$0xFFFFFFF0];
	[tilespmem:s7+$0xFFFFFF50] =	vst v22;
	v21 =	vmul.f32 v30, v21  }
0x26e: {  	v22 =	vld [tilespmem:s17+$0x0];
	[tilespmem:s7+$0xFFFFFF60] =	vst v27;
	v19 =	vmul.f32 v31, v19  }
0x26f: {  	v27 =	vld [tilespmem:s6+$0xFFFFFFF0];
	v30 =	vperm.xlane v34, v1;
	[tilespmem:s7+$0xFFFFFF70] =	vst v21  }
0x270: {  	v18 =	vperm.xlane v18, v1;
	v21 =	vld [tilespmem:s6+$0x0];
	[tilespmem:s7+$0xFFFFFF90] =	vst v19  }
0x271: {  	v19 =	vld [tilespmem:s6+$0xFFFFFFE0];
	v28 =	vadd.f32 v30, v28;
	[tilespmem:s7+$0x80] =	vst v24  }
0x272: {  	v24 =	vperm.xlane v29, v1;
	v29 =	vld [tilespmem:s7+$0xFFFFFFA0];
	[tilespmem:s7+$0x90] =	vst v25  }
0x273: {  	v22 =	vperm.xlane v22, v1;
	v25 =	vmul.f32 $2.000000030e-01, v28;
	v30 =	vld [tilespmem:s7+$0xFFFFFFB0];
	[tilespmem:s7+$0xA0] =	vst v26  }
0x274: {  	vm1 =	vge.f32 v28, $0.0e+00;
	v24 =	vadd.f32 v24, v27;
	v26 =	vld [tilespmem:s7+$0xFFFFFFC0];
	[tilespmem:s5+$0xB0] =	vst v16  }
0x275: {  	v16 =	vadd.f32 v22, v21;
	v21 =	vsel vm1, v28, v25;
	v22 =	vld [tilespmem:s7+$0xFFFFFFD0];
	[tilespmem:s5+$0xC0] =	vst v23  }
0x276: {  	v18 =	vadd.f32 v18, v19;
	v19 =	vmul.f32 $2.000000030e-01, v24;
	v21 =	vmul.f32 $1.442695020e+00, v21;
	v23 =	vld [tilespmem:s7+$0xFFFFFFE0];
	[tilespmem:s5+$0xD0] =	vst v17  }
0x277: {  	vm1 =	vge.f32 v24, $0.0e+00;
	vm2 =	vge.f32 v16, $0.0e+00;
	v17 =	vmul.f32 $2.000000030e-01, v16;
	v25 =	vld [tilespmem:s7+$0xFFFFFFF0];
	[tilespmem:s5+$0xE0] =	vst v20;
	s5 =	smov.u32 s7  }
0x278: {  	vm3 =	vge.f32 v18, $0.0e+00;
	v20 =	vmul.f32 $2.000000030e-01, v18;
	(erf) = vpow2.f32 v21;
	v21 =	vld [tilespmem:s7+$0x0]  }
0x279: {  	v19 =	vsel vm1, v24, v19;
	v16 =	vsel vm2, v16, v17;
	v17 =	vmul.f32 v29, v11;
	v24 =	vld [tilespmem:s7+$0x10]  }
0x27a: {  	v19 =	vmul.f32 $1.442695020e+00, v19;
	v18 =	vsel vm3, v18, v20;
	v16 =	vmul.f32 $1.442695020e+00, v16;
	v20 =	vld [tilespmem:s7+$0x20]  }
0x27b: {  	v11 =	vmul.f32 v30, v11;
	v18 =	vmul.f32 $1.442695020e+00, v18;
	[tilespmem:s7+$0xFFFFFFA0] =	vst v17;
	v17 =	vld [tilespmem:s7+$0x30]  }
0x27c: {  	(erf) = vpow2.f32 v19;
	v19 =	vmul.f32 v26, v15;
	v26 =	vld [tilespmem:s7+$0x40]  }
0x27d: {  	(erf) = vpow2.f32 v18;
	[tilespmem:s7+$0xFFFFFFB0] =	vst v11;
	v11 =	vmul.f32 v22, v15;
	v15 =	vld [tilespmem:s7+$0x50]  }
0x27e: {  	(erf) = vpow2.f32 v16;
	[tilespmem:s7+$0xFFFFFFC0] =	vst v19;
	v16 =	vmul.f32 v23, v14;
	v18 =	vld [tilespmem:s7+$0x60]  }
0x27f: {  	[tilespmem:s7+$0xFFFFFFD0] =	vst v11;
	v11 =	vmul.f32 v25, v14;
	v14 =	vmul.f32 v21, v13;
	v19 =	vld [tilespmem:s7+$0x70]  }
0x280: {  	v13 =	vmul.f32 v24, v13;
	[tilespmem:s7+$0xFFFFFFE0] =	vst v16;
	v16 =	vmul.f32 v20, v12;
	v21 =	vld [tilespmem:s7+$0xB0]  }
0x281: {  	v12 =	vmul.f32 v17, v12;
	v22 =	vpop (erf);
	[tilespmem:s7+$0xFFFFFFF0] =	vst v11;
	v17 =	vmul.f32 v26, v10;
	v23 =	vld [tilespmem:s7+$0xC0]  }
0x282: {  	s4 =	sadd.s32 $0x40, s4;
	v11 =	vnsel vm0, $0x0, v22;
	v25 =	vperm.xlane v22, v2;
	v24 =	vperm.xlane v22, v3;
	[tilespmem:s7+$0x0] =	vst v14;
	v34 =	vld [tilespmem:s7+$0xD0]  }
0x283: {  	v35 =	vperm.xlane v22, v4;
	v26 =	vmul.f32 v15, v10;
	s7 =	sadd.s32 $0x200, s7;
	[tilespmem:s4+$0x10] =	vst v11;
	v20 =	vld [tilespmem:s5+$0xE0]  }
0x284: {  	v28 =	vmul.f32 v18, v9;
	v10 =	vld [tilespmem:s7+$0xF0];
	[tilespmem:s5+$0x10] =	vst v13;
	v29 =	vmul.f32 v19, v9  }
0x285: {  	v30 =	vld [tilespmem:s7+$0x80];
	v9 =	vpop (erf);
	[tilespmem:s5+$0x20] =	vst v16;
	v16 =	vmul.f32 v21, v8;
	v8 =	vmov v24  }
0x286: {  	v13 =	vnsel vm0, $0x0, v9;
	v19 =	vperm.xlane v9, v2;
	v11 =	vperm.xlane v9, v3;
	v31 =	vld [tilespmem:s7+$0x90];
	v14 =	vpop (erf);
	[tilespmem:s5+$0x30] =	vst v12  }
0x287: {  	v18 =	vperm.xlane v22, v5;
	v12 =	vnsel vm0, $0x0, v14;
	v32 =	vperm.xlane v14, v2;
	[tilespmem:s4+$0xFFFFFFF0] =	vst v13;
	v33 =	vld [tilespmem:s7+$0xA0];
	v24 =	vpop (erf)  }
0x288: {  	v36 =	vperm.xlane v14, v3;
	v22 =	vperm.xlane v14, v4;
	[tilespmem:s4+$0xFFFFFFE0] =	vst v12;
	v37 =	vld [tilespmem:s7+$0xFFFFFF80];
	v12 =	vnsel vm0, $0x0, v24  }
0x289: {  	v21 =	vperm.xlane v14, v5;
	v38 =	vld [tilespmem:s7+$0xFFFFFF00];
	[tilespmem:s4+$0x0] =	vst v12;
	v10 =	vmul.f32 v10, v18  }
0x28a: {  	v15 =	vperm.xlane v9, v4;
	v14 =	vperm.xlane v9, v5;
	v39 =	vld [tilespmem:s7+$0xFFFFFF10];
	[tilespmem:s5+$0x40] =	vst v17  }
0x28b: {  	v13 =	vperm.xlane v24, v2;
	v12 =	vperm.xlane v24, v3;
	v17 =	vld [tilespmem:s7+$0xFFFFFF20];
	[tilespmem:s7+$0xF0] =	vst v10  }
0x28c: {  	v9 =	vperm.xlane v24, v5;
	v10 =	vperm.xlane v24, v4;
	v40 =	vld [tilespmem:s7+$0xFFFFFF30];
	[tilespmem:s5+$0x50] =	vst v26  }
.Ltmp4:
0x28d: {  	v24 =	vmul.f32 v30, v25;
	v27 =	vld [tilespmem:s7+$0xFFFFFF40];
	v26 =	vmul.f32 v37, v19;
	[tilespmem:s5+$0x60] =	vst v28;
	(pc) =	sbr.rel @p1 .LBB2_10-.Ltmp4, $4  }
0x28e: {  	v25 =	vmul.f32 v31, v25;
	v30 =	vmul.f32 v38, v32;
	v28 =	vld [tilespmem:s7+$0xFFFFFF50];
	[tilespmem:s5+$0x70] =	vst v29  }
0x28f: {  	v31 =	vmul.f32 v39, v32;
	v29 =	vld [tilespmem:s7+$0xFFFFFF60];
	[tilespmem:s7+$0xFFFFFF80] =	vst v26;
	v26 =	vmul.f32 v33, v8  }
0x290: {  	v23 =	vmul.f32 v23, v7;
	[tilespmem:s7+$0xFFFFFF00] =	vst v30;
	v32 =	vmul.f32 v17, v36;
	v30 =	vld [tilespmem:s7+$0xFFFFFF70]  }
0x291: {  	s17 =	sadd.s32 $0x40, s17;
	v17 =	vmul.f32 v34, v7;
	v7 =	vmov v35;
	[tilespmem:s7+$0xFFFFFF10] =	vst v31;
	v33 =	vmul.f32 v40, v36;
	v31 =	vld [tilespmem:s7+$0xFFFFFF90]  }
0x292: {  	[tilespmem:s7+$0xFFFFFF20] =	vst v32  }
0x293: {  	[tilespmem:s7+$0x80] =	vst v24  }
0x294: {  	[tilespmem:s7+$0x90] =	vst v25  }
0x295: {  	[tilespmem:s7+$0xA0] =	vst v26  }
0x296: {  	[tilespmem:s5+$0xB0] =	vst v16  }
0x297: {  	[tilespmem:s5+$0xC0] =	vst v23  }
0x298: {  	v27 =	vmul.f32 v27, v22;
	[tilespmem:s7+$0xFFFFFF30] =	vst v33  }
0x299: {  	v40 =	vld [tilespmem:s7+$0xFFFFFFB0];
	v6 =	vmul.f32 v20, v6;
	[tilespmem:s5+$0xD0] =	vst v17  }
0x29a: {  	v41 =	vld [tilespmem:s7+$0xFFFFFFC0];
	v36 =	vmul.f32 v28, v22;
	[tilespmem:s7+$0xFFFFFF40] =	vst v27  }
0x29b: {  	v42 =	vld [tilespmem:s7+$0xFFFFFFD0];
	v37 =	vmul.f32 v29, v21;
	[tilespmem:s5+$0xE0] =	vst v6  }
0x29c: {  	v43 =	vld [tilespmem:s7+$0xFFFFFFE0];
	[tilespmem:s7+$0xFFFFFF50] =	vst v36;
	v38 =	vmul.f32 v30, v21  }
0x29d: {  	v44 =	vld [tilespmem:s7+$0xFFFFFFF0];
	v19 =	vmul.f32 v31, v19;
	[tilespmem:s7+$0xFFFFFF60] =	vst v37  }
0x29e: {  	v45 =	vld [tilespmem:s7+$0x0];
	[tilespmem:s7+$0xFFFFFF70] =	vst v38;
	v46 =	vmul.f32 v40, v11  }
0x29f: {  	v47 =	vld [tilespmem:s7+$0x20];
	v48 =	vmul.f32 v41, v15;
	[tilespmem:s7+$0xFFFFFF90] =	vst v19  }
0x2a0: {  	v49 =	vld [tilespmem:s7+$0x30];
	v50 =	vmul.f32 v42, v15;
	[tilespmem:s7+$0xFFFFFFB0] =	vst v46  }
0x2a1: {  	v52 =	vld [tilespmem:s7+$0x50];
	v16 =	vmul.f32 v43, v14;
	[tilespmem:s7+$0xFFFFFFC0] =	vst v48  }
0x2a2: {  	v54 =	vld [tilespmem:s7+$0x60];
	v53 =	vmul.f32 v44, v14;
	[tilespmem:s7+$0xFFFFFFD0] =	vst v50  }
0x2a3: {  	v6 =	vld [tilespmem:s7+$0x10];
	v17 =	vmul.f32 v45, v13;
	[tilespmem:s7+$0xFFFFFFE0] =	vst v16  }
0x2a4: {  	v57 =	vld [tilespmem:s7+$0xB0];
	v56 =	vmul.f32 v47, v12;
	[tilespmem:s7+$0xFFFFFFF0] =	vst v53  }
0x2a5: {  	v51 =	vld [tilespmem:s7+$0x40];
	v58 =	vmul.f32 v49, v12;
	[tilespmem:s7+$0x0] =	vst v17  }
0x2a6: {  	v62 =	vld [tilespmem:s7+$0xE0];
	v61 =	vmul.f32 v52, v10;
	[tilespmem:s7+$0x20] =	vst v56  }
0x2a7: {  	v55 =	vld [tilespmem:s7+$0x70];
	v14 =	vmul.f32 v54, v9;
	[tilespmem:s7+$0x30] =	vst v58  }
0x2a8: {  	v39 =	vld [tilespmem:s7+$0xFFFFFFA0];
	v6 =	vmul.f32 v6, v13;
	[tilespmem:s7+$0x50] =	vst v61  }
0x2a9: {  	v59 =	vld [tilespmem:s7+$0xC0];
	v8 =	vmul.f32 v57, v8;
	[tilespmem:s7+$0x60] =	vst v14  }
0x2aa: {  	v60 =	vld [tilespmem:s7+$0xD0];
	[tilespmem:s7+$0x10] =	vst v6;
	v6 =	vmul.f32 v51, v10  }
0x2ab: {  	v63 =	vmul.f32 v62, v18;
	[tilespmem:s7+$0xB0] =	vst v8  }
0x2ac: {  	[tilespmem:s7+$0x40] =	vst v6;
	v6 =	vmul.f32 v55, v9  }
0x2ad: {  	v19 =	vmul.f32 v39, v11;
	[tilespmem:s7+$0xE0] =	vst v63  }
0x2ae: {  	[tilespmem:s7+$0x70] =	vst v6;
	v6 =	vmul.f32 v59, v7  }
0x2af: {  	[tilespmem:s7+$0xFFFFFFA0] =	vst v19;
	v7 =	vmul.f32 v60, v7  }
0x2b0: {  	[tilespmem:s7+$0xC0] =	vst v6  }
0x2b1: {  	[tilespmem:s7+$0xD0] =	vst v7  }
0x2b2: {  	[spmem:s18] =	stream.indirect.scatter.add.f32 [tilespmem:s12], [sflag:$0x7], $0x80, s21, s21, $0xb8;
	[tilespmem:$0x1C9D0] =	vst v63  }
0x2b3: {  	_ =	swait.ge [sflag:s13], $0x2800  }
0x2b4: {  	[sflag:s13] =	ssyncset.done $0x0  }
0x2b5: {  	[sflag:s13] =	ssyncadd.s32 $0xFFFFD800  }
0x2b6: {  	[spmem:s20] =	stream.indirect.scatter.add.f32 [tilespmem:s14], [sflag:$0x7], $0x10, s21, s21, $0xb8;
	[tilespmem:$0x1C9D0] =	vst v63  }
0x2b7: {  	_ =	swait.ge [sflag:s13], $0x500  }
0x2b8: {  	[sflag:s13] =	ssyncset.done $0x0  }
0x2b9: {  	[sflag:s13] =	ssyncadd.s32 $0xFFFFFB00  }
0x2ba: {  	[bflag:$0x0] =	sbarrier.arrive $0xFFFF  }
0x2bb: {  	s29 =	rddreg [dreg:$0x15]  }
0x2bc: {  	[tilespmem:s12], [sflag:$0x7] =	stream.linear.gather [spmem:s29], $0x2800, $0x38;
	[tilespmem:$0x1C9D0] =	vst v63  }
0x2bd: {  	_ =	swait.ge [sflag:s13], $0x2800  }
0x2be: {  	[sflag:s13] =	ssyncset.done $0x0  }
0x2bf: {  	s4 =	rddreg [dreg:$0x5];
	[sflag:s13] =	ssyncadd.s32 $0xFFFFD800  }
0x2c0: {  	[hbm4b:s4+s9] =	stream.linear.scatter [tilespmem:s12], [sflag:$0x7], $0x2800, $0x38;
	[tilespmem:$0x1C9D0] =	vst v63  }
0x2c1: {  	_ =	swait.ge [sflag:s13], $0x2800  }
0x2c2: {  	[sflag:s13] =	ssyncset.done $0x0  }
0x2c3: {  	s17 =	rddreg [dreg:$0x16];
	[sflag:s13] =	ssyncadd.s32 $0xFFFFD800  }
0x2c4: {  	[tilespmem:s14], [sflag:$0x7] =	stream.linear.gather [spmem:s17], $0x500, $0x38;
	[tilespmem:$0x1C9D0] =	vst v63  }
0x2c5: {  	_ =	swait.ge [sflag:s13], $0x500  }
0x2c6: {  	[sflag:s13] =	ssyncset.done $0x0  }
0x2c7: {  	s28 =	rddreg [dreg:$0xd];
	[sflag:s13] =	ssyncadd.s32 $0xFFFFFB00  }
0x2c8: {  	[hbm4b:s28+s9] =	stream.linear.scatter [tilespmem:s14], [sflag:$0x7], $0x500, $0x38;
	[tilespmem:$0x1C9D0] =	vst v63  }
0x2c9: {  	_ =	swait.ge [sflag:s13], $0x500  }
0x2ca: {  	[sflag:s13] =	ssyncset.done $0x0  }
0x2cb: {  	s7 =	rddreg [dreg:$0x17];
	[sflag:s13] =	ssyncadd.s32 $0xFFFFFB00  }
0x2cc: {  	[tilespmem:s12], [sflag:$0x7] =	stream.linear.gather [spmem:s7], $0x2800, $0x38;
	[tilespmem:$0x1C9D0] =	vst v63  }
0x2cd: {  	_ =	swait.ge [sflag:s13], $0x2800  }
0x2ce: {  	[sflag:s13] =	ssyncset.done $0x0  }
0x2cf: {  	s5 =	rddreg [dreg:$0x6];
	[sflag:s13] =	ssyncadd.s32 $0xFFFFD800  }
0x2d0: {  	[hbm4b:s5+s9] =	stream.linear.scatter [tilespmem:s12], [sflag:$0x7], $0x2800, $0x38;
	[tilespmem:$0x1C9D0] =	vst v63  }
0x2d1: {  	_ =	swait.ge [sflag:s13], $0x2800  }
0x2d2: {  	[sflag:s13] =	ssyncset.done $0x0  }
0x2d3: {  	s6 =	rddreg [dreg:$0x18];
	[sflag:s13] =	ssyncadd.s32 $0xFFFFD800  }
0x2d4: {  	[tilespmem:s14], [sflag:$0x7] =	stream.linear.gather [spmem:s6], $0x500, $0x38;
	[tilespmem:$0x1C9D0] =	vst v63  }
0x2d5: {  	_ =	swait.ge [sflag:s13], $0x500  }
0x2d6: {  	[sflag:s13] =	ssyncset.done $0x0  }
0x2d7: {  	s15 =	rddreg [dreg:$0xe];
	[sflag:s13] =	ssyncadd.s32 $0xFFFFFB00  }
0x2d8: {  	[hbm4b:s15+s9] =	stream.linear.scatter [tilespmem:s14], [sflag:$0x7], $0x500, $0x38;
	[tilespmem:$0x1C9D0] =	vst v63  }
0x2d9: {  	_ =	swait.ge [sflag:s13], $0x500  }
0x2da: {  	[sflag:s13] =	ssyncset.done $0x0  }
0x2db: {  	s28 =	rddreg [dreg:$0x19];
	[sflag:s13] =	ssyncadd.s32 $0xFFFFFB00  }
0x2dc: {  	[tilespmem:s12], [sflag:$0x7] =	stream.linear.gather [spmem:s28], $0x2800, $0x38;
	[tilespmem:$0x1C9D0] =	vst v63  }
0x2dd: {  	_ =	swait.ge [sflag:s13], $0x2800  }
0x2de: {  	[sflag:s13] =	ssyncset.done $0x0  }
0x2df: {  	s5 =	rddreg [dreg:$0x7];
	[sflag:s13] =	ssyncadd.s32 $0xFFFFD800  }
0x2e0: {  	[hbm4b:s5+s9] =	stream.linear.scatter [tilespmem:s12], [sflag:$0x7], $0x2800, $0x38;
	[tilespmem:$0x1C9D0] =	vst v63  }
0x2e1: {  	_ =	swait.ge [sflag:s13], $0x2800  }
0x2e2: {  	[sflag:s13] =	ssyncset.done $0x0  }
0x2e3: {  	s6 =	rddreg [dreg:$0x1a];
	[sflag:s13] =	ssyncadd.s32 $0xFFFFD800  }
0x2e4: {  	[tilespmem:s14], [sflag:$0x7] =	stream.linear.gather [spmem:s6], $0x500, $0x38;
	[tilespmem:$0x1C9D0] =	vst v63  }
0x2e5: {  	_ =	swait.ge [sflag:s13], $0x500  }
0x2e6: {  	[sflag:s13] =	ssyncset.done $0x0  }
0x2e7: {  	s15 =	rddreg [dreg:$0xf];
	[sflag:s13] =	ssyncadd.s32 $0xFFFFFB00  }
0x2e8: {  	[hbm4b:s15+s9] =	stream.linear.scatter [tilespmem:s14], [sflag:$0x7], $0x500, $0x38;
	[tilespmem:$0x1C9D0] =	vst v63  }
0x2e9: {  	_ =	swait.ge [sflag:s13], $0x500  }
0x2ea: {  	[sflag:s13] =	ssyncset.done $0x0  }
0x2eb: {  	s28 =	rddreg [dreg:$0x1b];
	[sflag:s13] =	ssyncadd.s32 $0xFFFFFB00  }
0x2ec: {  	[tilespmem:s12], [sflag:$0x7] =	stream.linear.gather [spmem:s28], $0x2800, $0x38;
	[tilespmem:$0x1C9D0] =	vst v63  }
0x2ed: {  	_ =	swait.ge [sflag:s13], $0x2800  }
0x2ee: {  	[sflag:s13] =	ssyncset.done $0x0  }
0x2ef: {  	s5 =	rddreg [dreg:$0x8];
	[sflag:s13] =	ssyncadd.s32 $0xFFFFD800  }
0x2f0: {  	[hbm4b:s5+s9] =	stream.linear.scatter [tilespmem:s12], [sflag:$0x7], $0x2800, $0x38;
	[tilespmem:$0x1C9D0] =	vst v63  }
0x2f1: {  	_ =	swait.ge [sflag:s13], $0x2800  }
0x2f2: {  	[sflag:s13] =	ssyncset.done $0x0  }
0x2f3: {  	s15 =	rddreg [dreg:$0x1c];
	[sflag:s13] =	ssyncadd.s32 $0xFFFFD800  }
0x2f4: {  	[tilespmem:s14], [sflag:$0x7] =	stream.linear.gather [spmem:s15], $0x500, $0x38;
	[tilespmem:$0x1C9D0] =	vst v63  }
0x2f5: {  	_ =	swait.ge [sflag:s13], $0x500  }
0x2f6: {  	[sflag:s13] =	ssyncset.done $0x0  }
0x2f7: {  	s6 =	rddreg [dreg:$0x10];
	[sflag:s13] =	ssyncadd.s32 $0xFFFFFB00  }
0x2f8: {  	[hbm4b:s6+s9] =	stream.linear.scatter [tilespmem:s14], [sflag:$0x7], $0x500, $0x38;
	[tilespmem:$0x1C9D0] =	vst v63  }
0x2f9: {  	_ =	swait.ge [sflag:s13], $0x500  }
0x2fa: {  	[sflag:s13] =	ssyncset.done $0x0  }
0x2fb: {  	s28 =	rddreg [dreg:$0x1d];
	[sflag:s13] =	ssyncadd.s32 $0xFFFFFB00  }
0x2fc: {  	[tilespmem:s12], [sflag:$0x7] =	stream.linear.gather [spmem:s28], $0x2800, $0x38;
	[tilespmem:$0x1C9D0] =	vst v63  }
0x2fd: {  	_ =	swait.ge [sflag:s13], $0x2800  }
0x2fe: {  	[sflag:s13] =	ssyncset.done $0x0  }
0x2ff: {  	s5 =	rddreg [dreg:$0x9];
	[sflag:s13] =	ssyncadd.s32 $0xFFFFD800  }
0x300: {  	[hbm4b:s5+s9] =	stream.linear.scatter [tilespmem:s12], [sflag:$0x7], $0x2800, $0x38;
	[tilespmem:$0x1C9D0] =	vst v63  }
0x301: {  	_ =	swait.ge [sflag:s13], $0x2800  }
0x302: {  	[sflag:s13] =	ssyncset.done $0x0  }
0x303: {  	s6 =	rddreg [dreg:$0x1e];
	[sflag:s13] =	ssyncadd.s32 $0xFFFFD800  }
0x304: {  	[tilespmem:s14], [sflag:$0x7] =	stream.linear.gather [spmem:s6], $0x500, $0x38;
	[tilespmem:$0x1C9D0] =	vst v63  }
0x305: {  	_ =	swait.ge [sflag:s13], $0x500  }
0x306: {  	[sflag:s13] =	ssyncset.done $0x0  }
0x307: {  	s28 =	rddreg [dreg:$0x11];
	[sflag:s13] =	ssyncadd.s32 $0xFFFFFB00  }
0x308: {  	[hbm4b:s28+s9] =	stream.linear.scatter [tilespmem:s14], [sflag:$0x7], $0x500, $0x38;
	[tilespmem:$0x1C9D0] =	vst v63  }
0x309: {  	_ =	swait.ge [sflag:s13], $0x500  }
0x30a: {  	[sflag:s13] =	ssyncset.done $0x0  }
0x30b: {  	s5 =	rddreg [dreg:$0x1f];
	[sflag:s13] =	ssyncadd.s32 $0xFFFFFB00  }
0x30c: {  	[tilespmem:s12], [sflag:$0x7] =	stream.linear.gather [spmem:s5], $0x2800, $0x38;
	[tilespmem:$0x1C9D0] =	vst v63  }
0x30d: {  	_ =	swait.ge [sflag:s13], $0x2800  }
0x30e: {  	[sflag:s13] =	ssyncset.done $0x0  }
0x30f: {  	s6 =	rddreg [dreg:$0xa];
	[sflag:s13] =	ssyncadd.s32 $0xFFFFD800  }
0x310: {  	[hbm4b:s6+s9] =	stream.linear.scatter [tilespmem:s12], [sflag:$0x7], $0x2800, $0x38;
	[tilespmem:$0x1C9D0] =	vst v63  }
0x311: {  	_ =	swait.ge [sflag:s13], $0x2800  }
0x312: {  	s28 =	sld [smem:$0x7F2]  }
0x313: {  	[sflag:s13] =	ssyncset.done $0x0  }
0x314: {  	[sflag:s13] =	ssyncadd.s32 $0xFFFFD800  }
0x315: {  	[tilespmem:s14], [sflag:$0x7] =	stream.linear.gather [spmem:s28], $0x500, $0x38;
	[tilespmem:$0x1C9D0] =	vst v63  }
0x316: {  	_ =	swait.ge [sflag:s13], $0x500  }
0x317: {  	[sflag:s13] =	ssyncset.done $0x0  }
0x318: {  	s5 =	rddreg [dreg:$0x12];
	[sflag:s13] =	ssyncadd.s32 $0xFFFFFB00  }
0x319: {  	[hbm4b:s5+s9] =	stream.linear.scatter [tilespmem:s14], [sflag:$0x7], $0x500, $0x38;
	[tilespmem:$0x1C9D0] =	vst v63  }
0x31a: {  	_ =	swait.ge [sflag:s13], $0x500  }
0x31b: {  	s6 =	sld [smem:$0x7F3]  }
0x31c: {  	[sflag:s13] =	ssyncset.done $0x0  }
0x31d: {  	[sflag:s13] =	ssyncadd.s32 $0xFFFFFB00  }
0x31e: {  	[tilespmem:s12], [sflag:$0x7] =	stream.linear.gather [spmem:s6], $0x2800, $0x38;
	[tilespmem:$0x1C9D0] =	vst v63  }
0x31f: {  	_ =	swait.ge [sflag:s13], $0x2800  }
0x320: {  	[sflag:s13] =	ssyncset.done $0x0  }
0x321: {  	s28 =	rddreg [dreg:$0xb];
	[sflag:s13] =	ssyncadd.s32 $0xFFFFD800  }
0x322: {  	[hbm4b:s28+s9] =	stream.linear.scatter [tilespmem:s12], [sflag:$0x7], $0x2800, $0x38;
	[tilespmem:$0x1C9D0] =	vst v63  }
0x323: {  	_ =	swait.ge [sflag:s13], $0x2800  }
0x324: {  	s5 =	sld [smem:$0x7F4]  }
0x325: {  	[sflag:s13] =	ssyncset.done $0x0  }
0x326: {  	[sflag:s13] =	ssyncadd.s32 $0xFFFFD800  }
0x327: {  	[tilespmem:s14], [sflag:$0x7] =	stream.linear.gather [spmem:s5], $0x500, $0x38;
	[tilespmem:$0x1C9D0] =	vst v63  }
0x328: {  	_ =	swait.ge [sflag:s13], $0x500  }
0x329: {  	[sflag:s13] =	ssyncset.done $0x0  }
0x32a: {  	s6 =	rddreg [dreg:$0x13];
	[sflag:s13] =	ssyncadd.s32 $0xFFFFFB00  }
0x32b: {  	[hbm4b:s6+s9] =	stream.linear.scatter [tilespmem:s14], [sflag:$0x7], $0x500, $0x38;
	[tilespmem:$0x1C9D0] =	vst v63  }
0x32c: {  	_ =	swait.ge [sflag:s13], $0x500  }
0x32d: {  	s28 =	sld [smem:$0x7F5]  }
0x32e: {  	[sflag:s13] =	ssyncset.done $0x0  }
0x32f: {  	[sflag:s13] =	ssyncadd.s32 $0xFFFFFB00  }
0x330: {  	[tilespmem:s12], [sflag:$0x7] =	stream.linear.gather [spmem:s28], $0x2000, $0x38;
	[tilespmem:$0x1C9D0] =	vst v63  }
0x331: {  	_ =	swait.ge [sflag:s13], $0x2000  }
0x332: {  	[sflag:s13] =	ssyncset.done $0x0  }
0x333: {  	s5 =	rddreg [dreg:$0xc];
	[sflag:s13] =	ssyncadd.s32 $0xFFFFE000  }
0x334: {  	[hbm4b:s5+s9] =	stream.linear.scatter [tilespmem:s12], [sflag:$0x7], $0x2000, $0x38;
	[tilespmem:$0x1C9D0] =	vst v63  }
0x335: {  	_ =	swait.ge [sflag:s13], $0x2000  }
0x336: {  	s6 =	sld [smem:$0x7F6]  }
0x337: {  	[sflag:s13] =	ssyncset.done $0x0  }
0x338: {  	[sflag:s13] =	ssyncadd.s32 $0xFFFFE000  }
0x339: {  	[tilespmem:s14], [sflag:$0x7] =	stream.linear.gather [spmem:s6], $0x400, $0x38;
	[tilespmem:$0x1C9D0] =	vst v63  }
0x33a: {  	_ =	swait.ge [sflag:s13], $0x400  }
0x33b: {  	[sflag:s13] =	ssyncset.done $0x0  }
0x33c: {  	s28 =	rddreg [dreg:$0x14];
	[sflag:s13] =	ssyncadd.s32 $0xFFFFFC00  }
0x33d: {  	[hbm4b:s28+s9] =	stream.linear.scatter [tilespmem:s14], [sflag:$0x7], $0x400, $0x38;
	[tilespmem:$0x1C9D0] =	vst v63  }
0x33e: {  	_ =	swait.ge [sflag:s13], $0x400  }
0x33f: {  	s5 =	sld [smem:$0x7FA]  }
0x340: {  	[sflag:s13] =	ssyncset.done $0x0  }
0x341: {  	s4 =	simm.s32 @!p0 $0xFA0;
	[sflag:s13] =	ssyncadd.s32 $0xFFFFFC00  }
0x342: {  	[tilespmem:s4], [sflag:$0x7] =	stream.linear.gather @!p0 [spmem:s5], $0x800, $0x38;
	[tilespmem:$0x1C9D0] =	vst v63  }
0x343: {  	s5 =	simm.s32 @!p0 $0x7  }
0x344: {  	_ =	swait.ge @!p0 [sflag:s5], $0x800  }
0x345: {  	s28 =	sld [smem:$0x7F7]  }
0x346: {  	[sflag:s5] =	ssyncset.done @!p0 $0x0  }
0x347: {  	s6 =	simm.s32 @!p0 $0x0;
	[sflag:s5] =	ssyncadd.s32 @!p0 $0xFFFFF800  }
0x348: {  	[hbm4b:s28+s6] =	stream.linear.scatter @!p0 [tilespmem:s4], [sflag:$0x7], $0x800, $0x38;
	[tilespmem:$0x1C9D0] =	vst v63  }
0x349: {  	_ =	swait.ge @!p0 [sflag:s5], $0x800  }
0x34a: {  	s28 =	sld [smem:$0x7FB]  }
0x34b: {  	[sflag:s5] =	ssyncset.done @!p0 $0x0  }
0x34c: {  	s4 =	simm.s32 @!p0 $0xAA0;
	[sflag:s5] =	ssyncadd.s32 @!p0 $0xFFFFF800  }
0x34d: {  	[tilespmem:s4], [sflag:$0x7] =	stream.linear.gather @!p0 [spmem:s28], $0x100, $0x38;
	[tilespmem:$0x1C9D0] =	vst v63  }
0x34e: {  	_ =	swait.ge @!p0 [sflag:s5], $0x100  }
0x34f: {  	s28 =	sld [smem:$0x7F8]  }
0x350: {  	[sflag:s5] =	ssyncset.done @!p0 $0x0  }
0x351: {  	[sflag:s5] =	ssyncadd.s32 @!p0 $0xFFFFFF00  }
0x352: {  	[hbm4b:s28+s6] =	stream.linear.scatter @!p0 [tilespmem:s4], [sflag:$0x7], $0x100, $0x38;
	[tilespmem:$0x1C9D0] =	vst v63  }
0x353: {  	_ =	swait.ge @!p0 [sflag:s5], $0x100  }
0x354: {  	s4 =	sld [smem:$0x7F1]  }
0x355: {  	s28 =	sld [smem:$0x7F9];
	_ =	sdelay $0x1  }
0x356: {  	s6 =	sadd.s32 $0x1, s4  }
0x357: {  	p1 =	sne.s32 s6, s28  }
.Ltmp5:
0x358: {  	_ = 	snop;
	(pc) =	sbr.rel @p1 .LBB2_1-.Ltmp5, $3  }
0x359: {  	_ =	sdelay $0x1  }
0x35a: {  	[sflag:s5] =	ssyncset.done @!p0 $0x0  }
0x35b: {  	[sflag:s5] =	ssyncadd.s32 @!p0 $0xFFFFFF00  }
0x35c: {  	_ =	sfence.sel $0x180000  }
0x35d: {  	[bflag:$0x0] =	sbarrier.arrive $0xFFFF  }
0x35e: {  	_ =	strace $0x90000047  }
0x35f: {  	s0 =	stileid.u32;
	[bflag:$0x2] =	sbarrier.arrive $0xFFFF  }
0x360: {  	p0 =	sne.s32 s0, $0x0;
	s0 =	rddreg [dreg:$0x4]  }
0x361: {  	s0 =	sadd.s32 @!p0 $0x100000, s0  }
0x362: {  	[sflag:s0] =	ssyncadd.tile.s32 @!p0 $0x1;
	_ =	shalt  }
.Lfunc_end2:
_tile_overlayer_lowered:
.L_overlay_start_2:
0x363: {  	(tag) =	ssettag $0x2  }
0x364: {  	s0 =	rddreg [dreg:$0x0];
	s2 =	stileid.u32  }
0x365: {  	s1 =	rddreg [dreg:$0x1];
	p0 =	sne.s32 s2, $0x0  }
0x366: {  	s3 =	rddreg [dreg:$0x2];
	[bflag:$0x3] =	sbarrier.arrive $0xFFFF;
	s2 =	simm.s32 @!p0 $0x1C07  }
0x367: {  	[timem:s3], [sflag:s2] =	dma.local @!p0 [hbm:s0], s1  }
0x368: {  	s0 =	simm.s32 @!p0 $0x7  }
0x369: {  	_ =	swait.ge @!p0 [sflag:s0], s1  }
0x36a: {  	s1 =	ssub.s32 @!p0 $0x0, s1;
	[sflag:s0] =	ssyncset.done @!p0 $0x0  }
0x36b: {  	[sflag:s0] =	ssyncadd.s32 @!p0 s1  }
0x36c: {  	[bflag:$0x3] =	sbarrier.arrive $0xFFFF  }
0x36d: {  	_ =	shalt  }

</sc_bundles>
